<compile_context>
chip_gen: v7x
topology: tpu7x:2x2x1
jax: 0.10.2.dev20260603
libtpu: 0.0.44.dev20260713+nightly
codegen_flags: <defaults>
</compile_context>

<pallas_src>
import functools

import jax
import jax.numpy as jnp
from jax import lax
from jax.experimental import pallas as pl
from jax.experimental.pallas import tpu as pltpu
from jax.experimental.pallas import tpu_sc as plsc

N = 10000
E = 320000
FEAT = 128
FH = FEAT // 2
H = 8
HD = FEAT // H
HH = H // 2
NC = 2
NS = 16
NW = NC * NS
EPW = E // NW
C = 80
G = C // 16
NCHUNK = EPW // C
NPAD = 10240
RPT = NPAD // NS
PW = 80
CHT = NW * NCHUNK
ERP = CHT * 8



def _proj_body(x_ref, wq_ref, wk_ref, wv_ref, q_ref, k_ref, v_ref):
    x = x_ref[...]
    q_ref[...] = x @ wq_ref[...]
    k_ref[...] = x @ wk_ref[...]
    v_ref[...] = x @ wv_ref[...]


def _project(nfeat, WqT, WkT, WvT):
    blk = 2000
    return pl.pallas_call(
        _proj_body,
        grid=(N // blk,),
        in_specs=[
            pl.BlockSpec((blk, FEAT), lambda i: (i, 0)),
            pl.BlockSpec((FEAT, FEAT), lambda i: (0, 0)),
            pl.BlockSpec((FEAT, FEAT), lambda i: (0, 0)),
            pl.BlockSpec((FEAT, FEAT), lambda i: (0, 0)),
        ],
        out_specs=[
            pl.BlockSpec((blk, FEAT), lambda i: (i, 0)),
            pl.BlockSpec((blk, FEAT), lambda i: (i, 0)),
            pl.BlockSpec((blk, FEAT), lambda i: (i, 0)),
        ],
        out_shape=[jax.ShapeDtypeStruct((N, FEAT), jnp.float32)] * 3,
    )(nfeat, WqT, WkT, WvT)



_MESH = plsc.VectorSubcoreMesh(core_axis_name="c", subcore_axis_name="s")


@functools.partial(
    pl.kernel,
    mesh=_MESH,
    compiler_params=pltpu.CompilerParams(needs_layout_passes=False),
    out_type=[
        jax.ShapeDtypeStruct((NC, NPAD, PW), jnp.float32),
        jax.ShapeDtypeStruct((NC, NPAD, PW), jnp.float32),
        jax.ShapeDtypeStruct((ERP, 128), jnp.float32),
    ],
    scratch_types=[
        pltpu.VMEM((C,), jnp.int32),
        pltpu.VMEM((C,), jnp.int32),
        pltpu.VMEM((C, FEAT), jnp.float32),
        pltpu.VMEM((C, FEAT), jnp.float32),
        pltpu.VMEM((C, FEAT), jnp.float32),
        pltpu.VMEM((C, PW), jnp.float32),
        pltpu.VMEM((8, 128), jnp.float32),
        pltpu.VMEM((8, 128), jnp.float32),
        pltpu.SemaphoreType.DMA,
        pltpu.VMEM_SHARED((NPAD, PW), jnp.float32),
    ],
)
def _sc_edge(k_hbm, q_hbm, v_hbm, src_hbm, dst_hbm, bias_hbm, zo_hbm,
             ouna_out, ounb_out, exs_out,
             src_v, dst_v, k_v, q_v, v_v, w_v, b_v, ex_v, sem, oun_sh):
    c = lax.axis_index("c")
    s = lax.axis_index("s")
    wid = c * NS + s
    r0 = s * RPT
    e0 = wid * EPW

    lanes = jnp.arange(16, dtype=jnp.int32)
    zero16 = jnp.zeros((16,), jnp.float32)

    def zero_w_cols(lo, hi):
        for g in range(G):
            rows = lanes + g * 16
            for col in range(lo, hi):
                plsc.store_scatter(w_v, [rows, jnp.full((16,), col, jnp.int32)],
                                   zero16)

    pltpu.sync_copy(zo_hbm.at[pl.ds(r0, RPT)], oun_sh.at[pl.ds(r0, RPT)])
    zero_w_cols(FH + H, PW)
    plsc.subcore_barrier()

    @pl.loop(0, NCHUNK)
    def chunk_a(j):
        base = e0 + j * C
        rr0 = (wid * NCHUNK + j) * 8
        pltpu.sync_copy(src_hbm.at[pl.ds(base, C)], src_v)
        pltpu.sync_copy(dst_hbm.at[pl.ds(base, C)], dst_v)
        pltpu.sync_copy(bias_hbm.at[pl.ds(rr0, 8)], b_v)
        cpk = pltpu.async_copy(k_hbm.at[src_v], k_v, sem)
        cpq = pltpu.async_copy(q_hbm.at[dst_v], q_v, sem)
        cpv = pltpu.async_copy(v_hbm.at[src_v], v_v, sem)
        cpk.wait()
        cpq.wait()
        cpv.wait()

        def group(g, carry2):
            rows = lanes + g * 16
            grow = jnp.full((16,), 0, jnp.int32) + g
            for h in range(H):
                acc = plsc.load_gather(b_v, [grow, lanes * H + h])
                for d in range(HD):
                    col = jnp.full((16,), h * HD + d, jnp.int32)
                    acc = acc + (plsc.load_gather(k_v, [rows, col])
                                 * plsc.load_gather(q_v, [rows, col]))
                exh = jnp.exp(acc)
                plsc.store_scatter(
                    w_v, [rows, jnp.full((16,), FH + h, jnp.int32)], exh)
                plsc.store_scatter(ex_v, [grow, lanes * H + h], exh)
                if h < HH:
                    for d in range(HD):
                        col = jnp.full((16,), h * HD + d, jnp.int32)
                        vv = plsc.load_gather(v_v, [rows, col])
                        plsc.store_scatter(w_v, [rows, col], vv * exh)
            return carry2

        lax.fori_loop(0, G, group, 0)
        pltpu.sync_copy(ex_v, exs_out.at[pl.ds(rr0, 8)])
        pltpu.sync_copy(w_v, oun_sh.at[dst_v], add=True)

    plsc.subcore_barrier()
    pltpu.sync_copy(oun_sh.at[pl.ds(r0, RPT)], ouna_out.at[c, pl.ds(r0, RPT)])
    plsc.subcore_barrier()

    pltpu.sync_copy(zo_hbm.at[pl.ds(r0, RPT)], oun_sh.at[pl.ds(r0, RPT)])
    zero_w_cols(FH, FH + H)
    plsc.subcore_barrier()

    @pl.loop(0, NCHUNK)
    def chunk_b(j):
        base = e0 + j * C
        rr0 = (wid * NCHUNK + j) * 8
        pltpu.sync_copy(src_hbm.at[pl.ds(base, C)], src_v)
        pltpu.sync_copy(dst_hbm.at[pl.ds(base, C)], dst_v)
        pltpu.sync_copy(exs_out.at[pl.ds(rr0, 8)], ex_v)
        cpv = pltpu.async_copy(v_hbm.at[src_v], v_v, sem)
        cpv.wait()

        def group(g, carry2):
            rows = lanes + g * 16
            grow = jnp.full((16,), 0, jnp.int32) + g
            for h in range(HH, H):
                exh = plsc.load_gather(ex_v, [grow, lanes * H + h])
                for d in range(HD):
                    vcol = jnp.full((16,), h * HD + d, jnp.int32)
                    wcol = jnp.full((16,), (h - HH) * HD + d, jnp.int32)
                    vv = plsc.load_gather(v_v, [rows, vcol])
                    plsc.store_scatter(w_v, [rows, wcol], vv * exh)
            return carry2

        lax.fori_loop(0, G, group, 0)
        pltpu.sync_copy(w_v, oun_sh.at[dst_v], add=True)

    plsc.subcore_barrier()
    pltpu.sync_copy(oun_sh.at[pl.ds(r0, RPT)], ounb_out.at[c, pl.ds(r0, RPT)])



def _final_body(ouna_ref, ounb_ref, sa_ref, sb_ref, wo_ref, out_ref):
    a = ouna_ref[...]
    b = ounb_ref[...]
    asum = a[0] + a[1]
    bsum = b[0] + b[1]
    den = asum[:, FH:FH + H]
    numa = asum[:, :FH]
    numb = bsum[:, :FH]
    dena = jnp.maximum(den @ sa_ref[...], 1e-30)
    denb = jnp.maximum(den @ sb_ref[...], 1e-30)
    wo = wo_ref[...]
    out_ref[...] = (numa / dena) @ wo[:FH, :] + (numb / denb) @ wo[FH:, :]


def _finalize(ouna, ounb, SA, SB, WoT):
    blk = 2048
    return pl.pallas_call(
        _final_body,
        grid=(NPAD // blk,),
        in_specs=[
            pl.BlockSpec((NC, blk, PW), lambda i: (0, i, 0)),
            pl.BlockSpec((NC, blk, PW), lambda i: (0, i, 0)),
            pl.BlockSpec((H, FH), lambda i: (0, 0)),
            pl.BlockSpec((H, FH), lambda i: (0, 0)),
            pl.BlockSpec((FEAT, FEAT), lambda i: (0, 0)),
        ],
        out_specs=pl.BlockSpec((blk, FEAT), lambda i: (i, 0)),
        out_shape=jax.ShapeDtypeStruct((NPAD, FEAT), jnp.float32),
    )(ouna, ounb, SA, SB, WoT)



def kernel(nfeat, edge_index, attn_bias, Wq, Wk, Wv, Wo):
    scaling = HD ** (-0.5)
    q, k, v = _project(nfeat, Wq.T / scaling, Wk.T, Wv.T)
    src = edge_index[0]
    dst = edge_index[1]
    bias_packed = jnp.pad(attn_bias.reshape(E // C, G, 128),
                          ((0, 0), (0, 8 - G), (0, 0))).reshape(ERP, 128)
    zo = jnp.zeros((NPAD, PW), jnp.float32)
    ouna, ounb, _exs = _sc_edge(k, q, v, src, dst, bias_packed, zo)
    SA = (jnp.arange(FH) // HD == jnp.arange(H)[:, None]).astype(jnp.float32)
    SB = (jnp.arange(FH) // HD + HH == jnp.arange(H)[:, None]).astype(jnp.float32)
    out = _finalize(ouna, ounb, SA, SB, Wo.T)
    return out[:N]

# --- scband reference (transcript-rebuilt; emitter-appended) ---
"""Pipeline reference for scband-sparse-biased-mha-12584254177664 (READ-ONLY COPY).

The authoritative reference and input builder live on the scoring server;
editing this copy changes nothing except your own understanding.
"""

import jax, jax.numpy as jnp
import numpy as np

N = 10000
E = 320000
FEAT = 128
H = 8
HD = FEAT // H


def setup_inputs(seed: int = 0) -> dict:
    key = jax.random.key(seed)
    ks = jax.random.split(key, 8)
    nfeat = jax.random.normal(ks[0], (N, FEAT), dtype=jnp.float32)
    edge_index = jax.random.randint(ks[1], (2, E), 0, N, dtype=jnp.int32)
    attn_bias = jax.random.uniform(ks[2], (E, H), dtype=jnp.float32)
    gain = 2 ** (-0.5)
    scale = gain * (6.0 / (FEAT + FEAT)) ** 0.5
    Wq = jax.random.uniform(ks[3], (FEAT, FEAT), jnp.float32, -scale, scale)
    Wk = jax.random.uniform(ks[4], (FEAT, FEAT), jnp.float32, -scale, scale)
    Wv = jax.random.uniform(ks[5], (FEAT, FEAT), jnp.float32, -scale, scale)
    scale_o = (6.0 / (FEAT + FEAT)) ** 0.5
    Wo = jax.random.uniform(ks[6], (FEAT, FEAT), jnp.float32, -scale_o, scale_o)
    return {"nfeat": nfeat, "edge_index": edge_index, "attn_bias": attn_bias,
            "Wq": Wq, "Wk": Wk, "Wv": Wv, "Wo": Wo}


def reference(nfeat, edge_index, attn_bias, Wq, Wk, Wv, Wo):
    scaling = HD ** (-0.5)
    # torch Linear: y = x @ W.T ; note original code divides q by scaling
    q = (nfeat @ Wq.T).reshape(N, H, HD) / scaling
    k = (nfeat @ Wk.T).reshape(N, H, HD)
    v = (nfeat @ Wv.T).reshape(N, H, HD)
    src = edge_index[0]
    dst = edge_index[1]
    # u_dot_v('k_h','q_h') : per-edge dot of k[src] and q[dst] over head_dim
    attn = jnp.sum(k[src] * q[dst], axis=-1)  # [E, H]
    # additive attention bias
    attn = attn + attn_bias
    # edge softmax normalized by dst
    m = jax.ops.segment_max(attn, dst, num_segments=N)  # [N, H]
    ex = jnp.exp(attn - m[dst])
    denom = jax.ops.segment_sum(ex, dst, num_segments=N)  # [N, H]
    a = ex / denom[dst]  # [E, H]; dropout p=0 -> identity
    # u_mul_e + sum aggregation: out[dst] += a * v[src]
    out = jax.ops.segment_sum(a[:, :, None] * v[src], dst, num_segments=N)  # [N, H, HD]
    return out.reshape(N, FEAT) @ Wo.T

if __name__ == "__main__":
    import jax
    _d = setup_inputs()
    print(jax.jit(kernel)(*tuple(_d.values())))

</pallas_src>

<mosaic_0001>
#map = affine_map<(d0, d1) -> (0, 0)>
#map1 = affine_map<(d0, d1) -> (0)>
#map2 = affine_map<(d0, d1) -> (0, 0, 0)>
module attributes {stable_mosaic.version = 14 : i64} {
  func.func @_sc_edge(%arg0: i32, %arg1: i32, %arg2: memref<10000x128xf32, #tpu.memory_space<hbm>>, %arg3: memref<10000x128xf32, #tpu.memory_space<hbm>>, %arg4: memref<10000x128xf32, #tpu.memory_space<hbm>>, %arg5: memref<320000xi32, #tpu.memory_space<hbm>>, %arg6: memref<320000xi32, #tpu.memory_space<hbm>>, %arg7: memref<32000x128xf32, #tpu.memory_space<hbm>>, %arg8: memref<10240x80xf32, #tpu.memory_space<hbm>>, %arg9: memref<2x10240x80xf32, #tpu.memory_space<hbm>>, %arg10: memref<2x10240x80xf32, #tpu.memory_space<hbm>>, %arg11: memref<32000x128xf32, #tpu.memory_space<hbm>>, %arg12: memref<80xi32, #tpu.memory_space<vmem>>, %arg13: memref<80xi32, #tpu.memory_space<vmem>>, %arg14: memref<80x128xf32, #tpu.memory_space<vmem>>, %arg15: memref<80x128xf32, #tpu.memory_space<vmem>>, %arg16: memref<80x128xf32, #tpu.memory_space<vmem>>, %arg17: memref<80x80xf32, #tpu.memory_space<vmem>>, %arg18: memref<8x128xf32, #tpu.memory_space<vmem>>, %arg19: memref<8x128xf32, #tpu.memory_space<vmem>>, %arg20: memref<!tpu.dma_semaphore, #tpu.memory_space<semaphore_mem>>, %arg21: memref<10240x80xf32, #tpu.memory_space<vmem_shared>>) attributes {dimension_semantics = [#tpu.dimension_semantics<core_parallel>, #tpu.dimension_semantics<subcore_parallel>], iteration_bounds = array<i64: 2, 16>, scalar_prefetch = 0 : i64, scratch_operands = 10 : i64, tpu.core_type = #tpu.core_type<sc_vector_subcore>, window_params = [{transform_indices = #map}, {transform_indices = #map}, {transform_indices = #map}, {transform_indices = #map1}, {transform_indices = #map1}, {transform_indices = #map}, {transform_indices = #map}, {transform_indices = #map2}, {transform_indices = #map2}, {transform_indices = #map}]} {
    %mul3A = arith.constant 16 : i32
    %mul3A_0 = arith.muli %arg0, %mul3A : i32
    %add3A = arith.addi %mul3A_0, %arg1 : i32
    %mul3A_1 = arith.constant 640 : i32
    %mul3A_2 = arith.muli %arg1, %mul3A_1 : i32
    %mul3A_3 = arith.constant 10000 : i32
    %mul3A_4 = arith.muli %add3A, %mul3A_3 : i32
    %iota3A = tpu.iota {dimensions = array<i32: 0>} : vector<16xi32>
    %broadcast_in_dim3A = arith.constant 0.000000e+00 : f32
    %broadcast_in_dim3A_5 = vector.broadcast %broadcast_in_dim3A : f32 to vector<16xf32>
    "tpu.region"() ({
      %run_scoped3A = tpu.sem_alloc : memref<!tpu.dma_semaphore, #tpu.memory_space<semaphore_mem>>
      %dma_start3A = arith.constant 0 : i32
      %dma_start3A_209 = tpu.memref_slice %arg21[%mul3A_2, %dma_start3A] : memref<10240x80xf32, #tpu.memory_space<vmem_shared>> -> memref<640x80xf32, #tpu.memory_space<vmem_shared>>
      %dma_start3A_210 = arith.constant 0 : i32
      %dma_start3A_211 = tpu.memref_slice %arg8[%mul3A_2, %dma_start3A_210] : memref<10240x80xf32, #tpu.memory_space<hbm>> -> memref<640x80xf32, #tpu.memory_space<hbm>>
      tpu.enqueue_dma source(%dma_start3A_211 : memref<640x80xf32, #tpu.memory_space<hbm>>) target(%dma_start3A_209 : memref<640x80xf32, #tpu.memory_space<vmem_shared>>) target_semaphore(%run_scoped3A : memref<!tpu.dma_semaphore, #tpu.memory_space<semaphore_mem>>)
      %dma_wait3A = arith.constant 0 : i32
      %dma_wait3A_212 = tpu.memref_slice %arg21[%mul3A_2, %dma_wait3A] : memref<10240x80xf32, #tpu.memory_space<vmem_shared>> -> memref<640x80xf32, #tpu.memory_space<vmem_shared>>
      %dma_wait3A_213 = arith.constant 0 : i32
      %dma_wait3A_214 = tpu.memref_slice %arg8[%mul3A_2, %dma_wait3A_213] : memref<10240x80xf32, #tpu.memory_space<hbm>> -> memref<640x80xf32, #tpu.memory_space<hbm>>
      tpu.wait_dma2 semaphore(%run_scoped3A : memref<!tpu.dma_semaphore, #tpu.memory_space<semaphore_mem>>) src(%dma_wait3A_214 : memref<640x80xf32, #tpu.memory_space<hbm>>) dst(%dma_wait3A_212 : memref<640x80xf32, #tpu.memory_space<vmem_shared>>)
      tpu.yield
    }) : () -> ()
    %add3A_6 = arith.constant 0 : i32
    %add3A_7 = vector.broadcast %add3A_6 : i32 to vector<16xi32>
    %add3A_8 = arith.addi %iota3A, %add3A_7 : vector<16xi32>
    %broadcast_in_dim3A_9 = arith.constant 72 : i32
    %broadcast_in_dim3A_10 = vector.broadcast %broadcast_in_dim3A_9 : i32 to vector<16xi32>
    tpu.vector_store_idx %arg17[%add3A_8, %broadcast_in_dim3A_10], %broadcast_in_dim3A_5 : memref<80x80xf32, #tpu.memory_space<vmem>>[vector<16xi32>, vector<16xi32>], vector<16xf32>,
    %broadcast_in_dim3A_11 = arith.constant 73 : i32
    %broadcast_in_dim3A_12 = vector.broadcast %broadcast_in_dim3A_11 : i32 to vector<16xi32>
    tpu.vector_store_idx %arg17[%add3A_8, %broadcast_in_dim3A_12], %broadcast_in_dim3A_5 : memref<80x80xf32, #tpu.memory_space<vmem>>[vector<16xi32>, vector<16xi32>], vector<16xf32>,
    %broadcast_in_dim3A_13 = arith.constant 74 : i32
    %broadcast_in_dim3A_14 = vector.broadcast %broadcast_in_dim3A_13 : i32 to vector<16xi32>
    tpu.vector_store_idx %arg17[%add3A_8, %broadcast_in_dim3A_14], %broadcast_in_dim3A_5 : memref<80x80xf32, #tpu.memory_space<vmem>>[vector<16xi32>, vector<16xi32>], vector<16xf32>,
    %broadcast_in_dim3A_15 = arith.constant 75 : i32
    %broadcast_in_dim3A_16 = vector.broadcast %broadcast_in_dim3A_15 : i32 to vector<16xi32>
    tpu.vector_store_idx %arg17[%add3A_8, %broadcast_in_dim3A_16], %broadcast_in_dim3A_5 : memref<80x80xf32, #tpu.memory_space<vmem>>[vector<16xi32>, vector<16xi32>], vector<16xf32>,
    %broadcast_in_dim3A_17 = arith.constant 76 : i32
    %broadcast_in_dim3A_18 = vector.broadcast %broadcast_in_dim3A_17 : i32 to vector<16xi32>
    tpu.vector_store_idx %arg17[%add3A_8, %broadcast_in_dim3A_18], %broadcast_in_dim3A_5 : memref<80x80xf32, #tpu.memory_space<vmem>>[vector<16xi32>, vector<16xi32>], vector<16xf32>,
    %broadcast_in_dim3A_19 = arith.constant 77 : i32
    %broadcast_in_dim3A_20 = vector.broadcast %broadcast_in_dim3A_19 : i32 to vector<16xi32>
    tpu.vector_store_idx %arg17[%add3A_8, %broadcast_in_dim3A_20], %broadcast_in_dim3A_5 : memref<80x80xf32, #tpu.memory_space<vmem>>[vector<16xi32>, vector<16xi32>], vector<16xf32>,
    %broadcast_in_dim3A_21 = arith.constant 78 : i32
    %broadcast_in_dim3A_22 = vector.broadcast %broadcast_in_dim3A_21 : i32 to vector<16xi32>
    tpu.vector_store_idx %arg17[%add3A_8, %broadcast_in_dim3A_22], %broadcast_in_dim3A_5 : memref<80x80xf32, #tpu.memory_space<vmem>>[vector<16xi32>, vector<16xi32>], vector<16xf32>,
    %broadcast_in_dim3A_23 = arith.constant 79 : i32
    %broadcast_in_dim3A_24 = vector.broadcast %broadcast_in_dim3A_23 : i32 to vector<16xi32>
    tpu.vector_store_idx %arg17[%add3A_8, %broadcast_in_dim3A_24], %broadcast_in_dim3A_5 : memref<80x80xf32, #tpu.memory_space<vmem>>[vector<16xi32>, vector<16xi32>], vector<16xf32>,
    %add3A_25 = arith.constant 16 : i32
    %add3A_26 = vector.broadcast %add3A_25 : i32 to vector<16xi32>
    %add3A_27 = arith.addi %iota3A, %add3A_26 : vector<16xi32>
    %broadcast_in_dim3A_28 = arith.constant 72 : i32
    %broadcast_in_dim3A_29 = vector.broadcast %broadcast_in_dim3A_28 : i32 to vector<16xi32>
    tpu.vector_store_idx %arg17[%add3A_27, %broadcast_in_dim3A_29], %broadcast_in_dim3A_5 : memref<80x80xf32, #tpu.memory_space<vmem>>[vector<16xi32>, vector<16xi32>], vector<16xf32>,
    %broadcast_in_dim3A_30 = arith.constant 73 : i32
    %broadcast_in_dim3A_31 = vector.broadcast %broadcast_in_dim3A_30 : i32 to vector<16xi32>
    tpu.vector_store_idx %arg17[%add3A_27, %broadcast_in_dim3A_31], %broadcast_in_dim3A_5 : memref<80x80xf32, #tpu.memory_space<vmem>>[vector<16xi32>, vector<16xi32>], vector<16xf32>,
    %broadcast_in_dim3A_32 = arith.constant 74 : i32
    %broadcast_in_dim3A_33 = vector.broadcast %broadcast_in_dim3A_32 : i32 to vector<16xi32>
    tpu.vector_store_idx %arg17[%add3A_27, %broadcast_in_dim3A_33], %broadcast_in_dim3A_5 : memref<80x80xf32, #tpu.memory_space<vmem>>[vector<16xi32>, vector<16xi32>], vector<16xf32>,
    %broadcast_in_dim3A_34 = arith.constant 75 : i32
    %broadcast_in_dim3A_35 = vector.broadcast %broadcast_in_dim3A_34 : i32 to vector<16xi32>
    tpu.vector_store_idx %arg17[%add3A_27, %broadcast_in_dim3A_35], %broadcast_in_dim3A_5 : memref<80x80xf32, #tpu.memory_space<vmem>>[vector<16xi32>, vector<16xi32>], vector<16xf32>,
    %broadcast_in_dim3A_36 = arith.constant 76 : i32
    %broadcast_in_dim3A_37 = vector.broadcast %broadcast_in_dim3A_36 : i32 to vector<16xi32>
    tpu.vector_store_idx %arg17[%add3A_27, %broadcast_in_dim3A_37], %broadcast_in_dim3A_5 : memref<80x80xf32, #tpu.memory_space<vmem>>[vector<16xi32>, vector<16xi32>], vector<16xf32>,
    %broadcast_in_dim3A_38 = arith.constant 77 : i32
    %broadcast_in_dim3A_39 = vector.broadcast %broadcast_in_dim3A_38 : i32 to vector<16xi32>
    tpu.vector_store_idx %arg17[%add3A_27, %broadcast_in_dim3A_39], %broadcast_in_dim3A_5 : memref<80x80xf32, #tpu.memory_space<vmem>>[vector<16xi32>, vector<16xi32>], vector<16xf32>,
    %broadcast_in_dim3A_40 = arith.constant 78 : i32
    %broadcast_in_dim3A_41 = vector.broadcast %broadcast_in_dim3A_40 : i32 to vector<16xi32>
    tpu.vector_store_idx %arg17[%add3A_27, %broadcast_in_dim3A_41], %broadcast_in_dim3A_5 : memref<80x80xf32, #tpu.memory_space<vmem>>[vector<16xi32>, vector<16xi32>], vector<16xf32>,
    %broadcast_in_dim3A_42 = arith.constant 79 : i32
    %broadcast_in_dim3A_43 = vector.broadcast %broadcast_in_dim3A_42 : i32 to vector<16xi32>
    tpu.vector_store_idx %arg17[%add3A_27, %broadcast_in_dim3A_43], %broadcast_in_dim3A_5 : memref<80x80xf32, #tpu.memory_space<vmem>>[vector<16xi32>, vector<16xi32>], vector<16xf32>,
    %add3A_44 = arith.constant 32 : i32
    %add3A_45 = vector.broadcast %add3A_44 : i32 to vector<16xi32>
    %add3A_46 = arith.addi %iota3A, %add3A_45 : vector<16xi32>
    %broadcast_in_dim3A_47 = arith.constant 72 : i32
    %broadcast_in_dim3A_48 = vector.broadcast %broadcast_in_dim3A_47 : i32 to vector<16xi32>
    tpu.vector_store_idx %arg17[%add3A_46, %broadcast_in_dim3A_48], %broadcast_in_dim3A_5 : memref<80x80xf32, #tpu.memory_space<vmem>>[vector<16xi32>, vector<16xi32>], vector<16xf32>,
    %broadcast_in_dim3A_49 = arith.constant 73 : i32
    %broadcast_in_dim3A_50 = vector.broadcast %broadcast_in_dim3A_49 : i32 to vector<16xi32>
    tpu.vector_store_idx %arg17[%add3A_46, %broadcast_in_dim3A_50], %broadcast_in_dim3A_5 : memref<80x80xf32, #tpu.memory_space<vmem>>[vector<16xi32>, vector<16xi32>], vector<16xf32>,
    %broadcast_in_dim3A_51 = arith.constant 74 : i32
    %broadcast_in_dim3A_52 = vector.broadcast %broadcast_in_dim3A_51 : i32 to vector<16xi32>
    tpu.vector_store_idx %arg17[%add3A_46, %broadcast_in_dim3A_52], %broadcast_in_dim3A_5 : memref<80x80xf32, #tpu.memory_space<vmem>>[vector<16xi32>, vector<16xi32>], vector<16xf32>,
    %broadcast_in_dim3A_53 = arith.constant 75 : i32
    %broadcast_in_dim3A_54 = vector.broadcast %broadcast_in_dim3A_53 : i32 to vector<16xi32>
    tpu.vector_store_idx %arg17[%add3A_46, %broadcast_in_dim3A_54], %broadcast_in_dim3A_5 : memref<80x80xf32, #tpu.memory_space<vmem>>[vector<16xi32>, vector<16xi32>], vector<16xf32>,
    %broadcast_in_dim3A_55 = arith.constant 76 : i32
    %broadcast_in_dim3A_56 = vector.broadcast %broadcast_in_dim3A_55 : i32 to vector<16xi32>
    tpu.vector_store_idx %arg17[%add3A_46, %broadcast_in_dim3A_56], %broadcast_in_dim3A_5 : memref<80x80xf32, #tpu.memory_space<vmem>>[vector<16xi32>, vector<16xi32>], vector<16xf32>,
    %broadcast_in_dim3A_57 = arith.constant 77 : i32
    %broadcast_in_dim3A_58 = vector.broadcast %broadcast_in_dim3A_57 : i32 to vector<16xi32>
    tpu.vector_store_idx %arg17[%add3A_46, %broadcast_in_dim3A_58], %broadcast_in_dim3A_5 : memref<80x80xf32, #tpu.memory_space<vmem>>[vector<16xi32>, vector<16xi32>], vector<16xf32>,
    %broadcast_in_dim3A_59 = arith.constant 78 : i32
    %broadcast_in_dim3A_60 = vector.broadcast %broadcast_in_dim3A_59 : i32 to vector<16xi32>
    tpu.vector_store_idx %arg17[%add3A_46, %broadcast_in_dim3A_60], %broadcast_in_dim3A_5 : memref<80x80xf32, #tpu.memory_space<vmem>>[vector<16xi32>, vector<16xi32>], vector<16xf32>,
    %broadcast_in_dim3A_61 = arith.constant 79 : i32
    %broadcast_in_dim3A_62 = vector.broadcast %broadcast_in_dim3A_61 : i32 to vector<16xi32>
    tpu.vector_store_idx %arg17[%add3A_46, %broadcast_in_dim3A_62], %broadcast_in_dim3A_5 : memref<80x80xf32, #tpu.memory_space<vmem>>[vector<16xi32>, vector<16xi32>], vector<16xf32>,
    %add3A_63 = arith.constant 48 : i32
    %add3A_64 = vector.broadcast %add3A_63 : i32 to vector<16xi32>
    %add3A_65 = arith.addi %iota3A, %add3A_64 : vector<16xi32>
    %broadcast_in_dim3A_66 = arith.constant 72 : i32
    %broadcast_in_dim3A_67 = vector.broadcast %broadcast_in_dim3A_66 : i32 to vector<16xi32>
    tpu.vector_store_idx %arg17[%add3A_65, %broadcast_in_dim3A_67], %broadcast_in_dim3A_5 : memref<80x80xf32, #tpu.memory_space<vmem>>[vector<16xi32>, vector<16xi32>], vector<16xf32>,
    %broadcast_in_dim3A_68 = arith.constant 73 : i32
    %broadcast_in_dim3A_69 = vector.broadcast %broadcast_in_dim3A_68 : i32 to vector<16xi32>
    tpu.vector_store_idx %arg17[%add3A_65, %broadcast_in_dim3A_69], %broadcast_in_dim3A_5 : memref<80x80xf32, #tpu.memory_space<vmem>>[vector<16xi32>, vector<16xi32>], vector<16xf32>,
    %broadcast_in_dim3A_70 = arith.constant 74 : i32
    %broadcast_in_dim3A_71 = vector.broadcast %broadcast_in_dim3A_70 : i32 to vector<16xi32>
    tpu.vector_store_idx %arg17[%add3A_65, %broadcast_in_dim3A_71], %broadcast_in_dim3A_5 : memref<80x80xf32, #tpu.memory_space<vmem>>[vector<16xi32>, vector<16xi32>], vector<16xf32>,
    %broadcast_in_dim3A_72 = arith.constant 75 : i32
    %broadcast_in_dim3A_73 = vector.broadcast %broadcast_in_dim3A_72 : i32 to vector<16xi32>
    tpu.vector_store_idx %arg17[%add3A_65, %broadcast_in_dim3A_73], %broadcast_in_dim3A_5 : memref<80x80xf32, #tpu.memory_space<vmem>>[vector<16xi32>, vector<16xi32>], vector<16xf32>,
    %broadcast_in_dim3A_74 = arith.constant 76 : i32
    %broadcast_in_dim3A_75 = vector.broadcast %broadcast_in_dim3A_74 : i32 to vector<16xi32>
    tpu.vector_store_idx %arg17[%add3A_65, %broadcast_in_dim3A_75], %broadcast_in_dim3A_5 : memref<80x80xf32, #tpu.memory_space<vmem>>[vector<16xi32>, vector<16xi32>], vector<16xf32>,
    %broadcast_in_dim3A_76 = arith.constant 77 : i32
    %broadcast_in_dim3A_77 = vector.broadcast %broadcast_in_dim3A_76 : i32 to vector<16xi32>
    tpu.vector_store_idx %arg17[%add3A_65, %broadcast_in_dim3A_77], %broadcast_in_dim3A_5 : memref<80x80xf32, #tpu.memory_space<vmem>>[vector<16xi32>, vector<16xi32>], vector<16xf32>,
    %broadcast_in_dim3A_78 = arith.constant 78 : i32
    %broadcast_in_dim3A_79 = vector.broadcast %broadcast_in_dim3A_78 : i32 to vector<16xi32>
    tpu.vector_store_idx %arg17[%add3A_65, %broadcast_in_dim3A_79], %broadcast_in_dim3A_5 : memref<80x80xf32, #tpu.memory_space<vmem>>[vector<16xi32>, vector<16xi32>], vector<16xf32>,
    %broadcast_in_dim3A_80 = arith.constant 79 : i32
    %broadcast_in_dim3A_81 = vector.broadcast %broadcast_in_dim3A_80 : i32 to vector<16xi32>
    tpu.vector_store_idx %arg17[%add3A_65, %broadcast_in_dim3A_81], %broadcast_in_dim3A_5 : memref<80x80xf32, #tpu.memory_space<vmem>>[vector<16xi32>, vector<16xi32>], vector<16xf32>,
    %add3A_82 = arith.constant 64 : i32
    %add3A_83 = vector.broadcast %add3A_82 : i32 to vector<16xi32>
    %add3A_84 = arith.addi %iota3A, %add3A_83 : vector<16xi32>
    %broadcast_in_dim3A_85 = arith.constant 72 : i32
    %broadcast_in_dim3A_86 = vector.broadcast %broadcast_in_dim3A_85 : i32 to vector<16xi32>
    tpu.vector_store_idx %arg17[%add3A_84, %broadcast_in_dim3A_86], %broadcast_in_dim3A_5 : memref<80x80xf32, #tpu.memory_space<vmem>>[vector<16xi32>, vector<16xi32>], vector<16xf32>,
    %broadcast_in_dim3A_87 = arith.constant 73 : i32
    %broadcast_in_dim3A_88 = vector.broadcast %broadcast_in_dim3A_87 : i32 to vector<16xi32>
    tpu.vector_store_idx %arg17[%add3A_84, %broadcast_in_dim3A_88], %broadcast_in_dim3A_5 : memref<80x80xf32, #tpu.memory_space<vmem>>[vector<16xi32>, vector<16xi32>], vector<16xf32>,
    %broadcast_in_dim3A_89 = arith.constant 74 : i32
    %broadcast_in_dim3A_90 = vector.broadcast %broadcast_in_dim3A_89 : i32 to vector<16xi32>
    tpu.vector_store_idx %arg17[%add3A_84, %broadcast_in_dim3A_90], %broadcast_in_dim3A_5 : memref<80x80xf32, #tpu.memory_space<vmem>>[vector<16xi32>, vector<16xi32>], vector<16xf32>,
    %broadcast_in_dim3A_91 = arith.constant 75 : i32
    %broadcast_in_dim3A_92 = vector.broadcast %broadcast_in_dim3A_91 : i32 to vector<16xi32>
    tpu.vector_store_idx %arg17[%add3A_84, %broadcast_in_dim3A_92], %broadcast_in_dim3A_5 : memref<80x80xf32, #tpu.memory_space<vmem>>[vector<16xi32>, vector<16xi32>], vector<16xf32>,
    %broadcast_in_dim3A_93 = arith.constant 76 : i32
    %broadcast_in_dim3A_94 = vector.broadcast %broadcast_in_dim3A_93 : i32 to vector<16xi32>
    tpu.vector_store_idx %arg17[%add3A_84, %broadcast_in_dim3A_94], %broadcast_in_dim3A_5 : memref<80x80xf32, #tpu.memory_space<vmem>>[vector<16xi32>, vector<16xi32>], vector<16xf32>,
    %broadcast_in_dim3A_95 = arith.constant 77 : i32
    %broadcast_in_dim3A_96 = vector.broadcast %broadcast_in_dim3A_95 : i32 to vector<16xi32>
    tpu.vector_store_idx %arg17[%add3A_84, %broadcast_in_dim3A_96], %broadcast_in_dim3A_5 : memref<80x80xf32, #tpu.memory_space<vmem>>[vector<16xi32>, vector<16xi32>], vector<16xf32>,
    %broadcast_in_dim3A_97 = arith.constant 78 : i32
    %broadcast_in_dim3A_98 = vector.broadcast %broadcast_in_dim3A_97 : i32 to vector<16xi32>
    tpu.vector_store_idx %arg17[%add3A_84, %broadcast_in_dim3A_98], %broadcast_in_dim3A_5 : memref<80x80xf32, #tpu.memory_space<vmem>>[vector<16xi32>, vector<16xi32>], vector<16xf32>,
    %broadcast_in_dim3A_99 = arith.constant 79 : i32
    %broadcast_in_dim3A_100 = vector.broadcast %broadcast_in_dim3A_99 : i32 to vector<16xi32>
    tpu.vector_store_idx %arg17[%add3A_84, %broadcast_in_dim3A_100], %broadcast_in_dim3A_5 : memref<80x80xf32, #tpu.memory_space<vmem>>[vector<16xi32>, vector<16xi32>], vector<16xf32>,
    %barrier3A = arith.constant 0 : index
    tpu.barrier barrier_id(%barrier3A)
    %scan3A = arith.constant 0 : i32
    %scan3A_101 = arith.constant 125 : i32
    %scan3A_102 = arith.addi %scan3A, %scan3A_101 : i32
    %scan3A_103 = arith.constant 1 : i32
    scf.for %scan3A_209 = %scan3A to %scan3A_102 step %scan3A_103  : i32 {
      %mul3A_210 = arith.constant 1 : i32
      %mul3A_211 = arith.muli %scan3A_209, %mul3A_210 : i32
      %add3A_212 = arith.constant 0 : i32
      %add3A_213 = arith.addi %add3A_212, %mul3A_211 : i32
      %mul3A_214 = arith.constant 80 : i32
      %mul3A_215 = arith.muli %add3A_213, %mul3A_214 : i32
      %add3A_216 = arith.addi %mul3A_4, %mul3A_215 : i32
      %mul3A_217 = arith.constant 125 : i32
      %mul3A_218 = arith.muli %add3A, %mul3A_217 : i32
      %add3A_219 = arith.addi %mul3A_218, %add3A_213 : i32
      %mul3A_220 = arith.constant 8 : i32
      %mul3A_221 = arith.muli %add3A_219, %mul3A_220 : i32
      "tpu.region"() ({
        %run_scoped3A = tpu.sem_alloc : memref<!tpu.dma_semaphore, #tpu.memory_space<semaphore_mem>>
        %dma_start3A_244 = tpu.memref_slice %arg5[%add3A_216] : memref<320000xi32, #tpu.memory_space<hbm>> -> memref<80xi32, #tpu.memory_space<hbm>>
        %dma_start3A_245 = tpu.memref_slice %arg5[%add3A_216] : memref<320000xi32, #tpu.memory_space<hbm>> -> memref<80xi32, #tpu.memory_space<hbm>>
        tpu.enqueue_dma source(%dma_start3A_245 : memref<80xi32, #tpu.memory_space<hbm>>) target(%arg12 : memref<80xi32, #tpu.memory_space<vmem>>) target_semaphore(%run_scoped3A : memref<!tpu.dma_semaphore, #tpu.memory_space<semaphore_mem>>)
        %dma_wait3A_246 = tpu.memref_slice %arg5[%add3A_216] : memref<320000xi32, #tpu.memory_space<hbm>> -> memref<80xi32, #tpu.memory_space<hbm>>
        %dma_wait3A_247 = tpu.memref_slice %arg5[%add3A_216] : memref<320000xi32, #tpu.memory_space<hbm>> -> memref<80xi32, #tpu.memory_space<hbm>>
        tpu.wait_dma2 semaphore(%run_scoped3A : memref<!tpu.dma_semaphore, #tpu.memory_space<semaphore_mem>>) src(%dma_wait3A_247 : memref<80xi32, #tpu.memory_space<hbm>>) dst(%arg12 : memref<80xi32, #tpu.memory_space<vmem>>)
        tpu.yield
      }) : () -> ()
      "tpu.region"() ({
        %run_scoped3A = tpu.sem_alloc : memref<!tpu.dma_semaphore, #tpu.memory_space<semaphore_mem>>
        %dma_start3A_244 = tpu.memref_slice %arg6[%add3A_216] : memref<320000xi32, #tpu.memory_space<hbm>> -> memref<80xi32, #tpu.memory_space<hbm>>
        %dma_start3A_245 = tpu.memref_slice %arg6[%add3A_216] : memref<320000xi32, #tpu.memory_space<hbm>> -> memref<80xi32, #tpu.memory_space<hbm>>
        tpu.enqueue_dma source(%dma_start3A_245 : memref<80xi32, #tpu.memory_space<hbm>>) target(%arg13 : memref<80xi32, #tpu.memory_space<vmem>>) target_semaphore(%run_scoped3A : memref<!tpu.dma_semaphore, #tpu.memory_space<semaphore_mem>>)
        %dma_wait3A_246 = tpu.memref_slice %arg6[%add3A_216] : memref<320000xi32, #tpu.memory_space<hbm>> -> memref<80xi32, #tpu.memory_space<hbm>>
        %dma_wait3A_247 = tpu.memref_slice %arg6[%add3A_216] : memref<320000xi32, #tpu.memory_space<hbm>> -> memref<80xi32, #tpu.memory_space<hbm>>
        tpu.wait_dma2 semaphore(%run_scoped3A : memref<!tpu.dma_semaphore, #tpu.memory_space<semaphore_mem>>) src(%dma_wait3A_247 : memref<80xi32, #tpu.memory_space<hbm>>) dst(%arg13 : memref<80xi32, #tpu.memory_space<vmem>>)
        tpu.yield
      }) : () -> ()
      "tpu.region"() ({
        %run_scoped3A = tpu.sem_alloc : memref<!tpu.dma_semaphore, #tpu.memory_space<semaphore_mem>>
        %dma_start3A_244 = arith.constant 0 : i32
        %dma_start3A_245 = tpu.memref_slice %arg7[%mul3A_221, %dma_start3A_244] : memref<32000x128xf32, #tpu.memory_space<hbm>> -> memref<8x128xf32, #tpu.memory_space<hbm>>
        %dma_start3A_246 = arith.constant 0 : i32
        %dma_start3A_247 = tpu.memref_slice %arg7[%mul3A_221, %dma_start3A_246] : memref<32000x128xf32, #tpu.memory_space<hbm>> -> memref<8x128xf32, #tpu.memory_space<hbm>>
        tpu.enqueue_dma source(%dma_start3A_247 : memref<8x128xf32, #tpu.memory_space<hbm>>) target(%arg18 : memref<8x128xf32, #tpu.memory_space<vmem>>) target_semaphore(%run_scoped3A : memref<!tpu.dma_semaphore, #tpu.memory_space<semaphore_mem>>)
        %dma_wait3A_248 = arith.constant 0 : i32
        %dma_wait3A_249 = tpu.memref_slice %arg7[%mul3A_221, %dma_wait3A_248] : memref<32000x128xf32, #tpu.memory_space<hbm>> -> memref<8x128xf32, #tpu.memory_space<hbm>>
        %dma_wait3A_250 = arith.constant 0 : i32
        %dma_wait3A_251 = tpu.memref_slice %arg7[%mul3A_221, %dma_wait3A_250] : memref<32000x128xf32, #tpu.memory_space<hbm>> -> memref<8x128xf32, #tpu.memory_space<hbm>>
        tpu.wait_dma2 semaphore(%run_scoped3A : memref<!tpu.dma_semaphore, #tpu.memory_space<semaphore_mem>>) src(%dma_wait3A_251 : memref<8x128xf32, #tpu.memory_space<hbm>>) dst(%arg18 : memref<8x128xf32, #tpu.memory_space<vmem>>)
        tpu.yield
      }) : () -> ()
      %dma_start3A = arith.constant 0 : i32
      %dma_start3A_222 = arith.constant 0 : i32
      %dma_start3A_223 = tpu.memref_slice %arg2[%dma_start3A, %dma_start3A_222] : memref<10000x128xf32, #tpu.memory_space<hbm>> -> memref<10000x128xf32, #tpu.memory_space<hbm>>
      tpu.enqueue_indirect_dma source(%dma_start3A_223 : memref<10000x128xf32, #tpu.memory_space<hbm>>) target(%arg14 : memref<80x128xf32, #tpu.memory_space<vmem>>) offsets(%arg12 : memref<80xi32, #tpu.memory_space<vmem>>) semaphore(%arg20 : memref<!tpu.dma_semaphore, #tpu.memory_space<semaphore_mem>>)
      %dma_start3A_224 = arith.constant 0 : i32
      %dma_start3A_225 = arith.constant 0 : i32
      %dma_start3A_226 = tpu.memref_slice %arg3[%dma_start3A_224, %dma_start3A_225] : memref<10000x128xf32, #tpu.memory_space<hbm>> -> memref<10000x128xf32, #tpu.memory_space<hbm>>
      tpu.enqueue_indirect_dma source(%dma_start3A_226 : memref<10000x128xf32, #tpu.memory_space<hbm>>) target(%arg15 : memref<80x128xf32, #tpu.memory_space<vmem>>) offsets(%arg13 : memref<80xi32, #tpu.memory_space<vmem>>) semaphore(%arg20 : memref<!tpu.dma_semaphore, #tpu.memory_space<semaphore_mem>>)
      %dma_start3A_227 = arith.constant 0 : i32
      %dma_start3A_228 = arith.constant 0 : i32
      %dma_start3A_229 = tpu.memref_slice %arg4[%dma_start3A_227, %dma_start3A_228] : memref<10000x128xf32, #tpu.memory_space<hbm>> -> memref<10000x128xf32, #tpu.memory_space<hbm>>
      tpu.enqueue_indirect_dma source(%dma_start3A_229 : memref<10000x128xf32, #tpu.memory_space<hbm>>) target(%arg16 : memref<80x128xf32, #tpu.memory_space<vmem>>) offsets(%arg12 : memref<80xi32, #tpu.memory_space<vmem>>) semaphore(%arg20 : memref<!tpu.dma_semaphore, #tpu.memory_space<semaphore_mem>>)
      %dma_wait3A = arith.constant 0 : i32
      %dma_wait3A_230 = arith.constant 0 : i32
      %dma_wait3A_231 = tpu.memref_slice %arg2[%dma_wait3A, %dma_wait3A_230] : memref<10000x128xf32, #tpu.memory_space<hbm>> -> memref<10000x128xf32, #tpu.memory_space<hbm>>
      tpu.wait_indirect_dma semaphore(%arg20 : memref<!tpu.dma_semaphore, #tpu.memory_space<semaphore_mem>>) src(%dma_wait3A_231 : memref<10000x128xf32, #tpu.memory_space<hbm>>) dst(%arg14 : memref<80x128xf32, #tpu.memory_space<vmem>>)
      %dma_wait3A_232 = arith.constant 0 : i32
      %dma_wait3A_233 = arith.constant 0 : i32
      %dma_wait3A_234 = tpu.memref_slice %arg3[%dma_wait3A_232, %dma_wait3A_233] : memref<10000x128xf32, #tpu.memory_space<hbm>> -> memref<10000x128xf32, #tpu.memory_space<hbm>>
      tpu.wait_indirect_dma semaphore(%arg20 : memref<!tpu.dma_semaphore, #tpu.memory_space<semaphore_mem>>) src(%dma_wait3A_234 : memref<10000x128xf32, #tpu.memory_space<hbm>>) dst(%arg15 : memref<80x128xf32, #tpu.memory_space<vmem>>)
      %dma_wait3A_235 = arith.constant 0 : i32
      %dma_wait3A_236 = arith.constant 0 : i32
      %dma_wait3A_237 = tpu.memref_slice %arg4[%dma_wait3A_235, %dma_wait3A_236] : memref<10000x128xf32, #tpu.memory_space<hbm>> -> memref<10000x128xf32, #tpu.memory_space<hbm>>
      tpu.wait_indirect_dma semaphore(%arg20 : memref<!tpu.dma_semaphore, #tpu.memory_space<semaphore_mem>>) src(%dma_wait3A_237 : memref<10000x128xf32, #tpu.memory_space<hbm>>) dst(%arg16 : memref<80x128xf32, #tpu.memory_space<vmem>>)
      %scan3A_238 = arith.constant 0 : i32
      %scan3A_239 = arith.constant 0 : i32
      %scan3A_240 = arith.constant 5 : i32
      %scan3A_241 = arith.addi %scan3A_239, %scan3A_240 : i32
      %scan3A_242 = arith.constant 1 : i32
      scf.for %scan3A_244 = %scan3A_239 to %scan3A_241 step %scan3A_242  : i32 {
        %mul3A_245 = arith.constant 16 : i32
        %mul3A_246 = arith.muli %scan3A_244, %mul3A_245 : i32
        %add3A_247 = vector.broadcast %mul3A_246 : i32 to vector<16xi32>
        %add3A_248 = arith.addi %iota3A, %add3A_247 : vector<16xi32>
        %broadcast_in_dim3A_249 = arith.constant 0 : i32
        %broadcast_in_dim3A_250 = vector.broadcast %broadcast_in_dim3A_249 : i32 to vector<16xi32>
        %add3A_251 = vector.broadcast %scan3A_244 : i32 to vector<16xi32>
        %add3A_252 = arith.addi %broadcast_in_dim3A_250, %add3A_251 : vector<16xi32>
        %mul3A_253 = arith.constant 8 : i32
        %mul3A_254 = vector.broadcast %mul3A_253 : i32 to vector<16xi32>
        %mul3A_255 = arith.muli %iota3A, %mul3A_254 : vector<16xi32>
        %add3A_256 = arith.constant 0 : i32
        %add3A_257 = vector.broadcast %add3A_256 : i32 to vector<16xi32>
        %add3A_258 = arith.addi %mul3A_255, %add3A_257 : vector<16xi32>
        %gather3A = tpu.vector_load_idx %arg18[%add3A_252, %add3A_258] : memref<8x128xf32, #tpu.memory_space<vmem>>[vector<16xi32>, vector<16xi32>], vector<16xf32>,
        %broadcast_in_dim3A_259 = arith.constant 0 : i32
        %broadcast_in_dim3A_260 = vector.broadcast %broadcast_in_dim3A_259 : i32 to vector<16xi32>
        %gather3A_261 = tpu.vector_load_idx %arg14[%add3A_248, %broadcast_in_dim3A_260] : memref<80x128xf32, #tpu.memory_space<vmem>>[vector<16xi32>, vector<16xi32>], vector<16xf32>,
        %gather3A_262 = tpu.vector_load_idx %arg15[%add3A_248, %broadcast_in_dim3A_260] : memref<80x128xf32, #tpu.memory_space<vmem>>[vector<16xi32>, vector<16xi32>], vector<16xf32>,
        %mul3A_263 = arith.mulf %gather3A_261, %gather3A_262 : vector<16xf32>
        %add3A_264 = arith.addf %gather3A, %mul3A_263 : vector<16xf32>
        %broadcast_in_dim3A_265 = arith.constant 1 : i32
        %broadcast_in_dim3A_266 = vector.broadcast %broadcast_in_dim3A_265 : i32 to vector<16xi32>
        %gather3A_267 = tpu.vector_load_idx %arg14[%add3A_248, %broadcast_in_dim3A_266] : memref<80x128xf32, #tpu.memory_space<vmem>>[vector<16xi32>, vector<16xi32>], vector<16xf32>,
        %gather3A_268 = tpu.vector_load_idx %arg15[%add3A_248, %broadcast_in_dim3A_266] : memref<80x128xf32, #tpu.memory_space<vmem>>[vector<16xi32>, vector<16xi32>], vector<16xf32>,
        %mul3A_269 = arith.mulf %gather3A_267, %gather3A_268 : vector<16xf32>
        %add3A_270 = arith.addf %add3A_264, %mul3A_269 : vector<16xf32>
        %broadcast_in_dim3A_271 = arith.constant 2 : i32
        %broadcast_in_dim3A_272 = vector.broadcast %broadcast_in_dim3A_271 : i32 to vector<16xi32>
        %gather3A_273 = tpu.vector_load_idx %arg14[%add3A_248, %broadcast_in_dim3A_272] : memref<80x128xf32, #tpu.memory_space<vmem>>[vector<16xi32>, vector<16xi32>], vector<16xf32>,
        %gather3A_274 = tpu.vector_load_idx %arg15[%add3A_248, %broadcast_in_dim3A_272] : memref<80x128xf32, #tpu.memory_space<vmem>>[vector<16xi32>, vector<16xi32>], vector<16xf32>,
        %mul3A_275 = arith.mulf %gather3A_273, %gather3A_274 : vector<16xf32>
        %add3A_276 = arith.addf %add3A_270, %mul3A_275 : vector<16xf32>
        %broadcast_in_dim3A_277 = arith.constant 3 : i32
        %broadcast_in_dim3A_278 = vector.broadcast %broadcast_in_dim3A_277 : i32 to vector<16xi32>
        %gather3A_279 = tpu.vector_load_idx %arg14[%add3A_248, %broadcast_in_dim3A_278] : memref<80x128xf32, #tpu.memory_space<vmem>>[vector<16xi32>, vector<16xi32>], vector<16xf32>,
        %gather3A_280 = tpu.vector_load_idx %arg15[%add3A_248, %broadcast_in_dim3A_278] : memref<80x128xf32, #tpu.memory_space<vmem>>[vector<16xi32>, vector<16xi32>], vector<16xf32>,
        %mul3A_281 = arith.mulf %gather3A_279, %gather3A_280 : vector<16xf32>
        %add3A_282 = arith.addf %add3A_276, %mul3A_281 : vector<16xf32>
        %broadcast_in_dim3A_283 = arith.constant 4 : i32
        %broadcast_in_dim3A_284 = vector.broadcast %broadcast_in_dim3A_283 : i32 to vector<16xi32>
        %gather3A_285 = tpu.vector_load_idx %arg14[%add3A_248, %broadcast_in_dim3A_284] : memref<80x128xf32, #tpu.memory_space<vmem>>[vector<16xi32>, vector<16xi32>], vector<16xf32>,
        %gather3A_286 = tpu.vector_load_idx %arg15[%add3A_248, %broadcast_in_dim3A_284] : memref<80x128xf32, #tpu.memory_space<vmem>>[vector<16xi32>, vector<16xi32>], vector<16xf32>,
        %mul3A_287 = arith.mulf %gather3A_285, %gather3A_286 : vector<16xf32>
        %add3A_288 = arith.addf %add3A_282, %mul3A_287 : vector<16xf32>
        %broadcast_in_dim3A_289 = arith.constant 5 : i32
        %broadcast_in_dim3A_290 = vector.broadcast %broadcast_in_dim3A_289 : i32 to vector<16xi32>
        %gather3A_291 = tpu.vector_load_idx %arg14[%add3A_248, %broadcast_in_dim3A_290] : memref<80x128xf32, #tpu.memory_space<vmem>>[vector<16xi32>, vector<16xi32>], vector<16xf32>,
        %gather3A_292 = tpu.vector_load_idx %arg15[%add3A_248, %broadcast_in_dim3A_290] : memref<80x128xf32, #tpu.memory_space<vmem>>[vector<16xi32>, vector<16xi32>], vector<16xf32>,
        %mul3A_293 = arith.mulf %gather3A_291, %gather3A_292 : vector<16xf32>
        %add3A_294 = arith.addf %add3A_288, %mul3A_293 : vector<16xf32>
        %broadcast_in_dim3A_295 = arith.constant 6 : i32
        %broadcast_in_dim3A_296 = vector.broadcast %broadcast_in_dim3A_295 : i32 to vector<16xi32>
        %gather3A_297 = tpu.vector_load_idx %arg14[%add3A_248, %broadcast_in_dim3A_296] : memref<80x128xf32, #tpu.memory_space<vmem>>[vector<16xi32>, vector<16xi32>], vector<16xf32>,
        %gather3A_298 = tpu.vector_load_idx %arg15[%add3A_248, %broadcast_in_dim3A_296] : memref<80x128xf32, #tpu.memory_space<vmem>>[vector<16xi32>, vector<16xi32>], vector<16xf32>,
        %mul3A_299 = arith.mulf %gather3A_297, %gather3A_298 : vector<16xf32>
        %add3A_300 = arith.addf %add3A_294, %mul3A_299 : vector<16xf32>
        %broadcast_in_dim3A_301 = arith.constant 7 : i32
        %broadcast_in_dim3A_302 = vector.broadcast %broadcast_in_dim3A_301 : i32 to vector<16xi32>
        %gather3A_303 = tpu.vector_load_idx %arg14[%add3A_248, %broadcast_in_dim3A_302] : memref<80x128xf32, #tpu.memory_space<vmem>>[vector<16xi32>, vector<16xi32>], vector<16xf32>,
        %gather3A_304 = tpu.vector_load_idx %arg15[%add3A_248, %broadcast_in_dim3A_302] : memref<80x128xf32, #tpu.memory_space<vmem>>[vector<16xi32>, vector<16xi32>], vector<16xf32>,
        %mul3A_305 = arith.mulf %gather3A_303, %gather3A_304 : vector<16xf32>
        %add3A_306 = arith.addf %add3A_300, %mul3A_305 : vector<16xf32>
        %broadcast_in_dim3A_307 = arith.constant 8 : i32
        %broadcast_in_dim3A_308 = vector.broadcast %broadcast_in_dim3A_307 : i32 to vector<16xi32>
        %gather3A_309 = tpu.vector_load_idx %arg14[%add3A_248, %broadcast_in_dim3A_308] : memref<80x128xf32, #tpu.memory_space<vmem>>[vector<16xi32>, vector<16xi32>], vector<16xf32>,
        %gather3A_310 = tpu.vector_load_idx %arg15[%add3A_248, %broadcast_in_dim3A_308] : memref<80x128xf32, #tpu.memory_space<vmem>>[vector<16xi32>, vector<16xi32>], vector<16xf32>,
        %mul3A_311 = arith.mulf %gather3A_309, %gather3A_310 : vector<16xf32>
        %add3A_312 = arith.addf %add3A_306, %mul3A_311 : vector<16xf32>
        %broadcast_in_dim3A_313 = arith.constant 9 : i32
        %broadcast_in_dim3A_314 = vector.broadcast %broadcast_in_dim3A_313 : i32 to vector<16xi32>
        %gather3A_315 = tpu.vector_load_idx %arg14[%add3A_248, %broadcast_in_dim3A_314] : memref<80x128xf32, #tpu.memory_space<vmem>>[vector<16xi32>, vector<16xi32>], vector<16xf32>,
        %gather3A_316 = tpu.vector_load_idx %arg15[%add3A_248, %broadcast_in_dim3A_314] : memref<80x128xf32, #tpu.memory_space<vmem>>[vector<16xi32>, vector<16xi32>], vector<16xf32>,
        %mul3A_317 = arith.mulf %gather3A_315, %gather3A_316 : vector<16xf32>
        %add3A_318 = arith.addf %add3A_312, %mul3A_317 : vector<16xf32>
        %broadcast_in_dim3A_319 = arith.constant 10 : i32
        %broadcast_in_dim3A_320 = vector.broadcast %broadcast_in_dim3A_319 : i32 to vector<16xi32>
        %gather3A_321 = tpu.vector_load_idx %arg14[%add3A_248, %broadcast_in_dim3A_320] : memref<80x128xf32, #tpu.memory_space<vmem>>[vector<16xi32>, vector<16xi32>], vector<16xf32>,
        %gather3A_322 = tpu.vector_load_idx %arg15[%add3A_248, %broadcast_in_dim3A_320] : memref<80x128xf32, #tpu.memory_space<vmem>>[vector<16xi32>, vector<16xi32>], vector<16xf32>,
        %mul3A_323 = arith.mulf %gather3A_321, %gather3A_322 : vector<16xf32>
        %add3A_324 = arith.addf %add3A_318, %mul3A_323 : vector<16xf32>
        %broadcast_in_dim3A_325 = arith.constant 11 : i32
        %broadcast_in_dim3A_326 = vector.broadcast %broadcast_in_dim3A_325 : i32 to vector<16xi32>
        %gather3A_327 = tpu.vector_load_idx %arg14[%add3A_248, %broadcast_in_dim3A_326] : memref<80x128xf32, #tpu.memory_space<vmem>>[vector<16xi32>, vector<16xi32>], vector<16xf32>,
        %gather3A_328 = tpu.vector_load_idx %arg15[%add3A_248, %broadcast_in_dim3A_326] : memref<80x128xf32, #tpu.memory_space<vmem>>[vector<16xi32>, vector<16xi32>], vector<16xf32>,
        %mul3A_329 = arith.mulf %gather3A_327, %gather3A_328 : vector<16xf32>
        %add3A_330 = arith.addf %add3A_324, %mul3A_329 : vector<16xf32>
        %broadcast_in_dim3A_331 = arith.constant 12 : i32
        %broadcast_in_dim3A_332 = vector.broadcast %broadcast_in_dim3A_331 : i32 to vector<16xi32>
        %gather3A_333 = tpu.vector_load_idx %arg14[%add3A_248, %broadcast_in_dim3A_332] : memref<80x128xf32, #tpu.memory_space<vmem>>[vector<16xi32>, vector<16xi32>], vector<16xf32>,
        %gather3A_334 = tpu.vector_load_idx %arg15[%add3A_248, %broadcast_in_dim3A_332] : memref<80x128xf32, #tpu.memory_space<vmem>>[vector<16xi32>, vector<16xi32>], vector<16xf32>,
        %mul3A_335 = arith.mulf %gather3A_333, %gather3A_334 : vector<16xf32>
        %add3A_336 = arith.addf %add3A_330, %mul3A_335 : vector<16xf32>
        %broadcast_in_dim3A_337 = arith.constant 13 : i32
        %broadcast_in_dim3A_338 = vector.broadcast %broadcast_in_dim3A_337 : i32 to vector<16xi32>
        %gather3A_339 = tpu.vector_load_idx %arg14[%add3A_248, %broadcast_in_dim3A_338] : memref<80x128xf32, #tpu.memory_space<vmem>>[vector<16xi32>, vector<16xi32>], vector<16xf32>,
        %gather3A_340 = tpu.vector_load_idx %arg15[%add3A_248, %broadcast_in_dim3A_338] : memref<80x128xf32, #tpu.memory_space<vmem>>[vector<16xi32>, vector<16xi32>], vector<16xf32>,
        %mul3A_341 = arith.mulf %gather3A_339, %gather3A_340 : vector<16xf32>
        %add3A_342 = arith.addf %add3A_336, %mul3A_341 : vector<16xf32>
        %broadcast_in_dim3A_343 = arith.constant 14 : i32
        %broadcast_in_dim3A_344 = vector.broadcast %broadcast_in_dim3A_343 : i32 to vector<16xi32>
        %gather3A_345 = tpu.vector_load_idx %arg14[%add3A_248, %broadcast_in_dim3A_344] : memref<80x128xf32, #tpu.memory_space<vmem>>[vector<16xi32>, vector<16xi32>], vector<16xf32>,
        %gather3A_346 = tpu.vector_load_idx %arg15[%add3A_248, %broadcast_in_dim3A_344] : memref<80x128xf32, #tpu.memory_space<vmem>>[vector<16xi32>, vector<16xi32>], vector<16xf32>,
        %mul3A_347 = arith.mulf %gather3A_345, %gather3A_346 : vector<16xf32>
        %add3A_348 = arith.addf %add3A_342, %mul3A_347 : vector<16xf32>
        %broadcast_in_dim3A_349 = arith.constant 15 : i32
        %broadcast_in_dim3A_350 = vector.broadcast %broadcast_in_dim3A_349 : i32 to vector<16xi32>
        %gather3A_351 = tpu.vector_load_idx %arg14[%add3A_248, %broadcast_in_dim3A_350] : memref<80x128xf32, #tpu.memory_space<vmem>>[vector<16xi32>, vector<16xi32>], vector<16xf32>,
        %gather3A_352 = tpu.vector_load_idx %arg15[%add3A_248, %broadcast_in_dim3A_350] : memref<80x128xf32, #tpu.memory_space<vmem>>[vector<16xi32>, vector<16xi32>], vector<16xf32>,
        %mul3A_353 = arith.mulf %gather3A_351, %gather3A_352 : vector<16xf32>
        %add3A_354 = arith.addf %add3A_348, %mul3A_353 : vector<16xf32>
        %exp3A = math.exp %add3A_354 : vector<16xf32>
        %broadcast_in_dim3A_355 = arith.constant 64 : i32
        %broadcast_in_dim3A_356 = vector.broadcast %broadcast_in_dim3A_355 : i32 to vector<16xi32>
        tpu.vector_store_idx %arg17[%add3A_248, %broadcast_in_dim3A_356], %exp3A : memref<80x80xf32, #tpu.memory_space<vmem>>[vector<16xi32>, vector<16xi32>], vector<16xf32>,
        %mul3A_357 = arith.constant 8 : i32
        %mul3A_358 = vector.broadcast %mul3A_357 : i32 to vector<16xi32>
        %mul3A_359 = arith.muli %iota3A, %mul3A_358 : vector<16xi32>
        %add3A_360 = arith.constant 0 : i32
        %add3A_361 = vector.broadcast %add3A_360 : i32 to vector<16xi32>
        %add3A_362 = arith.addi %mul3A_359, %add3A_361 : vector<16xi32>
        tpu.vector_store_idx %arg19[%add3A_252, %add3A_362], %exp3A : memref<8x128xf32, #tpu.memory_space<vmem>>[vector<16xi32>, vector<16xi32>], vector<16xf32>,
        %broadcast_in_dim3A_363 = arith.constant 0 : i32
        %broadcast_in_dim3A_364 = vector.broadcast %broadcast_in_dim3A_363 : i32 to vector<16xi32>
        %gather3A_365 = tpu.vector_load_idx %arg16[%add3A_248, %broadcast_in_dim3A_364] : memref<80x128xf32, #tpu.memory_space<vmem>>[vector<16xi32>, vector<16xi32>], vector<16xf32>,
        %mul3A_366 = arith.mulf %gather3A_365, %exp3A : vector<16xf32>
        tpu.vector_store_idx %arg17[%add3A_248, %broadcast_in_dim3A_364], %mul3A_366 : memref<80x80xf32, #tpu.memory_space<vmem>>[vector<16xi32>, vector<16xi32>], vector<16xf32>,
        %broadcast_in_dim3A_367 = arith.constant 1 : i32
        %broadcast_in_dim3A_368 = vector.broadcast %broadcast_in_dim3A_367 : i32 to vector<16xi32>
        %gather3A_369 = tpu.vector_load_idx %arg16[%add3A_248, %broadcast_in_dim3A_368] : memref<80x128xf32, #tpu.memory_space<vmem>>[vector<16xi32>, vector<16xi32>], vector<16xf32>,
        %mul3A_370 = arith.mulf %gather3A_369, %exp3A : vector<16xf32>
        tpu.vector_store_idx %arg17[%add3A_248, %broadcast_in_dim3A_368], %mul3A_370 : memref<80x80xf32, #tpu.memory_space<vmem>>[vector<16xi32>, vector<16xi32>], vector<16xf32>,
        %broadcast_in_dim3A_371 = arith.constant 2 : i32
        %broadcast_in_dim3A_372 = vector.broadcast %broadcast_in_dim3A_371 : i32 to vector<16xi32>
        %gather3A_373 = tpu.vector_load_idx %arg16[%add3A_248, %broadcast_in_dim3A_372] : memref<80x128xf32, #tpu.memory_space<vmem>>[vector<16xi32>, vector<16xi32>], vector<16xf32>,
        %mul3A_374 = arith.mulf %gather3A_373, %exp3A : vector<16xf32>
        tpu.vector_store_idx %arg17[%add3A_248, %broadcast_in_dim3A_372], %mul3A_374 : memref<80x80xf32, #tpu.memory_space<vmem>>[vector<16xi32>, vector<16xi32>], vector<16xf32>,
        %broadcast_in_dim3A_375 = arith.constant 3 : i32
        %broadcast_in_dim3A_376 = vector.broadcast %broadcast_in_dim3A_375 : i32 to vector<16xi32>
        %gather3A_377 = tpu.vector_load_idx %arg16[%add3A_248, %broadcast_in_dim3A_376] : memref<80x128xf32, #tpu.memory_space<vmem>>[vector<16xi32>, vector<16xi32>], vector<16xf32>,
        %mul3A_378 = arith.mulf %gather3A_377, %exp3A : vector<16xf32>
        tpu.vector_store_idx %arg17[%add3A_248, %broadcast_in_dim3A_376], %mul3A_378 : memref<80x80xf32, #tpu.memory_space<vmem>>[vector<16xi32>, vector<16xi32>], vector<16xf32>,
        %broadcast_in_dim3A_379 = arith.constant 4 : i32
        %broadcast_in_dim3A_380 = vector.broadcast %broadcast_in_dim3A_379 : i32 to vector<16xi32>
        %gather3A_381 = tpu.vector_load_idx %arg16[%add3A_248, %broadcast_in_dim3A_380] : memref<80x128xf32, #tpu.memory_space<vmem>>[vector<16xi32>, vector<16xi32>], vector<16xf32>,
        %mul3A_382 = arith.mulf %gather3A_381, %exp3A : vector<16xf32>
        tpu.vector_store_idx %arg17[%add3A_248, %broadcast_in_dim3A_380], %mul3A_382 : memref<80x80xf32, #tpu.memory_space<vmem>>[vector<16xi32>, vector<16xi32>], vector<16xf32>,
        %broadcast_in_dim3A_383 = arith.constant 5 : i32
        %broadcast_in_dim3A_384 = vector.broadcast %broadcast_in_dim3A_383 : i32 to vector<16xi32>
        %gather3A_385 = tpu.vector_load_idx %arg16[%add3A_248, %broadcast_in_dim3A_384] : memref<80x128xf32, #tpu.memory_space<vmem>>[vector<16xi32>, vector<16xi32>], vector<16xf32>,
        %mul3A_386 = arith.mulf %gather3A_385, %exp3A : vector<16xf32>
        tpu.vector_store_idx %arg17[%add3A_248, %broadcast_in_dim3A_384], %mul3A_386 : memref<80x80xf32, #tpu.memory_space<vmem>>[vector<16xi32>, vector<16xi32>], vector<16xf32>,
        %broadcast_in_dim3A_387 = arith.constant 6 : i32
        %broadcast_in_dim3A_388 = vector.broadcast %broadcast_in_dim3A_387 : i32 to vector<16xi32>
        %gather3A_389 = tpu.vector_load_idx %arg16[%add3A_248, %broadcast_in_dim3A_388] : memref<80x128xf32, #tpu.memory_space<vmem>>[vector<16xi32>, vector<16xi32>], vector<16xf32>,
        %mul3A_390 = arith.mulf %gather3A_389, %exp3A : vector<16xf32>
        tpu.vector_store_idx %arg17[%add3A_248, %broadcast_in_dim3A_388], %mul3A_390 : memref<80x80xf32, #tpu.memory_space<vmem>>[vector<16xi32>, vector<16xi32>], vector<16xf32>,
        %broadcast_in_dim3A_391 = arith.constant 7 : i32
        %broadcast_in_dim3A_392 = vector.broadcast %broadcast_in_dim3A_391 : i32 to vector<16xi32>
        %gather3A_393 = tpu.vector_load_idx %arg16[%add3A_248, %broadcast_in_dim3A_392] : memref<80x128xf32, #tpu.memory_space<vmem>>[vector<16xi32>, vector<16xi32>], vector<16xf32>,
        %mul3A_394 = arith.mulf %gather3A_393, %exp3A : vector<16xf32>
        tpu.vector_store_idx %arg17[%add3A_248, %broadcast_in_dim3A_392], %mul3A_394 : memref<80x80xf32, #tpu.memory_space<vmem>>[vector<16xi32>, vector<16xi32>], vector<16xf32>,
        %broadcast_in_dim3A_395 = arith.constant 8 : i32
        %broadcast_in_dim3A_396 = vector.broadcast %broadcast_in_dim3A_395 : i32 to vector<16xi32>
        %gather3A_397 = tpu.vector_load_idx %arg16[%add3A_248, %broadcast_in_dim3A_396] : memref<80x128xf32, #tpu.memory_space<vmem>>[vector<16xi32>, vector<16xi32>], vector<16xf32>,
        %mul3A_398 = arith.mulf %gather3A_397, %exp3A : vector<16xf32>
        tpu.vector_store_idx %arg17[%add3A_248, %broadcast_in_dim3A_396], %mul3A_398 : memref<80x80xf32, #tpu.memory_space<vmem>>[vector<16xi32>, vector<16xi32>], vector<16xf32>,
        %broadcast_in_dim3A_399 = arith.constant 9 : i32
        %broadcast_in_dim3A_400 = vector.broadcast %broadcast_in_dim3A_399 : i32 to vector<16xi32>
        %gather3A_401 = tpu.vector_load_idx %arg16[%add3A_248, %broadcast_in_dim3A_400] : memref<80x128xf32, #tpu.memory_space<vmem>>[vector<16xi32>, vector<16xi32>], vector<16xf32>,
        %mul3A_402 = arith.mulf %gather3A_401, %exp3A : vector<16xf32>
        tpu.vector_store_idx %arg17[%add3A_248, %broadcast_in_dim3A_400], %mul3A_402 : memref<80x80xf32, #tpu.memory_space<vmem>>[vector<16xi32>, vector<16xi32>], vector<16xf32>,
        %broadcast_in_dim3A_403 = arith.constant 10 : i32
        %broadcast_in_dim3A_404 = vector.broadcast %broadcast_in_dim3A_403 : i32 to vector<16xi32>
        %gather3A_405 = tpu.vector_load_idx %arg16[%add3A_248, %broadcast_in_dim3A_404] : memref<80x128xf32, #tpu.memory_space<vmem>>[vector<16xi32>, vector<16xi32>], vector<16xf32>,
        %mul3A_406 = arith.mulf %gather3A_405, %exp3A : vector<16xf32>
        tpu.vector_store_idx %arg17[%add3A_248, %broadcast_in_dim3A_404], %mul3A_406 : memref<80x80xf32, #tpu.memory_space<vmem>>[vector<16xi32>, vector<16xi32>], vector<16xf32>,
        %broadcast_in_dim3A_407 = arith.constant 11 : i32
        %broadcast_in_dim3A_408 = vector.broadcast %broadcast_in_dim3A_407 : i32 to vector<16xi32>
        %gather3A_409 = tpu.vector_load_idx %arg16[%add3A_248, %broadcast_in_dim3A_408] : memref<80x128xf32, #tpu.memory_space<vmem>>[vector<16xi32>, vector<16xi32>], vector<16xf32>,
        %mul3A_410 = arith.mulf %gather3A_409, %exp3A : vector<16xf32>
        tpu.vector_store_idx %arg17[%add3A_248, %broadcast_in_dim3A_408], %mul3A_410 : memref<80x80xf32, #tpu.memory_space<vmem>>[vector<16xi32>, vector<16xi32>], vector<16xf32>,
        %broadcast_in_dim3A_411 = arith.constant 12 : i32
        %broadcast_in_dim3A_412 = vector.broadcast %broadcast_in_dim3A_411 : i32 to vector<16xi32>
        %gather3A_413 = tpu.vector_load_idx %arg16[%add3A_248, %broadcast_in_dim3A_412] : memref<80x128xf32, #tpu.memory_space<vmem>>[vector<16xi32>, vector<16xi32>], vector<16xf32>,
        %mul3A_414 = arith.mulf %gather3A_413, %exp3A : vector<16xf32>
        tpu.vector_store_idx %arg17[%add3A_248, %broadcast_in_dim3A_412], %mul3A_414 : memref<80x80xf32, #tpu.memory_space<vmem>>[vector<16xi32>, vector<16xi32>], vector<16xf32>,
        %broadcast_in_dim3A_415 = arith.constant 13 : i32
        %broadcast_in_dim3A_416 = vector.broadcast %broadcast_in_dim3A_415 : i32 to vector<16xi32>
        %gather3A_417 = tpu.vector_load_idx %arg16[%add3A_248, %broadcast_in_dim3A_416] : memref<80x128xf32, #tpu.memory_space<vmem>>[vector<16xi32>, vector<16xi32>], vector<16xf32>,
        %mul3A_418 = arith.mulf %gather3A_417, %exp3A : vector<16xf32>
        tpu.vector_store_idx %arg17[%add3A_248, %broadcast_in_dim3A_416], %mul3A_418 : memref<80x80xf32, #tpu.memory_space<vmem>>[vector<16xi32>, vector<16xi32>], vector<16xf32>,
        %broadcast_in_dim3A_419 = arith.constant 14 : i32
        %broadcast_in_dim3A_420 = vector.broadcast %broadcast_in_dim3A_419 : i32 to vector<16xi32>
        %gather3A_421 = tpu.vector_load_idx %arg16[%add3A_248, %broadcast_in_dim3A_420] : memref<80x128xf32, #tpu.memory_space<vmem>>[vector<16xi32>, vector<16xi32>], vector<16xf32>,
        %mul3A_422 = arith.mulf %gather3A_421, %exp3A : vector<16xf32>
        tpu.vector_store_idx %arg17[%add3A_248, %broadcast_in_dim3A_420], %mul3A_422 : memref<80x80xf32, #tpu.memory_space<vmem>>[vector<16xi32>, vector<16xi32>], vector<16xf32>,
        %broadcast_in_dim3A_423 = arith.constant 15 : i32
        %broadcast_in_dim3A_424 = vector.broadcast %broadcast_in_dim3A_423 : i32 to vector<16xi32>
        %gather3A_425 = tpu.vector_load_idx %arg16[%add3A_248, %broadcast_in_dim3A_424] : memref<80x128xf32, #tpu.memory_space<vmem>>[vector<16xi32>, vector<16xi32>], vector<16xf32>,
        %mul3A_426 = arith.mulf %gather3A_425, %exp3A : vector<16xf32>
        tpu.vector_store_idx %arg17[%add3A_248, %broadcast_in_dim3A_424], %mul3A_426 : memref<80x80xf32, #tpu.memory_space<vmem>>[vector<16xi32>, vector<16xi32>], vector<16xf32>,
        %mul3A_427 = arith.constant 8 : i32
        %mul3A_428 = vector.broadcast %mul3A_427 : i32 to vector<16xi32>
        %mul3A_429 = arith.muli %iota3A, %mul3A_428 : vector<16xi32>
        %add3A_430 = arith.constant 1 : i32
        %add3A_431 = vector.broadcast %add3A_430 : i32 to vector<16xi32>
        %add3A_432 = arith.addi %mul3A_429, %add3A_431 : vector<16xi32>
        %gather3A_433 = tpu.vector_load_idx %arg18[%add3A_252, %add3A_432] : memref<8x128xf32, #tpu.memory_space<vmem>>[vector<16xi32>, vector<16xi32>], vector<16xf32>,
        %broadcast_in_dim3A_434 = arith.constant 16 : i32
        %broadcast_in_dim3A_435 = vector.broadcast %broadcast_in_dim3A_434 : i32 to vector<16xi32>
        %gather3A_436 = tpu.vector_load_idx %arg14[%add3A_248, %broadcast_in_dim3A_435] : memref<80x128xf32, #tpu.memory_space<vmem>>[vector<16xi32>, vector<16xi32>], vector<16xf32>,
        %gather3A_437 = tpu.vector_load_idx %arg15[%add3A_248, %broadcast_in_dim3A_435] : memref<80x128xf32, #tpu.memory_space<vmem>>[vector<16xi32>, vector<16xi32>], vector<16xf32>,
        %mul3A_438 = arith.mulf %gather3A_436, %gather3A_437 : vector<16xf32>
        %add3A_439 = arith.addf %gather3A_433, %mul3A_438 : vector<16xf32>
        %broadcast_in_dim3A_440 = arith.constant 17 : i32
        %broadcast_in_dim3A_441 = vector.broadcast %broadcast_in_dim3A_440 : i32 to vector<16xi32>
        %gather3A_442 = tpu.vector_load_idx %arg14[%add3A_248, %broadcast_in_dim3A_441] : memref<80x128xf32, #tpu.memory_space<vmem>>[vector<16xi32>, vector<16xi32>], vector<16xf32>,
        %gather3A_443 = tpu.vector_load_idx %arg15[%add3A_248, %broadcast_in_dim3A_441] : memref<80x128xf32, #tpu.memory_space<vmem>>[vector<16xi32>, vector<16xi32>], vector<16xf32>,
        %mul3A_444 = arith.mulf %gather3A_442, %gather3A_443 : vector<16xf32>
        %add3A_445 = arith.addf %add3A_439, %mul3A_444 : vector<16xf32>
        %broadcast_in_dim3A_446 = arith.constant 18 : i32
        %broadcast_in_dim3A_447 = vector.broadcast %broadcast_in_dim3A_446 : i32 to vector<16xi32>
        %gather3A_448 = tpu.vector_load_idx %arg14[%add3A_248, %broadcast_in_dim3A_447] : memref<80x128xf32, #tpu.memory_space<vmem>>[vector<16xi32>, vector<16xi32>], vector<16xf32>,
        %gather3A_449 = tpu.vector_load_idx %arg15[%add3A_248, %broadcast_in_dim3A_447] : memref<80x128xf32, #tpu.memory_space<vmem>>[vector<16xi32>, vector<16xi32>], vector<16xf32>,
        %mul3A_450 = arith.mulf %gather3A_448, %gather3A_449 : vector<16xf32>
        %add3A_451 = arith.addf %add3A_445, %mul3A_450 : vector<16xf32>
        %broadcast_in_dim3A_452 = arith.constant 19 : i32
        %broadcast_in_dim3A_453 = vector.broadcast %broadcast_in_dim3A_452 : i32 to vector<16xi32>
        %gather3A_454 = tpu.vector_load_idx %arg14[%add3A_248, %broadcast_in_dim3A_453] : memref<80x128xf32, #tpu.memory_space<vmem>>[vector<16xi32>, vector<16xi32>], vector<16xf32>,
        %gather3A_455 = tpu.vector_load_idx %arg15[%add3A_248, %broadcast_in_dim3A_453] : memref<80x128xf32, #tpu.memory_space<vmem>>[vector<16xi32>, vector<16xi32>], vector<16xf32>,
        %mul3A_456 = arith.mulf %gather3A_454, %gather3A_455 : vector<16xf32>
        %add3A_457 = arith.addf %add3A_451, %mul3A_456 : vector<16xf32>
        %broadcast_in_dim3A_458 = arith.constant 20 : i32
        %broadcast_in_dim3A_459 = vector.broadcast %broadcast_in_dim3A_458 : i32 to vector<16xi32>
        %gather3A_460 = tpu.vector_load_idx %arg14[%add3A_248, %broadcast_in_dim3A_459] : memref<80x128xf32, #tpu.memory_space<vmem>>[vector<16xi32>, vector<16xi32>], vector<16xf32>,
        %gather3A_461 = tpu.vector_load_idx %arg15[%add3A_248, %broadcast_in_dim3A_459] : memref<80x128xf32, #tpu.memory_space<vmem>>[vector<16xi32>, vector<16xi32>], vector<16xf32>,
        %mul3A_462 = arith.mulf %gather3A_460, %gather3A_461 : vector<16xf32>
        %add3A_463 = arith.addf %add3A_457, %mul3A_462 : vector<16xf32>
        %broadcast_in_dim3A_464 = arith.constant 21 : i32
        %broadcast_in_dim3A_465 = vector.broadcast %broadcast_in_dim3A_464 : i32 to vector<16xi32>
        %gather3A_466 = tpu.vector_load_idx %arg14[%add3A_248, %broadcast_in_dim3A_465] : memref<80x128xf32, #tpu.memory_space<vmem>>[vector<16xi32>, vector<16xi32>], vector<16xf32>,
        %gather3A_467 = tpu.vector_load_idx %arg15[%add3A_248, %broadcast_in_dim3A_465] : memref<80x128xf32, #tpu.memory_space<vmem>>[vector<16xi32>, vector<16xi32>], vector<16xf32>,
        %mul3A_468 = arith.mulf %gather3A_466, %gather3A_467 : vector<16xf32>
        %add3A_469 = arith.addf %add3A_463, %mul3A_468 : vector<16xf32>
        %broadcast_in_dim3A_470 = arith.constant 22 : i32
        %broadcast_in_dim3A_471 = vector.broadcast %broadcast_in_dim3A_470 : i32 to vector<16xi32>
        %gather3A_472 = tpu.vector_load_idx %arg14[%add3A_248, %broadcast_in_dim3A_471] : memref<80x128xf32, #tpu.memory_space<vmem>>[vector<16xi32>, vector<16xi32>], vector<16xf32>,
        %gather3A_473 = tpu.vector_load_idx %arg15[%add3A_248, %broadcast_in_dim3A_471] : memref<80x128xf32, #tpu.memory_space<vmem>>[vector<16xi32>, vector<16xi32>], vector<16xf32>,
        %mul3A_474 = arith.mulf %gather3A_472, %gather3A_473 : vector<16xf32>
        %add3A_475 = arith.addf %add3A_469, %mul3A_474 : vector<16xf32>
        %broadcast_in_dim3A_476 = arith.constant 23 : i32
        %broadcast_in_dim3A_477 = vector.broadcast %broadcast_in_dim3A_476 : i32 to vector<16xi32>
        %gather3A_478 = tpu.vector_load_idx %arg14[%add3A_248, %broadcast_in_dim3A_477] : memref<80x128xf32, #tpu.memory_space<vmem>>[vector<16xi32>, vector<16xi32>], vector<16xf32>,
        %gather3A_479 = tpu.vector_load_idx %arg15[%add3A_248, %broadcast_in_dim3A_477] : memref<80x128xf32, #tpu.memory_space<vmem>>[vector<16xi32>, vector<16xi32>], vector<16xf32>,
        %mul3A_480 = arith.mulf %gather3A_478, %gather3A_479 : vector<16xf32>
        %add3A_481 = arith.addf %add3A_475, %mul3A_480 : vector<16xf32>
        %broadcast_in_dim3A_482 = arith.constant 24 : i32
        %broadcast_in_dim3A_483 = vector.broadcast %broadcast_in_dim3A_482 : i32 to vector<16xi32>
        %gather3A_484 = tpu.vector_load_idx %arg14[%add3A_248, %broadcast_in_dim3A_483] : memref<80x128xf32, #tpu.memory_space<vmem>>[vector<16xi32>, vector<16xi32>], vector<16xf32>,
        %gather3A_485 = tpu.vector_load_idx %arg15[%add3A_248, %broadcast_in_dim3A_483] : memref<80x128xf32, #tpu.memory_space<vmem>>[vector<16xi32>, vector<16xi32>], vector<16xf32>,
        %mul3A_486 = arith.mulf %gather3A_484, %gather3A_485 : vector<16xf32>
        %add3A_487 = arith.addf %add3A_481, %mul3A_486 : vector<16xf32>
        %broadcast_in_dim3A_488 = arith.constant 25 : i32
        %broadcast_in_dim3A_489 = vector.broadcast %broadcast_in_dim3A_488 : i32 to vector<16xi32>
        %gather3A_490 = tpu.vector_load_idx %arg14[%add3A_248, %broadcast_in_dim3A_489] : memref<80x128xf32, #tpu.memory_space<vmem>>[vector<16xi32>, vector<16xi32>], vector<16xf32>,
        %gather3A_491 = tpu.vector_load_idx %arg15[%add3A_248, %broadcast_in_dim3A_489] : memref<80x128xf32, #tpu.memory_space<vmem>>[vector<16xi32>, vector<16xi32>], vector<16xf32>,
        %mul3A_492 = arith.mulf %gather3A_490, %gather3A_491 : vector<16xf32>
        %add3A_493 = arith.addf %add3A_487, %mul3A_492 : vector<16xf32>
        %broadcast_in_dim3A_494 = arith.constant 26 : i32
        %broadcast_in_dim3A_495 = vector.broadcast %broadcast_in_dim3A_494 : i32 to vector<16xi32>
        %gather3A_496 = tpu.vector_load_idx %arg14[%add3A_248, %broadcast_in_dim3A_495] : memref<80x128xf32, #tpu.memory_space<vmem>>[vector<16xi32>, vector<16xi32>], vector<16xf32>,
        %gather3A_497 = tpu.vector_load_idx %arg15[%add3A_248, %broadcast_in_dim3A_495] : memref<80x128xf32, #tpu.memory_space<vmem>>[vector<16xi32>, vector<16xi32>], vector<16xf32>,
        %mul3A_498 = arith.mulf %gather3A_496, %gather3A_497 : vector<16xf32>
        %add3A_499 = arith.addf %add3A_493, %mul3A_498 : vector<16xf32>
        %broadcast_in_dim3A_500 = arith.constant 27 : i32
        %broadcast_in_dim3A_501 = vector.broadcast %broadcast_in_dim3A_500 : i32 to vector<16xi32>
        %gather3A_502 = tpu.vector_load_idx %arg14[%add3A_248, %broadcast_in_dim3A_501] : memref<80x128xf32, #tpu.memory_space<vmem>>[vector<16xi32>, vector<16xi32>], vector<16xf32>,
        %gather3A_503 = tpu.vector_load_idx %arg15[%add3A_248, %broadcast_in_dim3A_501] : memref<80x128xf32, #tpu.memory_space<vmem>>[vector<16xi32>, vector<16xi32>], vector<16xf32>,
        %mul3A_504 = arith.mulf %gather3A_502, %gather3A_503 : vector<16xf32>
        %add3A_505 = arith.addf %add3A_499, %mul3A_504 : vector<16xf32>
        %broadcast_in_dim3A_506 = arith.constant 28 : i32
        %broadcast_in_dim3A_507 = vector.broadcast %broadcast_in_dim3A_506 : i32 to vector<16xi32>
        %gather3A_508 = tpu.vector_load_idx %arg14[%add3A_248, %broadcast_in_dim3A_507] : memref<80x128xf32, #tpu.memory_space<vmem>>[vector<16xi32>, vector<16xi32>], vector<16xf32>,
        %gather3A_509 = tpu.vector_load_idx %arg15[%add3A_248, %broadcast_in_dim3A_507] : memref<80x128xf32, #tpu.memory_space<vmem>>[vector<16xi32>, vector<16xi32>], vector<16xf32>,
        %mul3A_510 = arith.mulf %gather3A_508, %gather3A_509 : vector<16xf32>
        %add3A_511 = arith.addf %add3A_505, %mul3A_510 : vector<16xf32>
        %broadcast_in_dim3A_512 = arith.constant 29 : i32
        %broadcast_in_dim3A_513 = vector.broadcast %broadcast_in_dim3A_512 : i32 to vector<16xi32>
        %gather3A_514 = tpu.vector_load_idx %arg14[%add3A_248, %broadcast_in_dim3A_513] : memref<80x128xf32, #tpu.memory_space<vmem>>[vector<16xi32>, vector<16xi32>], vector<16xf32>,
        %gather3A_515 = tpu.vector_load_idx %arg15[%add3A_248, %broadcast_in_dim3A_513] : memref<80x128xf32, #tpu.memory_space<vmem>>[vector<16xi32>, vector<16xi32>], vector<16xf32>,
        %mul3A_516 = arith.mulf %gather3A_514, %gather3A_515 : vector<16xf32>
        %add3A_517 = arith.addf %add3A_511, %mul3A_516 : vector<16xf32>
        %broadcast_in_dim3A_518 = arith.constant 30 : i32
        %broadcast_in_dim3A_519 = vector.broadcast %broadcast_in_dim3A_518 : i32 to vector<16xi32>
        %gather3A_520 = tpu.vector_load_idx %arg14[%add3A_248, %broadcast_in_dim3A_519] : memref<80x128xf32, #tpu.memory_space<vmem>>[vector<16xi32>, vector<16xi32>], vector<16xf32>,
        %gather3A_521 = tpu.vector_load_idx %arg15[%add3A_248, %broadcast_in_dim3A_519] : memref<80x128xf32, #tpu.memory_space<vmem>>[vector<16xi32>, vector<16xi32>], vector<16xf32>,
        %mul3A_522 = arith.mulf %gather3A_520, %gather3A_521 : vector<16xf32>
        %add3A_523 = arith.addf %add3A_517, %mul3A_522 : vector<16xf32>
        %broadcast_in_dim3A_524 = arith.constant 31 : i32
        %broadcast_in_dim3A_525 = vector.broadcast %broadcast_in_dim3A_524 : i32 to vector<16xi32>
        %gather3A_526 = tpu.vector_load_idx %arg14[%add3A_248, %broadcast_in_dim3A_525] : memref<80x128xf32, #tpu.memory_space<vmem>>[vector<16xi32>, vector<16xi32>], vector<16xf32>,
        %gather3A_527 = tpu.vector_load_idx %arg15[%add3A_248, %broadcast_in_dim3A_525] : memref<80x128xf32, #tpu.memory_space<vmem>>[vector<16xi32>, vector<16xi32>], vector<16xf32>,
        %mul3A_528 = arith.mulf %gather3A_526, %gather3A_527 : vector<16xf32>
        %add3A_529 = arith.addf %add3A_523, %mul3A_528 : vector<16xf32>
        %exp3A_530 = math.exp %add3A_529 : vector<16xf32>
        %broadcast_in_dim3A_531 = arith.constant 65 : i32
        %broadcast_in_dim3A_532 = vector.broadcast %broadcast_in_dim3A_531 : i32 to vector<16xi32>
        tpu.vector_store_idx %arg17[%add3A_248, %broadcast_in_dim3A_532], %exp3A_530 : memref<80x80xf32, #tpu.memory_space<vmem>>[vector<16xi32>, vector<16xi32>], vector<16xf32>,
        %mul3A_533 = arith.constant 8 : i32
        %mul3A_534 = vector.broadcast %mul3A_533 : i32 to vector<16xi32>
        %mul3A_535 = arith.muli %iota3A, %mul3A_534 : vector<16xi32>
        %add3A_536 = arith.constant 1 : i32
        %add3A_537 = vector.broadcast %add3A_536 : i32 to vector<16xi32>
        %add3A_538 = arith.addi %mul3A_535, %add3A_537 : vector<16xi32>
        tpu.vector_store_idx %arg19[%add3A_252, %add3A_538], %exp3A_530 : memref<8x128xf32, #tpu.memory_space<vmem>>[vector<16xi32>, vector<16xi32>], vector<16xf32>,
        %broadcast_in_dim3A_539 = arith.constant 16 : i32
        %broadcast_in_dim3A_540 = vector.broadcast %broadcast_in_dim3A_539 : i32 to vector<16xi32>
        %gather3A_541 = tpu.vector_load_idx %arg16[%add3A_248, %broadcast_in_dim3A_540] : memref<80x128xf32, #tpu.memory_space<vmem>>[vector<16xi32>, vector<16xi32>], vector<16xf32>,
        %mul3A_542 = arith.mulf %gather3A_541, %exp3A_530 : vector<16xf32>
        tpu.vector_store_idx %arg17[%add3A_248, %broadcast_in_dim3A_540], %mul3A_542 : memref<80x80xf32, #tpu.memory_space<vmem>>[vector<16xi32>, vector<16xi32>], vector<16xf32>,
        %broadcast_in_dim3A_543 = arith.constant 17 : i32
        %broadcast_in_dim3A_544 = vector.broadcast %broadcast_in_dim3A_543 : i32 to vector<16xi32>
        %gather3A_545 = tpu.vector_load_idx %arg16[%add3A_248, %broadcast_in_dim3A_544] : memref<80x128xf32, #tpu.memory_space<vmem>>[vector<16xi32>, vector<16xi32>], vector<16xf32>,
        %mul3A_546 = arith.mulf %gather3A_545, %exp3A_530 : vector<16xf32>
        tpu.vector_store_idx %arg17[%add3A_248, %broadcast_in_dim3A_544], %mul3A_546 : memref<80x80xf32, #tpu.memory_space<vmem>>[vector<16xi32>, vector<16xi32>], vector<16xf32>,
        %broadcast_in_dim3A_547 = arith.constant 18 : i32
        %broadcast_in_dim3A_548 = vector.broadcast %broadcast_in_dim3A_547 : i32 to vector<16xi32>
        %gather3A_549 = tpu.vector_load_idx %arg16[%add3A_248, %broadcast_in_dim3A_548] : memref<80x128xf32, #tpu.memory_space<vmem>>[vector<16xi32>, vector<16xi32>], vector<16xf32>,
        %mul3A_550 = arith.mulf %gather3A_549, %exp3A_530 : vector<16xf32>
        tpu.vector_store_idx %arg17[%add3A_248, %broadcast_in_dim3A_548], %mul3A_550 : memref<80x80xf32, #tpu.memory_space<vmem>>[vector<16xi32>, vector<16xi32>], vector<16xf32>,
        %broadcast_in_dim3A_551 = arith.constant 19 : i32
        %broadcast_in_dim3A_552 = vector.broadcast %broadcast_in_dim3A_551 : i32 to vector<16xi32>
        %gather3A_553 = tpu.vector_load_idx %arg16[%add3A_248, %broadcast_in_dim3A_552] : memref<80x128xf32, #tpu.memory_space<vmem>>[vector<16xi32>, vector<16xi32>], vector<16xf32>,
        %mul3A_554 = arith.mulf %gather3A_553, %exp3A_530 : vector<16xf32>
        tpu.vector_store_idx %arg17[%add3A_248, %broadcast_in_dim3A_552], %mul3A_554 : memref<80x80xf32, #tpu.memory_space<vmem>>[vector<16xi32>, vector<16xi32>], vector<16xf32>,
        %broadcast_in_dim3A_555 = arith.constant 20 : i32
        %broadcast_in_dim3A_556 = vector.broadcast %broadcast_in_dim3A_555 : i32 to vector<16xi32>
        %gather3A_557 = tpu.vector_load_idx %arg16[%add3A_248, %broadcast_in_dim3A_556] : memref<80x128xf32, #tpu.memory_space<vmem>>[vector<16xi32>, vector<16xi32>], vector<16xf32>,
        %mul3A_558 = arith.mulf %gather3A_557, %exp3A_530 : vector<16xf32>
        tpu.vector_store_idx %arg17[%add3A_248, %broadcast_in_dim3A_556], %mul3A_558 : memref<80x80xf32, #tpu.memory_space<vmem>>[vector<16xi32>, vector<16xi32>], vector<16xf32>,
        %broadcast_in_dim3A_559 = arith.constant 21 : i32
        %broadcast_in_dim3A_560 = vector.broadcast %broadcast_in_dim3A_559 : i32 to vector<16xi32>
        %gather3A_561 = tpu.vector_load_idx %arg16[%add3A_248, %broadcast_in_dim3A_560] : memref<80x128xf32, #tpu.memory_space<vmem>>[vector<16xi32>, vector<16xi32>], vector<16xf32>,
        %mul3A_562 = arith.mulf %gather3A_561, %exp3A_530 : vector<16xf32>
        tpu.vector_store_idx %arg17[%add3A_248, %broadcast_in_dim3A_560], %mul3A_562 : memref<80x80xf32, #tpu.memory_space<vmem>>[vector<16xi32>, vector<16xi32>], vector<16xf32>,
        %broadcast_in_dim3A_563 = arith.constant 22 : i32
        %broadcast_in_dim3A_564 = vector.broadcast %broadcast_in_dim3A_563 : i32 to vector<16xi32>
        %gather3A_565 = tpu.vector_load_idx %arg16[%add3A_248, %broadcast_in_dim3A_564] : memref<80x128xf32, #tpu.memory_space<vmem>>[vector<16xi32>, vector<16xi32>], vector<16xf32>,
        %mul3A_566 = arith.mulf %gather3A_565, %exp3A_530 : vector<16xf32>
        tpu.vector_store_idx %arg17[%add3A_248, %broadcast_in_dim3A_564], %mul3A_566 : memref<80x80xf32, #tpu.memory_space<vmem>>[vector<16xi32>, vector<16xi32>], vector<16xf32>,
        %broadcast_in_dim3A_567 = arith.constant 23 : i32
        %broadcast_in_dim3A_568 = vector.broadcast %broadcast_in_dim3A_567 : i32 to vector<16xi32>
        %gather3A_569 = tpu.vector_load_idx %arg16[%add3A_248, %broadcast_in_dim3A_568] : memref<80x128xf32, #tpu.memory_space<vmem>>[vector<16xi32>, vector<16xi32>], vector<16xf32>,
        %mul3A_570 = arith.mulf %gather3A_569, %exp3A_530 : vector<16xf32>
        tpu.vector_store_idx %arg17[%add3A_248, %broadcast_in_dim3A_568], %mul3A_570 : memref<80x80xf32, #tpu.memory_space<vmem>>[vector<16xi32>, vector<16xi32>], vector<16xf32>,
        %broadcast_in_dim3A_571 = arith.constant 24 : i32
        %broadcast_in_dim3A_572 = vector.broadcast %broadcast_in_dim3A_571 : i32 to vector<16xi32>
        %gather3A_573 = tpu.vector_load_idx %arg16[%add3A_248, %broadcast_in_dim3A_572] : memref<80x128xf32, #tpu.memory_space<vmem>>[vector<16xi32>, vector<16xi32>], vector<16xf32>,
        %mul3A_574 = arith.mulf %gather3A_573, %exp3A_530 : vector<16xf32>
        tpu.vector_store_idx %arg17[%add3A_248, %broadcast_in_dim3A_572], %mul3A_574 : memref<80x80xf32, #tpu.memory_space<vmem>>[vector<16xi32>, vector<16xi32>], vector<16xf32>,
        %broadcast_in_dim3A_575 = arith.constant 25 : i32
        %broadcast_in_dim3A_576 = vector.broadcast %broadcast_in_dim3A_575 : i32 to vector<16xi32>
        %gather3A_577 = tpu.vector_load_idx %arg16[%add3A_248, %broadcast_in_dim3A_576] : memref<80x128xf32, #tpu.memory_space<vmem>>[vector<16xi32>, vector<16xi32>], vector<16xf32>,
        %mul3A_578 = arith.mulf %gather3A_577, %exp3A_530 : vector<16xf32>
        tpu.vector_store_idx %arg17[%add3A_248, %broadcast_in_dim3A_576], %mul3A_578 : memref<80x80xf32, #tpu.memory_space<vmem>>[vector<16xi32>, vector<16xi32>], vector<16xf32>,
        %broadcast_in_dim3A_579 = arith.constant 26 : i32
        %broadcast_in_dim3A_580 = vector.broadcast %broadcast_in_dim3A_579 : i32 to vector<16xi32>
        %gather3A_581 = tpu.vector_load_idx %arg16[%add3A_248, %broadcast_in_dim3A_580] : memref<80x128xf32, #tpu.memory_space<vmem>>[vector<16xi32>, vector<16xi32>], vector<16xf32>,
        %mul3A_582 = arith.mulf %gather3A_581, %exp3A_530 : vector<16xf32>
        tpu.vector_store_idx %arg17[%add3A_248, %broadcast_in_dim3A_580], %mul3A_582 : memref<80x80xf32, #tpu.memory_space<vmem>>[vector<16xi32>, vector<16xi32>], vector<16xf32>,
        %broadcast_in_dim3A_583 = arith.constant 27 : i32
        %broadcast_in_dim3A_584 = vector.broadcast %broadcast_in_dim3A_583 : i32 to vector<16xi32>
        %gather3A_585 = tpu.vector_load_idx %arg16[%add3A_248, %broadcast_in_dim3A_584] : memref<80x128xf32, #tpu.memory_space<vmem>>[vector<16xi32>, vector<16xi32>], vector<16xf32>,
        %mul3A_586 = arith.mulf %gather3A_585, %exp3A_530 : vector<16xf32>
        tpu.vector_store_idx %arg17[%add3A_248, %broadcast_in_dim3A_584], %mul3A_586 : memref<80x80xf32, #tpu.memory_space<vmem>>[vector<16xi32>, vector<16xi32>], vector<16xf32>,
        %broadcast_in_dim3A_587 = arith.constant 28 : i32
        %broadcast_in_dim3A_588 = vector.broadcast %broadcast_in_dim3A_587 : i32 to vector<16xi32>
        %gather3A_589 = tpu.vector_load_idx %arg16[%add3A_248, %broadcast_in_dim3A_588] : memref<80x128xf32, #tpu.memory_space<vmem>>[vector<16xi32>, vector<16xi32>], vector<16xf32>,
        %mul3A_590 = arith.mulf %gather3A_589, %exp3A_530 : vector<16xf32>
        tpu.vector_store_idx %arg17[%add3A_248, %broadcast_in_dim3A_588], %mul3A_590 : memref<80x80xf32, #tpu.memory_space<vmem>>[vector<16xi32>, vector<16xi32>], vector<16xf32>,
        %broadcast_in_dim3A_591 = arith.constant 29 : i32
        %broadcast_in_dim3A_592 = vector.broadcast %broadcast_in_dim3A_591 : i32 to vector<16xi32>
        %gather3A_593 = tpu.vector_load_idx %arg16[%add3A_248, %broadcast_in_dim3A_592] : memref<80x128xf32, #tpu.memory_space<vmem>>[vector<16xi32>, vector<16xi32>], vector<16xf32>,
        %mul3A_594 = arith.mulf %gather3A_593, %exp3A_530 : vector<16xf32>
        tpu.vector_store_idx %arg17[%add3A_248, %broadcast_in_dim3A_592], %mul3A_594 : memref<80x80xf32, #tpu.memory_space<vmem>>[vector<16xi32>, vector<16xi32>], vector<16xf32>,
        %broadcast_in_dim3A_595 = arith.constant 30 : i32
        %broadcast_in_dim3A_596 = vector.broadcast %broadcast_in_dim3A_595 : i32 to vector<16xi32>
        %gather3A_597 = tpu.vector_load_idx %arg16[%add3A_248, %broadcast_in_dim3A_596] : memref<80x128xf32, #tpu.memory_space<vmem>>[vector<16xi32>, vector<16xi32>], vector<16xf32>,
        %mul3A_598 = arith.mulf %gather3A_597, %exp3A_530 : vector<16xf32>
        tpu.vector_store_idx %arg17[%add3A_248, %broadcast_in_dim3A_596], %mul3A_598 : memref<80x80xf32, #tpu.memory_space<vmem>>[vector<16xi32>, vector<16xi32>], vector<16xf32>,
        %broadcast_in_dim3A_599 = arith.constant 31 : i32
        %broadcast_in_dim3A_600 = vector.broadcast %broadcast_in_dim3A_599 : i32 to vector<16xi32>
        %gather3A_601 = tpu.vector_load_idx %arg16[%add3A_248, %broadcast_in_dim3A_600] : memref<80x128xf32, #tpu.memory_space<vmem>>[vector<16xi32>, vector<16xi32>], vector<16xf32>,
        %mul3A_602 = arith.mulf %gather3A_601, %exp3A_530 : vector<16xf32>
        tpu.vector_store_idx %arg17[%add3A_248, %broadcast_in_dim3A_600], %mul3A_602 : memref<80x80xf32, #tpu.memory_space<vmem>>[vector<16xi32>, vector<16xi32>], vector<16xf32>,
        %mul3A_603 = arith.constant 8 : i32
        %mul3A_604 = vector.broadcast %mul3A_603 : i32 to vector<16xi32>
        %mul3A_605 = arith.muli %iota3A, %mul3A_604 : vector<16xi32>
        %add3A_606 = arith.constant 2 : i32
        %add3A_607 = vector.broadcast %add3A_606 : i32 to vector<16xi32>
        %add3A_608 = arith.addi %mul3A_605, %add3A_607 : vector<16xi32>
        %gather3A_609 = tpu.vector_load_idx %arg18[%add3A_252, %add3A_608] : memref<8x128xf32, #tpu.memory_space<vmem>>[vector<16xi32>, vector<16xi32>], vector<16xf32>,
        %broadcast_in_dim3A_610 = arith.constant 32 : i32
        %broadcast_in_dim3A_611 = vector.broadcast %broadcast_in_dim3A_610 : i32 to vector<16xi32>
        %gather3A_612 = tpu.vector_load_idx %arg14[%add3A_248, %broadcast_in_dim3A_611] : memref<80x128xf32, #tpu.memory_space<vmem>>[vector<16xi32>, vector<16xi32>], vector<16xf32>,
        %gather3A_613 = tpu.vector_load_idx %arg15[%add3A_248, %broadcast_in_dim3A_611] : memref<80x128xf32, #tpu.memory_space<vmem>>[vector<16xi32>, vector<16xi32>], vector<16xf32>,
        %mul3A_614 = arith.mulf %gather3A_612, %gather3A_613 : vector<16xf32>
        %add3A_615 = arith.addf %gather3A_609, %mul3A_614 : vector<16xf32>
        %broadcast_in_dim3A_616 = arith.constant 33 : i32
        %broadcast_in_dim3A_617 = vector.broadcast %broadcast_in_dim3A_616 : i32 to vector<16xi32>
        %gather3A_618 = tpu.vector_load_idx %arg14[%add3A_248, %broadcast_in_dim3A_617] : memref<80x128xf32, #tpu.memory_space<vmem>>[vector<16xi32>, vector<16xi32>], vector<16xf32>,
        %gather3A_619 = tpu.vector_load_idx %arg15[%add3A_248, %broadcast_in_dim3A_617] : memref<80x128xf32, #tpu.memory_space<vmem>>[vector<16xi32>, vector<16xi32>], vector<16xf32>,
        %mul3A_620 = arith.mulf %gather3A_618, %gather3A_619 : vector<16xf32>
        %add3A_621 = arith.addf %add3A_615, %mul3A_620 : vector<16xf32>
        %broadcast_in_dim3A_622 = arith.constant 34 : i32
        %broadcast_in_dim3A_623 = vector.broadcast %broadcast_in_dim3A_622 : i32 to vector<16xi32>
        %gather3A_624 = tpu.vector_load_idx %arg14[%add3A_248, %broadcast_in_dim3A_623] : memref<80x128xf32, #tpu.memory_space<vmem>>[vector<16xi32>, vector<16xi32>], vector<16xf32>,
        %gather3A_625 = tpu.vector_load_idx %arg15[%add3A_248, %broadcast_in_dim3A_623] : memref<80x128xf32, #tpu.memory_space<vmem>>[vector<16xi32>, vector<16xi32>], vector<16xf32>,
        %mul3A_626 = arith.mulf %gather3A_624, %gather3A_625 : vector<16xf32>
        %add3A_627 = arith.addf %add3A_621, %mul3A_626 : vector<16xf32>
        %broadcast_in_dim3A_628 = arith.constant 35 : i32
        %broadcast_in_dim3A_629 = vector.broadcast %broadcast_in_dim3A_628 : i32 to vector<16xi32>
        %gather3A_630 = tpu.vector_load_idx %arg14[%add3A_248, %broadcast_in_dim3A_629] : memref<80x128xf32, #tpu.memory_space<vmem>>[vector<16xi32>, vector<16xi32>], vector<16xf32>,
        %gather3A_631 = tpu.vector_load_idx %arg15[%add3A_248, %broadcast_in_dim3A_629] : memref<80x128xf32, #tpu.memory_space<vmem>>[vector<16xi32>, vector<16xi32>], vector<16xf32>,
        %mul3A_632 = arith.mulf %gather3A_630, %gather3A_631 : vector<16xf32>
        %add3A_633 = arith.addf %add3A_627, %mul3A_632 : vector<16xf32>
        %broadcast_in_dim3A_634 = arith.constant 36 : i32
        %broadcast_in_dim3A_635 = vector.broadcast %broadcast_in_dim3A_634 : i32 to vector<16xi32>
        %gather3A_636 = tpu.vector_load_idx %arg14[%add3A_248, %broadcast_in_dim3A_635] : memref<80x128xf32, #tpu.memory_space<vmem>>[vector<16xi32>, vector<16xi32>], vector<16xf32>,
        %gather3A_637 = tpu.vector_load_idx %arg15[%add3A_248, %broadcast_in_dim3A_635] : memref<80x128xf32, #tpu.memory_space<vmem>>[vector<16xi32>, vector<16xi32>], vector<16xf32>,
        %mul3A_638 = arith.mulf %gather3A_636, %gather3A_637 : vector<16xf32>
        %add3A_639 = arith.addf %add3A_633, %mul3A_638 : vector<16xf32>
        %broadcast_in_dim3A_640 = arith.constant 37 : i32
        %broadcast_in_dim3A_641 = vector.broadcast %broadcast_in_dim3A_640 : i32 to vector<16xi32>
        %gather3A_642 = tpu.vector_load_idx %arg14[%add3A_248, %broadcast_in_dim3A_641] : memref<80x128xf32, #tpu.memory_space<vmem>>[vector<16xi32>, vector<16xi32>], vector<16xf32>,
        %gather3A_643 = tpu.vector_load_idx %arg15[%add3A_248, %broadcast_in_dim3A_641] : memref<80x128xf32, #tpu.memory_space<vmem>>[vector<16xi32>, vector<16xi32>], vector<16xf32>,
        %mul3A_644 = arith.mulf %gather3A_642, %gather3A_643 : vector<16xf32>
        %add3A_645 = arith.addf %add3A_639, %mul3A_644 : vector<16xf32>
        %broadcast_in_dim3A_646 = arith.constant 38 : i32
        %broadcast_in_dim3A_647 = vector.broadcast %broadcast_in_dim3A_646 : i32 to vector<16xi32>
        %gather3A_648 = tpu.vector_load_idx %arg14[%add3A_248, %broadcast_in_dim3A_647] : memref<80x128xf32, #tpu.memory_space<vmem>>[vector<16xi32>, vector<16xi32>], vector<16xf32>,
        %gather3A_649 = tpu.vector_load_idx %arg15[%add3A_248, %broadcast_in_dim3A_647] : memref<80x128xf32, #tpu.memory_space<vmem>>[vector<16xi32>, vector<16xi32>], vector<16xf32>,
        %mul3A_650 = arith.mulf %gather3A_648, %gather3A_649 : vector<16xf32>
        %add3A_651 = arith.addf %add3A_645, %mul3A_650 : vector<16xf32>
        %broadcast_in_dim3A_652 = arith.constant 39 : i32
        %broadcast_in_dim3A_653 = vector.broadcast %broadcast_in_dim3A_652 : i32 to vector<16xi32>
        %gather3A_654 = tpu.vector_load_idx %arg14[%add3A_248, %broadcast_in_dim3A_653] : memref<80x128xf32, #tpu.memory_space<vmem>>[vector<16xi32>, vector<16xi32>], vector<16xf32>,
        %gather3A_655 = tpu.vector_load_idx %arg15[%add3A_248, %broadcast_in_dim3A_653] : memref<80x128xf32, #tpu.memory_space<vmem>>[vector<16xi32>, vector<16xi32>], vector<16xf32>,
        %mul3A_656 = arith.mulf %gather3A_654, %gather3A_655 : vector<16xf32>
        %add3A_657 = arith.addf %add3A_651, %mul3A_656 : vector<16xf32>
        %broadcast_in_dim3A_658 = arith.constant 40 : i32
        %broadcast_in_dim3A_659 = vector.broadcast %broadcast_in_dim3A_658 : i32 to vector<16xi32>
        %gather3A_660 = tpu.vector_load_idx %arg14[%add3A_248, %broadcast_in_dim3A_659] : memref<80x128xf32, #tpu.memory_space<vmem>>[vector<16xi32>, vector<16xi32>], vector<16xf32>,
        %gather3A_661 = tpu.vector_load_idx %arg15[%add3A_248, %broadcast_in_dim3A_659] : memref<80x128xf32, #tpu.memory_space<vmem>>[vector<16xi32>, vector<16xi32>], vector<16xf32>,
        %mul3A_662 = arith.mulf %gather3A_660, %gather3A_661 : vector<16xf32>
        %add3A_663 = arith.addf %add3A_657, %mul3A_662 : vector<16xf32>
        %broadcast_in_dim3A_664 = arith.constant 41 : i32
        %broadcast_in_dim3A_665 = vector.broadcast %broadcast_in_dim3A_664 : i32 to vector<16xi32>
        %gather3A_666 = tpu.vector_load_idx %arg14[%add3A_248, %broadcast_in_dim3A_665] : memref<80x128xf32, #tpu.memory_space<vmem>>[vector<16xi32>, vector<16xi32>], vector<16xf32>,
        %gather3A_667 = tpu.vector_load_idx %arg15[%add3A_248, %broadcast_in_dim3A_665] : memref<80x128xf32, #tpu.memory_space<vmem>>[vector<16xi32>, vector<16xi32>], vector<16xf32>,
        %mul3A_668 = arith.mulf %gather3A_666, %gather3A_667 : vector<16xf32>
        %add3A_669 = arith.addf %add3A_663, %mul3A_668 : vector<16xf32>
        %broadcast_in_dim3A_670 = arith.constant 42 : i32
        %broadcast_in_dim3A_671 = vector.broadcast %broadcast_in_dim3A_670 : i32 to vector<16xi32>
        %gather3A_672 = tpu.vector_load_idx %arg14[%add3A_248, %broadcast_in_dim3A_671] : memref<80x128xf32, #tpu.memory_space<vmem>>[vector<16xi32>, vector<16xi32>], vector<16xf32>,
        %gather3A_673 = tpu.vector_load_idx %arg15[%add3A_248, %broadcast_in_dim3A_671] : memref<80x128xf32, #tpu.memory_space<vmem>>[vector<16xi32>, vector<16xi32>], vector<16xf32>,
        %mul3A_674 = arith.mulf %gather3A_672, %gather3A_673 : vector<16xf32>
        %add3A_675 = arith.addf %add3A_669, %mul3A_674 : vector<16xf32>
        %broadcast_in_dim3A_676 = arith.constant 43 : i32
        %broadcast_in_dim3A_677 = vector.broadcast %broadcast_in_dim3A_676 : i32 to vector<16xi32>
        %gather3A_678 = tpu.vector_load_idx %arg14[%add3A_248, %broadcast_in_dim3A_677] : memref<80x128xf32, #tpu.memory_space<vmem>>[vector<16xi32>, vector<16xi32>], vector<16xf32>,
        %gather3A_679 = tpu.vector_load_idx %arg15[%add3A_248, %broadcast_in_dim3A_677] : memref<80x128xf32, #tpu.memory_space<vmem>>[vector<16xi32>, vector<16xi32>], vector<16xf32>,
        %mul3A_680 = arith.mulf %gather3A_678, %gather3A_679 : vector<16xf32>
        %add3A_681 = arith.addf %add3A_675, %mul3A_680 : vector<16xf32>
        %broadcast_in_dim3A_682 = arith.constant 44 : i32
        %broadcast_in_dim3A_683 = vector.broadcast %broadcast_in_dim3A_682 : i32 to vector<16xi32>
        %gather3A_684 = tpu.vector_load_idx %arg14[%add3A_248, %broadcast_in_dim3A_683] : memref<80x128xf32, #tpu.memory_space<vmem>>[vector<16xi32>, vector<16xi32>], vector<16xf32>,
        %gather3A_685 = tpu.vector_load_idx %arg15[%add3A_248, %broadcast_in_dim3A_683] : memref<80x128xf32, #tpu.memory_space<vmem>>[vector<16xi32>, vector<16xi32>], vector<16xf32>,
        %mul3A_686 = arith.mulf %gather3A_684, %gather3A_685 : vector<16xf32>
        %add3A_687 = arith.addf %add3A_681, %mul3A_686 : vector<16xf32>
        %broadcast_in_dim3A_688 = arith.constant 45 : i32
        %broadcast_in_dim3A_689 = vector.broadcast %broadcast_in_dim3A_688 : i32 to vector<16xi32>
        %gather3A_690 = tpu.vector_load_idx %arg14[%add3A_248, %broadcast_in_dim3A_689] : memref<80x128xf32, #tpu.memory_space<vmem>>[vector<16xi32>, vector<16xi32>], vector<16xf32>,
        %gather3A_691 = tpu.vector_load_idx %arg15[%add3A_248, %broadcast_in_dim3A_689] : memref<80x128xf32, #tpu.memory_space<vmem>>[vector<16xi32>, vector<16xi32>], vector<16xf32>,
        %mul3A_692 = arith.mulf %gather3A_690, %gather3A_691 : vector<16xf32>
        %add3A_693 = arith.addf %add3A_687, %mul3A_692 : vector<16xf32>
        %broadcast_in_dim3A_694 = arith.constant 46 : i32
        %broadcast_in_dim3A_695 = vector.broadcast %broadcast_in_dim3A_694 : i32 to vector<16xi32>
        %gather3A_696 = tpu.vector_load_idx %arg14[%add3A_248, %broadcast_in_dim3A_695] : memref<80x128xf32, #tpu.memory_space<vmem>>[vector<16xi32>, vector<16xi32>], vector<16xf32>,
        %gather3A_697 = tpu.vector_load_idx %arg15[%add3A_248, %broadcast_in_dim3A_695] : memref<80x128xf32, #tpu.memory_space<vmem>>[vector<16xi32>, vector<16xi32>], vector<16xf32>,
        %mul3A_698 = arith.mulf %gather3A_696, %gather3A_697 : vector<16xf32>
        %add3A_699 = arith.addf %add3A_693, %mul3A_698 : vector<16xf32>
        %broadcast_in_dim3A_700 = arith.constant 47 : i32
        %broadcast_in_dim3A_701 = vector.broadcast %broadcast_in_dim3A_700 : i32 to vector<16xi32>
        %gather3A_702 = tpu.vector_load_idx %arg14[%add3A_248, %broadcast_in_dim3A_701] : memref<80x128xf32, #tpu.memory_space<vmem>>[vector<16xi32>, vector<16xi32>], vector<16xf32>,
        %gather3A_703 = tpu.vector_load_idx %arg15[%add3A_248, %broadcast_in_dim3A_701] : memref<80x128xf32, #tpu.memory_space<vmem>>[vector<16xi32>, vector<16xi32>], vector<16xf32>,
        %mul3A_704 = arith.mulf %gather3A_702, %gather3A_703 : vector<16xf32>
        %add3A_705 = arith.addf %add3A_699, %mul3A_704 : vector<16xf32>
        %exp3A_706 = math.exp %add3A_705 : vector<16xf32>
        %broadcast_in_dim3A_707 = arith.constant 66 : i32
        %broadcast_in_dim3A_708 = vector.broadcast %broadcast_in_dim3A_707 : i32 to vector<16xi32>
        tpu.vector_store_idx %arg17[%add3A_248, %broadcast_in_dim3A_708], %exp3A_706 : memref<80x80xf32, #tpu.memory_space<vmem>>[vector<16xi32>, vector<16xi32>], vector<16xf32>,
        %mul3A_709 = arith.constant 8 : i32
        %mul3A_710 = vector.broadcast %mul3A_709 : i32 to vector<16xi32>
        %mul3A_711 = arith.muli %iota3A, %mul3A_710 : vector<16xi32>
        %add3A_712 = arith.constant 2 : i32
        %add3A_713 = vector.broadcast %add3A_712 : i32 to vector<16xi32>
        %add3A_714 = arith.addi %mul3A_711, %add3A_713 : vector<16xi32>
        tpu.vector_store_idx %arg19[%add3A_252, %add3A_714], %exp3A_706 : memref<8x128xf32, #tpu.memory_space<vmem>>[vector<16xi32>, vector<16xi32>], vector<16xf32>,
        %broadcast_in_dim3A_715 = arith.constant 32 : i32
        %broadcast_in_dim3A_716 = vector.broadcast %broadcast_in_dim3A_715 : i32 to vector<16xi32>
        %gather3A_717 = tpu.vector_load_idx %arg16[%add3A_248, %broadcast_in_dim3A_716] : memref<80x128xf32, #tpu.memory_space<vmem>>[vector<16xi32>, vector<16xi32>], vector<16xf32>,
        %mul3A_718 = arith.mulf %gather3A_717, %exp3A_706 : vector<16xf32>
        tpu.vector_store_idx %arg17[%add3A_248, %broadcast_in_dim3A_716], %mul3A_718 : memref<80x80xf32, #tpu.memory_space<vmem>>[vector<16xi32>, vector<16xi32>], vector<16xf32>,
        %broadcast_in_dim3A_719 = arith.constant 33 : i32
        %broadcast_in_dim3A_720 = vector.broadcast %broadcast_in_dim3A_719 : i32 to vector<16xi32>
        %gather3A_721 = tpu.vector_load_idx %arg16[%add3A_248, %broadcast_in_dim3A_720] : memref<80x128xf32, #tpu.memory_space<vmem>>[vector<16xi32>, vector<16xi32>], vector<16xf32>,
        %mul3A_722 = arith.mulf %gather3A_721, %exp3A_706 : vector<16xf32>
        tpu.vector_store_idx %arg17[%add3A_248, %broadcast_in_dim3A_720], %mul3A_722 : memref<80x80xf32, #tpu.memory_space<vmem>>[vector<16xi32>, vector<16xi32>], vector<16xf32>,
        %broadcast_in_dim3A_723 = arith.constant 34 : i32
        %broadcast_in_dim3A_724 = vector.broadcast %broadcast_in_dim3A_723 : i32 to vector<16xi32>
        %gather3A_725 = tpu.vector_load_idx %arg16[%add3A_248, %broadcast_in_dim3A_724] : memref<80x128xf32, #tpu.memory_space<vmem>>[vector<16xi32>, vector<16xi32>], vector<16xf32>,
        %mul3A_726 = arith.mulf %gather3A_725, %exp3A_706 : vector<16xf32>
        tpu.vector_store_idx %arg17[%add3A_248, %broadcast_in_dim3A_724], %mul3A_726 : memref<80x80xf32, #tpu.memory_space<vmem>>[vector<16xi32>, vector<16xi32>], vector<16xf32>,
        %broadcast_in_dim3A_727 = arith.constant 35 : i32
        %broadcast_in_dim3A_728 = vector.broadcast %broadcast_in_dim3A_727 : i32 to vector<16xi32>
        %gather3A_729 = tpu.vector_load_idx %arg16[%add3A_248, %broadcast_in_dim3A_728] : memref<80x128xf32, #tpu.memory_space<vmem>>[vector<16xi32>, vector<16xi32>], vector<16xf32>,
        %mul3A_730 = arith.mulf %gather3A_729, %exp3A_706 : vector<16xf32>
        tpu.vector_store_idx %arg17[%add3A_248, %broadcast_in_dim3A_728], %mul3A_730 : memref<80x80xf32, #tpu.memory_space<vmem>>[vector<16xi32>, vector<16xi32>], vector<16xf32>,
        %broadcast_in_dim3A_731 = arith.constant 36 : i32
        %broadcast_in_dim3A_732 = vector.broadcast %broadcast_in_dim3A_731 : i32 to vector<16xi32>
        %gather3A_733 = tpu.vector_load_idx %arg16[%add3A_248, %broadcast_in_dim3A_732] : memref<80x128xf32, #tpu.memory_space<vmem>>[vector<16xi32>, vector<16xi32>], vector<16xf32>,
        %mul3A_734 = arith.mulf %gather3A_733, %exp3A_706 : vector<16xf32>
        tpu.vector_store_idx %arg17[%add3A_248, %broadcast_in_dim3A_732], %mul3A_734 : memref<80x80xf32, #tpu.memory_space<vmem>>[vector<16xi32>, vector<16xi32>], vector<16xf32>,
        %broadcast_in_dim3A_735 = arith.constant 37 : i32
        %broadcast_in_dim3A_736 = vector.broadcast %broadcast_in_dim3A_735 : i32 to vector<16xi32>
        %gather3A_737 = tpu.vector_load_idx %arg16[%add3A_248, %broadcast_in_dim3A_736] : memref<80x128xf32, #tpu.memory_space<vmem>>[vector<16xi32>, vector<16xi32>], vector<16xf32>,
        %mul3A_738 = arith.mulf %gather3A_737, %exp3A_706 : vector<16xf32>
        tpu.vector_store_idx %arg17[%add3A_248, %broadcast_in_dim3A_736], %mul3A_738 : memref<80x80xf32, #tpu.memory_space<vmem>>[vector<16xi32>, vector<16xi32>], vector<16xf32>,
        %broadcast_in_dim3A_739 = arith.constant 38 : i32
        %broadcast_in_dim3A_740 = vector.broadcast %broadcast_in_dim3A_739 : i32 to vector<16xi32>
        %gather3A_741 = tpu.vector_load_idx %arg16[%add3A_248, %broadcast_in_dim3A_740] : memref<80x128xf32, #tpu.memory_space<vmem>>[vector<16xi32>, vector<16xi32>], vector<16xf32>,
        %mul3A_742 = arith.mulf %gather3A_741, %exp3A_706 : vector<16xf32>
        tpu.vector_store_idx %arg17[%add3A_248, %broadcast_in_dim3A_740], %mul3A_742 : memref<80x80xf32, #tpu.memory_space<vmem>>[vector<16xi32>, vector<16xi32>], vector<16xf32>,
        %broadcast_in_dim3A_743 = arith.constant 39 : i32
        %broadcast_in_dim3A_744 = vector.broadcast %broadcast_in_dim3A_743 : i32 to vector<16xi32>
        %gather3A_745 = tpu.vector_load_idx %arg16[%add3A_248, %broadcast_in_dim3A_744] : memref<80x128xf32, #tpu.memory_space<vmem>>[vector<16xi32>, vector<16xi32>], vector<16xf32>,
        %mul3A_746 = arith.mulf %gather3A_745, %exp3A_706 : vector<16xf32>
        tpu.vector_store_idx %arg17[%add3A_248, %broadcast_in_dim3A_744], %mul3A_746 : memref<80x80xf32, #tpu.memory_space<vmem>>[vector<16xi32>, vector<16xi32>], vector<16xf32>,
        %broadcast_in_dim3A_747 = arith.constant 40 : i32
        %broadcast_in_dim3A_748 = vector.broadcast %broadcast_in_dim3A_747 : i32 to vector<16xi32>
        %gather3A_749 = tpu.vector_load_idx %arg16[%add3A_248, %broadcast_in_dim3A_748] : memref<80x128xf32, #tpu.memory_space<vmem>>[vector<16xi32>, vector<16xi32>], vector<16xf32>,
        %mul3A_750 = arith.mulf %gather3A_749, %exp3A_706 : vector<16xf32>
        tpu.vector_store_idx %arg17[%add3A_248, %broadcast_in_dim3A_748], %mul3A_750 : memref<80x80xf32, #tpu.memory_space<vmem>>[vector<16xi32>, vector<16xi32>], vector<16xf32>,
        %broadcast_in_dim3A_751 = arith.constant 41 : i32
        %broadcast_in_dim3A_752 = vector.broadcast %broadcast_in_dim3A_751 : i32 to vector<16xi32>
        %gather3A_753 = tpu.vector_load_idx %arg16[%add3A_248, %broadcast_in_dim3A_752] : memref<80x128xf32, #tpu.memory_space<vmem>>[vector<16xi32>, vector<16xi32>], vector<16xf32>,
        %mul3A_754 = arith.mulf %gather3A_753, %exp3A_706 : vector<16xf32>
        tpu.vector_store_idx %arg17[%add3A_248, %broadcast_in_dim3A_752], %mul3A_754 : memref<80x80xf32, #tpu.memory_space<vmem>>[vector<16xi32>, vector<16xi32>], vector<16xf32>,
        %broadcast_in_dim3A_755 = arith.constant 42 : i32
        %broadcast_in_dim3A_756 = vector.broadcast %broadcast_in_dim3A_755 : i32 to vector<16xi32>
        %gather3A_757 = tpu.vector_load_idx %arg16[%add3A_248, %broadcast_in_dim3A_756] : memref<80x128xf32, #tpu.memory_space<vmem>>[vector<16xi32>, vector<16xi32>], vector<16xf32>,
        %mul3A_758 = arith.mulf %gather3A_757, %exp3A_706 : vector<16xf32>
        tpu.vector_store_idx %arg17[%add3A_248, %broadcast_in_dim3A_756], %mul3A_758 : memref<80x80xf32, #tpu.memory_space<vmem>>[vector<16xi32>, vector<16xi32>], vector<16xf32>,
        %broadcast_in_dim3A_759 = arith.constant 43 : i32
        %broadcast_in_dim3A_760 = vector.broadcast %broadcast_in_dim3A_759 : i32 to vector<16xi32>
        %gather3A_761 = tpu.vector_load_idx %arg16[%add3A_248, %broadcast_in_dim3A_760] : memref<80x128xf32, #tpu.memory_space<vmem>>[vector<16xi32>, vector<16xi32>], vector<16xf32>,
        %mul3A_762 = arith.mulf %gather3A_761, %exp3A_706 : vector<16xf32>
        tpu.vector_store_idx %arg17[%add3A_248, %broadcast_in_dim3A_760], %mul3A_762 : memref<80x80xf32, #tpu.memory_space<vmem>>[vector<16xi32>, vector<16xi32>], vector<16xf32>,
        %broadcast_in_dim3A_763 = arith.constant 44 : i32
        %broadcast_in_dim3A_764 = vector.broadcast %broadcast_in_dim3A_763 : i32 to vector<16xi32>
        %gather3A_765 = tpu.vector_load_idx %arg16[%add3A_248, %broadcast_in_dim3A_764] : memref<80x128xf32, #tpu.memory_space<vmem>>[vector<16xi32>, vector<16xi32>], vector<16xf32>,
        %mul3A_766 = arith.mulf %gather3A_765, %exp3A_706 : vector<16xf32>
        tpu.vector_store_idx %arg17[%add3A_248, %broadcast_in_dim3A_764], %mul3A_766 : memref<80x80xf32, #tpu.memory_space<vmem>>[vector<16xi32>, vector<16xi32>], vector<16xf32>,
        %broadcast_in_dim3A_767 = arith.constant 45 : i32
        %broadcast_in_dim3A_768 = vector.broadcast %broadcast_in_dim3A_767 : i32 to vector<16xi32>
        %gather3A_769 = tpu.vector_load_idx %arg16[%add3A_248, %broadcast_in_dim3A_768] : memref<80x128xf32, #tpu.memory_space<vmem>>[vector<16xi32>, vector<16xi32>], vector<16xf32>,
        %mul3A_770 = arith.mulf %gather3A_769, %exp3A_706 : vector<16xf32>
        tpu.vector_store_idx %arg17[%add3A_248, %broadcast_in_dim3A_768], %mul3A_770 : memref<80x80xf32, #tpu.memory_space<vmem>>[vector<16xi32>, vector<16xi32>], vector<16xf32>,
        %broadcast_in_dim3A_771 = arith.constant 46 : i32
        %broadcast_in_dim3A_772 = vector.broadcast %broadcast_in_dim3A_771 : i32 to vector<16xi32>
        %gather3A_773 = tpu.vector_load_idx %arg16[%add3A_248, %broadcast_in_dim3A_772] : memref<80x128xf32, #tpu.memory_space<vmem>>[vector<16xi32>, vector<16xi32>], vector<16xf32>,
        %mul3A_774 = arith.mulf %gather3A_773, %exp3A_706 : vector<16xf32>
        tpu.vector_store_idx %arg17[%add3A_248, %broadcast_in_dim3A_772], %mul3A_774 : memref<80x80xf32, #tpu.memory_space<vmem>>[vector<16xi32>, vector<16xi32>], vector<16xf32>,
        %broadcast_in_dim3A_775 = arith.constant 47 : i32
        %broadcast_in_dim3A_776 = vector.broadcast %broadcast_in_dim3A_775 : i32 to vector<16xi32>
        %gather3A_777 = tpu.vector_load_idx %arg16[%add3A_248, %broadcast_in_dim3A_776] : memref<80x128xf32, #tpu.memory_space<vmem>>[vector<16xi32>, vector<16xi32>], vector<16xf32>,
        %mul3A_778 = arith.mulf %gather3A_777, %exp3A_706 : vector<16xf32>
        tpu.vector_store_idx %arg17[%add3A_248, %broadcast_in_dim3A_776], %mul3A_778 : memref<80x80xf32, #tpu.memory_space<vmem>>[vector<16xi32>, vector<16xi32>], vector<16xf32>,
        %mul3A_779 = arith.constant 8 : i32
        %mul3A_780 = vector.broadcast %mul3A_779 : i32 to vector<16xi32>
        %mul3A_781 = arith.muli %iota3A, %mul3A_780 : vector<16xi32>
        %add3A_782 = arith.constant 3 : i32
        %add3A_783 = vector.broadcast %add3A_782 : i32 to vector<16xi32>
        %add3A_784 = arith.addi %mul3A_781, %add3A_783 : vector<16xi32>
        %gather3A_785 = tpu.vector_load_idx %arg18[%add3A_252, %add3A_784] : memref<8x128xf32, #tpu.memory_space<vmem>>[vector<16xi32>, vector<16xi32>], vector<16xf32>,
        %broadcast_in_dim3A_786 = arith.constant 48 : i32
        %broadcast_in_dim3A_787 = vector.broadcast %broadcast_in_dim3A_786 : i32 to vector<16xi32>
        %gather3A_788 = tpu.vector_load_idx %arg14[%add3A_248, %broadcast_in_dim3A_787] : memref<80x128xf32, #tpu.memory_space<vmem>>[vector<16xi32>, vector<16xi32>], vector<16xf32>,
        %gather3A_789 = tpu.vector_load_idx %arg15[%add3A_248, %broadcast_in_dim3A_787] : memref<80x128xf32, #tpu.memory_space<vmem>>[vector<16xi32>, vector<16xi32>], vector<16xf32>,
        %mul3A_790 = arith.mulf %gather3A_788, %gather3A_789 : vector<16xf32>
        %add3A_791 = arith.addf %gather3A_785, %mul3A_790 : vector<16xf32>
        %broadcast_in_dim3A_792 = arith.constant 49 : i32
        %broadcast_in_dim3A_793 = vector.broadcast %broadcast_in_dim3A_792 : i32 to vector<16xi32>
        %gather3A_794 = tpu.vector_load_idx %arg14[%add3A_248, %broadcast_in_dim3A_793] : memref<80x128xf32, #tpu.memory_space<vmem>>[vector<16xi32>, vector<16xi32>], vector<16xf32>,
        %gather3A_795 = tpu.vector_load_idx %arg15[%add3A_248, %broadcast_in_dim3A_793] : memref<80x128xf32, #tpu.memory_space<vmem>>[vector<16xi32>, vector<16xi32>], vector<16xf32>,
        %mul3A_796 = arith.mulf %gather3A_794, %gather3A_795 : vector<16xf32>
        %add3A_797 = arith.addf %add3A_791, %mul3A_796 : vector<16xf32>
        %broadcast_in_dim3A_798 = arith.constant 50 : i32
        %broadcast_in_dim3A_799 = vector.broadcast %broadcast_in_dim3A_798 : i32 to vector<16xi32>
        %gather3A_800 = tpu.vector_load_idx %arg14[%add3A_248, %broadcast_in_dim3A_799] : memref<80x128xf32, #tpu.memory_space<vmem>>[vector<16xi32>, vector<16xi32>], vector<16xf32>,
        %gather3A_801 = tpu.vector_load_idx %arg15[%add3A_248, %broadcast_in_dim3A_799] : memref<80x128xf32, #tpu.memory_space<vmem>>[vector<16xi32>, vector<16xi32>], vector<16xf32>,
        %mul3A_802 = arith.mulf %gather3A_800, %gather3A_801 : vector<16xf32>
        %add3A_803 = arith.addf %add3A_797, %mul3A_802 : vector<16xf32>
        %broadcast_in_dim3A_804 = arith.constant 51 : i32
        %broadcast_in_dim3A_805 = vector.broadcast %broadcast_in_dim3A_804 : i32 to vector<16xi32>
        %gather3A_806 = tpu.vector_load_idx %arg14[%add3A_248, %broadcast_in_dim3A_805] : memref<80x128xf32, #tpu.memory_space<vmem>>[vector<16xi32>, vector<16xi32>], vector<16xf32>,
        %gather3A_807 = tpu.vector_load_idx %arg15[%add3A_248, %broadcast_in_dim3A_805] : memref<80x128xf32, #tpu.memory_space<vmem>>[vector<16xi32>, vector<16xi32>], vector<16xf32>,
        %mul3A_808 = arith.mulf %gather3A_806, %gather3A_807 : vector<16xf32>
        %add3A_809 = arith.addf %add3A_803, %mul3A_808 : vector<16xf32>
        %broadcast_in_dim3A_810 = arith.constant 52 : i32
        %broadcast_in_dim3A_811 = vector.broadcast %broadcast_in_dim3A_810 : i32 to vector<16xi32>
        %gather3A_812 = tpu.vector_load_idx %arg14[%add3A_248, %broadcast_in_dim3A_811] : memref<80x128xf32, #tpu.memory_space<vmem>>[vector<16xi32>, vector<16xi32>], vector<16xf32>,
        %gather3A_813 = tpu.vector_load_idx %arg15[%add3A_248, %broadcast_in_dim3A_811] : memref<80x128xf32, #tpu.memory_space<vmem>>[vector<16xi32>, vector<16xi32>], vector<16xf32>,
        %mul3A_814 = arith.mulf %gather3A_812, %gather3A_813 : vector<16xf32>
        %add3A_815 = arith.addf %add3A_809, %mul3A_814 : vector<16xf32>
        %broadcast_in_dim3A_816 = arith.constant 53 : i32
        %broadcast_in_dim3A_817 = vector.broadcast %broadcast_in_dim3A_816 : i32 to vector<16xi32>
        %gather3A_818 = tpu.vector_load_idx %arg14[%add3A_248, %broadcast_in_dim3A_817] : memref<80x128xf32, #tpu.memory_space<vmem>>[vector<16xi32>, vector<16xi32>], vector<16xf32>,
        %gather3A_819 = tpu.vector_load_idx %arg15[%add3A_248, %broadcast_in_dim3A_817] : memref<80x128xf32, #tpu.memory_space<vmem>>[vector<16xi32>, vector<16xi32>], vector<16xf32>,
        %mul3A_820 = arith.mulf %gather3A_818, %gather3A_819 : vector<16xf32>
        %add3A_821 = arith.addf %add3A_815, %mul3A_820 : vector<16xf32>
        %broadcast_in_dim3A_822 = arith.constant 54 : i32
        %broadcast_in_dim3A_823 = vector.broadcast %broadcast_in_dim3A_822 : i32 to vector<16xi32>
        %gather3A_824 = tpu.vector_load_idx %arg14[%add3A_248, %broadcast_in_dim3A_823] : memref<80x128xf32, #tpu.memory_space<vmem>>[vector<16xi32>, vector<16xi32>], vector<16xf32>,
        %gather3A_825 = tpu.vector_load_idx %arg15[%add3A_248, %broadcast_in_dim3A_823] : memref<80x128xf32, #tpu.memory_space<vmem>>[vector<16xi32>, vector<16xi32>], vector<16xf32>,
        %mul3A_826 = arith.mulf %gather3A_824, %gather3A_825 : vector<16xf32>
        %add3A_827 = arith.addf %add3A_821, %mul3A_826 : vector<16xf32>
        %broadcast_in_dim3A_828 = arith.constant 55 : i32
        %broadcast_in_dim3A_829 = vector.broadcast %broadcast_in_dim3A_828 : i32 to vector<16xi32>
        %gather3A_830 = tpu.vector_load_idx %arg14[%add3A_248, %broadcast_in_dim3A_829] : memref<80x128xf32, #tpu.memory_space<vmem>>[vector<16xi32>, vector<16xi32>], vector<16xf32>,
        %gather3A_831 = tpu.vector_load_idx %arg15[%add3A_248, %broadcast_in_dim3A_829] : memref<80x128xf32, #tpu.memory_space<vmem>>[vector<16xi32>, vector<16xi32>], vector<16xf32>,
        %mul3A_832 = arith.mulf %gather3A_830, %gather3A_831 : vector<16xf32>
        %add3A_833 = arith.addf %add3A_827, %mul3A_832 : vector<16xf32>
        %broadcast_in_dim3A_834 = arith.constant 56 : i32
        %broadcast_in_dim3A_835 = vector.broadcast %broadcast_in_dim3A_834 : i32 to vector<16xi32>
        %gather3A_836 = tpu.vector_load_idx %arg14[%add3A_248, %broadcast_in_dim3A_835] : memref<80x128xf32, #tpu.memory_space<vmem>>[vector<16xi32>, vector<16xi32>], vector<16xf32>,
        %gather3A_837 = tpu.vector_load_idx %arg15[%add3A_248, %broadcast_in_dim3A_835] : memref<80x128xf32, #tpu.memory_space<vmem>>[vector<16xi32>, vector<16xi32>], vector<16xf32>,
        %mul3A_838 = arith.mulf %gather3A_836, %gather3A_837 : vector<16xf32>
        %add3A_839 = arith.addf %add3A_833, %mul3A_838 : vector<16xf32>
        %broadcast_in_dim3A_840 = arith.constant 57 : i32
        %broadcast_in_dim3A_841 = vector.broadcast %broadcast_in_dim3A_840 : i32 to vector<16xi32>
        %gather3A_842 = tpu.vector_load_idx %arg14[%add3A_248, %broadcast_in_dim3A_841] : memref<80x128xf32, #tpu.memory_space<vmem>>[vector<16xi32>, vector<16xi32>], vector<16xf32>,
        %gather3A_843 = tpu.vector_load_idx %arg15[%add3A_248, %broadcast_in_dim3A_841] : memref<80x128xf32, #tpu.memory_space<vmem>>[vector<16xi32>, vector<16xi32>], vector<16xf32>,
        %mul3A_844 = arith.mulf %gather3A_842, %gather3A_843 : vector<16xf32>
        %add3A_845 = arith.addf %add3A_839, %mul3A_844 : vector<16xf32>
        %broadcast_in_dim3A_846 = arith.constant 58 : i32
        %broadcast_in_dim3A_847 = vector.broadcast %broadcast_in_dim3A_846 : i32 to vector<16xi32>
        %gather3A_848 = tpu.vector_load_idx %arg14[%add3A_248, %broadcast_in_dim3A_847] : memref<80x128xf32, #tpu.memory_space<vmem>>[vector<16xi32>, vector<16xi32>], vector<16xf32>,
        %gather3A_849 = tpu.vector_load_idx %arg15[%add3A_248, %broadcast_in_dim3A_847] : memref<80x128xf32, #tpu.memory_space<vmem>>[vector<16xi32>, vector<16xi32>], vector<16xf32>,
        %mul3A_850 = arith.mulf %gather3A_848, %gather3A_849 : vector<16xf32>
        %add3A_851 = arith.addf %add3A_845, %mul3A_850 : vector<16xf32>
        %broadcast_in_dim3A_852 = arith.constant 59 : i32
        %broadcast_in_dim3A_853 = vector.broadcast %broadcast_in_dim3A_852 : i32 to vector<16xi32>
        %gather3A_854 = tpu.vector_load_idx %arg14[%add3A_248, %broadcast_in_dim3A_853] : memref<80x128xf32, #tpu.memory_space<vmem>>[vector<16xi32>, vector<16xi32>], vector<16xf32>,
        %gather3A_855 = tpu.vector_load_idx %arg15[%add3A_248, %broadcast_in_dim3A_853] : memref<80x128xf32, #tpu.memory_space<vmem>>[vector<16xi32>, vector<16xi32>], vector<16xf32>,
        %mul3A_856 = arith.mulf %gather3A_854, %gather3A_855 : vector<16xf32>
        %add3A_857 = arith.addf %add3A_851, %mul3A_856 : vector<16xf32>
        %broadcast_in_dim3A_858 = arith.constant 60 : i32
        %broadcast_in_dim3A_859 = vector.broadcast %broadcast_in_dim3A_858 : i32 to vector<16xi32>
        %gather3A_860 = tpu.vector_load_idx %arg14[%add3A_248, %broadcast_in_dim3A_859] : memref<80x128xf32, #tpu.memory_space<vmem>>[vector<16xi32>, vector<16xi32>], vector<16xf32>,
        %gather3A_861 = tpu.vector_load_idx %arg15[%add3A_248, %broadcast_in_dim3A_859] : memref<80x128xf32, #tpu.memory_space<vmem>>[vector<16xi32>, vector<16xi32>], vector<16xf32>,
        %mul3A_862 = arith.mulf %gather3A_860, %gather3A_861 : vector<16xf32>
        %add3A_863 = arith.addf %add3A_857, %mul3A_862 : vector<16xf32>
        %broadcast_in_dim3A_864 = arith.constant 61 : i32
        %broadcast_in_dim3A_865 = vector.broadcast %broadcast_in_dim3A_864 : i32 to vector<16xi32>
        %gather3A_866 = tpu.vector_load_idx %arg14[%add3A_248, %broadcast_in_dim3A_865] : memref<80x128xf32, #tpu.memory_space<vmem>>[vector<16xi32>, vector<16xi32>], vector<16xf32>,
        %gather3A_867 = tpu.vector_load_idx %arg15[%add3A_248, %broadcast_in_dim3A_865] : memref<80x128xf32, #tpu.memory_space<vmem>>[vector<16xi32>, vector<16xi32>], vector<16xf32>,
        %mul3A_868 = arith.mulf %gather3A_866, %gather3A_867 : vector<16xf32>
        %add3A_869 = arith.addf %add3A_863, %mul3A_868 : vector<16xf32>
        %broadcast_in_dim3A_870 = arith.constant 62 : i32
        %broadcast_in_dim3A_871 = vector.broadcast %broadcast_in_dim3A_870 : i32 to vector<16xi32>
        %gather3A_872 = tpu.vector_load_idx %arg14[%add3A_248, %broadcast_in_dim3A_871] : memref<80x128xf32, #tpu.memory_space<vmem>>[vector<16xi32>, vector<16xi32>], vector<16xf32>,
        %gather3A_873 = tpu.vector_load_idx %arg15[%add3A_248, %broadcast_in_dim3A_871] : memref<80x128xf32, #tpu.memory_space<vmem>>[vector<16xi32>, vector<16xi32>], vector<16xf32>,
        %mul3A_874 = arith.mulf %gather3A_872, %gather3A_873 : vector<16xf32>
        %add3A_875 = arith.addf %add3A_869, %mul3A_874 : vector<16xf32>
        %broadcast_in_dim3A_876 = arith.constant 63 : i32
        %broadcast_in_dim3A_877 = vector.broadcast %broadcast_in_dim3A_876 : i32 to vector<16xi32>
        %gather3A_878 = tpu.vector_load_idx %arg14[%add3A_248, %broadcast_in_dim3A_877] : memref<80x128xf32, #tpu.memory_space<vmem>>[vector<16xi32>, vector<16xi32>], vector<16xf32>,
        %gather3A_879 = tpu.vector_load_idx %arg15[%add3A_248, %broadcast_in_dim3A_877] : memref<80x128xf32, #tpu.memory_space<vmem>>[vector<16xi32>, vector<16xi32>], vector<16xf32>,
        %mul3A_880 = arith.mulf %gather3A_878, %gather3A_879 : vector<16xf32>
        %add3A_881 = arith.addf %add3A_875, %mul3A_880 : vector<16xf32>
        %exp3A_882 = math.exp %add3A_881 : vector<16xf32>
        %broadcast_in_dim3A_883 = arith.constant 67 : i32
        %broadcast_in_dim3A_884 = vector.broadcast %broadcast_in_dim3A_883 : i32 to vector<16xi32>
        tpu.vector_store_idx %arg17[%add3A_248, %broadcast_in_dim3A_884], %exp3A_882 : memref<80x80xf32, #tpu.memory_space<vmem>>[vector<16xi32>, vector<16xi32>], vector<16xf32>,
        %mul3A_885 = arith.constant 8 : i32
        %mul3A_886 = vector.broadcast %mul3A_885 : i32 to vector<16xi32>
        %mul3A_887 = arith.muli %iota3A, %mul3A_886 : vector<16xi32>
        %add3A_888 = arith.constant 3 : i32
        %add3A_889 = vector.broadcast %add3A_888 : i32 to vector<16xi32>
        %add3A_890 = arith.addi %mul3A_887, %add3A_889 : vector<16xi32>
        tpu.vector_store_idx %arg19[%add3A_252, %add3A_890], %exp3A_882 : memref<8x128xf32, #tpu.memory_space<vmem>>[vector<16xi32>, vector<16xi32>], vector<16xf32>,
        %broadcast_in_dim3A_891 = arith.constant 48 : i32
        %broadcast_in_dim3A_892 = vector.broadcast %broadcast_in_dim3A_891 : i32 to vector<16xi32>
        %gather3A_893 = tpu.vector_load_idx %arg16[%add3A_248, %broadcast_in_dim3A_892] : memref<80x128xf32, #tpu.memory_space<vmem>>[vector<16xi32>, vector<16xi32>], vector<16xf32>,
        %mul3A_894 = arith.mulf %gather3A_893, %exp3A_882 : vector<16xf32>
        tpu.vector_store_idx %arg17[%add3A_248, %broadcast_in_dim3A_892], %mul3A_894 : memref<80x80xf32, #tpu.memory_space<vmem>>[vector<16xi32>, vector<16xi32>], vector<16xf32>,
        %broadcast_in_dim3A_895 = arith.constant 49 : i32
        %broadcast_in_dim3A_896 = vector.broadcast %broadcast_in_dim3A_895 : i32 to vector<16xi32>
        %gather3A_897 = tpu.vector_load_idx %arg16[%add3A_248, %broadcast_in_dim3A_896] : memref<80x128xf32, #tpu.memory_space<vmem>>[vector<16xi32>, vector<16xi32>], vector<16xf32>,
        %mul3A_898 = arith.mulf %gather3A_897, %exp3A_882 : vector<16xf32>
        tpu.vector_store_idx %arg17[%add3A_248, %broadcast_in_dim3A_896], %mul3A_898 : memref<80x80xf32, #tpu.memory_space<vmem>>[vector<16xi32>, vector<16xi32>], vector<16xf32>,
        %broadcast_in_dim3A_899 = arith.constant 50 : i32
        %broadcast_in_dim3A_900 = vector.broadcast %broadcast_in_dim3A_899 : i32 to vector<16xi32>
        %gather3A_901 = tpu.vector_load_idx %arg16[%add3A_248, %broadcast_in_dim3A_900] : memref<80x128xf32, #tpu.memory_space<vmem>>[vector<16xi32>, vector<16xi32>], vector<16xf32>,
        %mul3A_902 = arith.mulf %gather3A_901, %exp3A_882 : vector<16xf32>
        tpu.vector_store_idx %arg17[%add3A_248, %broadcast_in_dim3A_900], %mul3A_902 : memref<80x80xf32, #tpu.memory_space<vmem>>[vector<16xi32>, vector<16xi32>], vector<16xf32>,
        %broadcast_in_dim3A_903 = arith.constant 51 : i32
        %broadcast_in_dim3A_904 = vector.broadcast %broadcast_in_dim3A_903 : i32 to vector<16xi32>
        %gather3A_905 = tpu.vector_load_idx %arg16[%add3A_248, %broadcast_in_dim3A_904] : memref<80x128xf32, #tpu.memory_space<vmem>>[vector<16xi32>, vector<16xi32>], vector<16xf32>,
        %mul3A_906 = arith.mulf %gather3A_905, %exp3A_882 : vector<16xf32>
        tpu.vector_store_idx %arg17[%add3A_248, %broadcast_in_dim3A_904], %mul3A_906 : memref<80x80xf32, #tpu.memory_space<vmem>>[vector<16xi32>, vector<16xi32>], vector<16xf32>,
        %broadcast_in_dim3A_907 = arith.constant 52 : i32
        %broadcast_in_dim3A_908 = vector.broadcast %broadcast_in_dim3A_907 : i32 to vector<16xi32>
        %gather3A_909 = tpu.vector_load_idx %arg16[%add3A_248, %broadcast_in_dim3A_908] : memref<80x128xf32, #tpu.memory_space<vmem>>[vector<16xi32>, vector<16xi32>], vector<16xf32>,
        %mul3A_910 = arith.mulf %gather3A_909, %exp3A_882 : vector<16xf32>
        tpu.vector_store_idx %arg17[%add3A_248, %broadcast_in_dim3A_908], %mul3A_910 : memref<80x80xf32, #tpu.memory_space<vmem>>[vector<16xi32>, vector<16xi32>], vector<16xf32>,
        %broadcast_in_dim3A_911 = arith.constant 53 : i32
        %broadcast_in_dim3A_912 = vector.broadcast %broadcast_in_dim3A_911 : i32 to vector<16xi32>
        %gather3A_913 = tpu.vector_load_idx %arg16[%add3A_248, %broadcast_in_dim3A_912] : memref<80x128xf32, #tpu.memory_space<vmem>>[vector<16xi32>, vector<16xi32>], vector<16xf32>,
        %mul3A_914 = arith.mulf %gather3A_913, %exp3A_882 : vector<16xf32>
        tpu.vector_store_idx %arg17[%add3A_248, %broadcast_in_dim3A_912], %mul3A_914 : memref<80x80xf32, #tpu.memory_space<vmem>>[vector<16xi32>, vector<16xi32>], vector<16xf32>,
        %broadcast_in_dim3A_915 = arith.constant 54 : i32
        %broadcast_in_dim3A_916 = vector.broadcast %broadcast_in_dim3A_915 : i32 to vector<16xi32>
        %gather3A_917 = tpu.vector_load_idx %arg16[%add3A_248, %broadcast_in_dim3A_916] : memref<80x128xf32, #tpu.memory_space<vmem>>[vector<16xi32>, vector<16xi32>], vector<16xf32>,
        %mul3A_918 = arith.mulf %gather3A_917, %exp3A_882 : vector<16xf32>
        tpu.vector_store_idx %arg17[%add3A_248, %broadcast_in_dim3A_916], %mul3A_918 : memref<80x80xf32, #tpu.memory_space<vmem>>[vector<16xi32>, vector<16xi32>], vector<16xf32>,
        %broadcast_in_dim3A_919 = arith.constant 55 : i32
        %broadcast_in_dim3A_920 = vector.broadcast %broadcast_in_dim3A_919 : i32 to vector<16xi32>
        %gather3A_921 = tpu.vector_load_idx %arg16[%add3A_248, %broadcast_in_dim3A_920] : memref<80x128xf32, #tpu.memory_space<vmem>>[vector<16xi32>, vector<16xi32>], vector<16xf32>,
        %mul3A_922 = arith.mulf %gather3A_921, %exp3A_882 : vector<16xf32>
        tpu.vector_store_idx %arg17[%add3A_248, %broadcast_in_dim3A_920], %mul3A_922 : memref<80x80xf32, #tpu.memory_space<vmem>>[vector<16xi32>, vector<16xi32>], vector<16xf32>,
        %broadcast_in_dim3A_923 = arith.constant 56 : i32
        %broadcast_in_dim3A_924 = vector.broadcast %broadcast_in_dim3A_923 : i32 to vector<16xi32>
        %gather3A_925 = tpu.vector_load_idx %arg16[%add3A_248, %broadcast_in_dim3A_924] : memref<80x128xf32, #tpu.memory_space<vmem>>[vector<16xi32>, vector<16xi32>], vector<16xf32>,
        %mul3A_926 = arith.mulf %gather3A_925, %exp3A_882 : vector<16xf32>
        tpu.vector_store_idx %arg17[%add3A_248, %broadcast_in_dim3A_924], %mul3A_926 : memref<80x80xf32, #tpu.memory_space<vmem>>[vector<16xi32>, vector<16xi32>], vector<16xf32>,
        %broadcast_in_dim3A_927 = arith.constant 57 : i32
        %broadcast_in_dim3A_928 = vector.broadcast %broadcast_in_dim3A_927 : i32 to vector<16xi32>
        %gather3A_929 = tpu.vector_load_idx %arg16[%add3A_248, %broadcast_in_dim3A_928] : memref<80x128xf32, #tpu.memory_space<vmem>>[vector<16xi32>, vector<16xi32>], vector<16xf32>,
        %mul3A_930 = arith.mulf %gather3A_929, %exp3A_882 : vector<16xf32>
        tpu.vector_store_idx %arg17[%add3A_248, %broadcast_in_dim3A_928], %mul3A_930 : memref<80x80xf32, #tpu.memory_space<vmem>>[vector<16xi32>, vector<16xi32>], vector<16xf32>,
        %broadcast_in_dim3A_931 = arith.constant 58 : i32
        %broadcast_in_dim3A_932 = vector.broadcast %broadcast_in_dim3A_931 : i32 to vector<16xi32>
        %gather3A_933 = tpu.vector_load_idx %arg16[%add3A_248, %broadcast_in_dim3A_932] : memref<80x128xf32, #tpu.memory_space<vmem>>[vector<16xi32>, vector<16xi32>], vector<16xf32>,
        %mul3A_934 = arith.mulf %gather3A_933, %exp3A_882 : vector<16xf32>
        tpu.vector_store_idx %arg17[%add3A_248, %broadcast_in_dim3A_932], %mul3A_934 : memref<80x80xf32, #tpu.memory_space<vmem>>[vector<16xi32>, vector<16xi32>], vector<16xf32>,
        %broadcast_in_dim3A_935 = arith.constant 59 : i32
        %broadcast_in_dim3A_936 = vector.broadcast %broadcast_in_dim3A_935 : i32 to vector<16xi32>
        %gather3A_937 = tpu.vector_load_idx %arg16[%add3A_248, %broadcast_in_dim3A_936] : memref<80x128xf32, #tpu.memory_space<vmem>>[vector<16xi32>, vector<16xi32>], vector<16xf32>,
        %mul3A_938 = arith.mulf %gather3A_937, %exp3A_882 : vector<16xf32>
        tpu.vector_store_idx %arg17[%add3A_248, %broadcast_in_dim3A_936], %mul3A_938 : memref<80x80xf32, #tpu.memory_space<vmem>>[vector<16xi32>, vector<16xi32>], vector<16xf32>,
        %broadcast_in_dim3A_939 = arith.constant 60 : i32
        %broadcast_in_dim3A_940 = vector.broadcast %broadcast_in_dim3A_939 : i32 to vector<16xi32>
        %gather3A_941 = tpu.vector_load_idx %arg16[%add3A_248, %broadcast_in_dim3A_940] : memref<80x128xf32, #tpu.memory_space<vmem>>[vector<16xi32>, vector<16xi32>], vector<16xf32>,
        %mul3A_942 = arith.mulf %gather3A_941, %exp3A_882 : vector<16xf32>
        tpu.vector_store_idx %arg17[%add3A_248, %broadcast_in_dim3A_940], %mul3A_942 : memref<80x80xf32, #tpu.memory_space<vmem>>[vector<16xi32>, vector<16xi32>], vector<16xf32>,
        %broadcast_in_dim3A_943 = arith.constant 61 : i32
        %broadcast_in_dim3A_944 = vector.broadcast %broadcast_in_dim3A_943 : i32 to vector<16xi32>
        %gather3A_945 = tpu.vector_load_idx %arg16[%add3A_248, %broadcast_in_dim3A_944] : memref<80x128xf32, #tpu.memory_space<vmem>>[vector<16xi32>, vector<16xi32>], vector<16xf32>,
        %mul3A_946 = arith.mulf %gather3A_945, %exp3A_882 : vector<16xf32>
        tpu.vector_store_idx %arg17[%add3A_248, %broadcast_in_dim3A_944], %mul3A_946 : memref<80x80xf32, #tpu.memory_space<vmem>>[vector<16xi32>, vector<16xi32>], vector<16xf32>,
        %broadcast_in_dim3A_947 = arith.constant 62 : i32
        %broadcast_in_dim3A_948 = vector.broadcast %broadcast_in_dim3A_947 : i32 to vector<16xi32>
        %gather3A_949 = tpu.vector_load_idx %arg16[%add3A_248, %broadcast_in_dim3A_948] : memref<80x128xf32, #tpu.memory_space<vmem>>[vector<16xi32>, vector<16xi32>], vector<16xf32>,
        %mul3A_950 = arith.mulf %gather3A_949, %exp3A_882 : vector<16xf32>
        tpu.vector_store_idx %arg17[%add3A_248, %broadcast_in_dim3A_948], %mul3A_950 : memref<80x80xf32, #tpu.memory_space<vmem>>[vector<16xi32>, vector<16xi32>], vector<16xf32>,
        %broadcast_in_dim3A_951 = arith.constant 63 : i32
        %broadcast_in_dim3A_952 = vector.broadcast %broadcast_in_dim3A_951 : i32 to vector<16xi32>
        %gather3A_953 = tpu.vector_load_idx %arg16[%add3A_248, %broadcast_in_dim3A_952] : memref<80x128xf32, #tpu.memory_space<vmem>>[vector<16xi32>, vector<16xi32>], vector<16xf32>,
        %mul3A_954 = arith.mulf %gather3A_953, %exp3A_882 : vector<16xf32>
        tpu.vector_store_idx %arg17[%add3A_248, %broadcast_in_dim3A_952], %mul3A_954 : memref<80x80xf32, #tpu.memory_space<vmem>>[vector<16xi32>, vector<16xi32>], vector<16xf32>,
        %mul3A_955 = arith.constant 8 : i32
        %mul3A_956 = vector.broadcast %mul3A_955 : i32 to vector<16xi32>
        %mul3A_957 = arith.muli %iota3A, %mul3A_956 : vector<16xi32>
        %add3A_958 = arith.constant 4 : i32
        %add3A_959 = vector.broadcast %add3A_958 : i32 to vector<16xi32>
        %add3A_960 = arith.addi %mul3A_957, %add3A_959 : vector<16xi32>
        %gather3A_961 = tpu.vector_load_idx %arg18[%add3A_252, %add3A_960] : memref<8x128xf32, #tpu.memory_space<vmem>>[vector<16xi32>, vector<16xi32>], vector<16xf32>,
        %broadcast_in_dim3A_962 = arith.constant 64 : i32
        %broadcast_in_dim3A_963 = vector.broadcast %broadcast_in_dim3A_962 : i32 to vector<16xi32>
        %gather3A_964 = tpu.vector_load_idx %arg14[%add3A_248, %broadcast_in_dim3A_963] : memref<80x128xf32, #tpu.memory_space<vmem>>[vector<16xi32>, vector<16xi32>], vector<16xf32>,
        %gather3A_965 = tpu.vector_load_idx %arg15[%add3A_248, %broadcast_in_dim3A_963] : memref<80x128xf32, #tpu.memory_space<vmem>>[vector<16xi32>, vector<16xi32>], vector<16xf32>,
        %mul3A_966 = arith.mulf %gather3A_964, %gather3A_965 : vector<16xf32>
        %add3A_967 = arith.addf %gather3A_961, %mul3A_966 : vector<16xf32>
        %broadcast_in_dim3A_968 = arith.constant 65 : i32
        %broadcast_in_dim3A_969 = vector.broadcast %broadcast_in_dim3A_968 : i32 to vector<16xi32>
        %gather3A_970 = tpu.vector_load_idx %arg14[%add3A_248, %broadcast_in_dim3A_969] : memref<80x128xf32, #tpu.memory_space<vmem>>[vector<16xi32>, vector<16xi32>], vector<16xf32>,
        %gather3A_971 = tpu.vector_load_idx %arg15[%add3A_248, %broadcast_in_dim3A_969] : memref<80x128xf32, #tpu.memory_space<vmem>>[vector<16xi32>, vector<16xi32>], vector<16xf32>,
        %mul3A_972 = arith.mulf %gather3A_970, %gather3A_971 : vector<16xf32>
        %add3A_973 = arith.addf %add3A_967, %mul3A_972 : vector<16xf32>
        %broadcast_in_dim3A_974 = arith.constant 66 : i32
        %broadcast_in_dim3A_975 = vector.broadcast %broadcast_in_dim3A_974 : i32 to vector<16xi32>
        %gather3A_976 = tpu.vector_load_idx %arg14[%add3A_248, %broadcast_in_dim3A_975] : memref<80x128xf32, #tpu.memory_space<vmem>>[vector<16xi32>, vector<16xi32>], vector<16xf32>,
        %gather3A_977 = tpu.vector_load_idx %arg15[%add3A_248, %broadcast_in_dim3A_975] : memref<80x128xf32, #tpu.memory_space<vmem>>[vector<16xi32>, vector<16xi32>], vector<16xf32>,
        %mul3A_978 = arith.mulf %gather3A_976, %gather3A_977 : vector<16xf32>
        %add3A_979 = arith.addf %add3A_973, %mul3A_978 : vector<16xf32>
        %broadcast_in_dim3A_980 = arith.constant 67 : i32
        %broadcast_in_dim3A_981 = vector.broadcast %broadcast_in_dim3A_980 : i32 to vector<16xi32>
        %gather3A_982 = tpu.vector_load_idx %arg14[%add3A_248, %broadcast_in_dim3A_981] : memref<80x128xf32, #tpu.memory_space<vmem>>[vector<16xi32>, vector<16xi32>], vector<16xf32>,
        %gather3A_983 = tpu.vector_load_idx %arg15[%add3A_248, %broadcast_in_dim3A_981] : memref<80x128xf32, #tpu.memory_space<vmem>>[vector<16xi32>, vector<16xi32>], vector<16xf32>,
        %mul3A_984 = arith.mulf %gather3A_982, %gather3A_983 : vector<16xf32>
        %add3A_985 = arith.addf %add3A_979, %mul3A_984 : vector<16xf32>
        %broadcast_in_dim3A_986 = arith.constant 68 : i32
        %broadcast_in_dim3A_987 = vector.broadcast %broadcast_in_dim3A_986 : i32 to vector<16xi32>
        %gather3A_988 = tpu.vector_load_idx %arg14[%add3A_248, %broadcast_in_dim3A_987] : memref<80x128xf32, #tpu.memory_space<vmem>>[vector<16xi32>, vector<16xi32>], vector<16xf32>,
        %gather3A_989 = tpu.vector_load_idx %arg15[%add3A_248, %broadcast_in_dim3A_987] : memref<80x128xf32, #tpu.memory_space<vmem>>[vector<16xi32>, vector<16xi32>], vector<16xf32>,
        %mul3A_990 = arith.mulf %gather3A_988, %gather3A_989 : vector<16xf32>
        %add3A_991 = arith.addf %add3A_985, %mul3A_990 : vector<16xf32>
        %broadcast_in_dim3A_992 = arith.constant 69 : i32
        %broadcast_in_dim3A_993 = vector.broadcast %broadcast_in_dim3A_992 : i32 to vector<16xi32>
        %gather3A_994 = tpu.vector_load_idx %arg14[%add3A_248, %broadcast_in_dim3A_993] : memref<80x128xf32, #tpu.memory_space<vmem>>[vector<16xi32>, vector<16xi32>], vector<16xf32>,
        %gather3A_995 = tpu.vector_load_idx %arg15[%add3A_248, %broadcast_in_dim3A_993] : memref<80x128xf32, #tpu.memory_space<vmem>>[vector<16xi32>, vector<16xi32>], vector<16xf32>,
        %mul3A_996 = arith.mulf %gather3A_994, %gather3A_995 : vector<16xf32>
        %add3A_997 = arith.addf %add3A_991, %mul3A_996 : vector<16xf32>
        %broadcast_in_dim3A_998 = arith.constant 70 : i32
        %broadcast_in_dim3A_999 = vector.broadcast %broadcast_in_dim3A_998 : i32 to vector<16xi32>
        %gather3A_1000 = tpu.vector_load_idx %arg14[%add3A_248, %broadcast_in_dim3A_999] : memref<80x128xf32, #tpu.memory_space<vmem>>[vector<16xi32>, vector<16xi32>], vector<16xf32>,
        %gather3A_1001 = tpu.vector_load_idx %arg15[%add3A_248, %broadcast_in_dim3A_999] : memref<80x128xf32, #tpu.memory_space<vmem>>[vector<16xi32>, vector<16xi32>], vector<16xf32>,
        %mul3A_1002 = arith.mulf %gather3A_1000, %gather3A_1001 : vector<16xf32>
        %add3A_1003 = arith.addf %add3A_997, %mul3A_1002 : vector<16xf32>
        %broadcast_in_dim3A_1004 = arith.constant 71 : i32
        %broadcast_in_dim3A_1005 = vector.broadcast %broadcast_in_dim3A_1004 : i32 to vector<16xi32>
        %gather3A_1006 = tpu.vector_load_idx %arg14[%add3A_248, %broadcast_in_dim3A_1005] : memref<80x128xf32, #tpu.memory_space<vmem>>[vector<16xi32>, vector<16xi32>], vector<16xf32>,
        %gather3A_1007 = tpu.vector_load_idx %arg15[%add3A_248, %broadcast_in_dim3A_1005] : memref<80x128xf32, #tpu.memory_space<vmem>>[vector<16xi32>, vector<16xi32>], vector<16xf32>,
        %mul3A_1008 = arith.mulf %gather3A_1006, %gather3A_1007 : vector<16xf32>
        %add3A_1009 = arith.addf %add3A_1003, %mul3A_1008 : vector<16xf32>
        %broadcast_in_dim3A_1010 = arith.constant 72 : i32
        %broadcast_in_dim3A_1011 = vector.broadcast %broadcast_in_dim3A_1010 : i32 to vector<16xi32>
        %gather3A_1012 = tpu.vector_load_idx %arg14[%add3A_248, %broadcast_in_dim3A_1011] : memref<80x128xf32, #tpu.memory_space<vmem>>[vector<16xi32>, vector<16xi32>], vector<16xf32>,
        %gather3A_1013 = tpu.vector_load_idx %arg15[%add3A_248, %broadcast_in_dim3A_1011] : memref<80x128xf32, #tpu.memory_space<vmem>>[vector<16xi32>, vector<16xi32>], vector<16xf32>,
        %mul3A_1014 = arith.mulf %gather3A_1012, %gather3A_1013 : vector<16xf32>
        %add3A_1015 = arith.addf %add3A_1009, %mul3A_1014 : vector<16xf32>
        %broadcast_in_dim3A_1016 = arith.constant 73 : i32
        %broadcast_in_dim3A_1017 = vector.broadcast %broadcast_in_dim3A_1016 : i32 to vector<16xi32>
        %gather3A_1018 = tpu.vector_load_idx %arg14[%add3A_248, %broadcast_in_dim3A_1017] : memref<80x128xf32, #tpu.memory_space<vmem>>[vector<16xi32>, vector<16xi32>], vector<16xf32>,
        %gather3A_1019 = tpu.vector_load_idx %arg15[%add3A_248, %broadcast_in_dim3A_1017] : memref<80x128xf32, #tpu.memory_space<vmem>>[vector<16xi32>, vector<16xi32>], vector<16xf32>,
        %mul3A_1020 = arith.mulf %gather3A_1018, %gather3A_1019 : vector<16xf32>
        %add3A_1021 = arith.addf %add3A_1015, %mul3A_1020 : vector<16xf32>
        %broadcast_in_dim3A_1022 = arith.constant 74 : i32
        %broadcast_in_dim3A_1023 = vector.broadcast %broadcast_in_dim3A_1022 : i32 to vector<16xi32>
        %gather3A_1024 = tpu.vector_load_idx %arg14[%add3A_248, %broadcast_in_dim3A_1023] : memref<80x128xf32, #tpu.memory_space<vmem>>[vector<16xi32>, vector<16xi32>], vector<16xf32>,
        %gather3A_1025 = tpu.vector_load_idx %arg15[%add3A_248, %broadcast_in_dim3A_1023] : memref<80x128xf32, #tpu.memory_space<vmem>>[vector<16xi32>, vector<16xi32>], vector<16xf32>,
        %mul3A_1026 = arith.mulf %gather3A_1024, %gather3A_1025 : vector<16xf32>
        %add3A_1027 = arith.addf %add3A_1021, %mul3A_1026 : vector<16xf32>
        %broadcast_in_dim3A_1028 = arith.constant 75 : i32
        %broadcast_in_dim3A_1029 = vector.broadcast %broadcast_in_dim3A_1028 : i32 to vector<16xi32>
        %gather3A_1030 = tpu.vector_load_idx %arg14[%add3A_248, %broadcast_in_dim3A_1029] : memref<80x128xf32, #tpu.memory_space<vmem>>[vector<16xi32>, vector<16xi32>], vector<16xf32>,
        %gather3A_1031 = tpu.vector_load_idx %arg15[%add3A_248, %broadcast_in_dim3A_1029] : memref<80x128xf32, #tpu.memory_space<vmem>>[vector<16xi32>, vector<16xi32>], vector<16xf32>,
        %mul3A_1032 = arith.mulf %gather3A_1030, %gather3A_1031 : vector<16xf32>
        %add3A_1033 = arith.addf %add3A_1027, %mul3A_1032 : vector<16xf32>
        %broadcast_in_dim3A_1034 = arith.constant 76 : i32
        %broadcast_in_dim3A_1035 = vector.broadcast %broadcast_in_dim3A_1034 : i32 to vector<16xi32>
        %gather3A_1036 = tpu.vector_load_idx %arg14[%add3A_248, %broadcast_in_dim3A_1035] : memref<80x128xf32, #tpu.memory_space<vmem>>[vector<16xi32>, vector<16xi32>], vector<16xf32>,
        %gather3A_1037 = tpu.vector_load_idx %arg15[%add3A_248, %broadcast_in_dim3A_1035] : memref<80x128xf32, #tpu.memory_space<vmem>>[vector<16xi32>, vector<16xi32>], vector<16xf32>,
        %mul3A_1038 = arith.mulf %gather3A_1036, %gather3A_1037 : vector<16xf32>
        %add3A_1039 = arith.addf %add3A_1033, %mul3A_1038 : vector<16xf32>
        %broadcast_in_dim3A_1040 = arith.constant 77 : i32
        %broadcast_in_dim3A_1041 = vector.broadcast %broadcast_in_dim3A_1040 : i32 to vector<16xi32>
        %gather3A_1042 = tpu.vector_load_idx %arg14[%add3A_248, %broadcast_in_dim3A_1041] : memref<80x128xf32, #tpu.memory_space<vmem>>[vector<16xi32>, vector<16xi32>], vector<16xf32>,
        %gather3A_1043 = tpu.vector_load_idx %arg15[%add3A_248, %broadcast_in_dim3A_1041] : memref<80x128xf32, #tpu.memory_space<vmem>>[vector<16xi32>, vector<16xi32>], vector<16xf32>,
        %mul3A_1044 = arith.mulf %gather3A_1042, %gather3A_1043 : vector<16xf32>
        %add3A_1045 = arith.addf %add3A_1039, %mul3A_1044 : vector<16xf32>
        %broadcast_in_dim3A_1046 = arith.constant 78 : i32
        %broadcast_in_dim3A_1047 = vector.broadcast %broadcast_in_dim3A_1046 : i32 to vector<16xi32>
        %gather3A_1048 = tpu.vector_load_idx %arg14[%add3A_248, %broadcast_in_dim3A_1047] : memref<80x128xf32, #tpu.memory_space<vmem>>[vector<16xi32>, vector<16xi32>], vector<16xf32>,
        %gather3A_1049 = tpu.vector_load_idx %arg15[%add3A_248, %broadcast_in_dim3A_1047] : memref<80x128xf32, #tpu.memory_space<vmem>>[vector<16xi32>, vector<16xi32>], vector<16xf32>,
        %mul3A_1050 = arith.mulf %gather3A_1048, %gather3A_1049 : vector<16xf32>
        %add3A_1051 = arith.addf %add3A_1045, %mul3A_1050 : vector<16xf32>
        %broadcast_in_dim3A_1052 = arith.constant 79 : i32
        %broadcast_in_dim3A_1053 = vector.broadcast %broadcast_in_dim3A_1052 : i32 to vector<16xi32>
        %gather3A_1054 = tpu.vector_load_idx %arg14[%add3A_248, %broadcast_in_dim3A_1053] : memref<80x128xf32, #tpu.memory_space<vmem>>[vector<16xi32>, vector<16xi32>], vector<16xf32>,
        %gather3A_1055 = tpu.vector_load_idx %arg15[%add3A_248, %broadcast_in_dim3A_1053] : memref<80x128xf32, #tpu.memory_space<vmem>>[vector<16xi32>, vector<16xi32>], vector<16xf32>,
        %mul3A_1056 = arith.mulf %gather3A_1054, %gather3A_1055 : vector<16xf32>
        %add3A_1057 = arith.addf %add3A_1051, %mul3A_1056 : vector<16xf32>
        %exp3A_1058 = math.exp %add3A_1057 : vector<16xf32>
        %broadcast_in_dim3A_1059 = arith.constant 68 : i32
        %broadcast_in_dim3A_1060 = vector.broadcast %broadcast_in_dim3A_1059 : i32 to vector<16xi32>
        tpu.vector_store_idx %arg17[%add3A_248, %broadcast_in_dim3A_1060], %exp3A_1058 : memref<80x80xf32, #tpu.memory_space<vmem>>[vector<16xi32>, vector<16xi32>], vector<16xf32>,
        %mul3A_1061 = arith.constant 8 : i32
        %mul3A_1062 = vector.broadcast %mul3A_1061 : i32 to vector<16xi32>
        %mul3A_1063 = arith.muli %iota3A, %mul3A_1062 : vector<16xi32>
        %add3A_1064 = arith.constant 4 : i32
        %add3A_1065 = vector.broadcast %add3A_1064 : i32 to vector<16xi32>
        %add3A_1066 = arith.addi %mul3A_1063, %add3A_1065 : vector<16xi32>
        tpu.vector_store_idx %arg19[%add3A_252, %add3A_1066], %exp3A_1058 : memref<8x128xf32, #tpu.memory_space<vmem>>[vector<16xi32>, vector<16xi32>], vector<16xf32>,
        %mul3A_1067 = arith.constant 8 : i32
        %mul3A_1068 = vector.broadcast %mul3A_1067 : i32 to vector<16xi32>
        %mul3A_1069 = arith.muli %iota3A, %mul3A_1068 : vector<16xi32>
        %add3A_1070 = arith.constant 5 : i32
        %add3A_1071 = vector.broadcast %add3A_1070 : i32 to vector<16xi32>
        %add3A_1072 = arith.addi %mul3A_1069, %add3A_1071 : vector<16xi32>
        %gather3A_1073 = tpu.vector_load_idx %arg18[%add3A_252, %add3A_1072] : memref<8x128xf32, #tpu.memory_space<vmem>>[vector<16xi32>, vector<16xi32>], vector<16xf32>,
        %broadcast_in_dim3A_1074 = arith.constant 80 : i32
        %broadcast_in_dim3A_1075 = vector.broadcast %broadcast_in_dim3A_1074 : i32 to vector<16xi32>
        %gather3A_1076 = tpu.vector_load_idx %arg14[%add3A_248, %broadcast_in_dim3A_1075] : memref<80x128xf32, #tpu.memory_space<vmem>>[vector<16xi32>, vector<16xi32>], vector<16xf32>,
        %gather3A_1077 = tpu.vector_load_idx %arg15[%add3A_248, %broadcast_in_dim3A_1075] : memref<80x128xf32, #tpu.memory_space<vmem>>[vector<16xi32>, vector<16xi32>], vector<16xf32>,
        %mul3A_1078 = arith.mulf %gather3A_1076, %gather3A_1077 : vector<16xf32>
        %add3A_1079 = arith.addf %gather3A_1073, %mul3A_1078 : vector<16xf32>
        %broadcast_in_dim3A_1080 = arith.constant 81 : i32
        %broadcast_in_dim3A_1081 = vector.broadcast %broadcast_in_dim3A_1080 : i32 to vector<16xi32>
        %gather3A_1082 = tpu.vector_load_idx %arg14[%add3A_248, %broadcast_in_dim3A_1081] : memref<80x128xf32, #tpu.memory_space<vmem>>[vector<16xi32>, vector<16xi32>], vector<16xf32>,
        %gather3A_1083 = tpu.vector_load_idx %arg15[%add3A_248, %broadcast_in_dim3A_1081] : memref<80x128xf32, #tpu.memory_space<vmem>>[vector<16xi32>, vector<16xi32>], vector<16xf32>,
        %mul3A_1084 = arith.mulf %gather3A_1082, %gather3A_1083 : vector<16xf32>
        %add3A_1085 = arith.addf %add3A_1079, %mul3A_1084 : vector<16xf32>
        %broadcast_in_dim3A_1086 = arith.constant 82 : i32
        %broadcast_in_dim3A_1087 = vector.broadcast %broadcast_in_dim3A_1086 : i32 to vector<16xi32>
        %gather3A_1088 = tpu.vector_load_idx %arg14[%add3A_248, %broadcast_in_dim3A_1087] : memref<80x128xf32, #tpu.memory_space<vmem>>[vector<16xi32>, vector<16xi32>], vector<16xf32>,
        %gather3A_1089 = tpu.vector_load_idx %arg15[%add3A_248, %broadcast_in_dim3A_1087] : memref<80x128xf32, #tpu.memory_space<vmem>>[vector<16xi32>, vector<16xi32>], vector<16xf32>,
        %mul3A_1090 = arith.mulf %gather3A_1088, %gather3A_1089 : vector<16xf32>
        %add3A_1091 = arith.addf %add3A_1085, %mul3A_1090 : vector<16xf32>
        %broadcast_in_dim3A_1092 = arith.constant 83 : i32
        %broadcast_in_dim3A_1093 = vector.broadcast %broadcast_in_dim3A_1092 : i32 to vector<16xi32>
        %gather3A_1094 = tpu.vector_load_idx %arg14[%add3A_248, %broadcast_in_dim3A_1093] : memref<80x128xf32, #tpu.memory_space<vmem>>[vector<16xi32>, vector<16xi32>], vector<16xf32>,
        %gather3A_1095 = tpu.vector_load_idx %arg15[%add3A_248, %broadcast_in_dim3A_1093] : memref<80x128xf32, #tpu.memory_space<vmem>>[vector<16xi32>, vector<16xi32>], vector<16xf32>,
        %mul3A_1096 = arith.mulf %gather3A_1094, %gather3A_1095 : vector<16xf32>
        %add3A_1097 = arith.addf %add3A_1091, %mul3A_1096 : vector<16xf32>
        %broadcast_in_dim3A_1098 = arith.constant 84 : i32
        %broadcast_in_dim3A_1099 = vector.broadcast %broadcast_in_dim3A_1098 : i32 to vector<16xi32>
        %gather3A_1100 = tpu.vector_load_idx %arg14[%add3A_248, %broadcast_in_dim3A_1099] : memref<80x128xf32, #tpu.memory_space<vmem>>[vector<16xi32>, vector<16xi32>], vector<16xf32>,
        %gather3A_1101 = tpu.vector_load_idx %arg15[%add3A_248, %broadcast_in_dim3A_1099] : memref<80x128xf32, #tpu.memory_space<vmem>>[vector<16xi32>, vector<16xi32>], vector<16xf32>,
        %mul3A_1102 = arith.mulf %gather3A_1100, %gather3A_1101 : vector<16xf32>
        %add3A_1103 = arith.addf %add3A_1097, %mul3A_1102 : vector<16xf32>
        %broadcast_in_dim3A_1104 = arith.constant 85 : i32
        %broadcast_in_dim3A_1105 = vector.broadcast %broadcast_in_dim3A_1104 : i32 to vector<16xi32>
        %gather3A_1106 = tpu.vector_load_idx %arg14[%add3A_248, %broadcast_in_dim3A_1105] : memref<80x128xf32, #tpu.memory_space<vmem>>[vector<16xi32>, vector<16xi32>], vector<16xf32>,
        %gather3A_1107 = tpu.vector_load_idx %arg15[%add3A_248, %broadcast_in_dim3A_1105] : memref<80x128xf32, #tpu.memory_space<vmem>>[vector<16xi32>, vector<16xi32>], vector<16xf32>,
        %mul3A_1108 = arith.mulf %gather3A_1106, %gather3A_1107 : vector<16xf32>
        %add3A_1109 = arith.addf %add3A_1103, %mul3A_1108 : vector<16xf32>
        %broadcast_in_dim3A_1110 = arith.constant 86 : i32
        %broadcast_in_dim3A_1111 = vector.broadcast %broadcast_in_dim3A_1110 : i32 to vector<16xi32>
        %gather3A_1112 = tpu.vector_load_idx %arg14[%add3A_248, %broadcast_in_dim3A_1111] : memref<80x128xf32, #tpu.memory_space<vmem>>[vector<16xi32>, vector<16xi32>], vector<16xf32>,
        %gather3A_1113 = tpu.vector_load_idx %arg15[%add3A_248, %broadcast_in_dim3A_1111] : memref<80x128xf32, #tpu.memory_space<vmem>>[vector<16xi32>, vector<16xi32>], vector<16xf32>,
        %mul3A_1114 = arith.mulf %gather3A_1112, %gather3A_1113 : vector<16xf32>
        %add3A_1115 = arith.addf %add3A_1109, %mul3A_1114 : vector<16xf32>
        %broadcast_in_dim3A_1116 = arith.constant 87 : i32
        %broadcast_in_dim3A_1117 = vector.broadcast %broadcast_in_dim3A_1116 : i32 to vector<16xi32>
        %gather3A_1118 = tpu.vector_load_idx %arg14[%add3A_248, %broadcast_in_dim3A_1117] : memref<80x128xf32, #tpu.memory_space<vmem>>[vector<16xi32>, vector<16xi32>], vector<16xf32>,
        %gather3A_1119 = tpu.vector_load_idx %arg15[%add3A_248, %broadcast_in_dim3A_1117] : memref<80x128xf32, #tpu.memory_space<vmem>>[vector<16xi32>, vector<16xi32>], vector<16xf32>,
        %mul3A_1120 = arith.mulf %gather3A_1118, %gather3A_1119 : vector<16xf32>
        %add3A_1121 = arith.addf %add3A_1115, %mul3A_1120 : vector<16xf32>
        %broadcast_in_dim3A_1122 = arith.constant 88 : i32
        %broadcast_in_dim3A_1123 = vector.broadcast %broadcast_in_dim3A_1122 : i32 to vector<16xi32>
        %gather3A_1124 = tpu.vector_load_idx %arg14[%add3A_248, %broadcast_in_dim3A_1123] : memref<80x128xf32, #tpu.memory_space<vmem>>[vector<16xi32>, vector<16xi32>], vector<16xf32>,
        %gather3A_1125 = tpu.vector_load_idx %arg15[%add3A_248, %broadcast_in_dim3A_1123] : memref<80x128xf32, #tpu.memory_space<vmem>>[vector<16xi32>, vector<16xi32>], vector<16xf32>,
        %mul3A_1126 = arith.mulf %gather3A_1124, %gather3A_1125 : vector<16xf32>
        %add3A_1127 = arith.addf %add3A_1121, %mul3A_1126 : vector<16xf32>
        %broadcast_in_dim3A_1128 = arith.constant 89 : i32
        %broadcast_in_dim3A_1129 = vector.broadcast %broadcast_in_dim3A_1128 : i32 to vector<16xi32>
        %gather3A_1130 = tpu.vector_load_idx %arg14[%add3A_248, %broadcast_in_dim3A_1129] : memref<80x128xf32, #tpu.memory_space<vmem>>[vector<16xi32>, vector<16xi32>], vector<16xf32>,
        %gather3A_1131 = tpu.vector_load_idx %arg15[%add3A_248, %broadcast_in_dim3A_1129] : memref<80x128xf32, #tpu.memory_space<vmem>>[vector<16xi32>, vector<16xi32>], vector<16xf32>,
        %mul3A_1132 = arith.mulf %gather3A_1130, %gather3A_1131 : vector<16xf32>
        %add3A_1133 = arith.addf %add3A_1127, %mul3A_1132 : vector<16xf32>
        %broadcast_in_dim3A_1134 = arith.constant 90 : i32
        %broadcast_in_dim3A_1135 = vector.broadcast %broadcast_in_dim3A_1134 : i32 to vector<16xi32>
        %gather3A_1136 = tpu.vector_load_idx %arg14[%add3A_248, %broadcast_in_dim3A_1135] : memref<80x128xf32, #tpu.memory_space<vmem>>[vector<16xi32>, vector<16xi32>], vector<16xf32>,
        %gather3A_1137 = tpu.vector_load_idx %arg15[%add3A_248, %broadcast_in_dim3A_1135] : memref<80x128xf32, #tpu.memory_space<vmem>>[vector<16xi32>, vector<16xi32>], vector<16xf32>,
        %mul3A_1138 = arith.mulf %gather3A_1136, %gather3A_1137 : vector<16xf32>
        %add3A_1139 = arith.addf %add3A_1133, %mul3A_1138 : vector<16xf32>
        %broadcast_in_dim3A_1140 = arith.constant 91 : i32
        %broadcast_in_dim3A_1141 = vector.broadcast %broadcast_in_dim3A_1140 : i32 to vector<16xi32>
        %gather3A_1142 = tpu.vector_load_idx %arg14[%add3A_248, %broadcast_in_dim3A_1141] : memref<80x128xf32, #tpu.memory_space<vmem>>[vector<16xi32>, vector<16xi32>], vector<16xf32>,
        %gather3A_1143 = tpu.vector_load_idx %arg15[%add3A_248, %broadcast_in_dim3A_1141] : memref<80x128xf32, #tpu.memory_space<vmem>>[vector<16xi32>, vector<16xi32>], vector<16xf32>,
        %mul3A_1144 = arith.mulf %gather3A_1142, %gather3A_1143 : vector<16xf32>
        %add3A_1145 = arith.addf %add3A_1139, %mul3A_1144 : vector<16xf32>
        %broadcast_in_dim3A_1146 = arith.constant 92 : i32
        %broadcast_in_dim3A_1147 = vector.broadcast %broadcast_in_dim3A_1146 : i32 to vector<16xi32>
        %gather3A_1148 = tpu.vector_load_idx %arg14[%add3A_248, %broadcast_in_dim3A_1147] : memref<80x128xf32, #tpu.memory_space<vmem>>[vector<16xi32>, vector<16xi32>], vector<16xf32>,
        %gather3A_1149 = tpu.vector_load_idx %arg15[%add3A_248, %broadcast_in_dim3A_1147] : memref<80x128xf32, #tpu.memory_space<vmem>>[vector<16xi32>, vector<16xi32>], vector<16xf32>,
        %mul3A_1150 = arith.mulf %gather3A_1148, %gather3A_1149 : vector<16xf32>
        %add3A_1151 = arith.addf %add3A_1145, %mul3A_1150 : vector<16xf32>
        %broadcast_in_dim3A_1152 = arith.constant 93 : i32
        %broadcast_in_dim3A_1153 = vector.broadcast %broadcast_in_dim3A_1152 : i32 to vector<16xi32>
        %gather3A_1154 = tpu.vector_load_idx %arg14[%add3A_248, %broadcast_in_dim3A_1153] : memref<80x128xf32, #tpu.memory_space<vmem>>[vector<16xi32>, vector<16xi32>], vector<16xf32>,
        %gather3A_1155 = tpu.vector_load_idx %arg15[%add3A_248, %broadcast_in_dim3A_1153] : memref<80x128xf32, #tpu.memory_space<vmem>>[vector<16xi32>, vector<16xi32>], vector<16xf32>,
        %mul3A_1156 = arith.mulf %gather3A_1154, %gather3A_1155 : vector<16xf32>
        %add3A_1157 = arith.addf %add3A_1151, %mul3A_1156 : vector<16xf32>
        %broadcast_in_dim3A_1158 = arith.constant 94 : i32
        %broadcast_in_dim3A_1159 = vector.broadcast %broadcast_in_dim3A_1158 : i32 to vector<16xi32>
        %gather3A_1160 = tpu.vector_load_idx %arg14[%add3A_248, %broadcast_in_dim3A_1159] : memref<80x128xf32, #tpu.memory_space<vmem>>[vector<16xi32>, vector<16xi32>], vector<16xf32>,
        %gather3A_1161 = tpu.vector_load_idx %arg15[%add3A_248, %broadcast_in_dim3A_1159] : memref<80x128xf32, #tpu.memory_space<vmem>>[vector<16xi32>, vector<16xi32>], vector<16xf32>,
        %mul3A_1162 = arith.mulf %gather3A_1160, %gather3A_1161 : vector<16xf32>
        %add3A_1163 = arith.addf %add3A_1157, %mul3A_1162 : vector<16xf32>
        %broadcast_in_dim3A_1164 = arith.constant 95 : i32
        %broadcast_in_dim3A_1165 = vector.broadcast %broadcast_in_dim3A_1164 : i32 to vector<16xi32>
        %gather3A_1166 = tpu.vector_load_idx %arg14[%add3A_248, %broadcast_in_dim3A_1165] : memref<80x128xf32, #tpu.memory_space<vmem>>[vector<16xi32>, vector<16xi32>], vector<16xf32>,
        %gather3A_1167 = tpu.vector_load_idx %arg15[%add3A_248, %broadcast_in_dim3A_1165] : memref<80x128xf32, #tpu.memory_space<vmem>>[vector<16xi32>, vector<16xi32>], vector<16xf32>,
        %mul3A_1168 = arith.mulf %gather3A_1166, %gather3A_1167 : vector<16xf32>
        %add3A_1169 = arith.addf %add3A_1163, %mul3A_1168 : vector<16xf32>
        %exp3A_1170 = math.exp %add3A_1169 : vector<16xf32>
        %broadcast_in_dim3A_1171 = arith.constant 69 : i32
        %broadcast_in_dim3A_1172 = vector.broadcast %broadcast_in_dim3A_1171 : i32 to vector<16xi32>
        tpu.vector_store_idx %arg17[%add3A_248, %broadcast_in_dim3A_1172], %exp3A_1170 : memref<80x80xf32, #tpu.memory_space<vmem>>[vector<16xi32>, vector<16xi32>], vector<16xf32>,
        %mul3A_1173 = arith.constant 8 : i32
        %mul3A_1174 = vector.broadcast %mul3A_1173 : i32 to vector<16xi32>
        %mul3A_1175 = arith.muli %iota3A, %mul3A_1174 : vector<16xi32>
        %add3A_1176 = arith.constant 5 : i32
        %add3A_1177 = vector.broadcast %add3A_1176 : i32 to vector<16xi32>
        %add3A_1178 = arith.addi %mul3A_1175, %add3A_1177 : vector<16xi32>
        tpu.vector_store_idx %arg19[%add3A_252, %add3A_1178], %exp3A_1170 : memref<8x128xf32, #tpu.memory_space<vmem>>[vector<16xi32>, vector<16xi32>], vector<16xf32>,
        %mul3A_1179 = arith.constant 8 : i32
        %mul3A_1180 = vector.broadcast %mul3A_1179 : i32 to vector<16xi32>
        %mul3A_1181 = arith.muli %iota3A, %mul3A_1180 : vector<16xi32>
        %add3A_1182 = arith.constant 6 : i32
        %add3A_1183 = vector.broadcast %add3A_1182 : i32 to vector<16xi32>
        %add3A_1184 = arith.addi %mul3A_1181, %add3A_1183 : vector<16xi32>
        %gather3A_1185 = tpu.vector_load_idx %arg18[%add3A_252, %add3A_1184] : memref<8x128xf32, #tpu.memory_space<vmem>>[vector<16xi32>, vector<16xi32>], vector<16xf32>,
        %broadcast_in_dim3A_1186 = arith.constant 96 : i32
        %broadcast_in_dim3A_1187 = vector.broadcast %broadcast_in_dim3A_1186 : i32 to vector<16xi32>
        %gather3A_1188 = tpu.vector_load_idx %arg14[%add3A_248, %broadcast_in_dim3A_1187] : memref<80x128xf32, #tpu.memory_space<vmem>>[vector<16xi32>, vector<16xi32>], vector<16xf32>,
        %gather3A_1189 = tpu.vector_load_idx %arg15[%add3A_248, %broadcast_in_dim3A_1187] : memref<80x128xf32, #tpu.memory_space<vmem>>[vector<16xi32>, vector<16xi32>], vector<16xf32>,
        %mul3A_1190 = arith.mulf %gather3A_1188, %gather3A_1189 : vector<16xf32>
        %add3A_1191 = arith.addf %gather3A_1185, %mul3A_1190 : vector<16xf32>
        %broadcast_in_dim3A_1192 = arith.constant 97 : i32
        %broadcast_in_dim3A_1193 = vector.broadcast %broadcast_in_dim3A_1192 : i32 to vector<16xi32>
        %gather3A_1194 = tpu.vector_load_idx %arg14[%add3A_248, %broadcast_in_dim3A_1193] : memref<80x128xf32, #tpu.memory_space<vmem>>[vector<16xi32>, vector<16xi32>], vector<16xf32>,
        %gather3A_1195 = tpu.vector_load_idx %arg15[%add3A_248, %broadcast_in_dim3A_1193] : memref<80x128xf32, #tpu.memory_space<vmem>>[vector<16xi32>, vector<16xi32>], vector<16xf32>,
        %mul3A_1196 = arith.mulf %gather3A_1194, %gather3A_1195 : vector<16xf32>
        %add3A_1197 = arith.addf %add3A_1191, %mul3A_1196 : vector<16xf32>
        %broadcast_in_dim3A_1198 = arith.constant 98 : i32
        %broadcast_in_dim3A_1199 = vector.broadcast %broadcast_in_dim3A_1198 : i32 to vector<16xi32>
        %gather3A_1200 = tpu.vector_load_idx %arg14[%add3A_248, %broadcast_in_dim3A_1199] : memref<80x128xf32, #tpu.memory_space<vmem>>[vector<16xi32>, vector<16xi32>], vector<16xf32>,
        %gather3A_1201 = tpu.vector_load_idx %arg15[%add3A_248, %broadcast_in_dim3A_1199] : memref<80x128xf32, #tpu.memory_space<vmem>>[vector<16xi32>, vector<16xi32>], vector<16xf32>,
        %mul3A_1202 = arith.mulf %gather3A_1200, %gather3A_1201 : vector<16xf32>
        %add3A_1203 = arith.addf %add3A_1197, %mul3A_1202 : vector<16xf32>
        %broadcast_in_dim3A_1204 = arith.constant 99 : i32
        %broadcast_in_dim3A_1205 = vector.broadcast %broadcast_in_dim3A_1204 : i32 to vector<16xi32>
        %gather3A_1206 = tpu.vector_load_idx %arg14[%add3A_248, %broadcast_in_dim3A_1205] : memref<80x128xf32, #tpu.memory_space<vmem>>[vector<16xi32>, vector<16xi32>], vector<16xf32>,
        %gather3A_1207 = tpu.vector_load_idx %arg15[%add3A_248, %broadcast_in_dim3A_1205] : memref<80x128xf32, #tpu.memory_space<vmem>>[vector<16xi32>, vector<16xi32>], vector<16xf32>,
        %mul3A_1208 = arith.mulf %gather3A_1206, %gather3A_1207 : vector<16xf32>
        %add3A_1209 = arith.addf %add3A_1203, %mul3A_1208 : vector<16xf32>
        %broadcast_in_dim3A_1210 = arith.constant 100 : i32
        %broadcast_in_dim3A_1211 = vector.broadcast %broadcast_in_dim3A_1210 : i32 to vector<16xi32>
        %gather3A_1212 = tpu.vector_load_idx %arg14[%add3A_248, %broadcast_in_dim3A_1211] : memref<80x128xf32, #tpu.memory_space<vmem>>[vector<16xi32>, vector<16xi32>], vector<16xf32>,
        %gather3A_1213 = tpu.vector_load_idx %arg15[%add3A_248, %broadcast_in_dim3A_1211] : memref<80x128xf32, #tpu.memory_space<vmem>>[vector<16xi32>, vector<16xi32>], vector<16xf32>,
        %mul3A_1214 = arith.mulf %gather3A_1212, %gather3A_1213 : vector<16xf32>
        %add3A_1215 = arith.addf %add3A_1209, %mul3A_1214 : vector<16xf32>
        %broadcast_in_dim3A_1216 = arith.constant 101 : i32
        %broadcast_in_dim3A_1217 = vector.broadcast %broadcast_in_dim3A_1216 : i32 to vector<16xi32>
        %gather3A_1218 = tpu.vector_load_idx %arg14[%add3A_248, %broadcast_in_dim3A_1217] : memref<80x128xf32, #tpu.memory_space<vmem>>[vector<16xi32>, vector<16xi32>], vector<16xf32>,
        %gather3A_1219 = tpu.vector_load_idx %arg15[%add3A_248, %broadcast_in_dim3A_1217] : memref<80x128xf32, #tpu.memory_space<vmem>>[vector<16xi32>, vector<16xi32>], vector<16xf32>,
        %mul3A_1220 = arith.mulf %gather3A_1218, %gather3A_1219 : vector<16xf32>
        %add3A_1221 = arith.addf %add3A_1215, %mul3A_1220 : vector<16xf32>
        %broadcast_in_dim3A_1222 = arith.constant 102 : i32
        %broadcast_in_dim3A_1223 = vector.broadcast %broadcast_in_dim3A_1222 : i32 to vector<16xi32>
        %gather3A_1224 = tpu.vector_load_idx %arg14[%add3A_248, %broadcast_in_dim3A_1223] : memref<80x128xf32, #tpu.memory_space<vmem>>[vector<16xi32>, vector<16xi32>], vector<16xf32>,
        %gather3A_1225 = tpu.vector_load_idx %arg15[%add3A_248, %broadcast_in_dim3A_1223] : memref<80x128xf32, #tpu.memory_space<vmem>>[vector<16xi32>, vector<16xi32>], vector<16xf32>,
        %mul3A_1226 = arith.mulf %gather3A_1224, %gather3A_1225 : vector<16xf32>
        %add3A_1227 = arith.addf %add3A_1221, %mul3A_1226 : vector<16xf32>
        %broadcast_in_dim3A_1228 = arith.constant 103 : i32
        %broadcast_in_dim3A_1229 = vector.broadcast %broadcast_in_dim3A_1228 : i32 to vector<16xi32>
        %gather3A_1230 = tpu.vector_load_idx %arg14[%add3A_248, %broadcast_in_dim3A_1229] : memref<80x128xf32, #tpu.memory_space<vmem>>[vector<16xi32>, vector<16xi32>], vector<16xf32>,
        %gather3A_1231 = tpu.vector_load_idx %arg15[%add3A_248, %broadcast_in_dim3A_1229] : memref<80x128xf32, #tpu.memory_space<vmem>>[vector<16xi32>, vector<16xi32>], vector<16xf32>,
        %mul3A_1232 = arith.mulf %gather3A_1230, %gather3A_1231 : vector<16xf32>
        %add3A_1233 = arith.addf %add3A_1227, %mul3A_1232 : vector<16xf32>
        %broadcast_in_dim3A_1234 = arith.constant 104 : i32
        %broadcast_in_dim3A_1235 = vector.broadcast %broadcast_in_dim3A_1234 : i32 to vector<16xi32>
        %gather3A_1236 = tpu.vector_load_idx %arg14[%add3A_248, %broadcast_in_dim3A_1235] : memref<80x128xf32, #tpu.memory_space<vmem>>[vector<16xi32>, vector<16xi32>], vector<16xf32>,
        %gather3A_1237 = tpu.vector_load_idx %arg15[%add3A_248, %broadcast_in_dim3A_1235] : memref<80x128xf32, #tpu.memory_space<vmem>>[vector<16xi32>, vector<16xi32>], vector<16xf32>,
        %mul3A_1238 = arith.mulf %gather3A_1236, %gather3A_1237 : vector<16xf32>
        %add3A_1239 = arith.addf %add3A_1233, %mul3A_1238 : vector<16xf32>
        %broadcast_in_dim3A_1240 = arith.constant 105 : i32
        %broadcast_in_dim3A_1241 = vector.broadcast %broadcast_in_dim3A_1240 : i32 to vector<16xi32>
        %gather3A_1242 = tpu.vector_load_idx %arg14[%add3A_248, %broadcast_in_dim3A_1241] : memref<80x128xf32, #tpu.memory_space<vmem>>[vector<16xi32>, vector<16xi32>], vector<16xf32>,
        %gather3A_1243 = tpu.vector_load_idx %arg15[%add3A_248, %broadcast_in_dim3A_1241] : memref<80x128xf32, #tpu.memory_space<vmem>>[vector<16xi32>, vector<16xi32>], vector<16xf32>,
        %mul3A_1244 = arith.mulf %gather3A_1242, %gather3A_1243 : vector<16xf32>
        %add3A_1245 = arith.addf %add3A_1239, %mul3A_1244 : vector<16xf32>
        %broadcast_in_dim3A_1246 = arith.constant 106 : i32
        %broadcast_in_dim3A_1247 = vector.broadcast %broadcast_in_dim3A_1246 : i32 to vector<16xi32>
        %gather3A_1248 = tpu.vector_load_idx %arg14[%add3A_248, %broadcast_in_dim3A_1247] : memref<80x128xf32, #tpu.memory_space<vmem>>[vector<16xi32>, vector<16xi32>], vector<16xf32>,
        %gather3A_1249 = tpu.vector_load_idx %arg15[%add3A_248, %broadcast_in_dim3A_1247] : memref<80x128xf32, #tpu.memory_space<vmem>>[vector<16xi32>, vector<16xi32>], vector<16xf32>,
        %mul3A_1250 = arith.mulf %gather3A_1248, %gather3A_1249 : vector<16xf32>
        %add3A_1251 = arith.addf %add3A_1245, %mul3A_1250 : vector<16xf32>
        %broadcast_in_dim3A_1252 = arith.constant 107 : i32
        %broadcast_in_dim3A_1253 = vector.broadcast %broadcast_in_dim3A_1252 : i32 to vector<16xi32>
        %gather3A_1254 = tpu.vector_load_idx %arg14[%add3A_248, %broadcast_in_dim3A_1253] : memref<80x128xf32, #tpu.memory_space<vmem>>[vector<16xi32>, vector<16xi32>], vector<16xf32>,
        %gather3A_1255 = tpu.vector_load_idx %arg15[%add3A_248, %broadcast_in_dim3A_1253] : memref<80x128xf32, #tpu.memory_space<vmem>>[vector<16xi32>, vector<16xi32>], vector<16xf32>,
        %mul3A_1256 = arith.mulf %gather3A_1254, %gather3A_1255 : vector<16xf32>
        %add3A_1257 = arith.addf %add3A_1251, %mul3A_1256 : vector<16xf32>
        %broadcast_in_dim3A_1258 = arith.constant 108 : i32
        %broadcast_in_dim3A_1259 = vector.broadcast %broadcast_in_dim3A_1258 : i32 to vector<16xi32>
        %gather3A_1260 = tpu.vector_load_idx %arg14[%add3A_248, %broadcast_in_dim3A_1259] : memref<80x128xf32, #tpu.memory_space<vmem>>[vector<16xi32>, vector<16xi32>], vector<16xf32>,
        %gather3A_1261 = tpu.vector_load_idx %arg15[%add3A_248, %broadcast_in_dim3A_1259] : memref<80x128xf32, #tpu.memory_space<vmem>>[vector<16xi32>, vector<16xi32>], vector<16xf32>,
        %mul3A_1262 = arith.mulf %gather3A_1260, %gather3A_1261 : vector<16xf32>
        %add3A_1263 = arith.addf %add3A_1257, %mul3A_1262 : vector<16xf32>
        %broadcast_in_dim3A_1264 = arith.constant 109 : i32
        %broadcast_in_dim3A_1265 = vector.broadcast %broadcast_in_dim3A_1264 : i32 to vector<16xi32>
        %gather3A_1266 = tpu.vector_load_idx %arg14[%add3A_248, %broadcast_in_dim3A_1265] : memref<80x128xf32, #tpu.memory_space<vmem>>[vector<16xi32>, vector<16xi32>], vector<16xf32>,
        %gather3A_1267 = tpu.vector_load_idx %arg15[%add3A_248, %broadcast_in_dim3A_1265] : memref<80x128xf32, #tpu.memory_space<vmem>>[vector<16xi32>, vector<16xi32>], vector<16xf32>,
        %mul3A_1268 = arith.mulf %gather3A_1266, %gather3A_1267 : vector<16xf32>
        %add3A_1269 = arith.addf %add3A_1263, %mul3A_1268 : vector<16xf32>
        %broadcast_in_dim3A_1270 = arith.constant 110 : i32
        %broadcast_in_dim3A_1271 = vector.broadcast %broadcast_in_dim3A_1270 : i32 to vector<16xi32>
        %gather3A_1272 = tpu.vector_load_idx %arg14[%add3A_248, %broadcast_in_dim3A_1271] : memref<80x128xf32, #tpu.memory_space<vmem>>[vector<16xi32>, vector<16xi32>], vector<16xf32>,
        %gather3A_1273 = tpu.vector_load_idx %arg15[%add3A_248, %broadcast_in_dim3A_1271] : memref<80x128xf32, #tpu.memory_space<vmem>>[vector<16xi32>, vector<16xi32>], vector<16xf32>,
        %mul3A_1274 = arith.mulf %gather3A_1272, %gather3A_1273 : vector<16xf32>
        %add3A_1275 = arith.addf %add3A_1269, %mul3A_1274 : vector<16xf32>
        %broadcast_in_dim3A_1276 = arith.constant 111 : i32
        %broadcast_in_dim3A_1277 = vector.broadcast %broadcast_in_dim3A_1276 : i32 to vector<16xi32>
        %gather3A_1278 = tpu.vector_load_idx %arg14[%add3A_248, %broadcast_in_dim3A_1277] : memref<80x128xf32, #tpu.memory_space<vmem>>[vector<16xi32>, vector<16xi32>], vector<16xf32>,
        %gather3A_1279 = tpu.vector_load_idx %arg15[%add3A_248, %broadcast_in_dim3A_1277] : memref<80x128xf32, #tpu.memory_space<vmem>>[vector<16xi32>, vector<16xi32>], vector<16xf32>,
        %mul3A_1280 = arith.mulf %gather3A_1278, %gather3A_1279 : vector<16xf32>
        %add3A_1281 = arith.addf %add3A_1275, %mul3A_1280 : vector<16xf32>
        %exp3A_1282 = math.exp %add3A_1281 : vector<16xf32>
        %broadcast_in_dim3A_1283 = arith.constant 70 : i32
        %broadcast_in_dim3A_1284 = vector.broadcast %broadcast_in_dim3A_1283 : i32 to vector<16xi32>
        tpu.vector_store_idx %arg17[%add3A_248, %broadcast_in_dim3A_1284], %exp3A_1282 : memref<80x80xf32, #tpu.memory_space<vmem>>[vector<16xi32>, vector<16xi32>], vector<16xf32>,
        %mul3A_1285 = arith.constant 8 : i32
        %mul3A_1286 = vector.broadcast %mul3A_1285 : i32 to vector<16xi32>
        %mul3A_1287 = arith.muli %iota3A, %mul3A_1286 : vector<16xi32>
        %add3A_1288 = arith.constant 6 : i32
        %add3A_1289 = vector.broadcast %add3A_1288 : i32 to vector<16xi32>
        %add3A_1290 = arith.addi %mul3A_1287, %add3A_1289 : vector<16xi32>
        tpu.vector_store_idx %arg19[%add3A_252, %add3A_1290], %exp3A_1282 : memref<8x128xf32, #tpu.memory_space<vmem>>[vector<16xi32>, vector<16xi32>], vector<16xf32>,
        %mul3A_1291 = arith.constant 8 : i32
        %mul3A_1292 = vector.broadcast %mul3A_1291 : i32 to vector<16xi32>
        %mul3A_1293 = arith.muli %iota3A, %mul3A_1292 : vector<16xi32>
        %add3A_1294 = arith.constant 7 : i32
        %add3A_1295 = vector.broadcast %add3A_1294 : i32 to vector<16xi32>
        %add3A_1296 = arith.addi %mul3A_1293, %add3A_1295 : vector<16xi32>
        %gather3A_1297 = tpu.vector_load_idx %arg18[%add3A_252, %add3A_1296] : memref<8x128xf32, #tpu.memory_space<vmem>>[vector<16xi32>, vector<16xi32>], vector<16xf32>,
        %broadcast_in_dim3A_1298 = arith.constant 112 : i32
        %broadcast_in_dim3A_1299 = vector.broadcast %broadcast_in_dim3A_1298 : i32 to vector<16xi32>
        %gather3A_1300 = tpu.vector_load_idx %arg14[%add3A_248, %broadcast_in_dim3A_1299] : memref<80x128xf32, #tpu.memory_space<vmem>>[vector<16xi32>, vector<16xi32>], vector<16xf32>,
        %gather3A_1301 = tpu.vector_load_idx %arg15[%add3A_248, %broadcast_in_dim3A_1299] : memref<80x128xf32, #tpu.memory_space<vmem>>[vector<16xi32>, vector<16xi32>], vector<16xf32>,
        %mul3A_1302 = arith.mulf %gather3A_1300, %gather3A_1301 : vector<16xf32>
        %add3A_1303 = arith.addf %gather3A_1297, %mul3A_1302 : vector<16xf32>
        %broadcast_in_dim3A_1304 = arith.constant 113 : i32
        %broadcast_in_dim3A_1305 = vector.broadcast %broadcast_in_dim3A_1304 : i32 to vector<16xi32>
        %gather3A_1306 = tpu.vector_load_idx %arg14[%add3A_248, %broadcast_in_dim3A_1305] : memref<80x128xf32, #tpu.memory_space<vmem>>[vector<16xi32>, vector<16xi32>], vector<16xf32>,
        %gather3A_1307 = tpu.vector_load_idx %arg15[%add3A_248, %broadcast_in_dim3A_1305] : memref<80x128xf32, #tpu.memory_space<vmem>>[vector<16xi32>, vector<16xi32>], vector<16xf32>,
        %mul3A_1308 = arith.mulf %gather3A_1306, %gather3A_1307 : vector<16xf32>
        %add3A_1309 = arith.addf %add3A_1303, %mul3A_1308 : vector<16xf32>
        %broadcast_in_dim3A_1310 = arith.constant 114 : i32
        %broadcast_in_dim3A_1311 = vector.broadcast %broadcast_in_dim3A_1310 : i32 to vector<16xi32>
        %gather3A_1312 = tpu.vector_load_idx %arg14[%add3A_248, %broadcast_in_dim3A_1311] : memref<80x128xf32, #tpu.memory_space<vmem>>[vector<16xi32>, vector<16xi32>], vector<16xf32>,
        %gather3A_1313 = tpu.vector_load_idx %arg15[%add3A_248, %broadcast_in_dim3A_1311] : memref<80x128xf32, #tpu.memory_space<vmem>>[vector<16xi32>, vector<16xi32>], vector<16xf32>,
        %mul3A_1314 = arith.mulf %gather3A_1312, %gather3A_1313 : vector<16xf32>
        %add3A_1315 = arith.addf %add3A_1309, %mul3A_1314 : vector<16xf32>
        %broadcast_in_dim3A_1316 = arith.constant 115 : i32
        %broadcast_in_dim3A_1317 = vector.broadcast %broadcast_in_dim3A_1316 : i32 to vector<16xi32>
        %gather3A_1318 = tpu.vector_load_idx %arg14[%add3A_248, %broadcast_in_dim3A_1317] : memref<80x128xf32, #tpu.memory_space<vmem>>[vector<16xi32>, vector<16xi32>], vector<16xf32>,
        %gather3A_1319 = tpu.vector_load_idx %arg15[%add3A_248, %broadcast_in_dim3A_1317] : memref<80x128xf32, #tpu.memory_space<vmem>>[vector<16xi32>, vector<16xi32>], vector<16xf32>,
        %mul3A_1320 = arith.mulf %gather3A_1318, %gather3A_1319 : vector<16xf32>
        %add3A_1321 = arith.addf %add3A_1315, %mul3A_1320 : vector<16xf32>
        %broadcast_in_dim3A_1322 = arith.constant 116 : i32
        %broadcast_in_dim3A_1323 = vector.broadcast %broadcast_in_dim3A_1322 : i32 to vector<16xi32>
        %gather3A_1324 = tpu.vector_load_idx %arg14[%add3A_248, %broadcast_in_dim3A_1323] : memref<80x128xf32, #tpu.memory_space<vmem>>[vector<16xi32>, vector<16xi32>], vector<16xf32>,
        %gather3A_1325 = tpu.vector_load_idx %arg15[%add3A_248, %broadcast_in_dim3A_1323] : memref<80x128xf32, #tpu.memory_space<vmem>>[vector<16xi32>, vector<16xi32>], vector<16xf32>,
        %mul3A_1326 = arith.mulf %gather3A_1324, %gather3A_1325 : vector<16xf32>
        %add3A_1327 = arith.addf %add3A_1321, %mul3A_1326 : vector<16xf32>
        %broadcast_in_dim3A_1328 = arith.constant 117 : i32
        %broadcast_in_dim3A_1329 = vector.broadcast %broadcast_in_dim3A_1328 : i32 to vector<16xi32>
        %gather3A_1330 = tpu.vector_load_idx %arg14[%add3A_248, %broadcast_in_dim3A_1329] : memref<80x128xf32, #tpu.memory_space<vmem>>[vector<16xi32>, vector<16xi32>], vector<16xf32>,
        %gather3A_1331 = tpu.vector_load_idx %arg15[%add3A_248, %broadcast_in_dim3A_1329] : memref<80x128xf32, #tpu.memory_space<vmem>>[vector<16xi32>, vector<16xi32>], vector<16xf32>,
        %mul3A_1332 = arith.mulf %gather3A_1330, %gather3A_1331 : vector<16xf32>
        %add3A_1333 = arith.addf %add3A_1327, %mul3A_1332 : vector<16xf32>
        %broadcast_in_dim3A_1334 = arith.constant 118 : i32
        %broadcast_in_dim3A_1335 = vector.broadcast %broadcast_in_dim3A_1334 : i32 to vector<16xi32>
        %gather3A_1336 = tpu.vector_load_idx %arg14[%add3A_248, %broadcast_in_dim3A_1335] : memref<80x128xf32, #tpu.memory_space<vmem>>[vector<16xi32>, vector<16xi32>], vector<16xf32>,
        %gather3A_1337 = tpu.vector_load_idx %arg15[%add3A_248, %broadcast_in_dim3A_1335] : memref<80x128xf32, #tpu.memory_space<vmem>>[vector<16xi32>, vector<16xi32>], vector<16xf32>,
        %mul3A_1338 = arith.mulf %gather3A_1336, %gather3A_1337 : vector<16xf32>
        %add3A_1339 = arith.addf %add3A_1333, %mul3A_1338 : vector<16xf32>
        %broadcast_in_dim3A_1340 = arith.constant 119 : i32
        %broadcast_in_dim3A_1341 = vector.broadcast %broadcast_in_dim3A_1340 : i32 to vector<16xi32>
        %gather3A_1342 = tpu.vector_load_idx %arg14[%add3A_248, %broadcast_in_dim3A_1341] : memref<80x128xf32, #tpu.memory_space<vmem>>[vector<16xi32>, vector<16xi32>], vector<16xf32>,
        %gather3A_1343 = tpu.vector_load_idx %arg15[%add3A_248, %broadcast_in_dim3A_1341] : memref<80x128xf32, #tpu.memory_space<vmem>>[vector<16xi32>, vector<16xi32>], vector<16xf32>,
        %mul3A_1344 = arith.mulf %gather3A_1342, %gather3A_1343 : vector<16xf32>
        %add3A_1345 = arith.addf %add3A_1339, %mul3A_1344 : vector<16xf32>
        %broadcast_in_dim3A_1346 = arith.constant 120 : i32
        %broadcast_in_dim3A_1347 = vector.broadcast %broadcast_in_dim3A_1346 : i32 to vector<16xi32>
        %gather3A_1348 = tpu.vector_load_idx %arg14[%add3A_248, %broadcast_in_dim3A_1347] : memref<80x128xf32, #tpu.memory_space<vmem>>[vector<16xi32>, vector<16xi32>], vector<16xf32>,
        %gather3A_1349 = tpu.vector_load_idx %arg15[%add3A_248, %broadcast_in_dim3A_1347] : memref<80x128xf32, #tpu.memory_space<vmem>>[vector<16xi32>, vector<16xi32>], vector<16xf32>,
        %mul3A_1350 = arith.mulf %gather3A_1348, %gather3A_1349 : vector<16xf32>
        %add3A_1351 = arith.addf %add3A_1345, %mul3A_1350 : vector<16xf32>
        %broadcast_in_dim3A_1352 = arith.constant 121 : i32
        %broadcast_in_dim3A_1353 = vector.broadcast %broadcast_in_dim3A_1352 : i32 to vector<16xi32>
        %gather3A_1354 = tpu.vector_load_idx %arg14[%add3A_248, %broadcast_in_dim3A_1353] : memref<80x128xf32, #tpu.memory_space<vmem>>[vector<16xi32>, vector<16xi32>], vector<16xf32>,
        %gather3A_1355 = tpu.vector_load_idx %arg15[%add3A_248, %broadcast_in_dim3A_1353] : memref<80x128xf32, #tpu.memory_space<vmem>>[vector<16xi32>, vector<16xi32>], vector<16xf32>,
        %mul3A_1356 = arith.mulf %gather3A_1354, %gather3A_1355 : vector<16xf32>
        %add3A_1357 = arith.addf %add3A_1351, %mul3A_1356 : vector<16xf32>
        %broadcast_in_dim3A_1358 = arith.constant 122 : i32
        %broadcast_in_dim3A_1359 = vector.broadcast %broadcast_in_dim3A_1358 : i32 to vector<16xi32>
        %gather3A_1360 = tpu.vector_load_idx %arg14[%add3A_248, %broadcast_in_dim3A_1359] : memref<80x128xf32, #tpu.memory_space<vmem>>[vector<16xi32>, vector<16xi32>], vector<16xf32>,
        %gather3A_1361 = tpu.vector_load_idx %arg15[%add3A_248, %broadcast_in_dim3A_1359] : memref<80x128xf32, #tpu.memory_space<vmem>>[vector<16xi32>, vector<16xi32>], vector<16xf32>,
        %mul3A_1362 = arith.mulf %gather3A_1360, %gather3A_1361 : vector<16xf32>
        %add3A_1363 = arith.addf %add3A_1357, %mul3A_1362 : vector<16xf32>
        %broadcast_in_dim3A_1364 = arith.constant 123 : i32
        %broadcast_in_dim3A_1365 = vector.broadcast %broadcast_in_dim3A_1364 : i32 to vector<16xi32>
        %gather3A_1366 = tpu.vector_load_idx %arg14[%add3A_248, %broadcast_in_dim3A_1365] : memref<80x128xf32, #tpu.memory_space<vmem>>[vector<16xi32>, vector<16xi32>], vector<16xf32>,
        %gather3A_1367 = tpu.vector_load_idx %arg15[%add3A_248, %broadcast_in_dim3A_1365] : memref<80x128xf32, #tpu.memory_space<vmem>>[vector<16xi32>, vector<16xi32>], vector<16xf32>,
        %mul3A_1368 = arith.mulf %gather3A_1366, %gather3A_1367 : vector<16xf32>
        %add3A_1369 = arith.addf %add3A_1363, %mul3A_1368 : vector<16xf32>
        %broadcast_in_dim3A_1370 = arith.constant 124 : i32
        %broadcast_in_dim3A_1371 = vector.broadcast %broadcast_in_dim3A_1370 : i32 to vector<16xi32>
        %gather3A_1372 = tpu.vector_load_idx %arg14[%add3A_248, %broadcast_in_dim3A_1371] : memref<80x128xf32, #tpu.memory_space<vmem>>[vector<16xi32>, vector<16xi32>], vector<16xf32>,
        %gather3A_1373 = tpu.vector_load_idx %arg15[%add3A_248, %broadcast_in_dim3A_1371] : memref<80x128xf32, #tpu.memory_space<vmem>>[vector<16xi32>, vector<16xi32>], vector<16xf32>,
        %mul3A_1374 = arith.mulf %gather3A_1372, %gather3A_1373 : vector<16xf32>
        %add3A_1375 = arith.addf %add3A_1369, %mul3A_1374 : vector<16xf32>
        %broadcast_in_dim3A_1376 = arith.constant 125 : i32
        %broadcast_in_dim3A_1377 = vector.broadcast %broadcast_in_dim3A_1376 : i32 to vector<16xi32>
        %gather3A_1378 = tpu.vector_load_idx %arg14[%add3A_248, %broadcast_in_dim3A_1377] : memref<80x128xf32, #tpu.memory_space<vmem>>[vector<16xi32>, vector<16xi32>], vector<16xf32>,
        %gather3A_1379 = tpu.vector_load_idx %arg15[%add3A_248, %broadcast_in_dim3A_1377] : memref<80x128xf32, #tpu.memory_space<vmem>>[vector<16xi32>, vector<16xi32>], vector<16xf32>,
        %mul3A_1380 = arith.mulf %gather3A_1378, %gather3A_1379 : vector<16xf32>
        %add3A_1381 = arith.addf %add3A_1375, %mul3A_1380 : vector<16xf32>
        %broadcast_in_dim3A_1382 = arith.constant 126 : i32
        %broadcast_in_dim3A_1383 = vector.broadcast %broadcast_in_dim3A_1382 : i32 to vector<16xi32>
        %gather3A_1384 = tpu.vector_load_idx %arg14[%add3A_248, %broadcast_in_dim3A_1383] : memref<80x128xf32, #tpu.memory_space<vmem>>[vector<16xi32>, vector<16xi32>], vector<16xf32>,
        %gather3A_1385 = tpu.vector_load_idx %arg15[%add3A_248, %broadcast_in_dim3A_1383] : memref<80x128xf32, #tpu.memory_space<vmem>>[vector<16xi32>, vector<16xi32>], vector<16xf32>,
        %mul3A_1386 = arith.mulf %gather3A_1384, %gather3A_1385 : vector<16xf32>
        %add3A_1387 = arith.addf %add3A_1381, %mul3A_1386 : vector<16xf32>
        %broadcast_in_dim3A_1388 = arith.constant 127 : i32
        %broadcast_in_dim3A_1389 = vector.broadcast %broadcast_in_dim3A_1388 : i32 to vector<16xi32>
        %gather3A_1390 = tpu.vector_load_idx %arg14[%add3A_248, %broadcast_in_dim3A_1389] : memref<80x128xf32, #tpu.memory_space<vmem>>[vector<16xi32>, vector<16xi32>], vector<16xf32>,
        %gather3A_1391 = tpu.vector_load_idx %arg15[%add3A_248, %broadcast_in_dim3A_1389] : memref<80x128xf32, #tpu.memory_space<vmem>>[vector<16xi32>, vector<16xi32>], vector<16xf32>,
        %mul3A_1392 = arith.mulf %gather3A_1390, %gather3A_1391 : vector<16xf32>
        %add3A_1393 = arith.addf %add3A_1387, %mul3A_1392 : vector<16xf32>
        %exp3A_1394 = math.exp %add3A_1393 : vector<16xf32>
        %broadcast_in_dim3A_1395 = arith.constant 71 : i32
        %broadcast_in_dim3A_1396 = vector.broadcast %broadcast_in_dim3A_1395 : i32 to vector<16xi32>
        tpu.vector_store_idx %arg17[%add3A_248, %broadcast_in_dim3A_1396], %exp3A_1394 : memref<80x80xf32, #tpu.memory_space<vmem>>[vector<16xi32>, vector<16xi32>], vector<16xf32>,
        %mul3A_1397 = arith.constant 8 : i32
        %mul3A_1398 = vector.broadcast %mul3A_1397 : i32 to vector<16xi32>
        %mul3A_1399 = arith.muli %iota3A, %mul3A_1398 : vector<16xi32>
        %add3A_1400 = arith.constant 7 : i32
        %add3A_1401 = vector.broadcast %add3A_1400 : i32 to vector<16xi32>
        %add3A_1402 = arith.addi %mul3A_1399, %add3A_1401 : vector<16xi32>
        tpu.vector_store_idx %arg19[%add3A_252, %add3A_1402], %exp3A_1394 : memref<8x128xf32, #tpu.memory_space<vmem>>[vector<16xi32>, vector<16xi32>], vector<16xf32>,
      }
      %scan3A_243 = arith.constant 5 : i32
      "tpu.region"() ({
        %run_scoped3A = tpu.sem_alloc : memref<!tpu.dma_semaphore, #tpu.memory_space<semaphore_mem>>
        %dma_start3A_244 = arith.constant 0 : i32
        %dma_start3A_245 = tpu.memref_slice %arg11[%mul3A_221, %dma_start3A_244] : memref<32000x128xf32, #tpu.memory_space<hbm>> -> memref<8x128xf32, #tpu.memory_space<hbm>>
        %dma_start3A_246 = arith.constant 0 : i32
        %dma_start3A_247 = tpu.memref_slice %arg11[%mul3A_221, %dma_start3A_246] : memref<32000x128xf32, #tpu.memory_space<hbm>> -> memref<8x128xf32, #tpu.memory_space<hbm>>
        tpu.enqueue_dma source(%arg19 : memref<8x128xf32, #tpu.memory_space<vmem>>) target(%dma_start3A_247 : memref<8x128xf32, #tpu.memory_space<hbm>>) target_semaphore(%run_scoped3A : memref<!tpu.dma_semaphore, #tpu.memory_space<semaphore_mem>>)
        %dma_wait3A_248 = arith.constant 0 : i32
        %dma_wait3A_249 = tpu.memref_slice %arg11[%mul3A_221, %dma_wait3A_248] : memref<32000x128xf32, #tpu.memory_space<hbm>> -> memref<8x128xf32, #tpu.memory_space<hbm>>
        %dma_wait3A_250 = arith.constant 0 : i32
        %dma_wait3A_251 = tpu.memref_slice %arg11[%mul3A_221, %dma_wait3A_250] : memref<32000x128xf32, #tpu.memory_space<hbm>> -> memref<8x128xf32, #tpu.memory_space<hbm>>
        tpu.wait_dma2 semaphore(%run_scoped3A : memref<!tpu.dma_semaphore, #tpu.memory_space<semaphore_mem>>) src(%arg19 : memref<8x128xf32, #tpu.memory_space<vmem>>) dst(%dma_wait3A_251 : memref<8x128xf32, #tpu.memory_space<hbm>>)
        tpu.yield
      }) : () -> ()
      "tpu.region"() ({
        %run_scoped3A = tpu.sem_alloc : memref<!tpu.dma_semaphore, #tpu.memory_space<semaphore_mem>>
        %dma_start3A_244 = arith.constant 0 : i32
        %dma_start3A_245 = arith.constant 0 : i32
        %dma_start3A_246 = tpu.memref_slice %arg21[%dma_start3A_244, %dma_start3A_245] : memref<10240x80xf32, #tpu.memory_space<vmem_shared>> -> memref<10240x80xf32, #tpu.memory_space<vmem_shared>>
        tpu.enqueue_indirect_dma source(%arg17 : memref<80x80xf32, #tpu.memory_space<vmem>>) target(%dma_start3A_246 : memref<10240x80xf32, #tpu.memory_space<vmem_shared>>) offsets(%arg13 : memref<80xi32, #tpu.memory_space<vmem>>) semaphore(%run_scoped3A : memref<!tpu.dma_semaphore, #tpu.memory_space<semaphore_mem>>) {add = true}
        %dma_wait3A_247 = arith.constant 0 : i32
        %dma_wait3A_248 = arith.constant 0 : i32
        %dma_wait3A_249 = tpu.memref_slice %arg21[%dma_wait3A_247, %dma_wait3A_248] : memref<10240x80xf32, #tpu.memory_space<vmem_shared>> -> memref<10240x80xf32, #tpu.memory_space<vmem_shared>>
        tpu.wait_indirect_dma semaphore(%run_scoped3A : memref<!tpu.dma_semaphore, #tpu.memory_space<semaphore_mem>>) src(%arg17 : memref<80x80xf32, #tpu.memory_space<vmem>>) dst(%dma_wait3A_249 : memref<10240x80xf32, #tpu.memory_space<vmem_shared>>)
        tpu.yield
      }) : () -> ()
    }
    %scan3A_104 = arith.constant 125 : i32
    %barrier3A_105 = arith.constant 0 : index
    tpu.barrier barrier_id(%barrier3A_105)
    "tpu.region"() ({
      %run_scoped3A = tpu.sem_alloc : memref<!tpu.dma_semaphore, #tpu.memory_space<semaphore_mem>>
      %dma_start3A = arith.constant 0 : i32
      %dma_start3A_209 = tpu.memref_slice %arg9[%arg0, %mul3A_2, %dma_start3A] : memref<2x10240x80xf32, #tpu.memory_space<hbm>> -> memref<1x640x80xf32, #tpu.memory_space<hbm>>
      %dma_start3A_210 = tpu.memref_squeeze %dma_start3A_209 : memref<1x640x80xf32, #tpu.memory_space<hbm>> -> memref<640x80xf32, #tpu.memory_space<hbm>>
      %dma_start3A_211 = arith.constant 0 : i32
      %dma_start3A_212 = tpu.memref_slice %arg21[%mul3A_2, %dma_start3A_211] : memref<10240x80xf32, #tpu.memory_space<vmem_shared>> -> memref<640x80xf32, #tpu.memory_space<vmem_shared>>
      tpu.enqueue_dma source(%dma_start3A_212 : memref<640x80xf32, #tpu.memory_space<vmem_shared>>) target(%dma_start3A_210 : memref<640x80xf32, #tpu.memory_space<hbm>>) target_semaphore(%run_scoped3A : memref<!tpu.dma_semaphore, #tpu.memory_space<semaphore_mem>>)
      %dma_wait3A = arith.constant 0 : i32
      %dma_wait3A_213 = tpu.memref_slice %arg9[%arg0, %mul3A_2, %dma_wait3A] : memref<2x10240x80xf32, #tpu.memory_space<hbm>> -> memref<1x640x80xf32, #tpu.memory_space<hbm>>
      %dma_wait3A_214 = tpu.memref_squeeze %dma_wait3A_213 : memref<1x640x80xf32, #tpu.memory_space<hbm>> -> memref<640x80xf32, #tpu.memory_space<hbm>>
      %dma_wait3A_215 = arith.constant 0 : i32
      %dma_wait3A_216 = tpu.memref_slice %arg21[%mul3A_2, %dma_wait3A_215] : memref<10240x80xf32, #tpu.memory_space<vmem_shared>> -> memref<640x80xf32, #tpu.memory_space<vmem_shared>>
      tpu.wait_dma2 semaphore(%run_scoped3A : memref<!tpu.dma_semaphore, #tpu.memory_space<semaphore_mem>>) src(%dma_wait3A_216 : memref<640x80xf32, #tpu.memory_space<vmem_shared>>) dst(%dma_wait3A_214 : memref<640x80xf32, #tpu.memory_space<hbm>>)
      tpu.yield
    }) : () -> ()
    %barrier3A_106 = arith.constant 0 : index
    tpu.barrier barrier_id(%barrier3A_106)
    "tpu.region"() ({
      %run_scoped3A = tpu.sem_alloc : memref<!tpu.dma_semaphore, #tpu.memory_space<semaphore_mem>>
      %dma_start3A = arith.constant 0 : i32
      %dma_start3A_209 = tpu.memref_slice %arg21[%mul3A_2, %dma_start3A] : memref<10240x80xf32, #tpu.memory_space<vmem_shared>> -> memref<640x80xf32, #tpu.memory_space<vmem_shared>>
      %dma_start3A_210 = arith.constant 0 : i32
      %dma_start3A_211 = tpu.memref_slice %arg8[%mul3A_2, %dma_start3A_210] : memref<10240x80xf32, #tpu.memory_space<hbm>> -> memref<640x80xf32, #tpu.memory_space<hbm>>
      tpu.enqueue_dma source(%dma_start3A_211 : memref<640x80xf32, #tpu.memory_space<hbm>>) target(%dma_start3A_209 : memref<640x80xf32, #tpu.memory_space<vmem_shared>>) target_semaphore(%run_scoped3A : memref<!tpu.dma_semaphore, #tpu.memory_space<semaphore_mem>>)
      %dma_wait3A = arith.constant 0 : i32
      %dma_wait3A_212 = tpu.memref_slice %arg21[%mul3A_2, %dma_wait3A] : memref<10240x80xf32, #tpu.memory_space<vmem_shared>> -> memref<640x80xf32, #tpu.memory_space<vmem_shared>>
      %dma_wait3A_213 = arith.constant 0 : i32
      %dma_wait3A_214 = tpu.memref_slice %arg8[%mul3A_2, %dma_wait3A_213] : memref<10240x80xf32, #tpu.memory_space<hbm>> -> memref<640x80xf32, #tpu.memory_space<hbm>>
      tpu.wait_dma2 semaphore(%run_scoped3A : memref<!tpu.dma_semaphore, #tpu.memory_space<semaphore_mem>>) src(%dma_wait3A_214 : memref<640x80xf32, #tpu.memory_space<hbm>>) dst(%dma_wait3A_212 : memref<640x80xf32, #tpu.memory_space<vmem_shared>>)
      tpu.yield
    }) : () -> ()
    %add3A_107 = arith.constant 0 : i32
    %add3A_108 = vector.broadcast %add3A_107 : i32 to vector<16xi32>
    %add3A_109 = arith.addi %iota3A, %add3A_108 : vector<16xi32>
    %broadcast_in_dim3A_110 = arith.constant 64 : i32
    %broadcast_in_dim3A_111 = vector.broadcast %broadcast_in_dim3A_110 : i32 to vector<16xi32>
    tpu.vector_store_idx %arg17[%add3A_109, %broadcast_in_dim3A_111], %broadcast_in_dim3A_5 : memref<80x80xf32, #tpu.memory_space<vmem>>[vector<16xi32>, vector<16xi32>], vector<16xf32>,
    %broadcast_in_dim3A_112 = arith.constant 65 : i32
    %broadcast_in_dim3A_113 = vector.broadcast %broadcast_in_dim3A_112 : i32 to vector<16xi32>
    tpu.vector_store_idx %arg17[%add3A_109, %broadcast_in_dim3A_113], %broadcast_in_dim3A_5 : memref<80x80xf32, #tpu.memory_space<vmem>>[vector<16xi32>, vector<16xi32>], vector<16xf32>,
    %broadcast_in_dim3A_114 = arith.constant 66 : i32
    %broadcast_in_dim3A_115 = vector.broadcast %broadcast_in_dim3A_114 : i32 to vector<16xi32>
    tpu.vector_store_idx %arg17[%add3A_109, %broadcast_in_dim3A_115], %broadcast_in_dim3A_5 : memref<80x80xf32, #tpu.memory_space<vmem>>[vector<16xi32>, vector<16xi32>], vector<16xf32>,
    %broadcast_in_dim3A_116 = arith.constant 67 : i32
    %broadcast_in_dim3A_117 = vector.broadcast %broadcast_in_dim3A_116 : i32 to vector<16xi32>
    tpu.vector_store_idx %arg17[%add3A_109, %broadcast_in_dim3A_117], %broadcast_in_dim3A_5 : memref<80x80xf32, #tpu.memory_space<vmem>>[vector<16xi32>, vector<16xi32>], vector<16xf32>,
    %broadcast_in_dim3A_118 = arith.constant 68 : i32
    %broadcast_in_dim3A_119 = vector.broadcast %broadcast_in_dim3A_118 : i32 to vector<16xi32>
    tpu.vector_store_idx %arg17[%add3A_109, %broadcast_in_dim3A_119], %broadcast_in_dim3A_5 : memref<80x80xf32, #tpu.memory_space<vmem>>[vector<16xi32>, vector<16xi32>], vector<16xf32>,
    %broadcast_in_dim3A_120 = arith.constant 69 : i32
    %broadcast_in_dim3A_121 = vector.broadcast %broadcast_in_dim3A_120 : i32 to vector<16xi32>
    tpu.vector_store_idx %arg17[%add3A_109, %broadcast_in_dim3A_121], %broadcast_in_dim3A_5 : memref<80x80xf32, #tpu.memory_space<vmem>>[vector<16xi32>, vector<16xi32>], vector<16xf32>,
    %broadcast_in_dim3A_122 = arith.constant 70 : i32
    %broadcast_in_dim3A_123 = vector.broadcast %broadcast_in_dim3A_122 : i32 to vector<16xi32>
    tpu.vector_store_idx %arg17[%add3A_109, %broadcast_in_dim3A_123], %broadcast_in_dim3A_5 : memref<80x80xf32, #tpu.memory_space<vmem>>[vector<16xi32>, vector<16xi32>], vector<16xf32>,
    %broadcast_in_dim3A_124 = arith.constant 71 : i32
    %broadcast_in_dim3A_125 = vector.broadcast %broadcast_in_dim3A_124 : i32 to vector<16xi32>
    tpu.vector_store_idx %arg17[%add3A_109, %broadcast_in_dim3A_125], %broadcast_in_dim3A_5 : memref<80x80xf32, #tpu.memory_space<vmem>>[vector<16xi32>, vector<16xi32>], vector<16xf32>,
    %add3A_126 = arith.constant 16 : i32
    %add3A_127 = vector.broadcast %add3A_126 : i32 to vector<16xi32>
    %add3A_128 = arith.addi %iota3A, %add3A_127 : vector<16xi32>
    %broadcast_in_dim3A_129 = arith.constant 64 : i32
    %broadcast_in_dim3A_130 = vector.broadcast %broadcast_in_dim3A_129 : i32 to vector<16xi32>
    tpu.vector_store_idx %arg17[%add3A_128, %broadcast_in_dim3A_130], %broadcast_in_dim3A_5 : memref<80x80xf32, #tpu.memory_space<vmem>>[vector<16xi32>, vector<16xi32>], vector<16xf32>,
    %broadcast_in_dim3A_131 = arith.constant 65 : i32
    %broadcast_in_dim3A_132 = vector.broadcast %broadcast_in_dim3A_131 : i32 to vector<16xi32>
    tpu.vector_store_idx %arg17[%add3A_128, %broadcast_in_dim3A_132], %broadcast_in_dim3A_5 : memref<80x80xf32, #tpu.memory_space<vmem>>[vector<16xi32>, vector<16xi32>], vector<16xf32>,
    %broadcast_in_dim3A_133 = arith.constant 66 : i32
    %broadcast_in_dim3A_134 = vector.broadcast %broadcast_in_dim3A_133 : i32 to vector<16xi32>
    tpu.vector_store_idx %arg17[%add3A_128, %broadcast_in_dim3A_134], %broadcast_in_dim3A_5 : memref<80x80xf32, #tpu.memory_space<vmem>>[vector<16xi32>, vector<16xi32>], vector<16xf32>,
    %broadcast_in_dim3A_135 = arith.constant 67 : i32
    %broadcast_in_dim3A_136 = vector.broadcast %broadcast_in_dim3A_135 : i32 to vector<16xi32>
    tpu.vector_store_idx %arg17[%add3A_128, %broadcast_in_dim3A_136], %broadcast_in_dim3A_5 : memref<80x80xf32, #tpu.memory_space<vmem>>[vector<16xi32>, vector<16xi32>], vector<16xf32>,
    %broadcast_in_dim3A_137 = arith.constant 68 : i32
    %broadcast_in_dim3A_138 = vector.broadcast %broadcast_in_dim3A_137 : i32 to vector<16xi32>
    tpu.vector_store_idx %arg17[%add3A_128, %broadcast_in_dim3A_138], %broadcast_in_dim3A_5 : memref<80x80xf32, #tpu.memory_space<vmem>>[vector<16xi32>, vector<16xi32>], vector<16xf32>,
    %broadcast_in_dim3A_139 = arith.constant 69 : i32
    %broadcast_in_dim3A_140 = vector.broadcast %broadcast_in_dim3A_139 : i32 to vector<16xi32>
    tpu.vector_store_idx %arg17[%add3A_128, %broadcast_in_dim3A_140], %broadcast_in_dim3A_5 : memref<80x80xf32, #tpu.memory_space<vmem>>[vector<16xi32>, vector<16xi32>], vector<16xf32>,
    %broadcast_in_dim3A_141 = arith.constant 70 : i32
    %broadcast_in_dim3A_142 = vector.broadcast %broadcast_in_dim3A_141 : i32 to vector<16xi32>
    tpu.vector_store_idx %arg17[%add3A_128, %broadcast_in_dim3A_142], %broadcast_in_dim3A_5 : memref<80x80xf32, #tpu.memory_space<vmem>>[vector<16xi32>, vector<16xi32>], vector<16xf32>,
    %broadcast_in_dim3A_143 = arith.constant 71 : i32
    %broadcast_in_dim3A_144 = vector.broadcast %broadcast_in_dim3A_143 : i32 to vector<16xi32>
    tpu.vector_store_idx %arg17[%add3A_128, %broadcast_in_dim3A_144], %broadcast_in_dim3A_5 : memref<80x80xf32, #tpu.memory_space<vmem>>[vector<16xi32>, vector<16xi32>], vector<16xf32>,
    %add3A_145 = arith.constant 32 : i32
    %add3A_146 = vector.broadcast %add3A_145 : i32 to vector<16xi32>
    %add3A_147 = arith.addi %iota3A, %add3A_146 : vector<16xi32>
    %broadcast_in_dim3A_148 = arith.constant 64 : i32
    %broadcast_in_dim3A_149 = vector.broadcast %broadcast_in_dim3A_148 : i32 to vector<16xi32>
    tpu.vector_store_idx %arg17[%add3A_147, %broadcast_in_dim3A_149], %broadcast_in_dim3A_5 : memref<80x80xf32, #tpu.memory_space<vmem>>[vector<16xi32>, vector<16xi32>], vector<16xf32>,
    %broadcast_in_dim3A_150 = arith.constant 65 : i32
    %broadcast_in_dim3A_151 = vector.broadcast %broadcast_in_dim3A_150 : i32 to vector<16xi32>
    tpu.vector_store_idx %arg17[%add3A_147, %broadcast_in_dim3A_151], %broadcast_in_dim3A_5 : memref<80x80xf32, #tpu.memory_space<vmem>>[vector<16xi32>, vector<16xi32>], vector<16xf32>,
    %broadcast_in_dim3A_152 = arith.constant 66 : i32
    %broadcast_in_dim3A_153 = vector.broadcast %broadcast_in_dim3A_152 : i32 to vector<16xi32>
    tpu.vector_store_idx %arg17[%add3A_147, %broadcast_in_dim3A_153], %broadcast_in_dim3A_5 : memref<80x80xf32, #tpu.memory_space<vmem>>[vector<16xi32>, vector<16xi32>], vector<16xf32>,
    %broadcast_in_dim3A_154 = arith.constant 67 : i32
    %broadcast_in_dim3A_155 = vector.broadcast %broadcast_in_dim3A_154 : i32 to vector<16xi32>
    tpu.vector_store_idx %arg17[%add3A_147, %broadcast_in_dim3A_155], %broadcast_in_dim3A_5 : memref<80x80xf32, #tpu.memory_space<vmem>>[vector<16xi32>, vector<16xi32>], vector<16xf32>,
    %broadcast_in_dim3A_156 = arith.constant 68 : i32
    %broadcast_in_dim3A_157 = vector.broadcast %broadcast_in_dim3A_156 : i32 to vector<16xi32>
    tpu.vector_store_idx %arg17[%add3A_147, %broadcast_in_dim3A_157], %broadcast_in_dim3A_5 : memref<80x80xf32, #tpu.memory_space<vmem>>[vector<16xi32>, vector<16xi32>], vector<16xf32>,
    %broadcast_in_dim3A_158 = arith.constant 69 : i32
    %broadcast_in_dim3A_159 = vector.broadcast %broadcast_in_dim3A_158 : i32 to vector<16xi32>
    tpu.vector_store_idx %arg17[%add3A_147, %broadcast_in_dim3A_159], %broadcast_in_dim3A_5 : memref<80x80xf32, #tpu.memory_space<vmem>>[vector<16xi32>, vector<16xi32>], vector<16xf32>,
    %broadcast_in_dim3A_160 = arith.constant 70 : i32
    %broadcast_in_dim3A_161 = vector.broadcast %broadcast_in_dim3A_160 : i32 to vector<16xi32>
    tpu.vector_store_idx %arg17[%add3A_147, %broadcast_in_dim3A_161], %broadcast_in_dim3A_5 : memref<80x80xf32, #tpu.memory_space<vmem>>[vector<16xi32>, vector<16xi32>], vector<16xf32>,
    %broadcast_in_dim3A_162 = arith.constant 71 : i32
    %broadcast_in_dim3A_163 = vector.broadcast %broadcast_in_dim3A_162 : i32 to vector<16xi32>
    tpu.vector_store_idx %arg17[%add3A_147, %broadcast_in_dim3A_163], %broadcast_in_dim3A_5 : memref<80x80xf32, #tpu.memory_space<vmem>>[vector<16xi32>, vector<16xi32>], vector<16xf32>,
    %add3A_164 = arith.constant 48 : i32
    %add3A_165 = vector.broadcast %add3A_164 : i32 to vector<16xi32>
    %add3A_166 = arith.addi %iota3A, %add3A_165 : vector<16xi32>
    %broadcast_in_dim3A_167 = arith.constant 64 : i32
    %broadcast_in_dim3A_168 = vector.broadcast %broadcast_in_dim3A_167 : i32 to vector<16xi32>
    tpu.vector_store_idx %arg17[%add3A_166, %broadcast_in_dim3A_168], %broadcast_in_dim3A_5 : memref<80x80xf32, #tpu.memory_space<vmem>>[vector<16xi32>, vector<16xi32>], vector<16xf32>,
    %broadcast_in_dim3A_169 = arith.constant 65 : i32
    %broadcast_in_dim3A_170 = vector.broadcast %broadcast_in_dim3A_169 : i32 to vector<16xi32>
    tpu.vector_store_idx %arg17[%add3A_166, %broadcast_in_dim3A_170], %broadcast_in_dim3A_5 : memref<80x80xf32, #tpu.memory_space<vmem>>[vector<16xi32>, vector<16xi32>], vector<16xf32>,
    %broadcast_in_dim3A_171 = arith.constant 66 : i32
    %broadcast_in_dim3A_172 = vector.broadcast %broadcast_in_dim3A_171 : i32 to vector<16xi32>
    tpu.vector_store_idx %arg17[%add3A_166, %broadcast_in_dim3A_172], %broadcast_in_dim3A_5 : memref<80x80xf32, #tpu.memory_space<vmem>>[vector<16xi32>, vector<16xi32>], vector<16xf32>,
    %broadcast_in_dim3A_173 = arith.constant 67 : i32
    %broadcast_in_dim3A_174 = vector.broadcast %broadcast_in_dim3A_173 : i32 to vector<16xi32>
    tpu.vector_store_idx %arg17[%add3A_166, %broadcast_in_dim3A_174], %broadcast_in_dim3A_5 : memref<80x80xf32, #tpu.memory_space<vmem>>[vector<16xi32>, vector<16xi32>], vector<16xf32>,
    %broadcast_in_dim3A_175 = arith.constant 68 : i32
    %broadcast_in_dim3A_176 = vector.broadcast %broadcast_in_dim3A_175 : i32 to vector<16xi32>
    tpu.vector_store_idx %arg17[%add3A_166, %broadcast_in_dim3A_176], %broadcast_in_dim3A_5 : memref<80x80xf32, #tpu.memory_space<vmem>>[vector<16xi32>, vector<16xi32>], vector<16xf32>,
    %broadcast_in_dim3A_177 = arith.constant 69 : i32
    %broadcast_in_dim3A_178 = vector.broadcast %broadcast_in_dim3A_177 : i32 to vector<16xi32>
    tpu.vector_store_idx %arg17[%add3A_166, %broadcast_in_dim3A_178], %broadcast_in_dim3A_5 : memref<80x80xf32, #tpu.memory_space<vmem>>[vector<16xi32>, vector<16xi32>], vector<16xf32>,
    %broadcast_in_dim3A_179 = arith.constant 70 : i32
    %broadcast_in_dim3A_180 = vector.broadcast %broadcast_in_dim3A_179 : i32 to vector<16xi32>
    tpu.vector_store_idx %arg17[%add3A_166, %broadcast_in_dim3A_180], %broadcast_in_dim3A_5 : memref<80x80xf32, #tpu.memory_space<vmem>>[vector<16xi32>, vector<16xi32>], vector<16xf32>,
    %broadcast_in_dim3A_181 = arith.constant 71 : i32
    %broadcast_in_dim3A_182 = vector.broadcast %broadcast_in_dim3A_181 : i32 to vector<16xi32>
    tpu.vector_store_idx %arg17[%add3A_166, %broadcast_in_dim3A_182], %broadcast_in_dim3A_5 : memref<80x80xf32, #tpu.memory_space<vmem>>[vector<16xi32>, vector<16xi32>], vector<16xf32>,
    %add3A_183 = arith.constant 64 : i32
    %add3A_184 = vector.broadcast %add3A_183 : i32 to vector<16xi32>
    %add3A_185 = arith.addi %iota3A, %add3A_184 : vector<16xi32>
    %broadcast_in_dim3A_186 = arith.constant 64 : i32
    %broadcast_in_dim3A_187 = vector.broadcast %broadcast_in_dim3A_186 : i32 to vector<16xi32>
    tpu.vector_store_idx %arg17[%add3A_185, %broadcast_in_dim3A_187], %broadcast_in_dim3A_5 : memref<80x80xf32, #tpu.memory_space<vmem>>[vector<16xi32>, vector<16xi32>], vector<16xf32>,
    %broadcast_in_dim3A_188 = arith.constant 65 : i32
    %broadcast_in_dim3A_189 = vector.broadcast %broadcast_in_dim3A_188 : i32 to vector<16xi32>
    tpu.vector_store_idx %arg17[%add3A_185, %broadcast_in_dim3A_189], %broadcast_in_dim3A_5 : memref<80x80xf32, #tpu.memory_space<vmem>>[vector<16xi32>, vector<16xi32>], vector<16xf32>,
    %broadcast_in_dim3A_190 = arith.constant 66 : i32
    %broadcast_in_dim3A_191 = vector.broadcast %broadcast_in_dim3A_190 : i32 to vector<16xi32>
    tpu.vector_store_idx %arg17[%add3A_185, %broadcast_in_dim3A_191], %broadcast_in_dim3A_5 : memref<80x80xf32, #tpu.memory_space<vmem>>[vector<16xi32>, vector<16xi32>], vector<16xf32>,
    %broadcast_in_dim3A_192 = arith.constant 67 : i32
    %broadcast_in_dim3A_193 = vector.broadcast %broadcast_in_dim3A_192 : i32 to vector<16xi32>
    tpu.vector_store_idx %arg17[%add3A_185, %broadcast_in_dim3A_193], %broadcast_in_dim3A_5 : memref<80x80xf32, #tpu.memory_space<vmem>>[vector<16xi32>, vector<16xi32>], vector<16xf32>,
    %broadcast_in_dim3A_194 = arith.constant 68 : i32
    %broadcast_in_dim3A_195 = vector.broadcast %broadcast_in_dim3A_194 : i32 to vector<16xi32>
    tpu.vector_store_idx %arg17[%add3A_185, %broadcast_in_dim3A_195], %broadcast_in_dim3A_5 : memref<80x80xf32, #tpu.memory_space<vmem>>[vector<16xi32>, vector<16xi32>], vector<16xf32>,
    %broadcast_in_dim3A_196 = arith.constant 69 : i32
    %broadcast_in_dim3A_197 = vector.broadcast %broadcast_in_dim3A_196 : i32 to vector<16xi32>
    tpu.vector_store_idx %arg17[%add3A_185, %broadcast_in_dim3A_197], %broadcast_in_dim3A_5 : memref<80x80xf32, #tpu.memory_space<vmem>>[vector<16xi32>, vector<16xi32>], vector<16xf32>,
    %broadcast_in_dim3A_198 = arith.constant 70 : i32
    %broadcast_in_dim3A_199 = vector.broadcast %broadcast_in_dim3A_198 : i32 to vector<16xi32>
    tpu.vector_store_idx %arg17[%add3A_185, %broadcast_in_dim3A_199], %broadcast_in_dim3A_5 : memref<80x80xf32, #tpu.memory_space<vmem>>[vector<16xi32>, vector<16xi32>], vector<16xf32>,
    %broadcast_in_dim3A_200 = arith.constant 71 : i32
    %broadcast_in_dim3A_201 = vector.broadcast %broadcast_in_dim3A_200 : i32 to vector<16xi32>
    tpu.vector_store_idx %arg17[%add3A_185, %broadcast_in_dim3A_201], %broadcast_in_dim3A_5 : memref<80x80xf32, #tpu.memory_space<vmem>>[vector<16xi32>, vector<16xi32>], vector<16xf32>,
    %barrier3A_202 = arith.constant 0 : index
    tpu.barrier barrier_id(%barrier3A_202)
    %scan3A_203 = arith.constant 0 : i32
    %scan3A_204 = arith.constant 125 : i32
    %scan3A_205 = arith.addi %scan3A_203, %scan3A_204 : i32
    %scan3A_206 = arith.constant 1 : i32
    scf.for %scan3A_209 = %scan3A_203 to %scan3A_205 step %scan3A_206  : i32 {
      %mul3A_210 = arith.constant 1 : i32
      %mul3A_211 = arith.muli %scan3A_209, %mul3A_210 : i32
      %add3A_212 = arith.constant 0 : i32
      %add3A_213 = arith.addi %add3A_212, %mul3A_211 : i32
      %mul3A_214 = arith.constant 80 : i32
      %mul3A_215 = arith.muli %add3A_213, %mul3A_214 : i32
      %add3A_216 = arith.addi %mul3A_4, %mul3A_215 : i32
      %mul3A_217 = arith.constant 125 : i32
      %mul3A_218 = arith.muli %add3A, %mul3A_217 : i32
      %add3A_219 = arith.addi %mul3A_218, %add3A_213 : i32
      %mul3A_220 = arith.constant 8 : i32
      %mul3A_221 = arith.muli %add3A_219, %mul3A_220 : i32
      "tpu.region"() ({
        %run_scoped3A = tpu.sem_alloc : memref<!tpu.dma_semaphore, #tpu.memory_space<semaphore_mem>>
        %dma_start3A_232 = tpu.memref_slice %arg5[%add3A_216] : memref<320000xi32, #tpu.memory_space<hbm>> -> memref<80xi32, #tpu.memory_space<hbm>>
        %dma_start3A_233 = tpu.memref_slice %arg5[%add3A_216] : memref<320000xi32, #tpu.memory_space<hbm>> -> memref<80xi32, #tpu.memory_space<hbm>>
        tpu.enqueue_dma source(%dma_start3A_233 : memref<80xi32, #tpu.memory_space<hbm>>) target(%arg12 : memref<80xi32, #tpu.memory_space<vmem>>) target_semaphore(%run_scoped3A : memref<!tpu.dma_semaphore, #tpu.memory_space<semaphore_mem>>)
        %dma_wait3A_234 = tpu.memref_slice %arg5[%add3A_216] : memref<320000xi32, #tpu.memory_space<hbm>> -> memref<80xi32, #tpu.memory_space<hbm>>
        %dma_wait3A_235 = tpu.memref_slice %arg5[%add3A_216] : memref<320000xi32, #tpu.memory_space<hbm>> -> memref<80xi32, #tpu.memory_space<hbm>>
        tpu.wait_dma2 semaphore(%run_scoped3A : memref<!tpu.dma_semaphore, #tpu.memory_space<semaphore_mem>>) src(%dma_wait3A_235 : memref<80xi32, #tpu.memory_space<hbm>>) dst(%arg12 : memref<80xi32, #tpu.memory_space<vmem>>)
        tpu.yield
      }) : () -> ()
      "tpu.region"() ({
        %run_scoped3A = tpu.sem_alloc : memref<!tpu.dma_semaphore, #tpu.memory_space<semaphore_mem>>
        %dma_start3A_232 = tpu.memref_slice %arg6[%add3A_216] : memref<320000xi32, #tpu.memory_space<hbm>> -> memref<80xi32, #tpu.memory_space<hbm>>
        %dma_start3A_233 = tpu.memref_slice %arg6[%add3A_216] : memref<320000xi32, #tpu.memory_space<hbm>> -> memref<80xi32, #tpu.memory_space<hbm>>
        tpu.enqueue_dma source(%dma_start3A_233 : memref<80xi32, #tpu.memory_space<hbm>>) target(%arg13 : memref<80xi32, #tpu.memory_space<vmem>>) target_semaphore(%run_scoped3A : memref<!tpu.dma_semaphore, #tpu.memory_space<semaphore_mem>>)
        %dma_wait3A_234 = tpu.memref_slice %arg6[%add3A_216] : memref<320000xi32, #tpu.memory_space<hbm>> -> memref<80xi32, #tpu.memory_space<hbm>>
        %dma_wait3A_235 = tpu.memref_slice %arg6[%add3A_216] : memref<320000xi32, #tpu.memory_space<hbm>> -> memref<80xi32, #tpu.memory_space<hbm>>
        tpu.wait_dma2 semaphore(%run_scoped3A : memref<!tpu.dma_semaphore, #tpu.memory_space<semaphore_mem>>) src(%dma_wait3A_235 : memref<80xi32, #tpu.memory_space<hbm>>) dst(%arg13 : memref<80xi32, #tpu.memory_space<vmem>>)
        tpu.yield
      }) : () -> ()
      "tpu.region"() ({
        %run_scoped3A = tpu.sem_alloc : memref<!tpu.dma_semaphore, #tpu.memory_space<semaphore_mem>>
        %dma_start3A_232 = arith.constant 0 : i32
        %dma_start3A_233 = tpu.memref_slice %arg11[%mul3A_221, %dma_start3A_232] : memref<32000x128xf32, #tpu.memory_space<hbm>> -> memref<8x128xf32, #tpu.memory_space<hbm>>
        %dma_start3A_234 = arith.constant 0 : i32
        %dma_start3A_235 = tpu.memref_slice %arg11[%mul3A_221, %dma_start3A_234] : memref<32000x128xf32, #tpu.memory_space<hbm>> -> memref<8x128xf32, #tpu.memory_space<hbm>>
        tpu.enqueue_dma source(%dma_start3A_235 : memref<8x128xf32, #tpu.memory_space<hbm>>) target(%arg19 : memref<8x128xf32, #tpu.memory_space<vmem>>) target_semaphore(%run_scoped3A : memref<!tpu.dma_semaphore, #tpu.memory_space<semaphore_mem>>)
        %dma_wait3A_236 = arith.constant 0 : i32
        %dma_wait3A_237 = tpu.memref_slice %arg11[%mul3A_221, %dma_wait3A_236] : memref<32000x128xf32, #tpu.memory_space<hbm>> -> memref<8x128xf32, #tpu.memory_space<hbm>>
        %dma_wait3A_238 = arith.constant 0 : i32
        %dma_wait3A_239 = tpu.memref_slice %arg11[%mul3A_221, %dma_wait3A_238] : memref<32000x128xf32, #tpu.memory_space<hbm>> -> memref<8x128xf32, #tpu.memory_space<hbm>>
        tpu.wait_dma2 semaphore(%run_scoped3A : memref<!tpu.dma_semaphore, #tpu.memory_space<semaphore_mem>>) src(%dma_wait3A_239 : memref<8x128xf32, #tpu.memory_space<hbm>>) dst(%arg19 : memref<8x128xf32, #tpu.memory_space<vmem>>)
        tpu.yield
      }) : () -> ()
      %dma_start3A = arith.constant 0 : i32
      %dma_start3A_222 = arith.constant 0 : i32
      %dma_start3A_223 = tpu.memref_slice %arg4[%dma_start3A, %dma_start3A_222] : memref<10000x128xf32, #tpu.memory_space<hbm>> -> memref<10000x128xf32, #tpu.memory_space<hbm>>
      tpu.enqueue_indirect_dma source(%dma_start3A_223 : memref<10000x128xf32, #tpu.memory_space<hbm>>) target(%arg16 : memref<80x128xf32, #tpu.memory_space<vmem>>) offsets(%arg12 : memref<80xi32, #tpu.memory_space<vmem>>) semaphore(%arg20 : memref<!tpu.dma_semaphore, #tpu.memory_space<semaphore_mem>>)
      %dma_wait3A = arith.constant 0 : i32
      %dma_wait3A_224 = arith.constant 0 : i32
      %dma_wait3A_225 = tpu.memref_slice %arg4[%dma_wait3A, %dma_wait3A_224] : memref<10000x128xf32, #tpu.memory_space<hbm>> -> memref<10000x128xf32, #tpu.memory_space<hbm>>
      tpu.wait_indirect_dma semaphore(%arg20 : memref<!tpu.dma_semaphore, #tpu.memory_space<semaphore_mem>>) src(%dma_wait3A_225 : memref<10000x128xf32, #tpu.memory_space<hbm>>) dst(%arg16 : memref<80x128xf32, #tpu.memory_space<vmem>>)
      %scan3A_226 = arith.constant 0 : i32
      %scan3A_227 = arith.constant 0 : i32
      %scan3A_228 = arith.constant 5 : i32
      %scan3A_229 = arith.addi %scan3A_227, %scan3A_228 : i32
      %scan3A_230 = arith.constant 1 : i32
      scf.for %scan3A_232 = %scan3A_227 to %scan3A_229 step %scan3A_230  : i32 {
        %mul3A_233 = arith.constant 16 : i32
        %mul3A_234 = arith.muli %scan3A_232, %mul3A_233 : i32
        %add3A_235 = vector.broadcast %mul3A_234 : i32 to vector<16xi32>
        %add3A_236 = arith.addi %iota3A, %add3A_235 : vector<16xi32>
        %broadcast_in_dim3A_237 = arith.constant 0 : i32
        %broadcast_in_dim3A_238 = vector.broadcast %broadcast_in_dim3A_237 : i32 to vector<16xi32>
        %add3A_239 = vector.broadcast %scan3A_232 : i32 to vector<16xi32>
        %add3A_240 = arith.addi %broadcast_in_dim3A_238, %add3A_239 : vector<16xi32>
        %mul3A_241 = arith.constant 8 : i32
        %mul3A_242 = vector.broadcast %mul3A_241 : i32 to vector<16xi32>
        %mul3A_243 = arith.muli %iota3A, %mul3A_242 : vector<16xi32>
        %add3A_244 = arith.constant 4 : i32
        %add3A_245 = vector.broadcast %add3A_244 : i32 to vector<16xi32>
        %add3A_246 = arith.addi %mul3A_243, %add3A_245 : vector<16xi32>
        %gather3A = tpu.vector_load_idx %arg19[%add3A_240, %add3A_246] : memref<8x128xf32, #tpu.memory_space<vmem>>[vector<16xi32>, vector<16xi32>], vector<16xf32>,
        %broadcast_in_dim3A_247 = arith.constant 64 : i32
        %broadcast_in_dim3A_248 = vector.broadcast %broadcast_in_dim3A_247 : i32 to vector<16xi32>
        %broadcast_in_dim3A_249 = arith.constant 0 : i32
        %broadcast_in_dim3A_250 = vector.broadcast %broadcast_in_dim3A_249 : i32 to vector<16xi32>
        %gather3A_251 = tpu.vector_load_idx %arg16[%add3A_236, %broadcast_in_dim3A_248] : memref<80x128xf32, #tpu.memory_space<vmem>>[vector<16xi32>, vector<16xi32>], vector<16xf32>,
        %mul3A_252 = arith.mulf %gather3A_251, %gather3A : vector<16xf32>
        tpu.vector_store_idx %arg17[%add3A_236, %broadcast_in_dim3A_250], %mul3A_252 : memref<80x80xf32, #tpu.memory_space<vmem>>[vector<16xi32>, vector<16xi32>], vector<16xf32>,
        %broadcast_in_dim3A_253 = arith.constant 65 : i32
        %broadcast_in_dim3A_254 = vector.broadcast %broadcast_in_dim3A_253 : i32 to vector<16xi32>
        %broadcast_in_dim3A_255 = arith.constant 1 : i32
        %broadcast_in_dim3A_256 = vector.broadcast %broadcast_in_dim3A_255 : i32 to vector<16xi32>
        %gather3A_257 = tpu.vector_load_idx %arg16[%add3A_236, %broadcast_in_dim3A_254] : memref<80x128xf32, #tpu.memory_space<vmem>>[vector<16xi32>, vector<16xi32>], vector<16xf32>,
        %mul3A_258 = arith.mulf %gather3A_257, %gather3A : vector<16xf32>
        tpu.vector_store_idx %arg17[%add3A_236, %broadcast_in_dim3A_256], %mul3A_258 : memref<80x80xf32, #tpu.memory_space<vmem>>[vector<16xi32>, vector<16xi32>], vector<16xf32>,
        %broadcast_in_dim3A_259 = arith.constant 66 : i32
        %broadcast_in_dim3A_260 = vector.broadcast %broadcast_in_dim3A_259 : i32 to vector<16xi32>
        %broadcast_in_dim3A_261 = arith.constant 2 : i32
        %broadcast_in_dim3A_262 = vector.broadcast %broadcast_in_dim3A_261 : i32 to vector<16xi32>
        %gather3A_263 = tpu.vector_load_idx %arg16[%add3A_236, %broadcast_in_dim3A_260] : memref<80x128xf32, #tpu.memory_space<vmem>>[vector<16xi32>, vector<16xi32>], vector<16xf32>,
        %mul3A_264 = arith.mulf %gather3A_263, %gather3A : vector<16xf32>
        tpu.vector_store_idx %arg17[%add3A_236, %broadcast_in_dim3A_262], %mul3A_264 : memref<80x80xf32, #tpu.memory_space<vmem>>[vector<16xi32>, vector<16xi32>], vector<16xf32>,
        %broadcast_in_dim3A_265 = arith.constant 67 : i32
        %broadcast_in_dim3A_266 = vector.broadcast %broadcast_in_dim3A_265 : i32 to vector<16xi32>
        %broadcast_in_dim3A_267 = arith.constant 3 : i32
        %broadcast_in_dim3A_268 = vector.broadcast %broadcast_in_dim3A_267 : i32 to vector<16xi32>
        %gather3A_269 = tpu.vector_load_idx %arg16[%add3A_236, %broadcast_in_dim3A_266] : memref<80x128xf32, #tpu.memory_space<vmem>>[vector<16xi32>, vector<16xi32>], vector<16xf32>,
        %mul3A_270 = arith.mulf %gather3A_269, %gather3A : vector<16xf32>
        tpu.vector_store_idx %arg17[%add3A_236, %broadcast_in_dim3A_268], %mul3A_270 : memref<80x80xf32, #tpu.memory_space<vmem>>[vector<16xi32>, vector<16xi32>], vector<16xf32>,
        %broadcast_in_dim3A_271 = arith.constant 68 : i32
        %broadcast_in_dim3A_272 = vector.broadcast %broadcast_in_dim3A_271 : i32 to vector<16xi32>
        %broadcast_in_dim3A_273 = arith.constant 4 : i32
        %broadcast_in_dim3A_274 = vector.broadcast %broadcast_in_dim3A_273 : i32 to vector<16xi32>
        %gather3A_275 = tpu.vector_load_idx %arg16[%add3A_236, %broadcast_in_dim3A_272] : memref<80x128xf32, #tpu.memory_space<vmem>>[vector<16xi32>, vector<16xi32>], vector<16xf32>,
        %mul3A_276 = arith.mulf %gather3A_275, %gather3A : vector<16xf32>
        tpu.vector_store_idx %arg17[%add3A_236, %broadcast_in_dim3A_274], %mul3A_276 : memref<80x80xf32, #tpu.memory_space<vmem>>[vector<16xi32>, vector<16xi32>], vector<16xf32>,
        %broadcast_in_dim3A_277 = arith.constant 69 : i32
        %broadcast_in_dim3A_278 = vector.broadcast %broadcast_in_dim3A_277 : i32 to vector<16xi32>
        %broadcast_in_dim3A_279 = arith.constant 5 : i32
        %broadcast_in_dim3A_280 = vector.broadcast %broadcast_in_dim3A_279 : i32 to vector<16xi32>
        %gather3A_281 = tpu.vector_load_idx %arg16[%add3A_236, %broadcast_in_dim3A_278] : memref<80x128xf32, #tpu.memory_space<vmem>>[vector<16xi32>, vector<16xi32>], vector<16xf32>,
        %mul3A_282 = arith.mulf %gather3A_281, %gather3A : vector<16xf32>
        tpu.vector_store_idx %arg17[%add3A_236, %broadcast_in_dim3A_280], %mul3A_282 : memref<80x80xf32, #tpu.memory_space<vmem>>[vector<16xi32>, vector<16xi32>], vector<16xf32>,
        %broadcast_in_dim3A_283 = arith.constant 70 : i32
        %broadcast_in_dim3A_284 = vector.broadcast %broadcast_in_dim3A_283 : i32 to vector<16xi32>
        %broadcast_in_dim3A_285 = arith.constant 6 : i32
        %broadcast_in_dim3A_286 = vector.broadcast %broadcast_in_dim3A_285 : i32 to vector<16xi32>
        %gather3A_287 = tpu.vector_load_idx %arg16[%add3A_236, %broadcast_in_dim3A_284] : memref<80x128xf32, #tpu.memory_space<vmem>>[vector<16xi32>, vector<16xi32>], vector<16xf32>,
        %mul3A_288 = arith.mulf %gather3A_287, %gather3A : vector<16xf32>
        tpu.vector_store_idx %arg17[%add3A_236, %broadcast_in_dim3A_286], %mul3A_288 : memref<80x80xf32, #tpu.memory_space<vmem>>[vector<16xi32>, vector<16xi32>], vector<16xf32>,
        %broadcast_in_dim3A_289 = arith.constant 71 : i32
        %broadcast_in_dim3A_290 = vector.broadcast %broadcast_in_dim3A_289 : i32 to vector<16xi32>
        %broadcast_in_dim3A_291 = arith.constant 7 : i32
        %broadcast_in_dim3A_292 = vector.broadcast %broadcast_in_dim3A_291 : i32 to vector<16xi32>
        %gather3A_293 = tpu.vector_load_idx %arg16[%add3A_236, %broadcast_in_dim3A_290] : memref<80x128xf32, #tpu.memory_space<vmem>>[vector<16xi32>, vector<16xi32>], vector<16xf32>,
        %mul3A_294 = arith.mulf %gather3A_293, %gather3A : vector<16xf32>
        tpu.vector_store_idx %arg17[%add3A_236, %broadcast_in_dim3A_292], %mul3A_294 : memref<80x80xf32, #tpu.memory_space<vmem>>[vector<16xi32>, vector<16xi32>], vector<16xf32>,
        %broadcast_in_dim3A_295 = arith.constant 72 : i32
        %broadcast_in_dim3A_296 = vector.broadcast %broadcast_in_dim3A_295 : i32 to vector<16xi32>
        %broadcast_in_dim3A_297 = arith.constant 8 : i32
        %broadcast_in_dim3A_298 = vector.broadcast %broadcast_in_dim3A_297 : i32 to vector<16xi32>
        %gather3A_299 = tpu.vector_load_idx %arg16[%add3A_236, %broadcast_in_dim3A_296] : memref<80x128xf32, #tpu.memory_space<vmem>>[vector<16xi32>, vector<16xi32>], vector<16xf32>,
        %mul3A_300 = arith.mulf %gather3A_299, %gather3A : vector<16xf32>
        tpu.vector_store_idx %arg17[%add3A_236, %broadcast_in_dim3A_298], %mul3A_300 : memref<80x80xf32, #tpu.memory_space<vmem>>[vector<16xi32>, vector<16xi32>], vector<16xf32>,
        %broadcast_in_dim3A_301 = arith.constant 73 : i32
        %broadcast_in_dim3A_302 = vector.broadcast %broadcast_in_dim3A_301 : i32 to vector<16xi32>
        %broadcast_in_dim3A_303 = arith.constant 9 : i32
        %broadcast_in_dim3A_304 = vector.broadcast %broadcast_in_dim3A_303 : i32 to vector<16xi32>
        %gather3A_305 = tpu.vector_load_idx %arg16[%add3A_236, %broadcast_in_dim3A_302] : memref<80x128xf32, #tpu.memory_space<vmem>>[vector<16xi32>, vector<16xi32>], vector<16xf32>,
        %mul3A_306 = arith.mulf %gather3A_305, %gather3A : vector<16xf32>
        tpu.vector_store_idx %arg17[%add3A_236, %broadcast_in_dim3A_304], %mul3A_306 : memref<80x80xf32, #tpu.memory_space<vmem>>[vector<16xi32>, vector<16xi32>], vector<16xf32>,
        %broadcast_in_dim3A_307 = arith.constant 74 : i32
        %broadcast_in_dim3A_308 = vector.broadcast %broadcast_in_dim3A_307 : i32 to vector<16xi32>
        %broadcast_in_dim3A_309 = arith.constant 10 : i32
        %broadcast_in_dim3A_310 = vector.broadcast %broadcast_in_dim3A_309 : i32 to vector<16xi32>
        %gather3A_311 = tpu.vector_load_idx %arg16[%add3A_236, %broadcast_in_dim3A_308] : memref<80x128xf32, #tpu.memory_space<vmem>>[vector<16xi32>, vector<16xi32>], vector<16xf32>,
        %mul3A_312 = arith.mulf %gather3A_311, %gather3A : vector<16xf32>
        tpu.vector_store_idx %arg17[%add3A_236, %broadcast_in_dim3A_310], %mul3A_312 : memref<80x80xf32, #tpu.memory_space<vmem>>[vector<16xi32>, vector<16xi32>], vector<16xf32>,
        %broadcast_in_dim3A_313 = arith.constant 75 : i32
        %broadcast_in_dim3A_314 = vector.broadcast %broadcast_in_dim3A_313 : i32 to vector<16xi32>
        %broadcast_in_dim3A_315 = arith.constant 11 : i32
        %broadcast_in_dim3A_316 = vector.broadcast %broadcast_in_dim3A_315 : i32 to vector<16xi32>
        %gather3A_317 = tpu.vector_load_idx %arg16[%add3A_236, %broadcast_in_dim3A_314] : memref<80x128xf32, #tpu.memory_space<vmem>>[vector<16xi32>, vector<16xi32>], vector<16xf32>,
        %mul3A_318 = arith.mulf %gather3A_317, %gather3A : vector<16xf32>
        tpu.vector_store_idx %arg17[%add3A_236, %broadcast_in_dim3A_316], %mul3A_318 : memref<80x80xf32, #tpu.memory_space<vmem>>[vector<16xi32>, vector<16xi32>], vector<16xf32>,
        %broadcast_in_dim3A_319 = arith.constant 76 : i32
        %broadcast_in_dim3A_320 = vector.broadcast %broadcast_in_dim3A_319 : i32 to vector<16xi32>
        %broadcast_in_dim3A_321 = arith.constant 12 : i32
        %broadcast_in_dim3A_322 = vector.broadcast %broadcast_in_dim3A_321 : i32 to vector<16xi32>
        %gather3A_323 = tpu.vector_load_idx %arg16[%add3A_236, %broadcast_in_dim3A_320] : memref<80x128xf32, #tpu.memory_space<vmem>>[vector<16xi32>, vector<16xi32>], vector<16xf32>,
        %mul3A_324 = arith.mulf %gather3A_323, %gather3A : vector<16xf32>
        tpu.vector_store_idx %arg17[%add3A_236, %broadcast_in_dim3A_322], %mul3A_324 : memref<80x80xf32, #tpu.memory_space<vmem>>[vector<16xi32>, vector<16xi32>], vector<16xf32>,
        %broadcast_in_dim3A_325 = arith.constant 77 : i32
        %broadcast_in_dim3A_326 = vector.broadcast %broadcast_in_dim3A_325 : i32 to vector<16xi32>
        %broadcast_in_dim3A_327 = arith.constant 13 : i32
        %broadcast_in_dim3A_328 = vector.broadcast %broadcast_in_dim3A_327 : i32 to vector<16xi32>
        %gather3A_329 = tpu.vector_load_idx %arg16[%add3A_236, %broadcast_in_dim3A_326] : memref<80x128xf32, #tpu.memory_space<vmem>>[vector<16xi32>, vector<16xi32>], vector<16xf32>,
        %mul3A_330 = arith.mulf %gather3A_329, %gather3A : vector<16xf32>
        tpu.vector_store_idx %arg17[%add3A_236, %broadcast_in_dim3A_328], %mul3A_330 : memref<80x80xf32, #tpu.memory_space<vmem>>[vector<16xi32>, vector<16xi32>], vector<16xf32>,
        %broadcast_in_dim3A_331 = arith.constant 78 : i32
        %broadcast_in_dim3A_332 = vector.broadcast %broadcast_in_dim3A_331 : i32 to vector<16xi32>
        %broadcast_in_dim3A_333 = arith.constant 14 : i32
        %broadcast_in_dim3A_334 = vector.broadcast %broadcast_in_dim3A_333 : i32 to vector<16xi32>
        %gather3A_335 = tpu.vector_load_idx %arg16[%add3A_236, %broadcast_in_dim3A_332] : memref<80x128xf32, #tpu.memory_space<vmem>>[vector<16xi32>, vector<16xi32>], vector<16xf32>,
        %mul3A_336 = arith.mulf %gather3A_335, %gather3A : vector<16xf32>
        tpu.vector_store_idx %arg17[%add3A_236, %broadcast_in_dim3A_334], %mul3A_336 : memref<80x80xf32, #tpu.memory_space<vmem>>[vector<16xi32>, vector<16xi32>], vector<16xf32>,
        %broadcast_in_dim3A_337 = arith.constant 79 : i32
        %broadcast_in_dim3A_338 = vector.broadcast %broadcast_in_dim3A_337 : i32 to vector<16xi32>
        %broadcast_in_dim3A_339 = arith.constant 15 : i32
        %broadcast_in_dim3A_340 = vector.broadcast %broadcast_in_dim3A_339 : i32 to vector<16xi32>
        %gather3A_341 = tpu.vector_load_idx %arg16[%add3A_236, %broadcast_in_dim3A_338] : memref<80x128xf32, #tpu.memory_space<vmem>>[vector<16xi32>, vector<16xi32>], vector<16xf32>,
        %mul3A_342 = arith.mulf %gather3A_341, %gather3A : vector<16xf32>
        tpu.vector_store_idx %arg17[%add3A_236, %broadcast_in_dim3A_340], %mul3A_342 : memref<80x80xf32, #tpu.memory_space<vmem>>[vector<16xi32>, vector<16xi32>], vector<16xf32>,
        %mul3A_343 = arith.constant 8 : i32
        %mul3A_344 = vector.broadcast %mul3A_343 : i32 to vector<16xi32>
        %mul3A_345 = arith.muli %iota3A, %mul3A_344 : vector<16xi32>
        %add3A_346 = arith.constant 5 : i32
        %add3A_347 = vector.broadcast %add3A_346 : i32 to vector<16xi32>
        %add3A_348 = arith.addi %mul3A_345, %add3A_347 : vector<16xi32>
        %gather3A_349 = tpu.vector_load_idx %arg19[%add3A_240, %add3A_348] : memref<8x128xf32, #tpu.memory_space<vmem>>[vector<16xi32>, vector<16xi32>], vector<16xf32>,
        %broadcast_in_dim3A_350 = arith.constant 80 : i32
        %broadcast_in_dim3A_351 = vector.broadcast %broadcast_in_dim3A_350 : i32 to vector<16xi32>
        %broadcast_in_dim3A_352 = arith.constant 16 : i32
        %broadcast_in_dim3A_353 = vector.broadcast %broadcast_in_dim3A_352 : i32 to vector<16xi32>
        %gather3A_354 = tpu.vector_load_idx %arg16[%add3A_236, %broadcast_in_dim3A_351] : memref<80x128xf32, #tpu.memory_space<vmem>>[vector<16xi32>, vector<16xi32>], vector<16xf32>,
        %mul3A_355 = arith.mulf %gather3A_354, %gather3A_349 : vector<16xf32>
        tpu.vector_store_idx %arg17[%add3A_236, %broadcast_in_dim3A_353], %mul3A_355 : memref<80x80xf32, #tpu.memory_space<vmem>>[vector<16xi32>, vector<16xi32>], vector<16xf32>,
        %broadcast_in_dim3A_356 = arith.constant 81 : i32
        %broadcast_in_dim3A_357 = vector.broadcast %broadcast_in_dim3A_356 : i32 to vector<16xi32>
        %broadcast_in_dim3A_358 = arith.constant 17 : i32
        %broadcast_in_dim3A_359 = vector.broadcast %broadcast_in_dim3A_358 : i32 to vector<16xi32>
        %gather3A_360 = tpu.vector_load_idx %arg16[%add3A_236, %broadcast_in_dim3A_357] : memref<80x128xf32, #tpu.memory_space<vmem>>[vector<16xi32>, vector<16xi32>], vector<16xf32>,
        %mul3A_361 = arith.mulf %gather3A_360, %gather3A_349 : vector<16xf32>
        tpu.vector_store_idx %arg17[%add3A_236, %broadcast_in_dim3A_359], %mul3A_361 : memref<80x80xf32, #tpu.memory_space<vmem>>[vector<16xi32>, vector<16xi32>], vector<16xf32>,
        %broadcast_in_dim3A_362 = arith.constant 82 : i32
        %broadcast_in_dim3A_363 = vector.broadcast %broadcast_in_dim3A_362 : i32 to vector<16xi32>
        %broadcast_in_dim3A_364 = arith.constant 18 : i32
        %broadcast_in_dim3A_365 = vector.broadcast %broadcast_in_dim3A_364 : i32 to vector<16xi32>
        %gather3A_366 = tpu.vector_load_idx %arg16[%add3A_236, %broadcast_in_dim3A_363] : memref<80x128xf32, #tpu.memory_space<vmem>>[vector<16xi32>, vector<16xi32>], vector<16xf32>,
        %mul3A_367 = arith.mulf %gather3A_366, %gather3A_349 : vector<16xf32>
        tpu.vector_store_idx %arg17[%add3A_236, %broadcast_in_dim3A_365], %mul3A_367 : memref<80x80xf32, #tpu.memory_space<vmem>>[vector<16xi32>, vector<16xi32>], vector<16xf32>,
        %broadcast_in_dim3A_368 = arith.constant 83 : i32
        %broadcast_in_dim3A_369 = vector.broadcast %broadcast_in_dim3A_368 : i32 to vector<16xi32>
        %broadcast_in_dim3A_370 = arith.constant 19 : i32
        %broadcast_in_dim3A_371 = vector.broadcast %broadcast_in_dim3A_370 : i32 to vector<16xi32>
        %gather3A_372 = tpu.vector_load_idx %arg16[%add3A_236, %broadcast_in_dim3A_369] : memref<80x128xf32, #tpu.memory_space<vmem>>[vector<16xi32>, vector<16xi32>], vector<16xf32>,
        %mul3A_373 = arith.mulf %gather3A_372, %gather3A_349 : vector<16xf32>
        tpu.vector_store_idx %arg17[%add3A_236, %broadcast_in_dim3A_371], %mul3A_373 : memref<80x80xf32, #tpu.memory_space<vmem>>[vector<16xi32>, vector<16xi32>], vector<16xf32>,
        %broadcast_in_dim3A_374 = arith.constant 84 : i32
        %broadcast_in_dim3A_375 = vector.broadcast %broadcast_in_dim3A_374 : i32 to vector<16xi32>
        %broadcast_in_dim3A_376 = arith.constant 20 : i32
        %broadcast_in_dim3A_377 = vector.broadcast %broadcast_in_dim3A_376 : i32 to vector<16xi32>
        %gather3A_378 = tpu.vector_load_idx %arg16[%add3A_236, %broadcast_in_dim3A_375] : memref<80x128xf32, #tpu.memory_space<vmem>>[vector<16xi32>, vector<16xi32>], vector<16xf32>,
        %mul3A_379 = arith.mulf %gather3A_378, %gather3A_349 : vector<16xf32>
        tpu.vector_store_idx %arg17[%add3A_236, %broadcast_in_dim3A_377], %mul3A_379 : memref<80x80xf32, #tpu.memory_space<vmem>>[vector<16xi32>, vector<16xi32>], vector<16xf32>,
        %broadcast_in_dim3A_380 = arith.constant 85 : i32
        %broadcast_in_dim3A_381 = vector.broadcast %broadcast_in_dim3A_380 : i32 to vector<16xi32>
        %broadcast_in_dim3A_382 = arith.constant 21 : i32
        %broadcast_in_dim3A_383 = vector.broadcast %broadcast_in_dim3A_382 : i32 to vector<16xi32>
        %gather3A_384 = tpu.vector_load_idx %arg16[%add3A_236, %broadcast_in_dim3A_381] : memref<80x128xf32, #tpu.memory_space<vmem>>[vector<16xi32>, vector<16xi32>], vector<16xf32>,
        %mul3A_385 = arith.mulf %gather3A_384, %gather3A_349 : vector<16xf32>
        tpu.vector_store_idx %arg17[%add3A_236, %broadcast_in_dim3A_383], %mul3A_385 : memref<80x80xf32, #tpu.memory_space<vmem>>[vector<16xi32>, vector<16xi32>], vector<16xf32>,
        %broadcast_in_dim3A_386 = arith.constant 86 : i32
        %broadcast_in_dim3A_387 = vector.broadcast %broadcast_in_dim3A_386 : i32 to vector<16xi32>
        %broadcast_in_dim3A_388 = arith.constant 22 : i32
        %broadcast_in_dim3A_389 = vector.broadcast %broadcast_in_dim3A_388 : i32 to vector<16xi32>
        %gather3A_390 = tpu.vector_load_idx %arg16[%add3A_236, %broadcast_in_dim3A_387] : memref<80x128xf32, #tpu.memory_space<vmem>>[vector<16xi32>, vector<16xi32>], vector<16xf32>,
        %mul3A_391 = arith.mulf %gather3A_390, %gather3A_349 : vector<16xf32>
        tpu.vector_store_idx %arg17[%add3A_236, %broadcast_in_dim3A_389], %mul3A_391 : memref<80x80xf32, #tpu.memory_space<vmem>>[vector<16xi32>, vector<16xi32>], vector<16xf32>,
        %broadcast_in_dim3A_392 = arith.constant 87 : i32
        %broadcast_in_dim3A_393 = vector.broadcast %broadcast_in_dim3A_392 : i32 to vector<16xi32>
        %broadcast_in_dim3A_394 = arith.constant 23 : i32
        %broadcast_in_dim3A_395 = vector.broadcast %broadcast_in_dim3A_394 : i32 to vector<16xi32>
        %gather3A_396 = tpu.vector_load_idx %arg16[%add3A_236, %broadcast_in_dim3A_393] : memref<80x128xf32, #tpu.memory_space<vmem>>[vector<16xi32>, vector<16xi32>], vector<16xf32>,
        %mul3A_397 = arith.mulf %gather3A_396, %gather3A_349 : vector<16xf32>
        tpu.vector_store_idx %arg17[%add3A_236, %broadcast_in_dim3A_395], %mul3A_397 : memref<80x80xf32, #tpu.memory_space<vmem>>[vector<16xi32>, vector<16xi32>], vector<16xf32>,
        %broadcast_in_dim3A_398 = arith.constant 88 : i32
        %broadcast_in_dim3A_399 = vector.broadcast %broadcast_in_dim3A_398 : i32 to vector<16xi32>
        %broadcast_in_dim3A_400 = arith.constant 24 : i32
        %broadcast_in_dim3A_401 = vector.broadcast %broadcast_in_dim3A_400 : i32 to vector<16xi32>
        %gather3A_402 = tpu.vector_load_idx %arg16[%add3A_236, %broadcast_in_dim3A_399] : memref<80x128xf32, #tpu.memory_space<vmem>>[vector<16xi32>, vector<16xi32>], vector<16xf32>,
        %mul3A_403 = arith.mulf %gather3A_402, %gather3A_349 : vector<16xf32>
        tpu.vector_store_idx %arg17[%add3A_236, %broadcast_in_dim3A_401], %mul3A_403 : memref<80x80xf32, #tpu.memory_space<vmem>>[vector<16xi32>, vector<16xi32>], vector<16xf32>,
        %broadcast_in_dim3A_404 = arith.constant 89 : i32
        %broadcast_in_dim3A_405 = vector.broadcast %broadcast_in_dim3A_404 : i32 to vector<16xi32>
        %broadcast_in_dim3A_406 = arith.constant 25 : i32
        %broadcast_in_dim3A_407 = vector.broadcast %broadcast_in_dim3A_406 : i32 to vector<16xi32>
        %gather3A_408 = tpu.vector_load_idx %arg16[%add3A_236, %broadcast_in_dim3A_405] : memref<80x128xf32, #tpu.memory_space<vmem>>[vector<16xi32>, vector<16xi32>], vector<16xf32>,
        %mul3A_409 = arith.mulf %gather3A_408, %gather3A_349 : vector<16xf32>
        tpu.vector_store_idx %arg17[%add3A_236, %broadcast_in_dim3A_407], %mul3A_409 : memref<80x80xf32, #tpu.memory_space<vmem>>[vector<16xi32>, vector<16xi32>], vector<16xf32>,
        %broadcast_in_dim3A_410 = arith.constant 90 : i32
        %broadcast_in_dim3A_411 = vector.broadcast %broadcast_in_dim3A_410 : i32 to vector<16xi32>
        %broadcast_in_dim3A_412 = arith.constant 26 : i32
        %broadcast_in_dim3A_413 = vector.broadcast %broadcast_in_dim3A_412 : i32 to vector<16xi32>
        %gather3A_414 = tpu.vector_load_idx %arg16[%add3A_236, %broadcast_in_dim3A_411] : memref<80x128xf32, #tpu.memory_space<vmem>>[vector<16xi32>, vector<16xi32>], vector<16xf32>,
        %mul3A_415 = arith.mulf %gather3A_414, %gather3A_349 : vector<16xf32>
        tpu.vector_store_idx %arg17[%add3A_236, %broadcast_in_dim3A_413], %mul3A_415 : memref<80x80xf32, #tpu.memory_space<vmem>>[vector<16xi32>, vector<16xi32>], vector<16xf32>,
        %broadcast_in_dim3A_416 = arith.constant 91 : i32
        %broadcast_in_dim3A_417 = vector.broadcast %broadcast_in_dim3A_416 : i32 to vector<16xi32>
        %broadcast_in_dim3A_418 = arith.constant 27 : i32
        %broadcast_in_dim3A_419 = vector.broadcast %broadcast_in_dim3A_418 : i32 to vector<16xi32>
        %gather3A_420 = tpu.vector_load_idx %arg16[%add3A_236, %broadcast_in_dim3A_417] : memref<80x128xf32, #tpu.memory_space<vmem>>[vector<16xi32>, vector<16xi32>], vector<16xf32>,
        %mul3A_421 = arith.mulf %gather3A_420, %gather3A_349 : vector<16xf32>
        tpu.vector_store_idx %arg17[%add3A_236, %broadcast_in_dim3A_419], %mul3A_421 : memref<80x80xf32, #tpu.memory_space<vmem>>[vector<16xi32>, vector<16xi32>], vector<16xf32>,
        %broadcast_in_dim3A_422 = arith.constant 92 : i32
        %broadcast_in_dim3A_423 = vector.broadcast %broadcast_in_dim3A_422 : i32 to vector<16xi32>
        %broadcast_in_dim3A_424 = arith.constant 28 : i32
        %broadcast_in_dim3A_425 = vector.broadcast %broadcast_in_dim3A_424 : i32 to vector<16xi32>
        %gather3A_426 = tpu.vector_load_idx %arg16[%add3A_236, %broadcast_in_dim3A_423] : memref<80x128xf32, #tpu.memory_space<vmem>>[vector<16xi32>, vector<16xi32>], vector<16xf32>,
        %mul3A_427 = arith.mulf %gather3A_426, %gather3A_349 : vector<16xf32>
        tpu.vector_store_idx %arg17[%add3A_236, %broadcast_in_dim3A_425], %mul3A_427 : memref<80x80xf32, #tpu.memory_space<vmem>>[vector<16xi32>, vector<16xi32>], vector<16xf32>,
        %broadcast_in_dim3A_428 = arith.constant 93 : i32
        %broadcast_in_dim3A_429 = vector.broadcast %broadcast_in_dim3A_428 : i32 to vector<16xi32>
        %broadcast_in_dim3A_430 = arith.constant 29 : i32
        %broadcast_in_dim3A_431 = vector.broadcast %broadcast_in_dim3A_430 : i32 to vector<16xi32>
        %gather3A_432 = tpu.vector_load_idx %arg16[%add3A_236, %broadcast_in_dim3A_429] : memref<80x128xf32, #tpu.memory_space<vmem>>[vector<16xi32>, vector<16xi32>], vector<16xf32>,
        %mul3A_433 = arith.mulf %gather3A_432, %gather3A_349 : vector<16xf32>
        tpu.vector_store_idx %arg17[%add3A_236, %broadcast_in_dim3A_431], %mul3A_433 : memref<80x80xf32, #tpu.memory_space<vmem>>[vector<16xi32>, vector<16xi32>], vector<16xf32>,
        %broadcast_in_dim3A_434 = arith.constant 94 : i32
        %broadcast_in_dim3A_435 = vector.broadcast %broadcast_in_dim3A_434 : i32 to vector<16xi32>
        %broadcast_in_dim3A_436 = arith.constant 30 : i32
        %broadcast_in_dim3A_437 = vector.broadcast %broadcast_in_dim3A_436 : i32 to vector<16xi32>
        %gather3A_438 = tpu.vector_load_idx %arg16[%add3A_236, %broadcast_in_dim3A_435] : memref<80x128xf32, #tpu.memory_space<vmem>>[vector<16xi32>, vector<16xi32>], vector<16xf32>,
        %mul3A_439 = arith.mulf %gather3A_438, %gather3A_349 : vector<16xf32>
        tpu.vector_store_idx %arg17[%add3A_236, %broadcast_in_dim3A_437], %mul3A_439 : memref<80x80xf32, #tpu.memory_space<vmem>>[vector<16xi32>, vector<16xi32>], vector<16xf32>,
        %broadcast_in_dim3A_440 = arith.constant 95 : i32
        %broadcast_in_dim3A_441 = vector.broadcast %broadcast_in_dim3A_440 : i32 to vector<16xi32>
        %broadcast_in_dim3A_442 = arith.constant 31 : i32
        %broadcast_in_dim3A_443 = vector.broadcast %broadcast_in_dim3A_442 : i32 to vector<16xi32>
        %gather3A_444 = tpu.vector_load_idx %arg16[%add3A_236, %broadcast_in_dim3A_441] : memref<80x128xf32, #tpu.memory_space<vmem>>[vector<16xi32>, vector<16xi32>], vector<16xf32>,
        %mul3A_445 = arith.mulf %gather3A_444, %gather3A_349 : vector<16xf32>
        tpu.vector_store_idx %arg17[%add3A_236, %broadcast_in_dim3A_443], %mul3A_445 : memref<80x80xf32, #tpu.memory_space<vmem>>[vector<16xi32>, vector<16xi32>], vector<16xf32>,
        %mul3A_446 = arith.constant 8 : i32
        %mul3A_447 = vector.broadcast %mul3A_446 : i32 to vector<16xi32>
        %mul3A_448 = arith.muli %iota3A, %mul3A_447 : vector<16xi32>
        %add3A_449 = arith.constant 6 : i32
        %add3A_450 = vector.broadcast %add3A_449 : i32 to vector<16xi32>
        %add3A_451 = arith.addi %mul3A_448, %add3A_450 : vector<16xi32>
        %gather3A_452 = tpu.vector_load_idx %arg19[%add3A_240, %add3A_451] : memref<8x128xf32, #tpu.memory_space<vmem>>[vector<16xi32>, vector<16xi32>], vector<16xf32>,
        %broadcast_in_dim3A_453 = arith.constant 96 : i32
        %broadcast_in_dim3A_454 = vector.broadcast %broadcast_in_dim3A_453 : i32 to vector<16xi32>
        %broadcast_in_dim3A_455 = arith.constant 32 : i32
        %broadcast_in_dim3A_456 = vector.broadcast %broadcast_in_dim3A_455 : i32 to vector<16xi32>
        %gather3A_457 = tpu.vector_load_idx %arg16[%add3A_236, %broadcast_in_dim3A_454] : memref<80x128xf32, #tpu.memory_space<vmem>>[vector<16xi32>, vector<16xi32>], vector<16xf32>,
        %mul3A_458 = arith.mulf %gather3A_457, %gather3A_452 : vector<16xf32>
        tpu.vector_store_idx %arg17[%add3A_236, %broadcast_in_dim3A_456], %mul3A_458 : memref<80x80xf32, #tpu.memory_space<vmem>>[vector<16xi32>, vector<16xi32>], vector<16xf32>,
        %broadcast_in_dim3A_459 = arith.constant 97 : i32
        %broadcast_in_dim3A_460 = vector.broadcast %broadcast_in_dim3A_459 : i32 to vector<16xi32>
        %broadcast_in_dim3A_461 = arith.constant 33 : i32
        %broadcast_in_dim3A_462 = vector.broadcast %broadcast_in_dim3A_461 : i32 to vector<16xi32>
        %gather3A_463 = tpu.vector_load_idx %arg16[%add3A_236, %broadcast_in_dim3A_460] : memref<80x128xf32, #tpu.memory_space<vmem>>[vector<16xi32>, vector<16xi32>], vector<16xf32>,
        %mul3A_464 = arith.mulf %gather3A_463, %gather3A_452 : vector<16xf32>
        tpu.vector_store_idx %arg17[%add3A_236, %broadcast_in_dim3A_462], %mul3A_464 : memref<80x80xf32, #tpu.memory_space<vmem>>[vector<16xi32>, vector<16xi32>], vector<16xf32>,
        %broadcast_in_dim3A_465 = arith.constant 98 : i32
        %broadcast_in_dim3A_466 = vector.broadcast %broadcast_in_dim3A_465 : i32 to vector<16xi32>
        %broadcast_in_dim3A_467 = arith.constant 34 : i32
        %broadcast_in_dim3A_468 = vector.broadcast %broadcast_in_dim3A_467 : i32 to vector<16xi32>
        %gather3A_469 = tpu.vector_load_idx %arg16[%add3A_236, %broadcast_in_dim3A_466] : memref<80x128xf32, #tpu.memory_space<vmem>>[vector<16xi32>, vector<16xi32>], vector<16xf32>,
        %mul3A_470 = arith.mulf %gather3A_469, %gather3A_452 : vector<16xf32>
        tpu.vector_store_idx %arg17[%add3A_236, %broadcast_in_dim3A_468], %mul3A_470 : memref<80x80xf32, #tpu.memory_space<vmem>>[vector<16xi32>, vector<16xi32>], vector<16xf32>,
        %broadcast_in_dim3A_471 = arith.constant 99 : i32
        %broadcast_in_dim3A_472 = vector.broadcast %broadcast_in_dim3A_471 : i32 to vector<16xi32>
        %broadcast_in_dim3A_473 = arith.constant 35 : i32
        %broadcast_in_dim3A_474 = vector.broadcast %broadcast_in_dim3A_473 : i32 to vector<16xi32>
        %gather3A_475 = tpu.vector_load_idx %arg16[%add3A_236, %broadcast_in_dim3A_472] : memref<80x128xf32, #tpu.memory_space<vmem>>[vector<16xi32>, vector<16xi32>], vector<16xf32>,
        %mul3A_476 = arith.mulf %gather3A_475, %gather3A_452 : vector<16xf32>
        tpu.vector_store_idx %arg17[%add3A_236, %broadcast_in_dim3A_474], %mul3A_476 : memref<80x80xf32, #tpu.memory_space<vmem>>[vector<16xi32>, vector<16xi32>], vector<16xf32>,
        %broadcast_in_dim3A_477 = arith.constant 100 : i32
        %broadcast_in_dim3A_478 = vector.broadcast %broadcast_in_dim3A_477 : i32 to vector<16xi32>
        %broadcast_in_dim3A_479 = arith.constant 36 : i32
        %broadcast_in_dim3A_480 = vector.broadcast %broadcast_in_dim3A_479 : i32 to vector<16xi32>
        %gather3A_481 = tpu.vector_load_idx %arg16[%add3A_236, %broadcast_in_dim3A_478] : memref<80x128xf32, #tpu.memory_space<vmem>>[vector<16xi32>, vector<16xi32>], vector<16xf32>,
        %mul3A_482 = arith.mulf %gather3A_481, %gather3A_452 : vector<16xf32>
        tpu.vector_store_idx %arg17[%add3A_236, %broadcast_in_dim3A_480], %mul3A_482 : memref<80x80xf32, #tpu.memory_space<vmem>>[vector<16xi32>, vector<16xi32>], vector<16xf32>,
        %broadcast_in_dim3A_483 = arith.constant 101 : i32
        %broadcast_in_dim3A_484 = vector.broadcast %broadcast_in_dim3A_483 : i32 to vector<16xi32>
        %broadcast_in_dim3A_485 = arith.constant 37 : i32
        %broadcast_in_dim3A_486 = vector.broadcast %broadcast_in_dim3A_485 : i32 to vector<16xi32>
        %gather3A_487 = tpu.vector_load_idx %arg16[%add3A_236, %broadcast_in_dim3A_484] : memref<80x128xf32, #tpu.memory_space<vmem>>[vector<16xi32>, vector<16xi32>], vector<16xf32>,
        %mul3A_488 = arith.mulf %gather3A_487, %gather3A_452 : vector<16xf32>
        tpu.vector_store_idx %arg17[%add3A_236, %broadcast_in_dim3A_486], %mul3A_488 : memref<80x80xf32, #tpu.memory_space<vmem>>[vector<16xi32>, vector<16xi32>], vector<16xf32>,
        %broadcast_in_dim3A_489 = arith.constant 102 : i32
        %broadcast_in_dim3A_490 = vector.broadcast %broadcast_in_dim3A_489 : i32 to vector<16xi32>
        %broadcast_in_dim3A_491 = arith.constant 38 : i32
        %broadcast_in_dim3A_492 = vector.broadcast %broadcast_in_dim3A_491 : i32 to vector<16xi32>
        %gather3A_493 = tpu.vector_load_idx %arg16[%add3A_236, %broadcast_in_dim3A_490] : memref<80x128xf32, #tpu.memory_space<vmem>>[vector<16xi32>, vector<16xi32>], vector<16xf32>,
        %mul3A_494 = arith.mulf %gather3A_493, %gather3A_452 : vector<16xf32>
        tpu.vector_store_idx %arg17[%add3A_236, %broadcast_in_dim3A_492], %mul3A_494 : memref<80x80xf32, #tpu.memory_space<vmem>>[vector<16xi32>, vector<16xi32>], vector<16xf32>,
        %broadcast_in_dim3A_495 = arith.constant 103 : i32
        %broadcast_in_dim3A_496 = vector.broadcast %broadcast_in_dim3A_495 : i32 to vector<16xi32>
        %broadcast_in_dim3A_497 = arith.constant 39 : i32
        %broadcast_in_dim3A_498 = vector.broadcast %broadcast_in_dim3A_497 : i32 to vector<16xi32>
        %gather3A_499 = tpu.vector_load_idx %arg16[%add3A_236, %broadcast_in_dim3A_496] : memref<80x128xf32, #tpu.memory_space<vmem>>[vector<16xi32>, vector<16xi32>], vector<16xf32>,
        %mul3A_500 = arith.mulf %gather3A_499, %gather3A_452 : vector<16xf32>
        tpu.vector_store_idx %arg17[%add3A_236, %broadcast_in_dim3A_498], %mul3A_500 : memref<80x80xf32, #tpu.memory_space<vmem>>[vector<16xi32>, vector<16xi32>], vector<16xf32>,
        %broadcast_in_dim3A_501 = arith.constant 104 : i32
        %broadcast_in_dim3A_502 = vector.broadcast %broadcast_in_dim3A_501 : i32 to vector<16xi32>
        %broadcast_in_dim3A_503 = arith.constant 40 : i32
        %broadcast_in_dim3A_504 = vector.broadcast %broadcast_in_dim3A_503 : i32 to vector<16xi32>
        %gather3A_505 = tpu.vector_load_idx %arg16[%add3A_236, %broadcast_in_dim3A_502] : memref<80x128xf32, #tpu.memory_space<vmem>>[vector<16xi32>, vector<16xi32>], vector<16xf32>,
        %mul3A_506 = arith.mulf %gather3A_505, %gather3A_452 : vector<16xf32>
        tpu.vector_store_idx %arg17[%add3A_236, %broadcast_in_dim3A_504], %mul3A_506 : memref<80x80xf32, #tpu.memory_space<vmem>>[vector<16xi32>, vector<16xi32>], vector<16xf32>,
        %broadcast_in_dim3A_507 = arith.constant 105 : i32
        %broadcast_in_dim3A_508 = vector.broadcast %broadcast_in_dim3A_507 : i32 to vector<16xi32>
        %broadcast_in_dim3A_509 = arith.constant 41 : i32
        %broadcast_in_dim3A_510 = vector.broadcast %broadcast_in_dim3A_509 : i32 to vector<16xi32>
        %gather3A_511 = tpu.vector_load_idx %arg16[%add3A_236, %broadcast_in_dim3A_508] : memref<80x128xf32, #tpu.memory_space<vmem>>[vector<16xi32>, vector<16xi32>], vector<16xf32>,
        %mul3A_512 = arith.mulf %gather3A_511, %gather3A_452 : vector<16xf32>
        tpu.vector_store_idx %arg17[%add3A_236, %broadcast_in_dim3A_510], %mul3A_512 : memref<80x80xf32, #tpu.memory_space<vmem>>[vector<16xi32>, vector<16xi32>], vector<16xf32>,
        %broadcast_in_dim3A_513 = arith.constant 106 : i32
        %broadcast_in_dim3A_514 = vector.broadcast %broadcast_in_dim3A_513 : i32 to vector<16xi32>
        %broadcast_in_dim3A_515 = arith.constant 42 : i32
        %broadcast_in_dim3A_516 = vector.broadcast %broadcast_in_dim3A_515 : i32 to vector<16xi32>
        %gather3A_517 = tpu.vector_load_idx %arg16[%add3A_236, %broadcast_in_dim3A_514] : memref<80x128xf32, #tpu.memory_space<vmem>>[vector<16xi32>, vector<16xi32>], vector<16xf32>,
        %mul3A_518 = arith.mulf %gather3A_517, %gather3A_452 : vector<16xf32>
        tpu.vector_store_idx %arg17[%add3A_236, %broadcast_in_dim3A_516], %mul3A_518 : memref<80x80xf32, #tpu.memory_space<vmem>>[vector<16xi32>, vector<16xi32>], vector<16xf32>,
        %broadcast_in_dim3A_519 = arith.constant 107 : i32
        %broadcast_in_dim3A_520 = vector.broadcast %broadcast_in_dim3A_519 : i32 to vector<16xi32>
        %broadcast_in_dim3A_521 = arith.constant 43 : i32
        %broadcast_in_dim3A_522 = vector.broadcast %broadcast_in_dim3A_521 : i32 to vector<16xi32>
        %gather3A_523 = tpu.vector_load_idx %arg16[%add3A_236, %broadcast_in_dim3A_520] : memref<80x128xf32, #tpu.memory_space<vmem>>[vector<16xi32>, vector<16xi32>], vector<16xf32>,
        %mul3A_524 = arith.mulf %gather3A_523, %gather3A_452 : vector<16xf32>
        tpu.vector_store_idx %arg17[%add3A_236, %broadcast_in_dim3A_522], %mul3A_524 : memref<80x80xf32, #tpu.memory_space<vmem>>[vector<16xi32>, vector<16xi32>], vector<16xf32>,
        %broadcast_in_dim3A_525 = arith.constant 108 : i32
        %broadcast_in_dim3A_526 = vector.broadcast %broadcast_in_dim3A_525 : i32 to vector<16xi32>
        %broadcast_in_dim3A_527 = arith.constant 44 : i32
        %broadcast_in_dim3A_528 = vector.broadcast %broadcast_in_dim3A_527 : i32 to vector<16xi32>
        %gather3A_529 = tpu.vector_load_idx %arg16[%add3A_236, %broadcast_in_dim3A_526] : memref<80x128xf32, #tpu.memory_space<vmem>>[vector<16xi32>, vector<16xi32>], vector<16xf32>,
        %mul3A_530 = arith.mulf %gather3A_529, %gather3A_452 : vector<16xf32>
        tpu.vector_store_idx %arg17[%add3A_236, %broadcast_in_dim3A_528], %mul3A_530 : memref<80x80xf32, #tpu.memory_space<vmem>>[vector<16xi32>, vector<16xi32>], vector<16xf32>,
        %broadcast_in_dim3A_531 = arith.constant 109 : i32
        %broadcast_in_dim3A_532 = vector.broadcast %broadcast_in_dim3A_531 : i32 to vector<16xi32>
        %broadcast_in_dim3A_533 = arith.constant 45 : i32
        %broadcast_in_dim3A_534 = vector.broadcast %broadcast_in_dim3A_533 : i32 to vector<16xi32>
        %gather3A_535 = tpu.vector_load_idx %arg16[%add3A_236, %broadcast_in_dim3A_532] : memref<80x128xf32, #tpu.memory_space<vmem>>[vector<16xi32>, vector<16xi32>], vector<16xf32>,
        %mul3A_536 = arith.mulf %gather3A_535, %gather3A_452 : vector<16xf32>
        tpu.vector_store_idx %arg17[%add3A_236, %broadcast_in_dim3A_534], %mul3A_536 : memref<80x80xf32, #tpu.memory_space<vmem>>[vector<16xi32>, vector<16xi32>], vector<16xf32>,
        %broadcast_in_dim3A_537 = arith.constant 110 : i32
        %broadcast_in_dim3A_538 = vector.broadcast %broadcast_in_dim3A_537 : i32 to vector<16xi32>
        %broadcast_in_dim3A_539 = arith.constant 46 : i32
        %broadcast_in_dim3A_540 = vector.broadcast %broadcast_in_dim3A_539 : i32 to vector<16xi32>
        %gather3A_541 = tpu.vector_load_idx %arg16[%add3A_236, %broadcast_in_dim3A_538] : memref<80x128xf32, #tpu.memory_space<vmem>>[vector<16xi32>, vector<16xi32>], vector<16xf32>,
        %mul3A_542 = arith.mulf %gather3A_541, %gather3A_452 : vector<16xf32>
        tpu.vector_store_idx %arg17[%add3A_236, %broadcast_in_dim3A_540], %mul3A_542 : memref<80x80xf32, #tpu.memory_space<vmem>>[vector<16xi32>, vector<16xi32>], vector<16xf32>,
        %broadcast_in_dim3A_543 = arith.constant 111 : i32
        %broadcast_in_dim3A_544 = vector.broadcast %broadcast_in_dim3A_543 : i32 to vector<16xi32>
        %broadcast_in_dim3A_545 = arith.constant 47 : i32
        %broadcast_in_dim3A_546 = vector.broadcast %broadcast_in_dim3A_545 : i32 to vector<16xi32>
        %gather3A_547 = tpu.vector_load_idx %arg16[%add3A_236, %broadcast_in_dim3A_544] : memref<80x128xf32, #tpu.memory_space<vmem>>[vector<16xi32>, vector<16xi32>], vector<16xf32>,
        %mul3A_548 = arith.mulf %gather3A_547, %gather3A_452 : vector<16xf32>
        tpu.vector_store_idx %arg17[%add3A_236, %broadcast_in_dim3A_546], %mul3A_548 : memref<80x80xf32, #tpu.memory_space<vmem>>[vector<16xi32>, vector<16xi32>], vector<16xf32>,
        %mul3A_549 = arith.constant 8 : i32
        %mul3A_550 = vector.broadcast %mul3A_549 : i32 to vector<16xi32>
        %mul3A_551 = arith.muli %iota3A, %mul3A_550 : vector<16xi32>
        %add3A_552 = arith.constant 7 : i32
        %add3A_553 = vector.broadcast %add3A_552 : i32 to vector<16xi32>
        %add3A_554 = arith.addi %mul3A_551, %add3A_553 : vector<16xi32>
        %gather3A_555 = tpu.vector_load_idx %arg19[%add3A_240, %add3A_554] : memref<8x128xf32, #tpu.memory_space<vmem>>[vector<16xi32>, vector<16xi32>], vector<16xf32>,
        %broadcast_in_dim3A_556 = arith.constant 112 : i32
        %broadcast_in_dim3A_557 = vector.broadcast %broadcast_in_dim3A_556 : i32 to vector<16xi32>
        %broadcast_in_dim3A_558 = arith.constant 48 : i32
        %broadcast_in_dim3A_559 = vector.broadcast %broadcast_in_dim3A_558 : i32 to vector<16xi32>
        %gather3A_560 = tpu.vector_load_idx %arg16[%add3A_236, %broadcast_in_dim3A_557] : memref<80x128xf32, #tpu.memory_space<vmem>>[vector<16xi32>, vector<16xi32>], vector<16xf32>,
        %mul3A_561 = arith.mulf %gather3A_560, %gather3A_555 : vector<16xf32>
        tpu.vector_store_idx %arg17[%add3A_236, %broadcast_in_dim3A_559], %mul3A_561 : memref<80x80xf32, #tpu.memory_space<vmem>>[vector<16xi32>, vector<16xi32>], vector<16xf32>,
        %broadcast_in_dim3A_562 = arith.constant 113 : i32
        %broadcast_in_dim3A_563 = vector.broadcast %broadcast_in_dim3A_562 : i32 to vector<16xi32>
        %broadcast_in_dim3A_564 = arith.constant 49 : i32
        %broadcast_in_dim3A_565 = vector.broadcast %broadcast_in_dim3A_564 : i32 to vector<16xi32>
        %gather3A_566 = tpu.vector_load_idx %arg16[%add3A_236, %broadcast_in_dim3A_563] : memref<80x128xf32, #tpu.memory_space<vmem>>[vector<16xi32>, vector<16xi32>], vector<16xf32>,
        %mul3A_567 = arith.mulf %gather3A_566, %gather3A_555 : vector<16xf32>
        tpu.vector_store_idx %arg17[%add3A_236, %broadcast_in_dim3A_565], %mul3A_567 : memref<80x80xf32, #tpu.memory_space<vmem>>[vector<16xi32>, vector<16xi32>], vector<16xf32>,
        %broadcast_in_dim3A_568 = arith.constant 114 : i32
        %broadcast_in_dim3A_569 = vector.broadcast %broadcast_in_dim3A_568 : i32 to vector<16xi32>
        %broadcast_in_dim3A_570 = arith.constant 50 : i32
        %broadcast_in_dim3A_571 = vector.broadcast %broadcast_in_dim3A_570 : i32 to vector<16xi32>
        %gather3A_572 = tpu.vector_load_idx %arg16[%add3A_236, %broadcast_in_dim3A_569] : memref<80x128xf32, #tpu.memory_space<vmem>>[vector<16xi32>, vector<16xi32>], vector<16xf32>,
        %mul3A_573 = arith.mulf %gather3A_572, %gather3A_555 : vector<16xf32>
        tpu.vector_store_idx %arg17[%add3A_236, %broadcast_in_dim3A_571], %mul3A_573 : memref<80x80xf32, #tpu.memory_space<vmem>>[vector<16xi32>, vector<16xi32>], vector<16xf32>,
        %broadcast_in_dim3A_574 = arith.constant 115 : i32
        %broadcast_in_dim3A_575 = vector.broadcast %broadcast_in_dim3A_574 : i32 to vector<16xi32>
        %broadcast_in_dim3A_576 = arith.constant 51 : i32
        %broadcast_in_dim3A_577 = vector.broadcast %broadcast_in_dim3A_576 : i32 to vector<16xi32>
        %gather3A_578 = tpu.vector_load_idx %arg16[%add3A_236, %broadcast_in_dim3A_575] : memref<80x128xf32, #tpu.memory_space<vmem>>[vector<16xi32>, vector<16xi32>], vector<16xf32>,
        %mul3A_579 = arith.mulf %gather3A_578, %gather3A_555 : vector<16xf32>
        tpu.vector_store_idx %arg17[%add3A_236, %broadcast_in_dim3A_577], %mul3A_579 : memref<80x80xf32, #tpu.memory_space<vmem>>[vector<16xi32>, vector<16xi32>], vector<16xf32>,
        %broadcast_in_dim3A_580 = arith.constant 116 : i32
        %broadcast_in_dim3A_581 = vector.broadcast %broadcast_in_dim3A_580 : i32 to vector<16xi32>
        %broadcast_in_dim3A_582 = arith.constant 52 : i32
        %broadcast_in_dim3A_583 = vector.broadcast %broadcast_in_dim3A_582 : i32 to vector<16xi32>
        %gather3A_584 = tpu.vector_load_idx %arg16[%add3A_236, %broadcast_in_dim3A_581] : memref<80x128xf32, #tpu.memory_space<vmem>>[vector<16xi32>, vector<16xi32>], vector<16xf32>,
        %mul3A_585 = arith.mulf %gather3A_584, %gather3A_555 : vector<16xf32>
        tpu.vector_store_idx %arg17[%add3A_236, %broadcast_in_dim3A_583], %mul3A_585 : memref<80x80xf32, #tpu.memory_space<vmem>>[vector<16xi32>, vector<16xi32>], vector<16xf32>,
        %broadcast_in_dim3A_586 = arith.constant 117 : i32
        %broadcast_in_dim3A_587 = vector.broadcast %broadcast_in_dim3A_586 : i32 to vector<16xi32>
        %broadcast_in_dim3A_588 = arith.constant 53 : i32
        %broadcast_in_dim3A_589 = vector.broadcast %broadcast_in_dim3A_588 : i32 to vector<16xi32>
        %gather3A_590 = tpu.vector_load_idx %arg16[%add3A_236, %broadcast_in_dim3A_587] : memref<80x128xf32, #tpu.memory_space<vmem>>[vector<16xi32>, vector<16xi32>], vector<16xf32>,
        %mul3A_591 = arith.mulf %gather3A_590, %gather3A_555 : vector<16xf32>
        tpu.vector_store_idx %arg17[%add3A_236, %broadcast_in_dim3A_589], %mul3A_591 : memref<80x80xf32, #tpu.memory_space<vmem>>[vector<16xi32>, vector<16xi32>], vector<16xf32>,
        %broadcast_in_dim3A_592 = arith.constant 118 : i32
        %broadcast_in_dim3A_593 = vector.broadcast %broadcast_in_dim3A_592 : i32 to vector<16xi32>
        %broadcast_in_dim3A_594 = arith.constant 54 : i32
        %broadcast_in_dim3A_595 = vector.broadcast %broadcast_in_dim3A_594 : i32 to vector<16xi32>
        %gather3A_596 = tpu.vector_load_idx %arg16[%add3A_236, %broadcast_in_dim3A_593] : memref<80x128xf32, #tpu.memory_space<vmem>>[vector<16xi32>, vector<16xi32>], vector<16xf32>,
        %mul3A_597 = arith.mulf %gather3A_596, %gather3A_555 : vector<16xf32>
        tpu.vector_store_idx %arg17[%add3A_236, %broadcast_in_dim3A_595], %mul3A_597 : memref<80x80xf32, #tpu.memory_space<vmem>>[vector<16xi32>, vector<16xi32>], vector<16xf32>,
        %broadcast_in_dim3A_598 = arith.constant 119 : i32
        %broadcast_in_dim3A_599 = vector.broadcast %broadcast_in_dim3A_598 : i32 to vector<16xi32>
        %broadcast_in_dim3A_600 = arith.constant 55 : i32
        %broadcast_in_dim3A_601 = vector.broadcast %broadcast_in_dim3A_600 : i32 to vector<16xi32>
        %gather3A_602 = tpu.vector_load_idx %arg16[%add3A_236, %broadcast_in_dim3A_599] : memref<80x128xf32, #tpu.memory_space<vmem>>[vector<16xi32>, vector<16xi32>], vector<16xf32>,
        %mul3A_603 = arith.mulf %gather3A_602, %gather3A_555 : vector<16xf32>
        tpu.vector_store_idx %arg17[%add3A_236, %broadcast_in_dim3A_601], %mul3A_603 : memref<80x80xf32, #tpu.memory_space<vmem>>[vector<16xi32>, vector<16xi32>], vector<16xf32>,
        %broadcast_in_dim3A_604 = arith.constant 120 : i32
        %broadcast_in_dim3A_605 = vector.broadcast %broadcast_in_dim3A_604 : i32 to vector<16xi32>
        %broadcast_in_dim3A_606 = arith.constant 56 : i32
        %broadcast_in_dim3A_607 = vector.broadcast %broadcast_in_dim3A_606 : i32 to vector<16xi32>
        %gather3A_608 = tpu.vector_load_idx %arg16[%add3A_236, %broadcast_in_dim3A_605] : memref<80x128xf32, #tpu.memory_space<vmem>>[vector<16xi32>, vector<16xi32>], vector<16xf32>,
        %mul3A_609 = arith.mulf %gather3A_608, %gather3A_555 : vector<16xf32>
        tpu.vector_store_idx %arg17[%add3A_236, %broadcast_in_dim3A_607], %mul3A_609 : memref<80x80xf32, #tpu.memory_space<vmem>>[vector<16xi32>, vector<16xi32>], vector<16xf32>,
        %broadcast_in_dim3A_610 = arith.constant 121 : i32
        %broadcast_in_dim3A_611 = vector.broadcast %broadcast_in_dim3A_610 : i32 to vector<16xi32>
        %broadcast_in_dim3A_612 = arith.constant 57 : i32
        %broadcast_in_dim3A_613 = vector.broadcast %broadcast_in_dim3A_612 : i32 to vector<16xi32>
        %gather3A_614 = tpu.vector_load_idx %arg16[%add3A_236, %broadcast_in_dim3A_611] : memref<80x128xf32, #tpu.memory_space<vmem>>[vector<16xi32>, vector<16xi32>], vector<16xf32>,
        %mul3A_615 = arith.mulf %gather3A_614, %gather3A_555 : vector<16xf32>
        tpu.vector_store_idx %arg17[%add3A_236, %broadcast_in_dim3A_613], %mul3A_615 : memref<80x80xf32, #tpu.memory_space<vmem>>[vector<16xi32>, vector<16xi32>], vector<16xf32>,
        %broadcast_in_dim3A_616 = arith.constant 122 : i32
        %broadcast_in_dim3A_617 = vector.broadcast %broadcast_in_dim3A_616 : i32 to vector<16xi32>
        %broadcast_in_dim3A_618 = arith.constant 58 : i32
        %broadcast_in_dim3A_619 = vector.broadcast %broadcast_in_dim3A_618 : i32 to vector<16xi32>
        %gather3A_620 = tpu.vector_load_idx %arg16[%add3A_236, %broadcast_in_dim3A_617] : memref<80x128xf32, #tpu.memory_space<vmem>>[vector<16xi32>, vector<16xi32>], vector<16xf32>,
        %mul3A_621 = arith.mulf %gather3A_620, %gather3A_555 : vector<16xf32>
        tpu.vector_store_idx %arg17[%add3A_236, %broadcast_in_dim3A_619], %mul3A_621 : memref<80x80xf32, #tpu.memory_space<vmem>>[vector<16xi32>, vector<16xi32>], vector<16xf32>,
        %broadcast_in_dim3A_622 = arith.constant 123 : i32
        %broadcast_in_dim3A_623 = vector.broadcast %broadcast_in_dim3A_622 : i32 to vector<16xi32>
        %broadcast_in_dim3A_624 = arith.constant 59 : i32
        %broadcast_in_dim3A_625 = vector.broadcast %broadcast_in_dim3A_624 : i32 to vector<16xi32>
        %gather3A_626 = tpu.vector_load_idx %arg16[%add3A_236, %broadcast_in_dim3A_623] : memref<80x128xf32, #tpu.memory_space<vmem>>[vector<16xi32>, vector<16xi32>], vector<16xf32>,
        %mul3A_627 = arith.mulf %gather3A_626, %gather3A_555 : vector<16xf32>
        tpu.vector_store_idx %arg17[%add3A_236, %broadcast_in_dim3A_625], %mul3A_627 : memref<80x80xf32, #tpu.memory_space<vmem>>[vector<16xi32>, vector<16xi32>], vector<16xf32>,
        %broadcast_in_dim3A_628 = arith.constant 124 : i32
        %broadcast_in_dim3A_629 = vector.broadcast %broadcast_in_dim3A_628 : i32 to vector<16xi32>
        %broadcast_in_dim3A_630 = arith.constant 60 : i32
        %broadcast_in_dim3A_631 = vector.broadcast %broadcast_in_dim3A_630 : i32 to vector<16xi32>
        %gather3A_632 = tpu.vector_load_idx %arg16[%add3A_236, %broadcast_in_dim3A_629] : memref<80x128xf32, #tpu.memory_space<vmem>>[vector<16xi32>, vector<16xi32>], vector<16xf32>,
        %mul3A_633 = arith.mulf %gather3A_632, %gather3A_555 : vector<16xf32>
        tpu.vector_store_idx %arg17[%add3A_236, %broadcast_in_dim3A_631], %mul3A_633 : memref<80x80xf32, #tpu.memory_space<vmem>>[vector<16xi32>, vector<16xi32>], vector<16xf32>,
        %broadcast_in_dim3A_634 = arith.constant 125 : i32
        %broadcast_in_dim3A_635 = vector.broadcast %broadcast_in_dim3A_634 : i32 to vector<16xi32>
        %broadcast_in_dim3A_636 = arith.constant 61 : i32
        %broadcast_in_dim3A_637 = vector.broadcast %broadcast_in_dim3A_636 : i32 to vector<16xi32>
        %gather3A_638 = tpu.vector_load_idx %arg16[%add3A_236, %broadcast_in_dim3A_635] : memref<80x128xf32, #tpu.memory_space<vmem>>[vector<16xi32>, vector<16xi32>], vector<16xf32>,
        %mul3A_639 = arith.mulf %gather3A_638, %gather3A_555 : vector<16xf32>
        tpu.vector_store_idx %arg17[%add3A_236, %broadcast_in_dim3A_637], %mul3A_639 : memref<80x80xf32, #tpu.memory_space<vmem>>[vector<16xi32>, vector<16xi32>], vector<16xf32>,
        %broadcast_in_dim3A_640 = arith.constant 126 : i32
        %broadcast_in_dim3A_641 = vector.broadcast %broadcast_in_dim3A_640 : i32 to vector<16xi32>
        %broadcast_in_dim3A_642 = arith.constant 62 : i32
        %broadcast_in_dim3A_643 = vector.broadcast %broadcast_in_dim3A_642 : i32 to vector<16xi32>
        %gather3A_644 = tpu.vector_load_idx %arg16[%add3A_236, %broadcast_in_dim3A_641] : memref<80x128xf32, #tpu.memory_space<vmem>>[vector<16xi32>, vector<16xi32>], vector<16xf32>,
        %mul3A_645 = arith.mulf %gather3A_644, %gather3A_555 : vector<16xf32>
        tpu.vector_store_idx %arg17[%add3A_236, %broadcast_in_dim3A_643], %mul3A_645 : memref<80x80xf32, #tpu.memory_space<vmem>>[vector<16xi32>, vector<16xi32>], vector<16xf32>,
        %broadcast_in_dim3A_646 = arith.constant 127 : i32
        %broadcast_in_dim3A_647 = vector.broadcast %broadcast_in_dim3A_646 : i32 to vector<16xi32>
        %broadcast_in_dim3A_648 = arith.constant 63 : i32
        %broadcast_in_dim3A_649 = vector.broadcast %broadcast_in_dim3A_648 : i32 to vector<16xi32>
        %gather3A_650 = tpu.vector_load_idx %arg16[%add3A_236, %broadcast_in_dim3A_647] : memref<80x128xf32, #tpu.memory_space<vmem>>[vector<16xi32>, vector<16xi32>], vector<16xf32>,
        %mul3A_651 = arith.mulf %gather3A_650, %gather3A_555 : vector<16xf32>
        tpu.vector_store_idx %arg17[%add3A_236, %broadcast_in_dim3A_649], %mul3A_651 : memref<80x80xf32, #tpu.memory_space<vmem>>[vector<16xi32>, vector<16xi32>], vector<16xf32>,
      }
      %scan3A_231 = arith.constant 5 : i32
      "tpu.region"() ({
        %run_scoped3A = tpu.sem_alloc : memref<!tpu.dma_semaphore, #tpu.memory_space<semaphore_mem>>
        %dma_start3A_232 = arith.constant 0 : i32
        %dma_start3A_233 = arith.constant 0 : i32
        %dma_start3A_234 = tpu.memref_slice %arg21[%dma_start3A_232, %dma_start3A_233] : memref<10240x80xf32, #tpu.memory_space<vmem_shared>> -> memref<10240x80xf32, #tpu.memory_space<vmem_shared>>
        tpu.enqueue_indirect_dma source(%arg17 : memref<80x80xf32, #tpu.memory_space<vmem>>) target(%dma_start3A_234 : memref<10240x80xf32, #tpu.memory_space<vmem_shared>>) offsets(%arg13 : memref<80xi32, #tpu.memory_space<vmem>>) semaphore(%run_scoped3A : memref<!tpu.dma_semaphore, #tpu.memory_space<semaphore_mem>>) {add = true}
        %dma_wait3A_235 = arith.constant 0 : i32
        %dma_wait3A_236 = arith.constant 0 : i32
        %dma_wait3A_237 = tpu.memref_slice %arg21[%dma_wait3A_235, %dma_wait3A_236] : memref<10240x80xf32, #tpu.memory_space<vmem_shared>> -> memref<10240x80xf32, #tpu.memory_space<vmem_shared>>
        tpu.wait_indirect_dma semaphore(%run_scoped3A : memref<!tpu.dma_semaphore, #tpu.memory_space<semaphore_mem>>) src(%arg17 : memref<80x80xf32, #tpu.memory_space<vmem>>) dst(%dma_wait3A_237 : memref<10240x80xf32, #tpu.memory_space<vmem_shared>>)
        tpu.yield
      }) : () -> ()
    }
    %scan3A_207 = arith.constant 125 : i32
    %barrier3A_208 = arith.constant 0 : index
    tpu.barrier barrier_id(%barrier3A_208)
    "tpu.region"() ({
      %run_scoped3A = tpu.sem_alloc : memref<!tpu.dma_semaphore, #tpu.memory_space<semaphore_mem>>
      %dma_start3A = arith.constant 0 : i32
      %dma_start3A_209 = tpu.memref_slice %arg10[%arg0, %mul3A_2, %dma_start3A] : memref<2x10240x80xf32, #tpu.memory_space<hbm>> -> memref<1x640x80xf32, #tpu.memory_space<hbm>>
      %dma_start3A_210 = tpu.memref_squeeze %dma_start3A_209 : memref<1x640x80xf32, #tpu.memory_space<hbm>> -> memref<640x80xf32, #tpu.memory_space<hbm>>
      %dma_start3A_211 = arith.constant 0 : i32
      %dma_start3A_212 = tpu.memref_slice %arg21[%mul3A_2, %dma_start3A_211] : memref<10240x80xf32, #tpu.memory_space<vmem_shared>> -> memref<640x80xf32, #tpu.memory_space<vmem_shared>>
      tpu.enqueue_dma source(%dma_start3A_212 : memref<640x80xf32, #tpu.memory_space<vmem_shared>>) target(%dma_start3A_210 : memref<640x80xf32, #tpu.memory_space<hbm>>) target_semaphore(%run_scoped3A : memref<!tpu.dma_semaphore, #tpu.memory_space<semaphore_mem>>)
      %dma_wait3A = arith.constant 0 : i32
      %dma_wait3A_213 = tpu.memref_slice %arg10[%arg0, %mul3A_2, %dma_wait3A] : memref<2x10240x80xf32, #tpu.memory_space<hbm>> -> memref<1x640x80xf32, #tpu.memory_space<hbm>>
      %dma_wait3A_214 = tpu.memref_squeeze %dma_wait3A_213 : memref<1x640x80xf32, #tpu.memory_space<hbm>> -> memref<640x80xf32, #tpu.memory_space<hbm>>
      %dma_wait3A_215 = arith.constant 0 : i32
      %dma_wait3A_216 = tpu.memref_slice %arg21[%mul3A_2, %dma_wait3A_215] : memref<10240x80xf32, #tpu.memory_space<vmem_shared>> -> memref<640x80xf32, #tpu.memory_space<vmem_shared>>
      tpu.wait_dma2 semaphore(%run_scoped3A : memref<!tpu.dma_semaphore, #tpu.memory_space<semaphore_mem>>) src(%dma_wait3A_216 : memref<640x80xf32, #tpu.memory_space<vmem_shared>>) dst(%dma_wait3A_214 : memref<640x80xf32, #tpu.memory_space<hbm>>)
      tpu.yield
    }) : () -> ()
    return
  }
}

module attributes {stable_mosaic.version = 14 : i64} {
  func.func @_proj_body(%arg0: i32, %arg1: memref<2000x128xf32, #tpu.memory_space<vmem>>, %arg2: memref<128x128xf32, #tpu.memory_space<vmem>>, %arg3: memref<128x128xf32, #tpu.memory_space<vmem>>, %arg4: memref<128x128xf32, #tpu.memory_space<vmem>>, %arg5: memref<2000x128xf32, #tpu.memory_space<vmem>>, %arg6: memref<2000x128xf32, #tpu.memory_space<vmem>>, %arg7: memref<2000x128xf32, #tpu.memory_space<vmem>>) attributes {dimension_semantics = [#tpu.dimension_semantics<arbitrary>], iteration_bounds = array<i64: 5>, scalar_prefetch = 0 : i64, scratch_operands = 0 : i64, tpu.core_type = #tpu.core_type<tc>, window_params = [{transform_indices = @transform_0, window_bounds = array<i64: 2000, 128>}, {pipeline_mode = #tpu.pipeline_mode<synchronous>, transform_indices = @transform_1, window_bounds = array<i64: 128, 128>}, {pipeline_mode = #tpu.pipeline_mode<synchronous>, transform_indices = @transform_2, window_bounds = array<i64: 128, 128>}, {pipeline_mode = #tpu.pipeline_mode<synchronous>, transform_indices = @transform_3, window_bounds = array<i64: 128, 128>}, {transform_indices = @transform_4, window_bounds = array<i64: 2000, 128>}, {transform_indices = @transform_5, window_bounds = array<i64: 2000, 128>}, {transform_indices = @transform_6, window_bounds = array<i64: 2000, 128>}]} {
    %get3A = arith.constant 0 : index
    %get3A_0 = arith.constant 0 : index
    %get3A_1 = vector.load %arg1[%get3A, %get3A_0] : memref<2000x128xf32, #tpu.memory_space<vmem>>, vector<2000x128xf32>
    %get3A_2 = arith.constant 0 : index
    %get3A_3 = arith.constant 0 : index
    %get3A_4 = vector.load %arg2[%get3A_2, %get3A_3] : memref<128x128xf32, #tpu.memory_space<vmem>>, vector<128x128xf32>
    %dot_general3A = arith.constant dense<0.000000e+00> : vector<2000x128xf32>
    %dot_general3A_5 = tpu.matmul %get3A_1, %get3A_4, %dot_general3A {dimension_numbers = #tpu.dot_dimension_numbers<[1], [0], [0], [1], [0, 0, 1, 1], [], []>, transpose_lhs_hint = false} : vector<2000x128xf32>, vector<128x128xf32>, vector<2000x128xf32> -> vector<2000x128xf32>
    %swap3A = arith.constant 0 : index
    %swap3A_6 = arith.constant 0 : index
    %swap3A_7 = vector.load %arg5[%swap3A, %swap3A_6] : memref<2000x128xf32, #tpu.memory_space<vmem>>, vector<2000x128xf32>
    tpu.vector_store %arg5[%swap3A, %swap3A_6], %dot_general3A_5 {strides = array<i32>} : memref<2000x128xf32, #tpu.memory_space<vmem>>, vector<2000x128xf32>,
    %get3A_8 = arith.constant 0 : index
    %get3A_9 = arith.constant 0 : index
    %get3A_10 = vector.load %arg3[%get3A_8, %get3A_9] : memref<128x128xf32, #tpu.memory_space<vmem>>, vector<128x128xf32>
    %dot_general3A_11 = arith.constant dense<0.000000e+00> : vector<2000x128xf32>
    %dot_general3A_12 = tpu.matmul %get3A_1, %get3A_10, %dot_general3A_11 {dimension_numbers = #tpu.dot_dimension_numbers<[1], [0], [0], [1], [0, 0, 1, 1], [], []>, transpose_lhs_hint = false} : vector<2000x128xf32>, vector<128x128xf32>, vector<2000x128xf32> -> vector<2000x128xf32>
    %swap3A_13 = arith.constant 0 : index
    %swap3A_14 = arith.constant 0 : index
    %swap3A_15 = vector.load %arg6[%swap3A_13, %swap3A_14] : memref<2000x128xf32, #tpu.memory_space<vmem>>, vector<2000x128xf32>
    tpu.vector_store %arg6[%swap3A_13, %swap3A_14], %dot_general3A_12 {strides = array<i32>} : memref<2000x128xf32, #tpu.memory_space<vmem>>, vector<2000x128xf32>,
    %get3A_16 = arith.constant 0 : index
    %get3A_17 = arith.constant 0 : index
    %get3A_18 = vector.load %arg4[%get3A_16, %get3A_17] : memref<128x128xf32, #tpu.memory_space<vmem>>, vector<128x128xf32>
    %dot_general3A_19 = arith.constant dense<0.000000e+00> : vector<2000x128xf32>
    %dot_general3A_20 = tpu.matmul %get3A_1, %get3A_18, %dot_general3A_19 {dimension_numbers = #tpu.dot_dimension_numbers<[1], [0], [0], [1], [0, 0, 1, 1], [], []>, transpose_lhs_hint = false} : vector<2000x128xf32>, vector<128x128xf32>, vector<2000x128xf32> -> vector<2000x128xf32>
    %swap3A_21 = arith.constant 0 : index
    %swap3A_22 = arith.constant 0 : index
    %swap3A_23 = vector.load %arg7[%swap3A_21, %swap3A_22] : memref<2000x128xf32, #tpu.memory_space<vmem>>, vector<2000x128xf32>
    tpu.vector_store %arg7[%swap3A_21, %swap3A_22], %dot_general3A_20 {strides = array<i32>} : memref<2000x128xf32, #tpu.memory_space<vmem>>, vector<2000x128xf32>,
    return
  }
  func.func @transform_0(%arg0: i32) -> (i32, i32) {
    %c0_i32 = arith.constant 0 : i32
    %c0_i32_0 = arith.constant 0 : i32
    return %arg0, %c0_i32 : i32, i32
  }
  func.func @transform_1(%arg0: i32) -> (i32, i32) {
    %c0_i32 = arith.constant 0 : i32
    %c0_i32_0 = arith.constant 0 : i32
    %c0_i32_1 = arith.constant 0 : i32
    return %c0_i32, %c0_i32_0 : i32, i32
  }
  func.func @transform_2(%arg0: i32) -> (i32, i32) {
    %c0_i32 = arith.constant 0 : i32
    %c0_i32_0 = arith.constant 0 : i32
    %c0_i32_1 = arith.constant 0 : i32
    return %c0_i32, %c0_i32_0 : i32, i32
  }
  func.func @transform_3(%arg0: i32) -> (i32, i32) {
    %c0_i32 = arith.constant 0 : i32
    %c0_i32_0 = arith.constant 0 : i32
    %c0_i32_1 = arith.constant 0 : i32
    return %c0_i32, %c0_i32_0 : i32, i32
  }
  func.func @transform_4(%arg0: i32) -> (i32, i32) {
    %c0_i32 = arith.constant 0 : i32
    %c0_i32_0 = arith.constant 0 : i32
    return %arg0, %c0_i32 : i32, i32
  }
  func.func @transform_5(%arg0: i32) -> (i32, i32) {
    %c0_i32 = arith.constant 0 : i32
    %c0_i32_0 = arith.constant 0 : i32
    return %arg0, %c0_i32 : i32, i32
  }
  func.func @transform_6(%arg0: i32) -> (i32, i32) {
    %c0_i32 = arith.constant 0 : i32
    %c0_i32_0 = arith.constant 0 : i32
    return %arg0, %c0_i32 : i32, i32
  }
}

module attributes {stable_mosaic.version = 14 : i64} {
  func.func @_final_body(%arg0: i32, %arg1: memref<2x2048x80xf32, #tpu.memory_space<vmem>>, %arg2: memref<2x2048x80xf32, #tpu.memory_space<vmem>>, %arg3: memref<8x64xf32, #tpu.memory_space<vmem>>, %arg4: memref<8x64xf32, #tpu.memory_space<vmem>>, %arg5: memref<128x128xf32, #tpu.memory_space<vmem>>, %arg6: memref<2048x128xf32, #tpu.memory_space<vmem>>) attributes {dimension_semantics = [#tpu.dimension_semantics<arbitrary>], iteration_bounds = array<i64: 5>, scalar_prefetch = 0 : i64, scratch_operands = 0 : i64, tpu.core_type = #tpu.core_type<tc>, window_params = [{transform_indices = @transform_0, window_bounds = array<i64: 2, 2048, 80>}, {transform_indices = @transform_1, window_bounds = array<i64: 2, 2048, 80>}, {pipeline_mode = #tpu.pipeline_mode<synchronous>, transform_indices = @transform_2, window_bounds = array<i64: 8, 64>}, {pipeline_mode = #tpu.pipeline_mode<synchronous>, transform_indices = @transform_3, window_bounds = array<i64: 8, 64>}, {pipeline_mode = #tpu.pipeline_mode<synchronous>, transform_indices = @transform_4, window_bounds = array<i64: 128, 128>}, {transform_indices = @transform_5, window_bounds = array<i64: 2048, 128>}]} {
    %get3A = arith.constant 0 : index
    %get3A_0 = arith.constant 0 : index
    %get3A_1 = arith.constant 0 : index
    %get3A_2 = vector.load %arg1[%get3A, %get3A_0, %get3A_1] : memref<2x2048x80xf32, #tpu.memory_space<vmem>>, vector<2x2048x80xf32>
    %get3A_3 = arith.constant 0 : index
    %get3A_4 = arith.constant 0 : index
    %get3A_5 = arith.constant 0 : index
    %get3A_6 = vector.load %arg2[%get3A_3, %get3A_4, %get3A_5] : memref<2x2048x80xf32, #tpu.memory_space<vmem>>, vector<2x2048x80xf32>
    %slice3A = vector.extract_strided_slice %get3A_2 {offsets = [0, 0, 0], sizes = [1, 2048, 80], strides = [1, 1, 1]} : vector<2x2048x80xf32> to vector<1x2048x80xf32>
    %squeeze3A = vector.shape_cast %slice3A : vector<1x2048x80xf32> to vector<2048x80xf32>
    %slice3A_7 = vector.extract_strided_slice %get3A_2 {offsets = [1, 0, 0], sizes = [1, 2048, 80], strides = [1, 1, 1]} : vector<2x2048x80xf32> to vector<1x2048x80xf32>
    %squeeze3A_8 = vector.shape_cast %slice3A_7 : vector<1x2048x80xf32> to vector<2048x80xf32>
    %add3A = arith.addf %squeeze3A, %squeeze3A_8 : vector<2048x80xf32>
    %slice3A_9 = vector.extract_strided_slice %get3A_6 {offsets = [0, 0, 0], sizes = [1, 2048, 80], strides = [1, 1, 1]} : vector<2x2048x80xf32> to vector<1x2048x80xf32>
    %squeeze3A_10 = vector.shape_cast %slice3A_9 : vector<1x2048x80xf32> to vector<2048x80xf32>
    %slice3A_11 = vector.extract_strided_slice %get3A_6 {offsets = [1, 0, 0], sizes = [1, 2048, 80], strides = [1, 1, 1]} : vector<2x2048x80xf32> to vector<1x2048x80xf32>
    %squeeze3A_12 = vector.shape_cast %slice3A_11 : vector<1x2048x80xf32> to vector<2048x80xf32>
    %add3A_13 = arith.addf %squeeze3A_10, %squeeze3A_12 : vector<2048x80xf32>
    %slice3A_14 = vector.extract_strided_slice %add3A {offsets = [0, 64], sizes = [2048, 8], strides = [1, 1]} : vector<2048x80xf32> to vector<2048x8xf32>
    %slice3A_15 = vector.extract_strided_slice %add3A {offsets = [0, 0], sizes = [2048, 64], strides = [1, 1]} : vector<2048x80xf32> to vector<2048x64xf32>
    %slice3A_16 = vector.extract_strided_slice %add3A_13 {offsets = [0, 0], sizes = [2048, 64], strides = [1, 1]} : vector<2048x80xf32> to vector<2048x64xf32>
    %get3A_17 = arith.constant 0 : index
    %get3A_18 = arith.constant 0 : index
    %get3A_19 = vector.load %arg3[%get3A_17, %get3A_18] : memref<8x64xf32, #tpu.memory_space<vmem>>, vector<8x64xf32>
    %dot_general3A = arith.constant dense<0.000000e+00> : vector<2048x64xf32>
    %dot_general3A_20 = tpu.matmul %slice3A_14, %get3A_19, %dot_general3A {dimension_numbers = #tpu.dot_dimension_numbers<[1], [0], [0], [1], [0, 0, 1, 1], [], []>, transpose_lhs_hint = false} : vector<2048x8xf32>, vector<8x64xf32>, vector<2048x64xf32> -> vector<2048x64xf32>
    %max3A = arith.constant 1.000000e-30 : f32
    %max3A_21 = vector.broadcast %max3A : f32 to vector<2048x64xf32>
    %max3A_22 = arith.maximumf %dot_general3A_20, %max3A_21 : vector<2048x64xf32>
    %get3A_23 = arith.constant 0 : index
    %get3A_24 = arith.constant 0 : index
    %get3A_25 = vector.load %arg4[%get3A_23, %get3A_24] : memref<8x64xf32, #tpu.memory_space<vmem>>, vector<8x64xf32>
    %dot_general3A_26 = arith.constant dense<0.000000e+00> : vector<2048x64xf32>
    %dot_general3A_27 = tpu.matmul %slice3A_14, %get3A_25, %dot_general3A_26 {dimension_numbers = #tpu.dot_dimension_numbers<[1], [0], [0], [1], [0, 0, 1, 1], [], []>, transpose_lhs_hint = false} : vector<2048x8xf32>, vector<8x64xf32>, vector<2048x64xf32> -> vector<2048x64xf32>
    %max3A_28 = arith.constant 1.000000e-30 : f32
    %max3A_29 = vector.broadcast %max3A_28 : f32 to vector<2048x64xf32>
    %max3A_30 = arith.maximumf %dot_general3A_27, %max3A_29 : vector<2048x64xf32>
    %get3A_31 = arith.constant 0 : index
    %get3A_32 = arith.constant 0 : index
    %get3A_33 = vector.load %arg5[%get3A_31, %get3A_32] : memref<128x128xf32, #tpu.memory_space<vmem>>, vector<128x128xf32>
    %div3A = arith.divf %slice3A_15, %max3A_22 : vector<2048x64xf32>
    %slice3A_34 = vector.extract_strided_slice %get3A_33 {offsets = [0, 0], sizes = [64, 128], strides = [1, 1]} : vector<128x128xf32> to vector<64x128xf32>
    %dot_general3A_35 = arith.constant dense<0.000000e+00> : vector<2048x128xf32>
    %dot_general3A_36 = tpu.matmul %div3A, %slice3A_34, %dot_general3A_35 {dimension_numbers = #tpu.dot_dimension_numbers<[1], [0], [0], [1], [0, 0, 1, 1], [], []>, transpose_lhs_hint = false} : vector<2048x64xf32>, vector<64x128xf32>, vector<2048x128xf32> -> vector<2048x128xf32>
    %div3A_37 = arith.divf %slice3A_16, %max3A_30 : vector<2048x64xf32>
    %slice3A_38 = vector.extract_strided_slice %get3A_33 {offsets = [64, 0], sizes = [64, 128], strides = [1, 1]} : vector<128x128xf32> to vector<64x128xf32>
    %dot_general3A_39 = arith.constant dense<0.000000e+00> : vector<2048x128xf32>
    %dot_general3A_40 = tpu.matmul %div3A_37, %slice3A_38, %dot_general3A_39 {dimension_numbers = #tpu.dot_dimension_numbers<[1], [0], [0], [1], [0, 0, 1, 1], [], []>, transpose_lhs_hint = false} : vector<2048x64xf32>, vector<64x128xf32>, vector<2048x128xf32> -> vector<2048x128xf32>
    %add3A_41 = arith.addf %dot_general3A_36, %dot_general3A_40 : vector<2048x128xf32>
    %swap3A = arith.constant 0 : index
    %swap3A_42 = arith.constant 0 : index
    %swap3A_43 = vector.load %arg6[%swap3A, %swap3A_42] : memref<2048x128xf32, #tpu.memory_space<vmem>>, vector<2048x128xf32>
    tpu.vector_store %arg6[%swap3A, %swap3A_42], %add3A_41 {strides = array<i32>} : memref<2048x128xf32, #tpu.memory_space<vmem>>, vector<2048x128xf32>,
    return
  }
  func.func @transform_0(%arg0: i32) -> (i32, i32, i32) {
    %c0_i32 = arith.constant 0 : i32
    %c0_i32_0 = arith.constant 0 : i32
    %c0_i32_1 = arith.constant 0 : i32
    return %c0_i32, %arg0, %c0_i32_0 : i32, i32, i32
  }
  func.func @transform_1(%arg0: i32) -> (i32, i32, i32) {
    %c0_i32 = arith.constant 0 : i32
    %c0_i32_0 = arith.constant 0 : i32
    %c0_i32_1 = arith.constant 0 : i32
    return %c0_i32, %arg0, %c0_i32_0 : i32, i32, i32
  }
  func.func @transform_2(%arg0: i32) -> (i32, i32) {
    %c0_i32 = arith.constant 0 : i32
    %c0_i32_0 = arith.constant 0 : i32
    %c0_i32_1 = arith.constant 0 : i32
    return %c0_i32, %c0_i32_0 : i32, i32
  }
  func.func @transform_3(%arg0: i32) -> (i32, i32) {
    %c0_i32 = arith.constant 0 : i32
    %c0_i32_0 = arith.constant 0 : i32
    %c0_i32_1 = arith.constant 0 : i32
    return %c0_i32, %c0_i32_0 : i32, i32
  }
  func.func @transform_4(%arg0: i32) -> (i32, i32) {
    %c0_i32 = arith.constant 0 : i32
    %c0_i32_0 = arith.constant 0 : i32
    %c0_i32_1 = arith.constant 0 : i32
    return %c0_i32, %c0_i32_0 : i32, i32
  }
  func.func @transform_5(%arg0: i32) -> (i32, i32) {
    %c0_i32 = arith.constant 0 : i32
    %c0_i32_0 = arith.constant 0 : i32
    return %arg0, %c0_i32 : i32, i32
  }
}

</mosaic_0001>

<sc_bundles>
// kernel: kernel.5.cloned.1.call-start
scs
__scs_entry_jumppad:
0x0: {  	(pc) =	sbr.rel $0x88, $3  }
0x1: {  	(tag) =	ssettag $0x0;
	lr =	simm.s32 $0x1  }
0x2: {  	[smem:$0x3F9A] =	sst lr;
	_ =	strace $0xD0000000  }
0x3: {  	_ = 	snop  }
0x4: {  	_ = 	snop  }
0x5: {  	_ = 	snop  }
0x6: {  	_ = 	snop  }
0x7: {  	_ = 	snop  }
__scs_overlays_trampoline_lowered:
0x8: {  	[smem:$0x3FA9] =	sst s0  }
0x9: {  	[smem:$0x3FAA] =	sst s1  }
0xa: {  	[smem:$0x3FAB] =	sst s2  }
0xb: {  	[smem:$0x3FAC] =	sst s3  }
0xc: {  	[smem:$0x3FAD] =	sst s4  }
0xd: {  	[smem:$0x3FAE] =	sst s5  }
0xe: {  	[smem:$0x3FAF] =	sst s6  }
0xf: {  	[smem:$0x3FB0] =	sst s7  }
0x10: {  	[smem:$0x3FB1] =	sst s8  }
0x11: {  	[smem:$0x3FB2] =	sst s9;
	s0 =	simm.s32 @!p0 $0x0  }
0x12: {  	s1 =	sld [smem:$0x3F98];
	s0 =	simm.s32 @p0 $0x1  }
0x13: {  	[smem:$0x3FB3] =	sst s0;
	s0 =	simm.s32 @!p1 $0x0  }
0x14: {  	s2 =	sld [smem:$0x3F97];
	s0 =	simm.s32 @p1 $0x1  }
0x15: {  	[smem:$0x3FB4] =	sst s0;
	s0 =	simm.s32 @!p2 $0x0  }
0x16: {  	s3 =	sld [smem:$0x3FDB];
	s0 =	simm.s32 @p2 $0x1  }
0x17: {  	s4 =	simm.s32 $0x1BF5;
	[smem:$0x3FB6] =	sst s0  }
0x18: {  	s0 =	sld [smem:$0x3F99];
	_ =	swait.ge [sflag:s4], $0x0  }
0x19: {  	s7 =	sld [smem:$0x3F9A]  }
0x1a: {  	s8 =	sadd.s32 $0xFFFFE003, lr  }
0x1b: {  	s9 =	sadd.s32 $0xFFFFFEF7, lr;
	s5 =	simm.s32 $0xFFFFFFFF;
	p2 =	slt.u32 s8, $0xFFFFF086  }
0x1c: {  	p1 =	slt.u32 s9, $0xF7A;
	s5 =	simm.s32 @!p2 $0x0  }
0x1d: {  	s5 =	simm.s32 @p1 $0x1;
	p0 =	seq.s32 s7, s2  }
0x1e: {  	s7 =	smul.u32 @!p0 $0xF7A, s2;
	p2 =	seq.s32 @!p0 s5, $0x0  }
0x1f: {  	s9 =	smul.u32 $0xF7A, s1;
	s8 =	simm.s32 @!p0 $0x1BF5;
	p2 =	por !p2, p0  }
0x20: {  	[sflag:s8] =	ssyncset.s32 @!p0 $0xFFFFF086;
	s6 =	sadd.s32 @!p0 s3, s7;
	s7 =	simm.s32 @!p0 $0x108  }
0x21: {  	s3 =	sadd.s32 s3, s9;
	s6 =	sadd.s32 @!p0 $0x88, s6;
	s7 =	simm.s32 @p2 $0x1082  }
0x22: {  	[simem:s7], [sflag:s8] =	dma.local @!p0 [hbm:s6], $0xF7A  }
0x23: {  	s9 =	sor.u32 $0xD0000000, s2;
	s6 =	simm.s32 $0x108;
	_ =	swait.ge @!p0 [sflag:s8], $0x0  }
0x24: {  	s3 =	sadd.s32 $0x88, s3;
	s6 =	simm.s32 @!p1 $0x1082;
	[sflag:s4] =	ssyncset.s32 $0xFFFFF086  }
0x25: {  	[simem:s6], [sflag:s4] =	dma.local [hbm:s3], $0xF7A  }
0x26: {  	[smem:$0x3F9A] =	sst s1;
	(tag) =	ssettag s2;
	_ =	strace s9  }
0x27: {  	s1 =	sld [smem:$0x3FAA]  }
0x28: {  	s2 =	sld [smem:$0x3FAB]  }
0x29: {  	s4 =	sld [smem:$0x3FAD]  }
0x2a: {  	p0 =	seq.s32 s5, $0x0;
	s5 =	sld [smem:$0x3FAE]  }
0x2b: {  	s6 =	sld [smem:$0x3FAF]  }
0x2c: {  	s7 =	sld [smem:$0x3FB0]  }
0x2d: {  	s3 =	simm.s32 $0x108;
	s8 =	sld [smem:$0x3FB1]  }
0x2e: {  	s3 =	simm.s32 @!p0 $0x1082;
	s9 =	sld [smem:$0x3FB2]  }
0x2f: {  	lr =	sadd.s32 s0, s3;
	s0 =	sld [smem:$0x3FA9]  }
0x30: {  	s3 =	sld [smem:$0x3FAC]  }
0x31: {  	[smem:$0x3FB5] =	sst s10  }
0x32: {  	s10 =	sld [smem:$0x3FB3];
	_ =	sdelay $0x3  }
0x33: {  	p0 =	seq.s32 s10, $0x1;
	s10 =	sld [smem:$0x3FB5];
	_ =	sdelay $0x3  }
0x34: {  	[smem:$0x3FB5] =	sst s10  }
0x35: {  	s10 =	sld [smem:$0x3FB4];
	_ =	sdelay $0x3  }
0x36: {  	p1 =	seq.s32 s10, $0x1;
	s10 =	sld [smem:$0x3FB5];
	_ =	sdelay $0x3  }
0x37: {  	[smem:$0x3FB5] =	sst s10  }
0x38: {  	s10 =	sld [smem:$0x3FB6]  }
0x39: {  	_ = 	snop;
	(pc) =	sbr.ind lr, $3  }
0x3a: {  	_ = 	snop  }
0x3b: {  	_ = 	snop  }
0x3c: {  	p2 =	seq.s32 s10, $0x1;
	s10 =	sld [smem:$0x3FB5]  }
0x3d: {  	_ =	shalt  }
0x3e: {  	_ =	shalt  }
0x3f: {  	_ =	shalt  }
0x40: {  	_ =	shalt  }
0x41: {  	_ =	shalt  }
0x42: {  	_ =	shalt  }
0x43: {  	_ =	shalt  }
0x44: {  	_ =	shalt  }
0x45: {  	_ =	shalt  }
0x46: {  	_ =	shalt  }
0x47: {  	_ =	shalt  }
0x48: {  	_ =	shalt  }
0x49: {  	_ =	shalt  }
0x4a: {  	_ =	shalt  }
0x4b: {  	_ =	shalt  }
0x4c: {  	_ =	shalt  }
0x4d: {  	_ =	shalt  }
0x4e: {  	_ =	shalt  }
0x4f: {  	_ =	shalt  }
0x50: {  	_ =	shalt  }
0x51: {  	_ =	shalt  }
0x52: {  	_ =	shalt  }
0x53: {  	_ =	shalt  }
0x54: {  	_ =	shalt  }
0x55: {  	_ =	shalt  }
0x56: {  	_ =	shalt  }
0x57: {  	_ =	shalt  }
0x58: {  	_ =	shalt  }
0x59: {  	_ =	shalt  }
0x5a: {  	_ =	shalt  }
0x5b: {  	_ =	shalt  }
0x5c: {  	_ =	shalt  }
0x5d: {  	_ =	shalt  }
0x5e: {  	_ =	shalt  }
0x5f: {  	_ =	shalt  }
0x60: {  	_ =	shalt  }
0x61: {  	_ =	shalt  }
0x62: {  	_ =	shalt  }
0x63: {  	_ =	shalt  }
0x64: {  	_ =	shalt  }
0x65: {  	_ =	shalt  }
0x66: {  	_ =	shalt  }
0x67: {  	_ =	shalt  }
0x68: {  	_ =	shalt  }
0x69: {  	_ =	shalt  }
0x6a: {  	_ =	shalt  }
0x6b: {  	_ =	shalt  }
0x6c: {  	_ =	shalt  }
0x6d: {  	_ =	shalt  }
0x6e: {  	_ =	shalt  }
0x6f: {  	_ =	shalt  }
0x70: {  	_ =	shalt  }
0x71: {  	_ =	shalt  }
0x72: {  	_ =	shalt  }
0x73: {  	_ =	shalt  }
0x74: {  	_ =	shalt  }
0x75: {  	_ =	shalt  }
0x76: {  	_ =	shalt  }
0x77: {  	_ =	shalt  }
0x78: {  	_ =	shalt  }
0x79: {  	_ =	shalt  }
0x7a: {  	_ =	shalt  }
0x7b: {  	_ =	shalt  }
0x7c: {  	_ =	shalt  }
0x7d: {  	_ =	shalt  }
0x7e: {  	_ =	shalt  }
0x7f: {  	_ =	shalt  }
0x80: {  	_ =	shalt  }
0x81: {  	_ =	shalt  }
0x82: {  	_ =	shalt  }
0x83: {  	_ =	shalt  }
0x84: {  	_ =	shalt  }
0x85: {  	_ =	shalt  }
0x86: {  	_ =	shalt  }
0x87: {  	_ =	shalt  }
.Lfunc_end0:
.L_simem_size_0:
called_computation_lowered:
.L_overlay_start_0:
0x88: {  	s2 =	sld [smem:$0x3FD9]  }
0x89: {  	s3 =	sld [smem:$0x3FFE];
	_ =	sdelay $0x1  }
0x8a: {  	s1 =	srdreg.scid  }
0x8b: {  	s0 =	sand.u32 $0x1, s1  }
0x8c: {  	s17 =	sshll.u32 s0, $0xA;
	s2 =	sadd.s32 s3, s2  }
0x8d: {  	s2 =	sadd.s32 s2, s17  }
0x8e: {  	[smem:$0x3FC1] =	sst s2  }
0x8f: {  	_ = 	snop  }
0x90: {  	s2 =	sld [smem:$0x3FD0];
	(tm) =	ssettm $0x1  }
0x91: {  	s18 =	sld [smem:$0x3FFB];
	_ =	sdelay $0x3  }
0x92: {  	_ =	strace s18  }
0x93: {  	s3 =	sld [smem:$0x3FFC];
	_ =	sdelay $0x3  }
0x94: {  	_ =	strace s3  }
0x95: {  	s3 =	sld [smem:$0x3FFD];
	_ =	sdelay $0x3  }
0x96: {  	_ =	strace s3  }
0x97: {  	_ =	strace $0x8FFFFFFF  }
0x98: {  	s19 =	sld [smem:$0x3FDB];
	_ =	sdelay $0x1  }
0x99: {  	s4 =	simm.s32 $_scs_section_size  }
0x9a: {  	s5 =	simm.s32 $_size__tile_overlayer_lowered;
	s6 =	simm.s32 $_tile_overlayer_lowered  }
0x9b: {  	s22 =	simm.s32 $0x1BFF;
	s21 =	sshll.u32 s6, $0x1;
	s3 =	sadd.s32 s4, s19  }
0x9c: {  	s7 =	simm.s32 $0x0;
	s20 =	sshll.u32 s5, $0x1;
	s5 =	sadd.s32 s21, s3  }
0x9d: {  	[timem:s7], [sflag:s22] =	dma.local [hbm:s5], s20  }
0x9e: {  	_ =	swait.ge [sflag:s22], s20  }
0x9f: {  	s4 =	ssub.s32 $0x0, s20;
	[sflag:s22] =	ssyncset.done $0x0  }
0xa0: {  	[sflag:s22] =	ssyncadd.s32 s4;
	_ =	sdelay $0x1  }
0xa1: {  	s23 =	simm.s32 $0x1B8B  }
0xa2: {  	_ =	swait.ge [sflag:s23], $0x1  }
0xa3: {  	[sflag:s23] =	ssyncset.done $0x0  }
0xa4: {  	s25 =	simm.s32 $0x1B8E;
	s24 =	sld [smem:$0x3FFE];
	[sflag:s23] =	ssyncadd.s32 $0xFFFFFFFF  }
0xa5: {  	s26 =	simm.s32 $execute0_lowered;
	[smem:$0x3FD2] =	sst s25  }
0xa6: {  	s5 =	sshll.u32 s26, $0x1;
	_ =	strace $0x80000046;
	[dreg:$0x1] =	wrdreg $0xFFFFFFFF  }
0xa7: {  	s28 =	simm.s32 $_size_execute0_lowered;
	s3 =	sadd.s32 s3, s5;
	[dreg:$0x0] =	wrdreg $0x0  }
0xa8: {  	s5 =	sshll.u32 s28, $0x1;
	[dreg:$0x2] =	wrdreg s3  }
0xa9: {  	[dreg:$0x3] =	wrdreg s5  }
0xaa: {  	[dreg:$0x4] =	wrdreg $0xC0  }
0xab: {  	_ =	task [dreg:s7], $0x5FFFF  }
0xac: {  	[dreg:$0x1] =	wrdreg $0xFFFFFFFF  }
0xad: {  	[dreg:$0x0] =	wrdreg $0x60  }
0xae: {  	[dreg:$0x2] =	wrdreg s2  }
0xaf: {  	[dreg:$0x3] =	wrdreg s24  }
0xb0: {  	[dreg:$0x4] =	wrdreg $0xA9000  }
0xb1: {  	[dreg:$0x5] =	wrdreg $0x9  }
0xb2: {  	_ =	task.clear_ibuf [dreg:s7], $0x6FFFF;
	_ =	strace $0x90000046  }
0xb3: {  	s29 =	simm.s32 $0x9;
	_ =	strace $0x80000048  }
0xb4: {  	_ =	swait.ge [sflag:s29], $0x1  }
0xb5: {  	[sflag:s29] =	ssyncadd.s32 $0xFFFFFFFF  }
0xb6: {  	_ =	strace $0x90000048  }
0xb7: {  	_ =	sfence  }
0xb8: {  	s30 =	sld [smem:$0x0];
	_ =	sdelay $0x2  }
0xb9: {  	s31 =	sshll.u32 s1, $0xD;
	s1 =	sshrl.u32 s1, $0x2  }
0xba: {  	s3 =	sand.u32 $0x4000, s31;
	s1 =	sadd.s32 s1, s30  }
0xbb: {  	s0 =	sor.u32 s3, s0;
	s1 =	sshll.u32 s1, $0x11  }
0xbc: {  	s0 =	sor.u32 s1, s0  }
0xbd: {  	s0 =	sadd.s32 $0x8F2B, s0  }
0xbe: {  	[sflag:s0] =	ssyncadd.remote.s32 $0x1  }
0xbf: {  	_ =	sfence.sel $0xFFFF  }
0xc0: {  	[dreg:$0x0] =	wrdreg $0xFFFFFFFF;
	(pc) =	sbr.abs _section_cstart, $3  }
0xc1: {  	[dreg:$0x1] =	wrdreg $0xFFFFFFFF  }
0xc2: {  	_ =	task.clear_ibuf [dreg:s7], $0x2FFFF;
	_ =	strace $0x9FFFFFFF  }
0xc3: {  	(tm) =	ssettm $0x7FFFFFFF  }
tec
execute0_lowered:
.L_overlay_start_1:
0x0: {  	(tag) =	ssettag $0x1  }
0x1: {  	s1 =	rddreg [dreg:$0x0];
	v37 =	vlaneseq.u32  }
0x2: {  	s0 =	rddreg [dreg:$0x1];
	v0 =	vmul.u32 $0x80, v37  }
0x3: {  	s3 =	rddreg [dreg:$0x2];
	s4 =	simm.s32 $0x0;
	v2 =	vimm.f32 $0.0e+00  }
0x4: {  	s14 =	stileid.u32;
	s2 =	srdreg.scid;
	s19 =	simm.s32 $0x2;
	v37 =	vmul.u32 $0x8, v37;
	v1 =	vor.u32 $0x48, v0;
	v17 =	vor.u32 $0x84F, v0  }
0x5: {  	s20 =	simm.s32 $0x7900;
	s21 =	simm.s32 $0x80;
	s22 =	simm.s32 $0xA100;
	v18 =	vor.u32 $0x1048, v0;
	v19 =	vor.u32 $0x1049, v0;
	[tilespmem:$0x1FF10] =	vst v1;
	v1 =	vor.u32 $0x49, v0  }
0x6: {  	s28 =	simm.s32 $0x1;
	s29 =	simm.s32 $0xA500;
	[smem:$0x7FF] =	sst s4;
	v20 =	vor.u32 $0x104A, v0;
	v21 =	vor.u32 $0x104B, v0;
	[tilespmem:$0x1FF20] =	vst v1;
	v1 =	vor.u32 $0x4A, v0  }
0x7: {  	s30 =	simm.s32 $0x0;
	s9 =	smul.u32 $0x14000, s14;
	s5 =	sadd.s32 $0x92200, s0;
	v22 =	vor.u32 $0x104C, v0;
	v23 =	vor.u32 $0x104D, v0;
	[tilespmem:$0x1FF30] =	vst v1;
	v1 =	vor.u32 $0x4B, v0  }
0x8: {  	s2 =	sand.u32 $0x1, s2;
	s6 =	sadd.s32 $0xB9400, s0;
	s7 =	sadd.s32 $0xB400, s0;
	v24 =	vor.u32 $0x104E, v0;
	v25 =	vor.u32 $0x104F, v0;
	[tilespmem:$0x1FF40] =	vst v1;
	v1 =	vor.u32 $0x4C, v0  }
0x9: {  	s8 =	sadd.s32 $0x1600, s0;
	s13 =	smul.u32 $0x50000, s14;
	s25 =	sshll.u32 s14, $0x6;
	v26 =	vor.u32 $0x1848, v0;
	v27 =	vor.u32 $0x1849, v0;
	[tilespmem:$0x1FF50] =	vst v1;
	v1 =	vor.u32 $0x4D, v0  }
0xa: {  	s10 =	smul.u32 $0x140000, s2;
	s23 =	ssub.s32 $0x2, s2;
	s2 =	sshll.u32 s2, $0x4;
	v28 =	vor.u32 $0x184A, v0;
	v29 =	vor.u32 $0x184B, v0;
	[tilespmem:$0x1FF60] =	vst v1;
	v1 =	vor.u32 $0x4E, v0  }
0xb: {  	s11 =	sshrl.u32 s9, $0x3;
	s24 =	sshrl.u32 s23, $0x1;
	v30 =	vor.u32 $0x184C, v0;
	v31 =	vor.u32 $0x184D, v0;
	_ =	strace $0x80000047;
	[tilespmem:$0x1FF70] =	vst v1;
	v1 =	vor.u32 $0x4F, v0  }
0xc: {  	s2 =	sor.u32 s14, s2;
	s13 =	sshrl.u32 s13, $0x2;
	v32 =	vor.u32 $0x184E, v0;
	v33 =	vor.u32 $0x184F, v0;
	s10 =	sadd.s32 s9, s10;
	[tilespmem:$0x1FF80] =	vst v1;
	v1 =	vor.u32 $0x848, v0  }
0xd: {  	v34 =	vor.u32 $0x2048, v0;
	v35 =	vor.u32 $0x2049, v0;
	s9 =	sadd.s32 $0x15200, s0;
	s12 =	sadd.s32 s11, s0;
	s11 =	smul.u32 $0x2710, s2;
	[tilespmem:$0x1FF90] =	vst v1;
	v1 =	vor.u32 $0x849, v0  }
0xe: {  	v36 =	vor.u32 $0x204A, v0;
	v38 =	vor.u32 $0x204B, v0;
	s16 =	sadd.s32 s13, s3;
	s13 =	sor.u32 $0x1C02, s25;
	s14 =	smul.u32 $0x7D, s2;
	[tilespmem:$0x1FFA0] =	vst v1;
	v1 =	vor.u32 $0x84A, v0  }
0xf: {  	v39 =	vor.u32 $0x204C, v0;
	v40 =	vor.u32 $0x204D, v0;
	s25 =	simm.s32 $0x2900;
	s10 =	sshrl.u32 s10, $0x3;
	s12 =	sadd.s32 $0xE0600, s12;
	[tilespmem:$0x1FFB0] =	vst v1;
	v1 =	vor.u32 $0x84B, v0  }
0x10: {  	v41 =	vor.u32 $0x204E, v0;
	v42 =	vor.u32 $0x204F, v0;
	s18 =	sshrl.u32 s16, $0x3;
	s15 =	sadd.s32 s10, s0;
	s10 =	sadd.s32 $0x108600, s0;
	[tilespmem:$0x1FFC0] =	vst v1;
	v1 =	vor.u32 $0x84C, v0  }
0x11: {  	v43 =	vor.u32 $0x1, v37;
	v44 =	vor.u32 $0x2, v37;
	s0 =	ssub.s32 s23, s24;
	s23 =	simm.s32 $0x50;
	s26 =	sadd.s32 $0x185600, s15;
	[tilespmem:$0x1FFD0] =	vst v1;
	v1 =	vor.u32 $0x84D, v0  }
0x12: {  	v45 =	vor.u32 $0x3, v37;
	v46 =	vor.u32 $0x4, v37;
	s24 =	simm.s32 $0x100;
	s31 =	sadd.s32 $0x1D5600, s15;
	[dreg:$0x4] =	wrdreg s26;
	[tilespmem:$0x1FFE0] =	vst v1;
	v1 =	vor.u32 $0x84E, v0  }
0x13: {  	v47 =	vor.u32 $0x5, v37;
	v48 =	vor.u32 $0x6, v37;
	v49 =	vor.u32 $0x7, v37;
	s17 =	smax.u32 s0, $0x1;
	[dreg:$0x5] =	wrdreg s31;
	s26 =	simm.s32 $0x5100;
	[tilespmem:$0x1FFF0] =	vst v1  }
.LBB2_1:
0x14: {  	[spmem:s18], [sflag:s13] =	dma.local [hbm:s12], $0x2800  }
0x15: {  	_ =	swait.ge [sflag:s19], $0x2800  }
0x16: {  	v1 =	vld [tilespmem:$0x1FF10];
	_ =	sdelay $0x5  }
0x17: {  	[sflag:s19] =	ssyncset.done $0x0  }
0x18: {  	[sflag:s19] =	ssyncadd.s32 $0xFFFFD800  }
0x19: {  	[tilespmem:v1+s20+$0x0] =	vst.idx.msk $0xffff, v2;
	v1 =	vld [tilespmem:$0x1FF20];
	_ =	sdelay $0x7  }
0x1a: {  	[tilespmem:v1+s20+$0x0] =	vst.idx.msk $0xffff, v2;
	v1 =	vld [tilespmem:$0x1FF30];
	_ =	sdelay $0x7  }
0x1b: {  	[tilespmem:v1+s20+$0x0] =	vst.idx.msk $0xffff, v2;
	v1 =	vld [tilespmem:$0x1FF40];
	_ =	sdelay $0x7  }
0x1c: {  	[tilespmem:v1+s20+$0x0] =	vst.idx.msk $0xffff, v2;
	v1 =	vld [tilespmem:$0x1FF50];
	_ =	sdelay $0x7  }
0x1d: {  	[tilespmem:v1+s20+$0x0] =	vst.idx.msk $0xffff, v2;
	v1 =	vld [tilespmem:$0x1FF60];
	_ =	sdelay $0x7  }
0x1e: {  	[tilespmem:v1+s20+$0x0] =	vst.idx.msk $0xffff, v2;
	v1 =	vld [tilespmem:$0x1FF70];
	_ =	sdelay $0x7  }
0x1f: {  	[tilespmem:v1+s20+$0x0] =	vst.idx.msk $0xffff, v2;
	v1 =	vld [tilespmem:$0x1FF80];
	_ =	sdelay $0x7  }
0x20: {  	[tilespmem:v1+s20+$0x0] =	vst.idx.msk $0xffff, v2;
	v1 =	vld [tilespmem:$0x1FF90];
	_ =	sdelay $0x7  }
0x21: {  	[tilespmem:v1+s20+$0x0] =	vst.idx.msk $0xffff, v2;
	v1 =	vld [tilespmem:$0x1FFA0];
	_ =	sdelay $0x7  }
0x22: {  	[tilespmem:v1+s20+$0x0] =	vst.idx.msk $0xffff, v2;
	v1 =	vld [tilespmem:$0x1FFB0];
	_ =	sdelay $0x7  }
0x23: {  	[tilespmem:v1+s20+$0x0] =	vst.idx.msk $0xffff, v2;
	v1 =	vld [tilespmem:$0x1FFC0];
	_ =	sdelay $0x7  }
0x24: {  	[tilespmem:v1+s20+$0x0] =	vst.idx.msk $0xffff, v2;
	v1 =	vld [tilespmem:$0x1FFD0];
	_ =	sdelay $0x7  }
0x25: {  	[tilespmem:v1+s20+$0x0] =	vst.idx.msk $0xffff, v2;
	v1 =	vld [tilespmem:$0x1FFE0];
	_ =	sdelay $0x7  }
0x26: {  	[tilespmem:v1+s20+$0x0] =	vst.idx.msk $0xffff, v2;
	v1 =	vld [tilespmem:$0x1FFF0];
	_ =	sdelay $0x7  }
0x27: {  	[tilespmem:v1+s20+$0x0] =	vst.idx.msk $0xffff, v2  }
0x28: {  	[tilespmem:v17+s20+$0x0] =	vst.idx.msk $0xffff, v2  }
0x29: {  	[tilespmem:v18+s20+$0x0] =	vst.idx.msk $0xffff, v2  }
0x2a: {  	[tilespmem:v19+s20+$0x0] =	vst.idx.msk $0xffff, v2  }
0x2b: {  	[tilespmem:v20+s20+$0x0] =	vst.idx.msk $0xffff, v2  }
0x2c: {  	[tilespmem:v21+s20+$0x0] =	vst.idx.msk $0xffff, v2  }
0x2d: {  	[tilespmem:v22+s20+$0x0] =	vst.idx.msk $0xffff, v2  }
0x2e: {  	[tilespmem:v23+s20+$0x0] =	vst.idx.msk $0xffff, v2  }
0x2f: {  	[tilespmem:v24+s20+$0x0] =	vst.idx.msk $0xffff, v2  }
0x30: {  	[tilespmem:v25+s20+$0x0] =	vst.idx.msk $0xffff, v2  }
0x31: {  	[tilespmem:v26+s20+$0x0] =	vst.idx.msk $0xffff, v2  }
0x32: {  	[tilespmem:v27+s20+$0x0] =	vst.idx.msk $0xffff, v2  }
0x33: {  	[tilespmem:v28+s20+$0x0] =	vst.idx.msk $0xffff, v2  }
0x34: {  	[tilespmem:v29+s20+$0x0] =	vst.idx.msk $0xffff, v2  }
0x35: {  	[tilespmem:v30+s20+$0x0] =	vst.idx.msk $0xffff, v2  }
0x36: {  	[tilespmem:v31+s20+$0x0] =	vst.idx.msk $0xffff, v2  }
0x37: {  	[tilespmem:v32+s20+$0x0] =	vst.idx.msk $0xffff, v2  }
0x38: {  	[tilespmem:v33+s20+$0x0] =	vst.idx.msk $0xffff, v2  }
0x39: {  	[tilespmem:v34+s20+$0x0] =	vst.idx.msk $0xffff, v2  }
0x3a: {  	[tilespmem:v35+s20+$0x0] =	vst.idx.msk $0xffff, v2  }
0x3b: {  	[tilespmem:v36+s20+$0x0] =	vst.idx.msk $0xffff, v2  }
0x3c: {  	[tilespmem:v38+s20+$0x0] =	vst.idx.msk $0xffff, v2  }
0x3d: {  	[tilespmem:v39+s20+$0x0] =	vst.idx.msk $0xffff, v2  }
0x3e: {  	[tilespmem:v40+s20+$0x0] =	vst.idx.msk $0xffff, v2  }
0x3f: {  	[tilespmem:v41+s20+$0x0] =	vst.idx.msk $0xffff, v2  }
0x40: {  	[tilespmem:v42+s20+$0x0] =	vst.idx.msk $0xffff, v2  }
0x41: {  	s31 =	simm.s32 $0x0;
	[bflag:$0x0] =	sbarrier.arrive $0xFFFF  }
.LBB2_2:
0x42: {  	s0 =	smul.u32 $0x50, s31;
	_ =	sdelay $0x1  }
0x43: {  	s0 =	sadd.s32 s11, s0  }
0x44: {  	s2 =	sshrl.u32 s0, $0x3  }
0x45: {  	s0 =	simm.s32 $0x0;
	s15 =	sadd.s32 s7, s2  }
0x46: {  	[tilespmem:s0], [sflag:$0x2] =	stream.linear.gather [hbm4b:s15+s0], $0x50, $0x38;
	[tilespmem:$0x17100] =	vst v63  }
0x47: {  	_ =	swait.ge [sflag:s19], $0x50  }
0x48: {  	[sflag:s19] =	ssyncset.done $0x0  }
0x49: {  	s2 =	sadd.s32 s8, s2;
	[sflag:s19] =	ssyncadd.s32 $0xFFFFFFB0  }
0x4a: {  	[tilespmem:s21], [sflag:$0x2] =	stream.linear.gather [hbm4b:s2+s0], $0x50, $0x38;
	[tilespmem:$0x17100] =	vst v63  }
0x4b: {  	s15 =	sadd.s32 s14, s31;
	_ =	swait.ge [sflag:s19], $0x50  }
0x4c: {  	s2 =	sshll.u32 s15, $0x7;
	[sflag:s19] =	ssyncset.done $0x0  }
0x4d: {  	s16 =	sadd.s32 s9, s2;
	[sflag:s19] =	ssyncadd.s32 $0xFFFFFFB0  }
0x4e: {  	[tilespmem:s22], [sflag:$0x2] =	stream.linear.gather [hbm4b:s16+s0], $0x400, $0x38;
	[tilespmem:$0x17100] =	vst v63  }
0x4f: {  	_ =	swait.ge [sflag:s19], $0x400  }
0x50: {  	[sflag:s19] =	ssyncset.done $0x0  }
0x51: {  	[sflag:s19] =	ssyncadd.s32 $0xFFFFFC00  }
0x52: {  	[tilespmem:s24], [sflag:$0x1] =	stream.indirect.gather [hbm4b:s1+s23], $0x80, s0, s23, $0xb8;
	[tilespmem:$0x17100] =	vst v63  }
0x53: {  	_ = 	snop  }
0x54: {  	[tilespmem:s25], [sflag:$0x1] =	stream.indirect.gather [hbm4b:s5+s23], $0x80, s21, s23, $0xb8;
	[tilespmem:$0x17100] =	vst v63  }
0x55: {  	_ = 	snop  }
0x56: {  	[tilespmem:s26], [sflag:$0x1] =	stream.indirect.gather [hbm4b:s6+s23], $0x80, s0, s23, $0xb8;
	[tilespmem:$0x17100] =	vst v63  }
0x57: {  	_ =	swait.ge [sflag:s28], $0x2800  }
0x58: {  	[sflag:s28] =	ssyncset.done $0x0  }
0x59: {  	[sflag:s28] =	ssyncadd.s32 $0xFFFFD800  }
0x5a: {  	_ =	swait.ge [sflag:s28], $0x2800  }
0x5b: {  	[sflag:s28] =	ssyncset.done $0x0  }
0x5c: {  	[sflag:s28] =	ssyncadd.s32 $0xFFFFD800  }
0x5d: {  	_ =	swait.ge [sflag:s28], $0x2800  }
0x5e: {  	[sflag:s28] =	ssyncset.done $0x0  }
0x5f: {  	s15 =	simm.s32 $0x0;
	[sflag:s28] =	ssyncadd.s32 $0xFFFFD800  }
.LBB2_3:
0x60: {  	v50 =	vmov s0;
	s16 =	sshll.u32 s15, $0x7  }
0x61: {  	v50 =	vshll.u32 v50, $0x7;
	v52 =	vor.u32 s16, v37  }
0x62: {  	v50 =	vor.u32 v0, v50;
	_ =	sdelay $0x1  }
0x63: {  	v53 =	vor.u32 $0x1, v50;
	_ =	sdelay $0x1  }
0x64: {  	v54 =	vor.u32 $0x2, v50;
	v51 =	vld.idx.msk [tilespmem:v52+s22+$0x0], $0xffff  }
0x65: {  	v55 =	vld.idx.msk [tilespmem:v50+s24+$0x0], $0xffff  }
0x66: {  	v57 =	vor.u32 $0x3, v50;
	v56 =	vld.idx.msk [tilespmem:v50+s25+$0x0], $0xffff  }
0x67: {  	v58 =	vld.idx.msk [tilespmem:v53+s24+$0x0], $0xffff  }
0x68: {  	v60 =	vor.u32 $0x4, v50;
	v59 =	vld.idx.msk [tilespmem:v53+s25+$0x0], $0xffff  }
0x69: {  	v61 =	vld.idx.msk [tilespmem:v54+s24+$0x0], $0xffff  }
0x6a: {  	v63 =	vor.u32 $0x5, v50;
	v62 =	vld.idx.msk [tilespmem:v54+s25+$0x0], $0xffff  }
0x6b: {  	v8 =	vld.idx.msk [tilespmem:v57+s24+$0x0], $0xffff;
	v55 =	vmul.f32 v56, v55  }
0x6c: {  	v3 =	vor.u32 $0x6, v50;
	v1 =	vld.idx.msk [tilespmem:v57+s25+$0x0], $0xffff  }
0x6d: {  	v13 =	vld.idx.msk [tilespmem:v60+s24+$0x0], $0xffff;
	v12 =	vmul.f32 v59, v58;
	v51 =	vadd.f32 v55, v51  }
0x6e: {  	v4 =	vor.u32 $0x7, v50;
	v14 =	vld.idx.msk [tilespmem:v60+s25+$0x0], $0xffff  }
0x6f: {  	v10 =	vld.idx.msk [tilespmem:v63+s24+$0x0], $0xffff;
	v9 =	vmul.f32 v62, v61;
	v51 =	vadd.f32 v12, v51  }
0x70: {  	v5 =	vor.u32 $0x8, v50;
	v11 =	vld.idx.msk [tilespmem:v63+s25+$0x0], $0xffff  }
0x71: {  	v1 =	vmul.f32 v1, v8;
	v55 =	vld.idx.msk [tilespmem:v3+s24+$0x0], $0xffff;
	v51 =	vadd.f32 v9, v51  }
0x72: {  	v6 =	vor.u32 $0x9, v50;
	v12 =	vld.idx.msk [tilespmem:v3+s25+$0x0], $0xffff  }
0x73: {  	v13 =	vmul.f32 v14, v13;
	v58 =	vld.idx.msk [tilespmem:v4+s24+$0x0], $0xffff;
	v1 =	vadd.f32 v1, v51  }
0x74: {  	v7 =	vor.u32 $0xA, v50;
	v59 =	vld.idx.msk [tilespmem:v4+s25+$0x0], $0xffff  }
0x75: {  	v14 =	vmul.f32 v11, v10;
	v61 =	vld.idx.msk [tilespmem:v5+s24+$0x0], $0xffff;
	v1 =	vadd.f32 v13, v1  }
0x76: {  	v62 =	vld.idx.msk [tilespmem:v5+s25+$0x0], $0xffff;
	v8 =	vor.u32 $0xB, v50  }
0x77: {  	v12 =	vmul.f32 v12, v55;
	v55 =	vld.idx.msk [tilespmem:v6+s24+$0x0], $0xffff;
	v1 =	vadd.f32 v14, v1  }
0x78: {  	v9 =	vor.u32 $0xC, v50;
	v13 =	vld.idx.msk [tilespmem:v6+s25+$0x0], $0xffff  }
0x79: {  	v14 =	vmul.f32 v59, v58;
	v58 =	vld.idx.msk [tilespmem:v7+s24+$0x0], $0xffff;
	v1 =	vadd.f32 v12, v1  }
0x7a: {  	v10 =	vor.u32 $0xD, v50;
	v59 =	vld.idx.msk [tilespmem:v7+s25+$0x0], $0xffff  }
0x7b: {  	v12 =	vmul.f32 v62, v61;
	v61 =	vld.idx.msk [tilespmem:v8+s24+$0x0], $0xffff;
	v1 =	vadd.f32 v14, v1  }
0x7c: {  	v11 =	vor.u32 $0xE, v50;
	v62 =	vld.idx.msk [tilespmem:v8+s25+$0x0], $0xffff  }
0x7d: {  	v56 =	vld.idx.msk [tilespmem:v9+s25+$0x0], $0xffff;
	v51 =	vmul.f32 v13, v55;
	v1 =	vadd.f32 v12, v1  }
0x7e: {  	v55 =	vld.idx.msk [tilespmem:v9+s24+$0x0], $0xffff;
	v12 =	vor.u32 $0xF, v50  }
0x7f: {  	v13 =	vmul.f32 v59, v58;
	v58 =	vld.idx.msk [tilespmem:v10+s24+$0x0], $0xffff;
	v1 =	vadd.f32 v51, v1  }
0x80: {  	v59 =	vld.idx.msk [tilespmem:v10+s25+$0x0], $0xffff  }
0x81: {  	v14 =	vmul.f32 v62, v61;
	v61 =	vld.idx.msk [tilespmem:v11+s24+$0x0], $0xffff;
	v1 =	vadd.f32 v13, v1  }
0x82: {  	v62 =	vld.idx.msk [tilespmem:v11+s25+$0x0], $0xffff  }
0x83: {  	v51 =	vmul.f32 v56, v55;
	v13 =	vld.idx.msk [tilespmem:v12+s24+$0x0], $0xffff;
	v1 =	vadd.f32 v14, v1  }
0x84: {  	v14 =	vld.idx.msk [tilespmem:v12+s25+$0x0], $0xffff  }
0x85: {  	v59 =	vmul.f32 v59, v58;
	v1 =	vadd.f32 v51, v1;
	_ =	sdelay $0x1  }
0x86: {  	v61 =	vmul.f32 v62, v61;
	v1 =	vadd.f32 v59, v1;
	_ =	sdelay $0x1  }
0x87: {  	v62 =	vmul.f32 v14, v13;
	v1 =	vadd.f32 v61, v1;
	_ =	sdelay $0x1  }
0x88: {  	v1 =	vadd.f32 v62, v1;
	_ =	sdelay $0x1  }
0x89: {  	v1 =	vmul.f32 $1.442695020e+00, v1;
	_ =	sdelay $0x1  }
0x8a: {  	(erf) = vpow2.f32 v1;
	_ =	sdelay $0x4  }
0x8b: {  	v51 =	vor.u32 $0x40, v50;
	_ =	sdelay $0x3  }
0x8c: {  	v1 =	vpop (erf)  }
0x8d: {  	[tilespmem:v51+s20+$0x0] =	vst.idx.msk $0xffff, v1  }
0x8e: {  	[tilespmem:v52+s29+$0x0] =	vst.idx.msk $0xffff, v1  }
0x8f: {  	v52 =	vld.idx.msk [tilespmem:v50+s26+$0x0], $0xffff;
	_ =	sdelay $0x4  }
0x90: {  	v52 =	vmul.f32 v1, v52;
	_ =	sdelay $0x1  }
0x91: {  	[tilespmem:v50+s20+$0x0] =	vst.idx.msk $0xffff, v52  }
0x92: {  	v52 =	vld.idx.msk [tilespmem:v53+s26+$0x0], $0xffff;
	_ =	sdelay $0x4  }
0x93: {  	v52 =	vmul.f32 v52, v1;
	_ =	sdelay $0x1  }
0x94: {  	[tilespmem:v53+s20+$0x0] =	vst.idx.msk $0xffff, v52  }
0x95: {  	v52 =	vld.idx.msk [tilespmem:v54+s26+$0x0], $0xffff;
	_ =	sdelay $0x4  }
0x96: {  	v52 =	vmul.f32 v52, v1;
	_ =	sdelay $0x1  }
0x97: {  	[tilespmem:v54+s20+$0x0] =	vst.idx.msk $0xffff, v52  }
0x98: {  	v52 =	vld.idx.msk [tilespmem:v57+s26+$0x0], $0xffff;
	_ =	sdelay $0x4  }
0x99: {  	v52 =	vmul.f32 v52, v1;
	_ =	sdelay $0x1  }
0x9a: {  	[tilespmem:v57+s20+$0x0] =	vst.idx.msk $0xffff, v52  }
0x9b: {  	v52 =	vld.idx.msk [tilespmem:v60+s26+$0x0], $0xffff;
	_ =	sdelay $0x4  }
0x9c: {  	v52 =	vmul.f32 v52, v1;
	_ =	sdelay $0x1  }
0x9d: {  	[tilespmem:v60+s20+$0x0] =	vst.idx.msk $0xffff, v52  }
0x9e: {  	v52 =	vld.idx.msk [tilespmem:v63+s26+$0x0], $0xffff;
	_ =	sdelay $0x4  }
0x9f: {  	v52 =	vmul.f32 v52, v1;
	_ =	sdelay $0x1  }
0xa0: {  	[tilespmem:v63+s20+$0x0] =	vst.idx.msk $0xffff, v52  }
0xa1: {  	v52 =	vld.idx.msk [tilespmem:v3+s26+$0x0], $0xffff;
	_ =	sdelay $0x4  }
0xa2: {  	v52 =	vmul.f32 v52, v1;
	_ =	sdelay $0x1  }
0xa3: {  	[tilespmem:v3+s20+$0x0] =	vst.idx.msk $0xffff, v52  }
0xa4: {  	v3 =	vld.idx.msk [tilespmem:v4+s26+$0x0], $0xffff;
	_ =	sdelay $0x4  }
0xa5: {  	v3 =	vmul.f32 v3, v1;
	_ =	sdelay $0x1  }
0xa6: {  	[tilespmem:v4+s20+$0x0] =	vst.idx.msk $0xffff, v3  }
0xa7: {  	v3 =	vld.idx.msk [tilespmem:v5+s26+$0x0], $0xffff;
	_ =	sdelay $0x4  }
0xa8: {  	v3 =	vmul.f32 v3, v1;
	_ =	sdelay $0x1  }
0xa9: {  	[tilespmem:v5+s20+$0x0] =	vst.idx.msk $0xffff, v3  }
0xaa: {  	v3 =	vld.idx.msk [tilespmem:v6+s26+$0x0], $0xffff;
	_ =	sdelay $0x4  }
0xab: {  	v3 =	vmul.f32 v3, v1;
	_ =	sdelay $0x1  }
0xac: {  	[tilespmem:v6+s20+$0x0] =	vst.idx.msk $0xffff, v3  }
0xad: {  	v3 =	vld.idx.msk [tilespmem:v7+s26+$0x0], $0xffff;
	_ =	sdelay $0x4  }
0xae: {  	v3 =	vmul.f32 v3, v1;
	_ =	sdelay $0x1  }
0xaf: {  	[tilespmem:v7+s20+$0x0] =	vst.idx.msk $0xffff, v3  }
0xb0: {  	v3 =	vld.idx.msk [tilespmem:v8+s26+$0x0], $0xffff;
	_ =	sdelay $0x4  }
0xb1: {  	v3 =	vmul.f32 v3, v1;
	_ =	sdelay $0x1  }
0xb2: {  	[tilespmem:v8+s20+$0x0] =	vst.idx.msk $0xffff, v3  }
0xb3: {  	v3 =	vld.idx.msk [tilespmem:v9+s26+$0x0], $0xffff;
	_ =	sdelay $0x4  }
0xb4: {  	v3 =	vmul.f32 v3, v1;
	_ =	sdelay $0x1  }
0xb5: {  	[tilespmem:v9+s20+$0x0] =	vst.idx.msk $0xffff, v3  }
0xb6: {  	v3 =	vld.idx.msk [tilespmem:v10+s26+$0x0], $0xffff;
	_ =	sdelay $0x4  }
0xb7: {  	v3 =	vmul.f32 v3, v1;
	_ =	sdelay $0x1  }
0xb8: {  	[tilespmem:v10+s20+$0x0] =	vst.idx.msk $0xffff, v3  }
0xb9: {  	v3 =	vld.idx.msk [tilespmem:v11+s26+$0x0], $0xffff;
	_ =	sdelay $0x4  }
0xba: {  	v3 =	vmul.f32 v3, v1;
	_ =	sdelay $0x1  }
0xbb: {  	[tilespmem:v11+s20+$0x0] =	vst.idx.msk $0xffff, v3  }
0xbc: {  	v3 =	vld.idx.msk [tilespmem:v12+s26+$0x0], $0xffff;
	_ =	sdelay $0x2  }
0xbd: {  	v4 =	vor.u32 s16, v43  }
0xbe: {  	v5 =	vor.u32 $0x10, v50  }
0xbf: {  	v1 =	vmul.f32 v3, v1  }
0xc0: {  	v3 =	vor.u32 $0x11, v50  }
0xc1: {  	[tilespmem:v12+s20+$0x0] =	vst.idx.msk $0xffff, v1  }
0xc2: {  	v6 =	vor.u32 $0x12, v50;
	v1 =	vld.idx.msk [tilespmem:v4+s22+$0x0], $0xffff  }
0xc3: {  	v7 =	vld.idx.msk [tilespmem:v5+s24+$0x0], $0xffff  }
0xc4: {  	v9 =	vor.u32 $0x13, v50;
	v8 =	vld.idx.msk [tilespmem:v5+s25+$0x0], $0xffff  }
0xc5: {  	v10 =	vld.idx.msk [tilespmem:v3+s24+$0x0], $0xffff  }
0xc6: {  	v12 =	vor.u32 $0x14, v50;
	v11 =	vld.idx.msk [tilespmem:v3+s25+$0x0], $0xffff  }
0xc7: {  	v52 =	vld.idx.msk [tilespmem:v6+s24+$0x0], $0xffff  }
0xc8: {  	v54 =	vor.u32 $0x15, v50;
	v53 =	vld.idx.msk [tilespmem:v6+s25+$0x0], $0xffff  }
0xc9: {  	v63 =	vld.idx.msk [tilespmem:v9+s25+$0x0], $0xffff;
	v7 =	vmul.f32 v8, v7  }
0xca: {  	v56 =	vor.u32 $0x16, v50;
	v8 =	vld.idx.msk [tilespmem:v9+s24+$0x0], $0xffff  }
0xcb: {  	v61 =	vld.idx.msk [tilespmem:v12+s24+$0x0], $0xffff;
	v1 =	vadd.f32 v7, v1;
	v60 =	vmul.f32 v11, v10  }
0xcc: {  	v57 =	vor.u32 $0x17, v50;
	v62 =	vld.idx.msk [tilespmem:v12+s25+$0x0], $0xffff  }
0xcd: {  	v14 =	vld.idx.msk [tilespmem:v54+s25+$0x0], $0xffff;
	v13 =	vmul.f32 v53, v52;
	v1 =	vadd.f32 v60, v1  }
0xce: {  	v58 =	vor.u32 $0x18, v50;
	v52 =	vld.idx.msk [tilespmem:v54+s24+$0x0], $0xffff  }
0xcf: {  	v55 =	vld.idx.msk [tilespmem:v56+s25+$0x0], $0xffff;
	v63 =	vmul.f32 v63, v8;
	v1 =	vadd.f32 v13, v1  }
0xd0: {  	v59 =	vor.u32 $0x19, v50;
	v8 =	vld.idx.msk [tilespmem:v56+s24+$0x0], $0xffff  }
0xd1: {  	v10 =	vld.idx.msk [tilespmem:v57+s24+$0x0], $0xffff;
	v13 =	vmul.f32 v62, v61;
	v1 =	vadd.f32 v63, v1  }
0xd2: {  	v11 =	vld.idx.msk [tilespmem:v57+s25+$0x0], $0xffff;
	v60 =	vor.u32 $0x1A, v50  }
0xd3: {  	v53 =	vld.idx.msk [tilespmem:v58+s25+$0x0], $0xffff;
	v14 =	vmul.f32 v14, v52;
	v1 =	vadd.f32 v13, v1  }
0xd4: {  	v52 =	vld.idx.msk [tilespmem:v58+s24+$0x0], $0xffff;
	v61 =	vor.u32 $0x1B, v50  }
0xd5: {  	v13 =	vmul.f32 v55, v8;
	v8 =	vld.idx.msk [tilespmem:v59+s24+$0x0], $0xffff;
	v1 =	vadd.f32 v14, v1  }
0xd6: {  	v62 =	vor.u32 $0x1C, v50;
	v55 =	vld.idx.msk [tilespmem:v59+s25+$0x0], $0xffff  }
0xd7: {  	v14 =	vmul.f32 v11, v10;
	v10 =	vld.idx.msk [tilespmem:v60+s24+$0x0], $0xffff;
	v1 =	vadd.f32 v13, v1  }
0xd8: {  	v63 =	vor.u32 $0x1D, v50;
	v11 =	vld.idx.msk [tilespmem:v60+s25+$0x0], $0xffff  }
0xd9: {  	v7 =	vmul.f32 v53, v52;
	v52 =	vld.idx.msk [tilespmem:v61+s24+$0x0], $0xffff;
	v1 =	vadd.f32 v14, v1  }
0xda: {  	v53 =	vld.idx.msk [tilespmem:v61+s25+$0x0], $0xffff;
	v13 =	vor.u32 $0x1E, v50  }
0xdb: {  	v1 =	vadd.f32 v7, v1;
	v7 =	vmul.f32 v55, v8;
	v8 =	vld.idx.msk [tilespmem:v62+s24+$0x0], $0xffff  }
0xdc: {  	v14 =	vor.u32 $0x1F, v50;
	v55 =	vld.idx.msk [tilespmem:v62+s25+$0x0], $0xffff  }
0xdd: {  	v1 =	vadd.f32 v7, v1;
	v7 =	vmul.f32 v11, v10;
	v10 =	vld.idx.msk [tilespmem:v63+s24+$0x0], $0xffff  }
0xde: {  	v11 =	vld.idx.msk [tilespmem:v63+s25+$0x0], $0xffff  }
0xdf: {  	v1 =	vadd.f32 v7, v1;
	v7 =	vmul.f32 v53, v52;
	v52 =	vld.idx.msk [tilespmem:v13+s24+$0x0], $0xffff  }
0xe0: {  	v53 =	vld.idx.msk [tilespmem:v13+s25+$0x0], $0xffff  }
0xe1: {  	v1 =	vadd.f32 v7, v1;
	v7 =	vmul.f32 v55, v8;
	v8 =	vld.idx.msk [tilespmem:v14+s24+$0x0], $0xffff  }
0xe2: {  	v55 =	vld.idx.msk [tilespmem:v14+s25+$0x0], $0xffff  }
0xe3: {  	v11 =	vmul.f32 v11, v10;
	v1 =	vadd.f32 v7, v1;
	_ =	sdelay $0x1  }
0xe4: {  	v53 =	vmul.f32 v53, v52;
	v1 =	vadd.f32 v11, v1;
	_ =	sdelay $0x1  }
0xe5: {  	v55 =	vmul.f32 v55, v8;
	v1 =	vadd.f32 v53, v1;
	_ =	sdelay $0x1  }
0xe6: {  	v1 =	vadd.f32 v55, v1;
	_ =	sdelay $0x1  }
0xe7: {  	v1 =	vmul.f32 $1.442695020e+00, v1;
	_ =	sdelay $0x1  }
0xe8: {  	(erf) = vpow2.f32 v1;
	_ =	sdelay $0x4  }
0xe9: {  	v52 =	vor.u32 $0x41, v50;
	_ =	sdelay $0x3  }
0xea: {  	v1 =	vpop (erf)  }
0xeb: {  	[tilespmem:v52+s20+$0x0] =	vst.idx.msk $0xffff, v1  }
0xec: {  	[tilespmem:v4+s29+$0x0] =	vst.idx.msk $0xffff, v1  }
0xed: {  	v4 =	vld.idx.msk [tilespmem:v5+s26+$0x0], $0xffff;
	_ =	sdelay $0x4  }
0xee: {  	v4 =	vmul.f32 v1, v4;
	_ =	sdelay $0x1  }
0xef: {  	[tilespmem:v5+s20+$0x0] =	vst.idx.msk $0xffff, v4  }
0xf0: {  	v4 =	vld.idx.msk [tilespmem:v3+s26+$0x0], $0xffff;
	_ =	sdelay $0x4  }
0xf1: {  	v4 =	vmul.f32 v4, v1;
	_ =	sdelay $0x1  }
0xf2: {  	[tilespmem:v3+s20+$0x0] =	vst.idx.msk $0xffff, v4  }
0xf3: {  	v3 =	vld.idx.msk [tilespmem:v6+s26+$0x0], $0xffff;
	_ =	sdelay $0x4  }
0xf4: {  	v3 =	vmul.f32 v3, v1;
	_ =	sdelay $0x1  }
0xf5: {  	[tilespmem:v6+s20+$0x0] =	vst.idx.msk $0xffff, v3  }
0xf6: {  	v3 =	vld.idx.msk [tilespmem:v9+s26+$0x0], $0xffff;
	_ =	sdelay $0x4  }
0xf7: {  	v3 =	vmul.f32 v3, v1;
	_ =	sdelay $0x1  }
0xf8: {  	[tilespmem:v9+s20+$0x0] =	vst.idx.msk $0xffff, v3  }
0xf9: {  	v3 =	vld.idx.msk [tilespmem:v12+s26+$0x0], $0xffff;
	_ =	sdelay $0x4  }
0xfa: {  	v3 =	vmul.f32 v3, v1;
	_ =	sdelay $0x1  }
0xfb: {  	[tilespmem:v12+s20+$0x0] =	vst.idx.msk $0xffff, v3  }
0xfc: {  	v3 =	vld.idx.msk [tilespmem:v54+s26+$0x0], $0xffff;
	_ =	sdelay $0x4  }
0xfd: {  	v3 =	vmul.f32 v3, v1;
	_ =	sdelay $0x1  }
0xfe: {  	[tilespmem:v54+s20+$0x0] =	vst.idx.msk $0xffff, v3  }
0xff: {  	v3 =	vld.idx.msk [tilespmem:v56+s26+$0x0], $0xffff;
	_ =	sdelay $0x4  }
0x100: {  	v3 =	vmul.f32 v3, v1;
	_ =	sdelay $0x1  }
0x101: {  	[tilespmem:v56+s20+$0x0] =	vst.idx.msk $0xffff, v3  }
0x102: {  	v3 =	vld.idx.msk [tilespmem:v57+s26+$0x0], $0xffff;
	_ =	sdelay $0x4  }
0x103: {  	v3 =	vmul.f32 v3, v1;
	_ =	sdelay $0x1  }
0x104: {  	[tilespmem:v57+s20+$0x0] =	vst.idx.msk $0xffff, v3  }
0x105: {  	v3 =	vld.idx.msk [tilespmem:v58+s26+$0x0], $0xffff;
	_ =	sdelay $0x4  }
0x106: {  	v3 =	vmul.f32 v3, v1;
	_ =	sdelay $0x1  }
0x107: {  	[tilespmem:v58+s20+$0x0] =	vst.idx.msk $0xffff, v3  }
0x108: {  	v3 =	vld.idx.msk [tilespmem:v59+s26+$0x0], $0xffff;
	_ =	sdelay $0x4  }
0x109: {  	v3 =	vmul.f32 v3, v1;
	_ =	sdelay $0x1  }
0x10a: {  	[tilespmem:v59+s20+$0x0] =	vst.idx.msk $0xffff, v3  }
0x10b: {  	v3 =	vld.idx.msk [tilespmem:v60+s26+$0x0], $0xffff;
	_ =	sdelay $0x4  }
0x10c: {  	v3 =	vmul.f32 v3, v1;
	_ =	sdelay $0x1  }
0x10d: {  	[tilespmem:v60+s20+$0x0] =	vst.idx.msk $0xffff, v3  }
0x10e: {  	v3 =	vld.idx.msk [tilespmem:v61+s26+$0x0], $0xffff;
	_ =	sdelay $0x4  }
0x10f: {  	v3 =	vmul.f32 v3, v1;
	_ =	sdelay $0x1  }
0x110: {  	[tilespmem:v61+s20+$0x0] =	vst.idx.msk $0xffff, v3  }
0x111: {  	v3 =	vld.idx.msk [tilespmem:v62+s26+$0x0], $0xffff;
	_ =	sdelay $0x4  }
0x112: {  	v3 =	vmul.f32 v3, v1;
	_ =	sdelay $0x1  }
0x113: {  	[tilespmem:v62+s20+$0x0] =	vst.idx.msk $0xffff, v3  }
0x114: {  	v3 =	vld.idx.msk [tilespmem:v63+s26+$0x0], $0xffff;
	_ =	sdelay $0x4  }
0x115: {  	v3 =	vmul.f32 v3, v1;
	_ =	sdelay $0x1  }
0x116: {  	[tilespmem:v63+s20+$0x0] =	vst.idx.msk $0xffff, v3  }
0x117: {  	v3 =	vld.idx.msk [tilespmem:v13+s26+$0x0], $0xffff;
	_ =	sdelay $0x4  }
0x118: {  	v3 =	vmul.f32 v3, v1;
	_ =	sdelay $0x1  }
0x119: {  	[tilespmem:v13+s20+$0x0] =	vst.idx.msk $0xffff, v3  }
0x11a: {  	v3 =	vld.idx.msk [tilespmem:v14+s26+$0x0], $0xffff;
	_ =	sdelay $0x2  }
0x11b: {  	v4 =	vor.u32 s16, v44  }
0x11c: {  	v5 =	vor.u32 $0x20, v50  }
0x11d: {  	v1 =	vmul.f32 v3, v1  }
0x11e: {  	v3 =	vor.u32 $0x21, v50  }
0x11f: {  	[tilespmem:v14+s20+$0x0] =	vst.idx.msk $0xffff, v1  }
0x120: {  	v6 =	vor.u32 $0x22, v50;
	v1 =	vld.idx.msk [tilespmem:v4+s22+$0x0], $0xffff  }
0x121: {  	v58 =	vld.idx.msk [tilespmem:v5+s24+$0x0], $0xffff  }
0x122: {  	v9 =	vor.u32 $0x23, v50;
	v59 =	vld.idx.msk [tilespmem:v5+s25+$0x0], $0xffff  }
0x123: {  	v60 =	vld.idx.msk [tilespmem:v3+s24+$0x0], $0xffff  }
0x124: {  	v12 =	vor.u32 $0x24, v50;
	v61 =	vld.idx.msk [tilespmem:v3+s25+$0x0], $0xffff  }
0x125: {  	v13 =	vld.idx.msk [tilespmem:v6+s24+$0x0], $0xffff  }
0x126: {  	v54 =	vor.u32 $0x25, v50;
	v14 =	vld.idx.msk [tilespmem:v6+s25+$0x0], $0xffff  }
0x127: {  	v8 =	vld.idx.msk [tilespmem:v9+s24+$0x0], $0xffff;
	v7 =	vmul.f32 v59, v58  }
0x128: {  	v55 =	vor.u32 $0x26, v50;
	v53 =	vld.idx.msk [tilespmem:v9+s25+$0x0], $0xffff  }
0x129: {  	v10 =	vld.idx.msk [tilespmem:v12+s24+$0x0], $0xffff;
	v1 =	vadd.f32 v7, v1;
	v62 =	vmul.f32 v61, v60  }
0x12a: {  	v56 =	vor.u32 $0x27, v50;
	v11 =	vld.idx.msk [tilespmem:v12+s25+$0x0], $0xffff  }
0x12b: {  	v63 =	vmul.f32 v14, v13;
	v60 =	vld.idx.msk [tilespmem:v54+s24+$0x0], $0xffff;
	v1 =	vadd.f32 v62, v1  }
0x12c: {  	v57 =	vor.u32 $0x28, v50;
	v61 =	vld.idx.msk [tilespmem:v54+s25+$0x0], $0xffff  }
0x12d: {  	v62 =	vmul.f32 v53, v8;
	v8 =	vld.idx.msk [tilespmem:v55+s24+$0x0], $0xffff;
	v1 =	vadd.f32 v63, v1  }
0x12e: {  	v58 =	vor.u32 $0x29, v50;
	v53 =	vld.idx.msk [tilespmem:v55+s25+$0x0], $0xffff  }
0x12f: {  	v63 =	vmul.f32 v11, v10;
	v10 =	vld.idx.msk [tilespmem:v56+s24+$0x0], $0xffff;
	v1 =	vadd.f32 v62, v1  }
0x130: {  	v59 =	vor.u32 $0x2A, v50;
	v11 =	vld.idx.msk [tilespmem:v56+s25+$0x0], $0xffff  }
0x131: {  	v13 =	vld.idx.msk [tilespmem:v57+s24+$0x0], $0xffff;
	v7 =	vmul.f32 v61, v60;
	v1 =	vadd.f32 v63, v1  }
0x132: {  	v14 =	vld.idx.msk [tilespmem:v57+s25+$0x0], $0xffff;
	v60 =	vor.u32 $0x2B, v50  }
0x133: {  	v1 =	vadd.f32 v7, v1;
	v7 =	vmul.f32 v53, v8;
	v8 =	vld.idx.msk [tilespmem:v58+s24+$0x0], $0xffff  }
0x134: {  	v61 =	vor.u32 $0x2C, v50;
	v53 =	vld.idx.msk [tilespmem:v58+s25+$0x0], $0xffff  }
0x135: {  	v1 =	vadd.f32 v7, v1;
	v7 =	vmul.f32 v11, v10;
	v10 =	vld.idx.msk [tilespmem:v59+s24+$0x0], $0xffff  }
0x136: {  	v62 =	vor.u32 $0x2D, v50;
	v11 =	vld.idx.msk [tilespmem:v59+s25+$0x0], $0xffff  }
0x137: {  	v1 =	vadd.f32 v7, v1;
	v7 =	vmul.f32 v14, v13;
	v13 =	vld.idx.msk [tilespmem:v60+s24+$0x0], $0xffff  }
0x138: {  	v63 =	vor.u32 $0x2E, v50;
	v14 =	vld.idx.msk [tilespmem:v60+s25+$0x0], $0xffff  }
0x139: {  	v1 =	vadd.f32 v7, v1;
	v7 =	vmul.f32 v53, v8;
	v8 =	vld.idx.msk [tilespmem:v61+s24+$0x0], $0xffff  }
0x13a: {  	v15 =	vor.u32 $0x2F, v50;
	v53 =	vld.idx.msk [tilespmem:v61+s25+$0x0], $0xffff  }
0x13b: {  	v1 =	vadd.f32 v7, v1;
	v7 =	vmul.f32 v11, v10;
	v10 =	vld.idx.msk [tilespmem:v62+s24+$0x0], $0xffff  }
0x13c: {  	v11 =	vld.idx.msk [tilespmem:v62+s25+$0x0], $0xffff  }
0x13d: {  	v1 =	vadd.f32 v7, v1;
	v7 =	vmul.f32 v14, v13;
	v13 =	vld.idx.msk [tilespmem:v63+s24+$0x0], $0xffff  }
0x13e: {  	v14 =	vld.idx.msk [tilespmem:v63+s25+$0x0], $0xffff  }
0x13f: {  	v1 =	vadd.f32 v7, v1;
	v7 =	vmul.f32 v53, v8;
	v8 =	vld.idx.msk [tilespmem:v15+s24+$0x0], $0xffff  }
0x140: {  	v53 =	vld.idx.msk [tilespmem:v15+s25+$0x0], $0xffff  }
0x141: {  	v11 =	vmul.f32 v11, v10;
	v1 =	vadd.f32 v7, v1;
	_ =	sdelay $0x1  }
0x142: {  	v14 =	vmul.f32 v14, v13;
	v1 =	vadd.f32 v11, v1;
	_ =	sdelay $0x1  }
0x143: {  	v53 =	vmul.f32 v53, v8;
	v1 =	vadd.f32 v14, v1;
	_ =	sdelay $0x1  }
0x144: {  	v1 =	vadd.f32 v53, v1;
	_ =	sdelay $0x1  }
0x145: {  	v1 =	vmul.f32 $1.442695020e+00, v1;
	_ =	sdelay $0x1  }
0x146: {  	(erf) = vpow2.f32 v1;
	_ =	sdelay $0x4  }
0x147: {  	v53 =	vor.u32 $0x42, v50;
	_ =	sdelay $0x3  }
0x148: {  	v1 =	vpop (erf)  }
0x149: {  	[tilespmem:v53+s20+$0x0] =	vst.idx.msk $0xffff, v1  }
0x14a: {  	[tilespmem:v4+s29+$0x0] =	vst.idx.msk $0xffff, v1  }
0x14b: {  	v4 =	vld.idx.msk [tilespmem:v5+s26+$0x0], $0xffff;
	_ =	sdelay $0x4  }
0x14c: {  	v4 =	vmul.f32 v1, v4;
	_ =	sdelay $0x1  }
0x14d: {  	[tilespmem:v5+s20+$0x0] =	vst.idx.msk $0xffff, v4  }
0x14e: {  	v4 =	vld.idx.msk [tilespmem:v3+s26+$0x0], $0xffff;
	_ =	sdelay $0x4  }
0x14f: {  	v4 =	vmul.f32 v4, v1;
	_ =	sdelay $0x1  }
0x150: {  	[tilespmem:v3+s20+$0x0] =	vst.idx.msk $0xffff, v4  }
0x151: {  	v3 =	vld.idx.msk [tilespmem:v6+s26+$0x0], $0xffff;
	_ =	sdelay $0x4  }
0x152: {  	v3 =	vmul.f32 v3, v1;
	_ =	sdelay $0x1  }
0x153: {  	[tilespmem:v6+s20+$0x0] =	vst.idx.msk $0xffff, v3  }
0x154: {  	v3 =	vld.idx.msk [tilespmem:v9+s26+$0x0], $0xffff;
	_ =	sdelay $0x4  }
0x155: {  	v3 =	vmul.f32 v3, v1;
	_ =	sdelay $0x1  }
0x156: {  	[tilespmem:v9+s20+$0x0] =	vst.idx.msk $0xffff, v3  }
0x157: {  	v3 =	vld.idx.msk [tilespmem:v12+s26+$0x0], $0xffff;
	_ =	sdelay $0x4  }
0x158: {  	v3 =	vmul.f32 v3, v1;
	_ =	sdelay $0x1  }
0x159: {  	[tilespmem:v12+s20+$0x0] =	vst.idx.msk $0xffff, v3  }
0x15a: {  	v3 =	vld.idx.msk [tilespmem:v54+s26+$0x0], $0xffff;
	_ =	sdelay $0x4  }
0x15b: {  	v3 =	vmul.f32 v3, v1;
	_ =	sdelay $0x1  }
0x15c: {  	[tilespmem:v54+s20+$0x0] =	vst.idx.msk $0xffff, v3  }
0x15d: {  	v3 =	vld.idx.msk [tilespmem:v55+s26+$0x0], $0xffff;
	_ =	sdelay $0x4  }
0x15e: {  	v3 =	vmul.f32 v3, v1;
	_ =	sdelay $0x1  }
0x15f: {  	[tilespmem:v55+s20+$0x0] =	vst.idx.msk $0xffff, v3  }
0x160: {  	v3 =	vld.idx.msk [tilespmem:v56+s26+$0x0], $0xffff;
	_ =	sdelay $0x4  }
0x161: {  	v3 =	vmul.f32 v3, v1;
	_ =	sdelay $0x1  }
0x162: {  	[tilespmem:v56+s20+$0x0] =	vst.idx.msk $0xffff, v3  }
0x163: {  	v3 =	vld.idx.msk [tilespmem:v57+s26+$0x0], $0xffff;
	_ =	sdelay $0x4  }
0x164: {  	v3 =	vmul.f32 v3, v1;
	_ =	sdelay $0x1  }
0x165: {  	[tilespmem:v57+s20+$0x0] =	vst.idx.msk $0xffff, v3  }
0x166: {  	v3 =	vld.idx.msk [tilespmem:v58+s26+$0x0], $0xffff;
	_ =	sdelay $0x4  }
0x167: {  	v3 =	vmul.f32 v3, v1;
	_ =	sdelay $0x1  }
0x168: {  	[tilespmem:v58+s20+$0x0] =	vst.idx.msk $0xffff, v3  }
0x169: {  	v3 =	vld.idx.msk [tilespmem:v59+s26+$0x0], $0xffff;
	_ =	sdelay $0x4  }
0x16a: {  	v3 =	vmul.f32 v3, v1;
	_ =	sdelay $0x1  }
0x16b: {  	[tilespmem:v59+s20+$0x0] =	vst.idx.msk $0xffff, v3  }
0x16c: {  	v3 =	vld.idx.msk [tilespmem:v60+s26+$0x0], $0xffff;
	_ =	sdelay $0x4  }
0x16d: {  	v3 =	vmul.f32 v3, v1;
	_ =	sdelay $0x1  }
0x16e: {  	[tilespmem:v60+s20+$0x0] =	vst.idx.msk $0xffff, v3  }
0x16f: {  	v3 =	vld.idx.msk [tilespmem:v61+s26+$0x0], $0xffff;
	_ =	sdelay $0x4  }
0x170: {  	v3 =	vmul.f32 v3, v1;
	_ =	sdelay $0x1  }
0x171: {  	[tilespmem:v61+s20+$0x0] =	vst.idx.msk $0xffff, v3  }
0x172: {  	v3 =	vld.idx.msk [tilespmem:v62+s26+$0x0], $0xffff;
	_ =	sdelay $0x4  }
0x173: {  	v3 =	vmul.f32 v3, v1;
	_ =	sdelay $0x1  }
0x174: {  	[tilespmem:v62+s20+$0x0] =	vst.idx.msk $0xffff, v3  }
0x175: {  	v3 =	vld.idx.msk [tilespmem:v63+s26+$0x0], $0xffff;
	_ =	sdelay $0x4  }
0x176: {  	v3 =	vmul.f32 v3, v1;
	_ =	sdelay $0x1  }
0x177: {  	[tilespmem:v63+s20+$0x0] =	vst.idx.msk $0xffff, v3  }
0x178: {  	v3 =	vld.idx.msk [tilespmem:v15+s26+$0x0], $0xffff;
	_ =	sdelay $0x2  }
0x179: {  	v4 =	vor.u32 s16, v45  }
0x17a: {  	v5 =	vor.u32 $0x30, v50  }
0x17b: {  	v1 =	vmul.f32 v3, v1  }
0x17c: {  	v3 =	vor.u32 $0x31, v50  }
0x17d: {  	[tilespmem:v15+s20+$0x0] =	vst.idx.msk $0xffff, v1  }
0x17e: {  	v6 =	vor.u32 $0x32, v50;
	v1 =	vld.idx.msk [tilespmem:v4+s22+$0x0], $0xffff  }
0x17f: {  	v56 =	vld.idx.msk [tilespmem:v5+s24+$0x0], $0xffff  }
0x180: {  	v9 =	vor.u32 $0x33, v50;
	v57 =	vld.idx.msk [tilespmem:v5+s25+$0x0], $0xffff  }
0x181: {  	v58 =	vld.idx.msk [tilespmem:v3+s24+$0x0], $0xffff  }
0x182: {  	v12 =	vor.u32 $0x34, v50;
	v59 =	vld.idx.msk [tilespmem:v3+s25+$0x0], $0xffff  }
0x183: {  	v60 =	vld.idx.msk [tilespmem:v6+s24+$0x0], $0xffff  }
0x184: {  	v15 =	vor.u32 $0x35, v50;
	v61 =	vld.idx.msk [tilespmem:v6+s25+$0x0], $0xffff  }
0x185: {  	v8 =	vld.idx.msk [tilespmem:v9+s24+$0x0], $0xffff;
	v7 =	vmul.f32 v57, v56  }
0x186: {  	v55 =	vor.u32 $0x36, v50;
	v54 =	vld.idx.msk [tilespmem:v9+s25+$0x0], $0xffff  }
0x187: {  	v10 =	vld.idx.msk [tilespmem:v12+s24+$0x0], $0xffff;
	v1 =	vadd.f32 v7, v1;
	v62 =	vmul.f32 v59, v58  }
0x188: {  	v11 =	vld.idx.msk [tilespmem:v12+s25+$0x0], $0xffff;
	v56 =	vor.u32 $0x37, v50  }
0x189: {  	v63 =	vmul.f32 v61, v60;
	v60 =	vld.idx.msk [tilespmem:v15+s24+$0x0], $0xffff;
	v1 =	vadd.f32 v62, v1  }
0x18a: {  	v61 =	vld.idx.msk [tilespmem:v15+s25+$0x0], $0xffff;
	v57 =	vor.u32 $0x38, v50  }
0x18b: {  	v62 =	vmul.f32 v54, v8;
	v8 =	vld.idx.msk [tilespmem:v55+s24+$0x0], $0xffff;
	v1 =	vadd.f32 v63, v1  }
0x18c: {  	v58 =	vor.u32 $0x39, v50;
	v54 =	vld.idx.msk [tilespmem:v55+s25+$0x0], $0xffff  }
0x18d: {  	v63 =	vmul.f32 v11, v10;
	v10 =	vld.idx.msk [tilespmem:v56+s24+$0x0], $0xffff;
	v1 =	vadd.f32 v62, v1  }
0x18e: {  	v59 =	vor.u32 $0x3A, v50;
	v11 =	vld.idx.msk [tilespmem:v56+s25+$0x0], $0xffff  }
0x18f: {  	v7 =	vmul.f32 v61, v60;
	v13 =	vld.idx.msk [tilespmem:v57+s24+$0x0], $0xffff;
	v1 =	vadd.f32 v63, v1  }
0x190: {  	v14 =	vld.idx.msk [tilespmem:v57+s25+$0x0], $0xffff;
	v60 =	vor.u32 $0x3B, v50  }
0x191: {  	v1 =	vadd.f32 v7, v1;
	v7 =	vmul.f32 v54, v8;
	v8 =	vld.idx.msk [tilespmem:v58+s24+$0x0], $0xffff  }
0x192: {  	v61 =	vor.u32 $0x3C, v50;
	v54 =	vld.idx.msk [tilespmem:v58+s25+$0x0], $0xffff  }
0x193: {  	v1 =	vadd.f32 v7, v1;
	v7 =	vmul.f32 v11, v10;
	v10 =	vld.idx.msk [tilespmem:v59+s24+$0x0], $0xffff  }
0x194: {  	v62 =	vor.u32 $0x3D, v50;
	v11 =	vld.idx.msk [tilespmem:v59+s25+$0x0], $0xffff  }
0x195: {  	v1 =	vadd.f32 v7, v1;
	v7 =	vmul.f32 v14, v13;
	v13 =	vld.idx.msk [tilespmem:v60+s24+$0x0], $0xffff  }
0x196: {  	v63 =	vor.u32 $0x3E, v50;
	v14 =	vld.idx.msk [tilespmem:v60+s25+$0x0], $0xffff  }
0x197: {  	v1 =	vadd.f32 v7, v1;
	v7 =	vmul.f32 v54, v8;
	v8 =	vld.idx.msk [tilespmem:v61+s24+$0x0], $0xffff  }
0x198: {  	v16 =	vor.u32 $0x3F, v50;
	v54 =	vld.idx.msk [tilespmem:v61+s25+$0x0], $0xffff  }
0x199: {  	v1 =	vadd.f32 v7, v1;
	v7 =	vmul.f32 v11, v10;
	v10 =	vld.idx.msk [tilespmem:v62+s24+$0x0], $0xffff  }
0x19a: {  	v11 =	vld.idx.msk [tilespmem:v62+s25+$0x0], $0xffff  }
0x19b: {  	v1 =	vadd.f32 v7, v1;
	v7 =	vmul.f32 v14, v13;
	v13 =	vld.idx.msk [tilespmem:v63+s24+$0x0], $0xffff  }
0x19c: {  	v14 =	vld.idx.msk [tilespmem:v63+s25+$0x0], $0xffff  }
0x19d: {  	v1 =	vadd.f32 v7, v1;
	v7 =	vmul.f32 v54, v8;
	v8 =	vld.idx.msk [tilespmem:v16+s24+$0x0], $0xffff  }
0x19e: {  	v54 =	vld.idx.msk [tilespmem:v16+s25+$0x0], $0xffff  }
0x19f: {  	v11 =	vmul.f32 v11, v10;
	v1 =	vadd.f32 v7, v1;
	_ =	sdelay $0x1  }
0x1a0: {  	v13 =	vmul.f32 v14, v13;
	v1 =	vadd.f32 v11, v1;
	_ =	sdelay $0x1  }
0x1a1: {  	v14 =	vmul.f32 v54, v8;
	v1 =	vadd.f32 v13, v1;
	_ =	sdelay $0x1  }
0x1a2: {  	v1 =	vadd.f32 v14, v1;
	_ =	sdelay $0x1  }
0x1a3: {  	v1 =	vmul.f32 $1.442695020e+00, v1;
	_ =	sdelay $0x1  }
0x1a4: {  	(erf) = vpow2.f32 v1;
	_ =	sdelay $0x4  }
0x1a5: {  	v1 =	vor.u32 $0x43, v50;
	_ =	sdelay $0x3  }
0x1a6: {  	v54 =	vpop (erf)  }
0x1a7: {  	[tilespmem:v1+s20+$0x0] =	vst.idx.msk $0xffff, v54  }
0x1a8: {  	[tilespmem:v4+s29+$0x0] =	vst.idx.msk $0xffff, v54  }
0x1a9: {  	v4 =	vld.idx.msk [tilespmem:v5+s26+$0x0], $0xffff;
	_ =	sdelay $0x4  }
0x1aa: {  	v4 =	vmul.f32 v54, v4;
	_ =	sdelay $0x1  }
0x1ab: {  	[tilespmem:v5+s20+$0x0] =	vst.idx.msk $0xffff, v4  }
0x1ac: {  	v4 =	vld.idx.msk [tilespmem:v3+s26+$0x0], $0xffff;
	_ =	sdelay $0x4  }
0x1ad: {  	v4 =	vmul.f32 v4, v54;
	_ =	sdelay $0x1  }
0x1ae: {  	[tilespmem:v3+s20+$0x0] =	vst.idx.msk $0xffff, v4  }
0x1af: {  	v3 =	vld.idx.msk [tilespmem:v6+s26+$0x0], $0xffff;
	_ =	sdelay $0x4  }
0x1b0: {  	v3 =	vmul.f32 v3, v54;
	_ =	sdelay $0x1  }
0x1b1: {  	[tilespmem:v6+s20+$0x0] =	vst.idx.msk $0xffff, v3  }
0x1b2: {  	v3 =	vld.idx.msk [tilespmem:v9+s26+$0x0], $0xffff;
	_ =	sdelay $0x4  }
0x1b3: {  	v3 =	vmul.f32 v3, v54;
	_ =	sdelay $0x1  }
0x1b4: {  	[tilespmem:v9+s20+$0x0] =	vst.idx.msk $0xffff, v3  }
0x1b5: {  	v3 =	vld.idx.msk [tilespmem:v12+s26+$0x0], $0xffff;
	_ =	sdelay $0x4  }
0x1b6: {  	v3 =	vmul.f32 v3, v54;
	_ =	sdelay $0x1  }
0x1b7: {  	[tilespmem:v12+s20+$0x0] =	vst.idx.msk $0xffff, v3  }
0x1b8: {  	v3 =	vld.idx.msk [tilespmem:v15+s26+$0x0], $0xffff;
	_ =	sdelay $0x4  }
0x1b9: {  	v3 =	vmul.f32 v3, v54;
	_ =	sdelay $0x1  }
0x1ba: {  	[tilespmem:v15+s20+$0x0] =	vst.idx.msk $0xffff, v3  }
0x1bb: {  	v3 =	vld.idx.msk [tilespmem:v55+s26+$0x0], $0xffff;
	_ =	sdelay $0x4  }
0x1bc: {  	v3 =	vmul.f32 v3, v54;
	_ =	sdelay $0x1  }
0x1bd: {  	[tilespmem:v55+s20+$0x0] =	vst.idx.msk $0xffff, v3  }
0x1be: {  	v3 =	vld.idx.msk [tilespmem:v56+s26+$0x0], $0xffff;
	_ =	sdelay $0x4  }
0x1bf: {  	v3 =	vmul.f32 v3, v54;
	_ =	sdelay $0x1  }
0x1c0: {  	[tilespmem:v56+s20+$0x0] =	vst.idx.msk $0xffff, v3  }
0x1c1: {  	v3 =	vld.idx.msk [tilespmem:v57+s26+$0x0], $0xffff;
	_ =	sdelay $0x4  }
0x1c2: {  	v3 =	vmul.f32 v3, v54;
	_ =	sdelay $0x1  }
0x1c3: {  	[tilespmem:v57+s20+$0x0] =	vst.idx.msk $0xffff, v3  }
0x1c4: {  	v3 =	vld.idx.msk [tilespmem:v58+s26+$0x0], $0xffff;
	_ =	sdelay $0x4  }
0x1c5: {  	v3 =	vmul.f32 v3, v54;
	_ =	sdelay $0x1  }
0x1c6: {  	[tilespmem:v58+s20+$0x0] =	vst.idx.msk $0xffff, v3  }
0x1c7: {  	v3 =	vld.idx.msk [tilespmem:v59+s26+$0x0], $0xffff;
	_ =	sdelay $0x4  }
0x1c8: {  	v3 =	vmul.f32 v3, v54;
	_ =	sdelay $0x1  }
0x1c9: {  	[tilespmem:v59+s20+$0x0] =	vst.idx.msk $0xffff, v3  }
0x1ca: {  	v3 =	vld.idx.msk [tilespmem:v60+s26+$0x0], $0xffff;
	_ =	sdelay $0x4  }
0x1cb: {  	v3 =	vmul.f32 v3, v54;
	_ =	sdelay $0x1  }
0x1cc: {  	[tilespmem:v60+s20+$0x0] =	vst.idx.msk $0xffff, v3  }
0x1cd: {  	v3 =	vld.idx.msk [tilespmem:v61+s26+$0x0], $0xffff;
	_ =	sdelay $0x4  }
0x1ce: {  	v3 =	vmul.f32 v3, v54;
	_ =	sdelay $0x1  }
0x1cf: {  	[tilespmem:v61+s20+$0x0] =	vst.idx.msk $0xffff, v3  }
0x1d0: {  	v3 =	vld.idx.msk [tilespmem:v62+s26+$0x0], $0xffff;
	_ =	sdelay $0x4  }
0x1d1: {  	v3 =	vmul.f32 v3, v54;
	_ =	sdelay $0x1  }
0x1d2: {  	[tilespmem:v62+s20+$0x0] =	vst.idx.msk $0xffff, v3  }
0x1d3: {  	v3 =	vld.idx.msk [tilespmem:v63+s26+$0x0], $0xffff;
	_ =	sdelay $0x4  }
0x1d4: {  	v3 =	vmul.f32 v3, v54;
	_ =	sdelay $0x1  }
0x1d5: {  	[tilespmem:v63+s20+$0x0] =	vst.idx.msk $0xffff, v3  }
0x1d6: {  	v3 =	vld.idx.msk [tilespmem:v16+s26+$0x0], $0xffff;
	_ =	sdelay $0x2  }
0x1d7: {  	v4 =	vor.u32 s16, v46;
	_ =	sdelay $0x1  }
0x1d8: {  	v3 =	vmul.f32 v3, v54;
	_ =	sdelay $0x1  }
0x1d9: {  	[tilespmem:v16+s20+$0x0] =	vst.idx.msk $0xffff, v3  }
0x1da: {  	v3 =	vld.idx.msk [tilespmem:v4+s22+$0x0], $0xffff  }
0x1db: {  	v5 =	vld.idx.msk [tilespmem:v51+s24+$0x0], $0xffff  }
0x1dc: {  	v6 =	vld.idx.msk [tilespmem:v51+s25+$0x0], $0xffff  }
0x1dd: {  	v57 =	vld.idx.msk [tilespmem:v52+s24+$0x0], $0xffff  }
0x1de: {  	v9 =	vor.u32 $0x44, v50;
	v58 =	vld.idx.msk [tilespmem:v52+s25+$0x0], $0xffff  }
0x1df: {  	v59 =	vld.idx.msk [tilespmem:v53+s24+$0x0], $0xffff  }
0x1e0: {  	v60 =	vld.idx.msk [tilespmem:v53+s25+$0x0], $0xffff;
	v53 =	vor.u32 $0x45, v50  }
0x1e1: {  	v61 =	vld.idx.msk [tilespmem:v1+s24+$0x0], $0xffff;
	v5 =	vmul.f32 v6, v5  }
0x1e2: {  	v1 =	vld.idx.msk [tilespmem:v1+s25+$0x0], $0xffff;
	v52 =	vor.u32 $0x46, v50  }
0x1e3: {  	v63 =	vld.idx.msk [tilespmem:v9+s24+$0x0], $0xffff;
	v62 =	vmul.f32 v58, v57;
	v3 =	vadd.f32 v5, v3  }
0x1e4: {  	v54 =	vld.idx.msk [tilespmem:v9+s25+$0x0], $0xffff;
	v51 =	vor.u32 $0x47, v50  }
0x1e5: {  	v55 =	vmul.f32 v60, v59;
	v56 =	vld.idx.msk [tilespmem:v53+s24+$0x0], $0xffff;
	v3 =	vadd.f32 v62, v3  }
0x1e6: {  	v57 =	vld.idx.msk [tilespmem:v53+s25+$0x0], $0xffff;
	v58 =	vor.u32 $0x48, v50  }
0x1e7: {  	v1 =	vmul.f32 v1, v61;
	v59 =	vld.idx.msk [tilespmem:v52+s24+$0x0], $0xffff;
	v3 =	vadd.f32 v55, v3  }
0x1e8: {  	v60 =	vld.idx.msk [tilespmem:v52+s25+$0x0], $0xffff;
	v61 =	vor.u32 $0x49, v50  }
0x1e9: {  	v62 =	vld.idx.msk [tilespmem:v51+s24+$0x0], $0xffff;
	v1 =	vadd.f32 v1, v3;
	v3 =	vmul.f32 v54, v63  }
0x1ea: {  	v63 =	vld.idx.msk [tilespmem:v51+s25+$0x0], $0xffff;
	v54 =	vor.u32 $0x4A, v50  }
0x1eb: {  	v55 =	vld.idx.msk [tilespmem:v58+s24+$0x0], $0xffff;
	v1 =	vadd.f32 v3, v1;
	v3 =	vmul.f32 v57, v56  }
0x1ec: {  	v56 =	vld.idx.msk [tilespmem:v58+s25+$0x0], $0xffff;
	v57 =	vor.u32 $0x4B, v50  }
0x1ed: {  	v58 =	vld.idx.msk [tilespmem:v61+s24+$0x0], $0xffff;
	v1 =	vadd.f32 v3, v1;
	v3 =	vmul.f32 v60, v59  }
0x1ee: {  	v59 =	vld.idx.msk [tilespmem:v61+s25+$0x0], $0xffff;
	v60 =	vor.u32 $0x4C, v50  }
0x1ef: {  	v61 =	vld.idx.msk [tilespmem:v54+s24+$0x0], $0xffff;
	v1 =	vadd.f32 v3, v1;
	v3 =	vmul.f32 v63, v62  }
0x1f0: {  	v62 =	vld.idx.msk [tilespmem:v54+s25+$0x0], $0xffff;
	v63 =	vor.u32 $0x4D, v50  }
0x1f1: {  	v54 =	vld.idx.msk [tilespmem:v57+s24+$0x0], $0xffff;
	v1 =	vadd.f32 v3, v1;
	v3 =	vmul.f32 v56, v55  }
0x1f2: {  	v55 =	vld.idx.msk [tilespmem:v57+s25+$0x0], $0xffff;
	v56 =	vor.u32 $0x4E, v50  }
0x1f3: {  	v57 =	vld.idx.msk [tilespmem:v60+s24+$0x0], $0xffff;
	v1 =	vadd.f32 v3, v1;
	v3 =	vmul.f32 v59, v58  }
0x1f4: {  	v58 =	vld.idx.msk [tilespmem:v60+s25+$0x0], $0xffff;
	v59 =	vor.u32 $0x4F, v50  }
0x1f5: {  	v60 =	vld.idx.msk [tilespmem:v63+s24+$0x0], $0xffff;
	v1 =	vadd.f32 v3, v1;
	v3 =	vmul.f32 v62, v61  }
0x1f6: {  	v61 =	vld.idx.msk [tilespmem:v63+s25+$0x0], $0xffff  }
0x1f7: {  	v62 =	vld.idx.msk [tilespmem:v56+s24+$0x0], $0xffff;
	v1 =	vadd.f32 v3, v1;
	v3 =	vmul.f32 v55, v54  }
0x1f8: {  	v63 =	vld.idx.msk [tilespmem:v56+s25+$0x0], $0xffff  }
0x1f9: {  	v12 =	vld.idx.msk [tilespmem:v59+s24+$0x0], $0xffff;
	v1 =	vadd.f32 v3, v1;
	v3 =	vmul.f32 v58, v57  }
0x1fa: {  	v14 =	vld.idx.msk [tilespmem:v59+s25+$0x0], $0xffff  }
0x1fb: {  	v1 =	vadd.f32 v3, v1;
	v3 =	vmul.f32 v61, v60;
	_ =	sdelay $0x1  }
0x1fc: {  	v1 =	vadd.f32 v3, v1;
	v3 =	vmul.f32 v63, v62;
	_ =	sdelay $0x1  }
0x1fd: {  	v1 =	vadd.f32 v3, v1;
	v3 =	vmul.f32 v14, v12;
	_ =	sdelay $0x1  }
0x1fe: {  	v1 =	vadd.f32 v3, v1;
	_ =	sdelay $0x1  }
0x1ff: {  	v1 =	vmul.f32 $1.442695020e+00, v1;
	_ =	sdelay $0x1  }
0x200: {  	(erf) = vpow2.f32 v1;
	_ =	sdelay $0x6  }
0x201: {  	v1 =	vor.u32 s16, v47  }
0x202: {  	v3 =	vor.u32 $0x50, v50  }
0x203: {  	v54 =	vpop (erf)  }
0x204: {  	v55 =	vor.u32 $0x51, v50;
	[tilespmem:v9+s20+$0x0] =	vst.idx.msk $0xffff, v54  }
0x205: {  	[tilespmem:v4+s29+$0x0] =	vst.idx.msk $0xffff, v54  }
0x206: {  	v56 =	vor.u32 $0x52, v50;
	v4 =	vld.idx.msk [tilespmem:v1+s22+$0x0], $0xffff  }
0x207: {  	v57 =	vld.idx.msk [tilespmem:v3+s24+$0x0], $0xffff  }
0x208: {  	v58 =	vor.u32 $0x53, v50;
	v3 =	vld.idx.msk [tilespmem:v3+s25+$0x0], $0xffff  }
0x209: {  	v9 =	vld.idx.msk [tilespmem:v55+s24+$0x0], $0xffff  }
0x20a: {  	v59 =	vor.u32 $0x54, v50;
	v6 =	vld.idx.msk [tilespmem:v55+s25+$0x0], $0xffff  }
0x20b: {  	v60 =	vld.idx.msk [tilespmem:v56+s24+$0x0], $0xffff  }
0x20c: {  	v61 =	vor.u32 $0x55, v50;
	v5 =	vld.idx.msk [tilespmem:v56+s25+$0x0], $0xffff  }
0x20d: {  	v62 =	vld.idx.msk [tilespmem:v58+s24+$0x0], $0xffff;
	v3 =	vmul.f32 v3, v57  }
0x20e: {  	v63 =	vor.u32 $0x56, v50;
	v8 =	vld.idx.msk [tilespmem:v58+s25+$0x0], $0xffff  }
0x20f: {  	v54 =	vld.idx.msk [tilespmem:v59+s25+$0x0], $0xffff;
	v14 =	vmul.f32 v6, v9;
	v3 =	vadd.f32 v3, v4  }
0x210: {  	v55 =	vor.u32 $0x57, v50;
	v6 =	vld.idx.msk [tilespmem:v59+s24+$0x0], $0xffff  }
0x211: {  	v58 =	vld.idx.msk [tilespmem:v61+s25+$0x0], $0xffff;
	v56 =	vmul.f32 v5, v60;
	v3 =	vadd.f32 v14, v3  }
0x212: {  	v57 =	vld.idx.msk [tilespmem:v61+s24+$0x0], $0xffff;
	v59 =	vor.u32 $0x58, v50  }
0x213: {  	v60 =	vmul.f32 v8, v62;
	v61 =	vld.idx.msk [tilespmem:v63+s24+$0x0], $0xffff;
	v3 =	vadd.f32 v56, v3  }
0x214: {  	v62 =	vld.idx.msk [tilespmem:v63+s25+$0x0], $0xffff;
	v63 =	vor.u32 $0x59, v50  }
0x215: {  	v14 =	vmul.f32 v54, v6;
	v54 =	vld.idx.msk [tilespmem:v55+s24+$0x0], $0xffff;
	v3 =	vadd.f32 v60, v3  }
0x216: {  	v10 =	vor.u32 $0x5A, v50;
	v55 =	vld.idx.msk [tilespmem:v55+s25+$0x0], $0xffff  }
0x217: {  	v56 =	vmul.f32 v58, v57;
	v57 =	vld.idx.msk [tilespmem:v59+s24+$0x0], $0xffff;
	v3 =	vadd.f32 v14, v3  }
0x218: {  	v58 =	vld.idx.msk [tilespmem:v59+s25+$0x0], $0xffff;
	v59 =	vor.u32 $0x5B, v50  }
0x219: {  	v60 =	vmul.f32 v62, v61;
	v61 =	vld.idx.msk [tilespmem:v63+s24+$0x0], $0xffff;
	v3 =	vadd.f32 v56, v3  }
0x21a: {  	v62 =	vld.idx.msk [tilespmem:v63+s25+$0x0], $0xffff;
	v63 =	vor.u32 $0x5C, v50  }
0x21b: {  	v54 =	vmul.f32 v55, v54;
	v55 =	vld.idx.msk [tilespmem:v10+s24+$0x0], $0xffff;
	v3 =	vadd.f32 v60, v3  }
0x21c: {  	v56 =	vld.idx.msk [tilespmem:v10+s25+$0x0], $0xffff;
	v10 =	vor.u32 $0x5D, v50  }
0x21d: {  	v57 =	vmul.f32 v58, v57;
	v58 =	vld.idx.msk [tilespmem:v59+s24+$0x0], $0xffff;
	v3 =	vadd.f32 v54, v3  }
0x21e: {  	v59 =	vld.idx.msk [tilespmem:v59+s25+$0x0], $0xffff;
	v60 =	vor.u32 $0x5E, v50  }
0x21f: {  	v61 =	vmul.f32 v62, v61;
	v62 =	vld.idx.msk [tilespmem:v63+s24+$0x0], $0xffff;
	v3 =	vadd.f32 v57, v3  }
0x220: {  	v63 =	vld.idx.msk [tilespmem:v63+s25+$0x0], $0xffff;
	v54 =	vor.u32 $0x5F, v50  }
0x221: {  	v55 =	vmul.f32 v56, v55;
	v56 =	vld.idx.msk [tilespmem:v10+s24+$0x0], $0xffff;
	v3 =	vadd.f32 v61, v3  }
0x222: {  	v57 =	vld.idx.msk [tilespmem:v10+s25+$0x0], $0xffff  }
0x223: {  	v58 =	vmul.f32 v59, v58;
	v59 =	vld.idx.msk [tilespmem:v60+s24+$0x0], $0xffff;
	v3 =	vadd.f32 v55, v3  }
0x224: {  	v60 =	vld.idx.msk [tilespmem:v60+s25+$0x0], $0xffff  }
0x225: {  	v61 =	vmul.f32 v63, v62;
	v62 =	vld.idx.msk [tilespmem:v54+s24+$0x0], $0xffff;
	v3 =	vadd.f32 v58, v3  }
0x226: {  	v63 =	vld.idx.msk [tilespmem:v54+s25+$0x0], $0xffff  }
0x227: {  	v9 =	vmul.f32 v57, v56;
	v3 =	vadd.f32 v61, v3;
	_ =	sdelay $0x1  }
0x228: {  	v11 =	vmul.f32 v60, v59;
	v3 =	vadd.f32 v9, v3;
	_ =	sdelay $0x1  }
0x229: {  	v12 =	vmul.f32 v63, v62;
	v3 =	vadd.f32 v11, v3;
	_ =	sdelay $0x1  }
0x22a: {  	v3 =	vadd.f32 v12, v3;
	_ =	sdelay $0x1  }
0x22b: {  	v3 =	vmul.f32 $1.442695020e+00, v3;
	_ =	sdelay $0x1  }
0x22c: {  	(erf) = vpow2.f32 v3;
	_ =	sdelay $0x6  }
0x22d: {  	v3 =	vor.u32 s16, v48  }
0x22e: {  	v13 =	vor.u32 $0x60, v50  }
0x22f: {  	v14 =	vpop (erf)  }
0x230: {  	v54 =	vor.u32 $0x61, v50;
	[tilespmem:v53+s20+$0x0] =	vst.idx.msk $0xffff, v14  }
0x231: {  	[tilespmem:v1+s29+$0x0] =	vst.idx.msk $0xffff, v14  }
0x232: {  	v55 =	vor.u32 $0x62, v50;
	v1 =	vld.idx.msk [tilespmem:v3+s22+$0x0], $0xffff  }
0x233: {  	v56 =	vld.idx.msk [tilespmem:v13+s24+$0x0], $0xffff  }
0x234: {  	v57 =	vor.u32 $0x63, v50;
	v4 =	vld.idx.msk [tilespmem:v13+s25+$0x0], $0xffff  }
0x235: {  	v58 =	vld.idx.msk [tilespmem:v54+s24+$0x0], $0xffff  }
0x236: {  	v59 =	vor.u32 $0x64, v50;
	v6 =	vld.idx.msk [tilespmem:v54+s25+$0x0], $0xffff  }
0x237: {  	v60 =	vld.idx.msk [tilespmem:v55+s24+$0x0], $0xffff  }
0x238: {  	v61 =	vor.u32 $0x65, v50;
	v5 =	vld.idx.msk [tilespmem:v55+s25+$0x0], $0xffff  }
0x239: {  	v62 =	vld.idx.msk [tilespmem:v57+s24+$0x0], $0xffff;
	v4 =	vmul.f32 v4, v56  }
0x23a: {  	v63 =	vor.u32 $0x66, v50;
	v8 =	vld.idx.msk [tilespmem:v57+s25+$0x0], $0xffff  }
0x23b: {  	v53 =	vld.idx.msk [tilespmem:v59+s24+$0x0], $0xffff;
	v14 =	vmul.f32 v6, v58;
	v1 =	vadd.f32 v4, v1  }
0x23c: {  	v54 =	vld.idx.msk [tilespmem:v59+s25+$0x0], $0xffff;
	v55 =	vor.u32 $0x67, v50  }
0x23d: {  	v57 =	vld.idx.msk [tilespmem:v61+s24+$0x0], $0xffff;
	v56 =	vmul.f32 v5, v60;
	v1 =	vadd.f32 v14, v1  }
0x23e: {  	v59 =	vor.u32 $0x68, v50;
	v58 =	vld.idx.msk [tilespmem:v61+s25+$0x0], $0xffff  }
0x23f: {  	v60 =	vmul.f32 v8, v62;
	v61 =	vld.idx.msk [tilespmem:v63+s24+$0x0], $0xffff;
	v1 =	vadd.f32 v56, v1  }
0x240: {  	v62 =	vld.idx.msk [tilespmem:v63+s25+$0x0], $0xffff;
	v63 =	vor.u32 $0x69, v50  }
0x241: {  	v53 =	vmul.f32 v54, v53;
	v54 =	vld.idx.msk [tilespmem:v55+s24+$0x0], $0xffff;
	v1 =	vadd.f32 v60, v1  }
0x242: {  	v55 =	vld.idx.msk [tilespmem:v55+s25+$0x0], $0xffff;
	v56 =	vor.u32 $0x6A, v50  }
0x243: {  	v57 =	vmul.f32 v58, v57;
	v58 =	vld.idx.msk [tilespmem:v59+s24+$0x0], $0xffff;
	v1 =	vadd.f32 v53, v1  }
0x244: {  	v59 =	vld.idx.msk [tilespmem:v59+s25+$0x0], $0xffff;
	v60 =	vor.u32 $0x6B, v50  }
0x245: {  	v61 =	vmul.f32 v62, v61;
	v62 =	vld.idx.msk [tilespmem:v63+s24+$0x0], $0xffff;
	v1 =	vadd.f32 v57, v1  }
0x246: {  	v63 =	vld.idx.msk [tilespmem:v63+s25+$0x0], $0xffff;
	v53 =	vor.u32 $0x6C, v50  }
0x247: {  	v54 =	vmul.f32 v55, v54;
	v55 =	vld.idx.msk [tilespmem:v56+s24+$0x0], $0xffff;
	v1 =	vadd.f32 v61, v1  }
0x248: {  	v56 =	vld.idx.msk [tilespmem:v56+s25+$0x0], $0xffff;
	v57 =	vor.u32 $0x6D, v50  }
0x249: {  	v58 =	vmul.f32 v59, v58;
	v59 =	vld.idx.msk [tilespmem:v60+s24+$0x0], $0xffff;
	v1 =	vadd.f32 v54, v1  }
0x24a: {  	v60 =	vld.idx.msk [tilespmem:v60+s25+$0x0], $0xffff;
	v61 =	vor.u32 $0x6E, v50  }
0x24b: {  	v62 =	vmul.f32 v63, v62;
	v63 =	vld.idx.msk [tilespmem:v53+s24+$0x0], $0xffff;
	v1 =	vadd.f32 v58, v1  }
0x24c: {  	v53 =	vld.idx.msk [tilespmem:v53+s25+$0x0], $0xffff;
	v54 =	vor.u32 $0x6F, v50  }
0x24d: {  	v55 =	vmul.f32 v56, v55;
	v56 =	vld.idx.msk [tilespmem:v57+s24+$0x0], $0xffff;
	v1 =	vadd.f32 v62, v1  }
0x24e: {  	v57 =	vld.idx.msk [tilespmem:v57+s25+$0x0], $0xffff  }
0x24f: {  	v58 =	vmul.f32 v60, v59;
	v59 =	vld.idx.msk [tilespmem:v61+s24+$0x0], $0xffff;
	v1 =	vadd.f32 v55, v1  }
0x250: {  	v60 =	vld.idx.msk [tilespmem:v61+s25+$0x0], $0xffff  }
0x251: {  	v61 =	vmul.f32 v53, v63;
	v62 =	vld.idx.msk [tilespmem:v54+s24+$0x0], $0xffff;
	v1 =	vadd.f32 v58, v1  }
0x252: {  	v63 =	vld.idx.msk [tilespmem:v54+s25+$0x0], $0xffff  }
0x253: {  	v12 =	vmul.f32 v57, v56;
	v1 =	vadd.f32 v61, v1;
	_ =	sdelay $0x1  }
0x254: {  	v13 =	vmul.f32 v60, v59;
	v1 =	vadd.f32 v12, v1;
	_ =	sdelay $0x1  }
0x255: {  	v14 =	vmul.f32 v63, v62;
	v1 =	vadd.f32 v13, v1;
	_ =	sdelay $0x1  }
0x256: {  	v1 =	vadd.f32 v14, v1;
	_ =	sdelay $0x1  }
0x257: {  	v1 =	vmul.f32 $1.442695020e+00, v1;
	_ =	sdelay $0x1  }
0x258: {  	(erf) = vpow2.f32 v1;
	_ =	sdelay $0x6  }
0x259: {  	v1 =	vor.u32 s16, v49  }
0x25a: {  	v53 =	vor.u32 $0x70, v50  }
0x25b: {  	v54 =	vpop (erf)  }
0x25c: {  	v55 =	vor.u32 $0x71, v50;
	[tilespmem:v52+s20+$0x0] =	vst.idx.msk $0xffff, v54  }
0x25d: {  	[tilespmem:v3+s29+$0x0] =	vst.idx.msk $0xffff, v54  }
0x25e: {  	v56 =	vor.u32 $0x72, v50;
	v3 =	vld.idx.msk [tilespmem:v1+s22+$0x0], $0xffff  }
0x25f: {  	v57 =	vld.idx.msk [tilespmem:v53+s24+$0x0], $0xffff  }
0x260: {  	v58 =	vor.u32 $0x73, v50;
	v4 =	vld.idx.msk [tilespmem:v53+s25+$0x0], $0xffff  }
0x261: {  	v59 =	vld.idx.msk [tilespmem:v55+s24+$0x0], $0xffff  }
0x262: {  	v60 =	vor.u32 $0x74, v50;
	v6 =	vld.idx.msk [tilespmem:v55+s25+$0x0], $0xffff  }
0x263: {  	v61 =	vld.idx.msk [tilespmem:v56+s24+$0x0], $0xffff  }
0x264: {  	v62 =	vor.u32 $0x75, v50;
	v5 =	vld.idx.msk [tilespmem:v56+s25+$0x0], $0xffff  }
0x265: {  	v63 =	vld.idx.msk [tilespmem:v58+s24+$0x0], $0xffff;
	v4 =	vmul.f32 v4, v57  }
0x266: {  	v52 =	vor.u32 $0x76, v50;
	v8 =	vld.idx.msk [tilespmem:v58+s25+$0x0], $0xffff  }
0x267: {  	v54 =	vld.idx.msk [tilespmem:v60+s24+$0x0], $0xffff;
	v53 =	vmul.f32 v6, v59;
	v3 =	vadd.f32 v4, v3  }
0x268: {  	v55 =	vld.idx.msk [tilespmem:v60+s25+$0x0], $0xffff;
	v56 =	vor.u32 $0x77, v50  }
0x269: {  	v58 =	vld.idx.msk [tilespmem:v62+s24+$0x0], $0xffff;
	v57 =	vmul.f32 v5, v61;
	v3 =	vadd.f32 v53, v3  }
0x26a: {  	v60 =	vor.u32 $0x78, v50;
	v59 =	vld.idx.msk [tilespmem:v62+s25+$0x0], $0xffff  }
0x26b: {  	v61 =	vmul.f32 v8, v63;
	v62 =	vld.idx.msk [tilespmem:v52+s24+$0x0], $0xffff;
	v3 =	vadd.f32 v57, v3  }
0x26c: {  	v63 =	vld.idx.msk [tilespmem:v52+s25+$0x0], $0xffff;
	v52 =	vor.u32 $0x79, v50  }
0x26d: {  	v53 =	vmul.f32 v55, v54;
	v54 =	vld.idx.msk [tilespmem:v56+s24+$0x0], $0xffff;
	v3 =	vadd.f32 v61, v3  }
0x26e: {  	v55 =	vld.idx.msk [tilespmem:v56+s25+$0x0], $0xffff;
	v56 =	vor.u32 $0x7A, v50  }
0x26f: {  	v57 =	vmul.f32 v59, v58;
	v58 =	vld.idx.msk [tilespmem:v60+s24+$0x0], $0xffff;
	v3 =	vadd.f32 v53, v3  }
0x270: {  	v59 =	vld.idx.msk [tilespmem:v60+s25+$0x0], $0xffff;
	v60 =	vor.u32 $0x7B, v50  }
0x271: {  	v61 =	vmul.f32 v63, v62;
	v62 =	vld.idx.msk [tilespmem:v52+s24+$0x0], $0xffff;
	v3 =	vadd.f32 v57, v3  }
0x272: {  	v63 =	vld.idx.msk [tilespmem:v52+s25+$0x0], $0xffff;
	v52 =	vor.u32 $0x7C, v50  }
0x273: {  	v53 =	vmul.f32 v55, v54;
	v54 =	vld.idx.msk [tilespmem:v56+s24+$0x0], $0xffff;
	v3 =	vadd.f32 v61, v3  }
0x274: {  	v55 =	vld.idx.msk [tilespmem:v56+s25+$0x0], $0xffff;
	v56 =	vor.u32 $0x7D, v50  }
0x275: {  	v57 =	vmul.f32 v59, v58;
	v58 =	vld.idx.msk [tilespmem:v60+s24+$0x0], $0xffff;
	v3 =	vadd.f32 v53, v3  }
0x276: {  	v59 =	vld.idx.msk [tilespmem:v60+s25+$0x0], $0xffff;
	v60 =	vor.u32 $0x7E, v50  }
0x277: {  	v61 =	vmul.f32 v63, v62;
	v62 =	vld.idx.msk [tilespmem:v52+s24+$0x0], $0xffff;
	v3 =	vadd.f32 v57, v3  }
0x278: {  	v50 =	vor.u32 $0x7F, v50;
	v63 =	vld.idx.msk [tilespmem:v52+s25+$0x0], $0xffff  }
0x279: {  	v52 =	vmul.f32 v55, v54;
	v54 =	vld.idx.msk [tilespmem:v56+s25+$0x0], $0xffff;
	v3 =	vadd.f32 v61, v3  }
0x27a: {  	v53 =	vld.idx.msk [tilespmem:v56+s24+$0x0], $0xffff  }
0x27b: {  	v55 =	vmul.f32 v59, v58;
	v56 =	vld.idx.msk [tilespmem:v60+s24+$0x0], $0xffff;
	v3 =	vadd.f32 v52, v3  }
0x27c: {  	v57 =	vld.idx.msk [tilespmem:v60+s25+$0x0], $0xffff  }
0x27d: {  	v59 =	vld.idx.msk [tilespmem:v50+s24+$0x0], $0xffff;
	v58 =	vmul.f32 v63, v62;
	v3 =	vadd.f32 v55, v3  }
0x27e: {  	v60 =	vld.idx.msk [tilespmem:v50+s25+$0x0], $0xffff  }
0x27f: {  	v61 =	vmul.f32 v54, v53;
	v3 =	vadd.f32 v58, v3;
	_ =	sdelay $0x1  }
0x280: {  	v62 =	vmul.f32 v57, v56;
	v3 =	vadd.f32 v61, v3;
	_ =	sdelay $0x1  }
0x281: {  	v63 =	vmul.f32 v60, v59;
	v3 =	vadd.f32 v62, v3;
	_ =	sdelay $0x1  }
0x282: {  	v3 =	vadd.f32 v63, v3;
	_ =	sdelay $0x1  }
0x283: {  	v3 =	vmul.f32 $1.442695020e+00, v3;
	_ =	sdelay $0x1  }
0x284: {  	(erf) = vpow2.f32 v3;
	_ =	sdelay $0x5  }
0x285: {  	p0 =	sne.s32 s15, $0x4  }
.Ltmp0:
0x286: {  	_ = 	snop;
	(pc) =	sbr.rel @p0 .LBB2_3-.Ltmp0, $4  }
0x287: {  	_ = 	snop  }
0x288: {  	v3 =	vpop (erf)  }
0x289: {  	[tilespmem:v51+s20+$0x0] =	vst.idx.msk $0xffff, v3  }
0x28a: {  	s0 =	sadd.s32 $0x10, s0;
	s15 =	sadd.s32 $0x1, s15;
	[tilespmem:v1+s29+$0x0] =	vst.idx.msk $0xffff, v3  }
0x28b: {  	s0 =	sadd.s32 s10, s2  }
0x28c: {  	[hbm4b:s0+s4] =	stream.linear.scatter [tilespmem:s29], [sflag:$0x2], $0x400, $0x38;
	[tilespmem:$0x17100] =	vst v63  }
0x28d: {  	s31 =	sadd.s32 $0x1, s31;
	_ =	swait.ge [sflag:s19], $0x400  }
0x28e: {  	p0 =	sne.s32 s31, $0x7D;
	[sflag:s19] =	ssyncset.done $0x0  }
.Ltmp1:
0x28f: {  	[sflag:s19] =	ssyncadd.s32 $0xFFFFFC00;
	(pc) =	sbr.rel @p0 .LBB2_2-.Ltmp1, $4  }
0x290: {  	[spmem:s3] =	stream.indirect.scatter.add.f32 [tilespmem:s20], [sflag:$0x2], $0x50, s21, s23, $0xb8;
	[tilespmem:$0x17100] =	vst v63  }
0x291: {  	_ =	swait.ge [sflag:s19], $0x1900  }
0x292: {  	[sflag:s19] =	ssyncset.done $0x0  }
0x293: {  	[sflag:s19] =	ssyncadd.s32 $0xFFFFE700  }
0x294: {  	[bflag:$0x0] =	sbarrier.arrive $0xFFFF  }
0x295: {  	s0 =	rddreg [dreg:$0x4]  }
0x296: {  	[hbm:s0], [sflag:s13] =	dma.local [spmem:s18], $0x2800  }
0x297: {  	_ =	swait.ge [sflag:s19], $0x2800  }
0x298: {  	[sflag:s19] =	ssyncset.done $0x0  }
0x299: {  	[sflag:s19] =	ssyncadd.s32 $0xFFFFD800  }
0x29a: {  	v1 =	vor.u32 $0x40, v0;
	[bflag:$0x0] =	sbarrier.arrive $0xFFFF  }
0x29b: {  	v3 =	vor.u32 $0x41, v0;
	[spmem:s18], [sflag:s13] =	dma.local [hbm:s12], $0x2800  }
0x29c: {  	v4 =	vor.u32 $0x42, v0;
	_ =	swait.ge [sflag:s19], $0x2800  }
0x29d: {  	v5 =	vor.u32 $0x43, v0;
	[sflag:s19] =	ssyncset.done $0x0  }
0x29e: {  	v6 =	vor.u32 $0x44, v0;
	[sflag:s19] =	ssyncadd.s32 $0xFFFFD800  }
0x29f: {  	[tilespmem:v1+s20+$0x0] =	vst.idx.msk $0xffff, v2;
	v1 =	vor.u32 $0x45, v0  }
0x2a0: {  	[tilespmem:v3+s20+$0x0] =	vst.idx.msk $0xffff, v2;
	v3 =	vor.u32 $0x46, v0  }
0x2a1: {  	v63 =	vor.u32 $0x47, v0;
	[tilespmem:v4+s20+$0x0] =	vst.idx.msk $0xffff, v2  }
0x2a2: {  	v9 =	vor.u32 $0x840, v0;
	[tilespmem:v5+s20+$0x0] =	vst.idx.msk $0xffff, v2  }
0x2a3: {  	v10 =	vor.u32 $0x841, v0;
	[tilespmem:v6+s20+$0x0] =	vst.idx.msk $0xffff, v2  }
0x2a4: {  	[tilespmem:v1+s20+$0x0] =	vst.idx.msk $0xffff, v2;
	v1 =	vor.u32 $0x842, v0  }
0x2a5: {  	[tilespmem:v3+s20+$0x0] =	vst.idx.msk $0xffff, v2;
	v3 =	vor.u32 $0x843, v0  }
0x2a6: {  	v11 =	vor.u32 $0x844, v0;
	[tilespmem:v63+s20+$0x0] =	vst.idx.msk $0xffff, v2  }
0x2a7: {  	v12 =	vor.u32 $0x845, v0;
	[tilespmem:v9+s20+$0x0] =	vst.idx.msk $0xffff, v2  }
0x2a8: {  	v13 =	vor.u32 $0x846, v0;
	[tilespmem:v10+s20+$0x0] =	vst.idx.msk $0xffff, v2  }
0x2a9: {  	[tilespmem:v1+s20+$0x0] =	vst.idx.msk $0xffff, v2;
	v1 =	vor.u32 $0x847, v0  }
0x2aa: {  	[tilespmem:v3+s20+$0x0] =	vst.idx.msk $0xffff, v2;
	v3 =	vor.u32 $0x1040, v0  }
0x2ab: {  	v14 =	vor.u32 $0x1041, v0;
	[tilespmem:v11+s20+$0x0] =	vst.idx.msk $0xffff, v2  }
0x2ac: {  	v50 =	vor.u32 $0x1042, v0;
	[tilespmem:v12+s20+$0x0] =	vst.idx.msk $0xffff, v2  }
0x2ad: {  	v51 =	vor.u32 $0x1043, v0;
	[tilespmem:v13+s20+$0x0] =	vst.idx.msk $0xffff, v2  }
0x2ae: {  	[tilespmem:v1+s20+$0x0] =	vst.idx.msk $0xffff, v2;
	v1 =	vor.u32 $0x1044, v0  }
0x2af: {  	[tilespmem:v3+s20+$0x0] =	vst.idx.msk $0xffff, v2;
	v3 =	vor.u32 $0x1045, v0  }
0x2b0: {  	v52 =	vor.u32 $0x1046, v0;
	[tilespmem:v14+s20+$0x0] =	vst.idx.msk $0xffff, v2  }
0x2b1: {  	v53 =	vor.u32 $0x1047, v0;
	[tilespmem:v50+s20+$0x0] =	vst.idx.msk $0xffff, v2  }
0x2b2: {  	v54 =	vor.u32 $0x1840, v0;
	[tilespmem:v51+s20+$0x0] =	vst.idx.msk $0xffff, v2  }
0x2b3: {  	[tilespmem:v1+s20+$0x0] =	vst.idx.msk $0xffff, v2;
	v1 =	vor.u32 $0x1841, v0  }
0x2b4: {  	[tilespmem:v3+s20+$0x0] =	vst.idx.msk $0xffff, v2;
	v3 =	vor.u32 $0x1842, v0  }
0x2b5: {  	v55 =	vor.u32 $0x1843, v0;
	[tilespmem:v52+s20+$0x0] =	vst.idx.msk $0xffff, v2  }
0x2b6: {  	v56 =	vor.u32 $0x1844, v0;
	[tilespmem:v53+s20+$0x0] =	vst.idx.msk $0xffff, v2  }
0x2b7: {  	v57 =	vor.u32 $0x1845, v0;
	[tilespmem:v54+s20+$0x0] =	vst.idx.msk $0xffff, v2  }
0x2b8: {  	[tilespmem:v1+s20+$0x0] =	vst.idx.msk $0xffff, v2;
	v1 =	vor.u32 $0x1846, v0  }
0x2b9: {  	[tilespmem:v3+s20+$0x0] =	vst.idx.msk $0xffff, v2;
	v3 =	vor.u32 $0x1847, v0  }
0x2ba: {  	v58 =	vor.u32 $0x2040, v0;
	[tilespmem:v55+s20+$0x0] =	vst.idx.msk $0xffff, v2  }
0x2bb: {  	v59 =	vor.u32 $0x2041, v0;
	[tilespmem:v56+s20+$0x0] =	vst.idx.msk $0xffff, v2  }
0x2bc: {  	v60 =	vor.u32 $0x2042, v0;
	[tilespmem:v57+s20+$0x0] =	vst.idx.msk $0xffff, v2  }
0x2bd: {  	[tilespmem:v1+s20+$0x0] =	vst.idx.msk $0xffff, v2;
	v1 =	vor.u32 $0x2043, v0  }
0x2be: {  	[tilespmem:v3+s20+$0x0] =	vst.idx.msk $0xffff, v2;
	v3 =	vor.u32 $0x2044, v0  }
0x2bf: {  	v61 =	vor.u32 $0x2045, v0;
	[tilespmem:v58+s20+$0x0] =	vst.idx.msk $0xffff, v2  }
0x2c0: {  	v62 =	vor.u32 $0x2046, v0;
	[tilespmem:v59+s20+$0x0] =	vst.idx.msk $0xffff, v2  }
0x2c1: {  	v63 =	vor.u32 $0x2047, v0;
	[tilespmem:v60+s20+$0x0] =	vst.idx.msk $0xffff, v2  }
0x2c2: {  	[tilespmem:v1+s20+$0x0] =	vst.idx.msk $0xffff, v2  }
0x2c3: {  	[tilespmem:v3+s20+$0x0] =	vst.idx.msk $0xffff, v2  }
0x2c4: {  	[tilespmem:v61+s20+$0x0] =	vst.idx.msk $0xffff, v2  }
0x2c5: {  	[tilespmem:v62+s20+$0x0] =	vst.idx.msk $0xffff, v2  }
0x2c6: {  	[tilespmem:v63+s20+$0x0] =	vst.idx.msk $0xffff, v2  }
0x2c7: {  	s2 =	simm.s32 $0x0;
	s0 =	simm.s32 $0x0;
	[bflag:$0x0] =	sbarrier.arrive $0xFFFF  }
.LBB2_6:
0x2c8: {  	s15 =	smul.u32 $0x50, s2;
	_ =	sdelay $0x1  }
0x2c9: {  	s15 =	sadd.s32 s11, s15  }
0x2ca: {  	s15 =	sshrl.u32 s15, $0x3  }
0x2cb: {  	s16 =	sadd.s32 s7, s15  }
0x2cc: {  	[tilespmem:s0], [sflag:$0x2] =	stream.linear.gather [hbm4b:s16+s0], $0x50, $0x38;
	[tilespmem:$0x17100] =	vst v63  }
0x2cd: {  	_ =	swait.ge [sflag:s19], $0x50  }
0x2ce: {  	[sflag:s19] =	ssyncset.done $0x0  }
0x2cf: {  	s15 =	sadd.s32 s8, s15;
	[sflag:s19] =	ssyncadd.s32 $0xFFFFFFB0  }
0x2d0: {  	[tilespmem:s21], [sflag:$0x2] =	stream.linear.gather [hbm4b:s15+s0], $0x50, $0x38;
	[tilespmem:$0x17100] =	vst v63  }
0x2d1: {  	s31 =	sadd.s32 s14, s2;
	_ =	swait.ge [sflag:s19], $0x50  }
0x2d2: {  	s15 =	sshll.u32 s31, $0x7;
	[sflag:s19] =	ssyncset.done $0x0  }
0x2d3: {  	s15 =	sadd.s32 s10, s15;
	[sflag:s19] =	ssyncadd.s32 $0xFFFFFFB0  }
0x2d4: {  	[tilespmem:s29], [sflag:$0x2] =	stream.linear.gather [hbm4b:s15+s0], $0x400, $0x38;
	[tilespmem:$0x17100] =	vst v63  }
0x2d5: {  	_ =	swait.ge [sflag:s19], $0x400  }
0x2d6: {  	[sflag:s19] =	ssyncset.done $0x0  }
0x2d7: {  	[sflag:s19] =	ssyncadd.s32 $0xFFFFFC00  }
0x2d8: {  	[tilespmem:s26], [sflag:$0x1] =	stream.indirect.gather [hbm4b:s6+s23], $0x80, s0, s23, $0xb8;
	[tilespmem:$0x17100] =	vst v63  }
0x2d9: {  	_ =	swait.ge [sflag:s28], $0x2800  }
0x2da: {  	[sflag:s28] =	ssyncset.done $0x0  }
0x2db: {  	s16 =	simm.s32 $0x0;
	s15 =	simm.s32 $0x0;
	[sflag:s28] =	ssyncadd.s32 $0xFFFFD800  }
.LBB2_7:
0x2dc: {  	v1 =	vmov s15  }
0x2dd: {  	s31 =	sshll.u32 s16, $0x7;
	v1 =	vshll.u32 v1, $0x7  }
0x2de: {  	v3 =	vor.u32 s31, v46;
	v50 =	vor.u32 v0, v1  }
0x2df: {  	v1 =	vor.u32 $0x40, v50;
	_ =	sdelay $0x3  }
0x2e0: {  	v3 =	vld.idx.msk [tilespmem:v3+s29+$0x0], $0xffff  }
0x2e1: {  	v1 =	vld.idx.msk [tilespmem:v1+s26+$0x0], $0xffff;
	_ =	sdelay $0x2  }
0x2e2: {  	v4 =	vor.u32 $0x41, v50;
	_ =	sdelay $0x1  }
0x2e3: {  	v1 =	vmul.f32 v1, v3;
	_ =	sdelay $0x1  }
0x2e4: {  	[tilespmem:v50+s20+$0x0] =	vst.idx.msk $0xffff, v1  }
0x2e5: {  	v1 =	vld.idx.msk [tilespmem:v4+s26+$0x0], $0xffff;
	_ =	sdelay $0x1  }
0x2e6: {  	v58 =	vor.u32 $0x1, v50  }
0x2e7: {  	v5 =	vor.u32 $0x42, v50;
	_ =	sdelay $0x1  }
0x2e8: {  	v1 =	vmul.f32 v1, v3;
	_ =	sdelay $0x1  }
0x2e9: {  	[tilespmem:v58+s20+$0x0] =	vst.idx.msk $0xffff, v1  }
0x2ea: {  	v1 =	vld.idx.msk [tilespmem:v5+s26+$0x0], $0xffff;
	_ =	sdelay $0x1  }
0x2eb: {  	v59 =	vor.u32 $0x2, v50  }
0x2ec: {  	v60 =	vor.u32 $0x43, v50;
	_ =	sdelay $0x1  }
0x2ed: {  	v1 =	vmul.f32 v1, v3;
	_ =	sdelay $0x1  }
0x2ee: {  	[tilespmem:v59+s20+$0x0] =	vst.idx.msk $0xffff, v1  }
0x2ef: {  	v1 =	vld.idx.msk [tilespmem:v60+s26+$0x0], $0xffff;
	_ =	sdelay $0x1  }
0x2f0: {  	v61 =	vor.u32 $0x3, v50  }
0x2f1: {  	v62 =	vor.u32 $0x44, v50;
	_ =	sdelay $0x1  }
0x2f2: {  	v1 =	vmul.f32 v1, v3;
	_ =	sdelay $0x1  }
0x2f3: {  	[tilespmem:v61+s20+$0x0] =	vst.idx.msk $0xffff, v1  }
0x2f4: {  	v1 =	vld.idx.msk [tilespmem:v62+s26+$0x0], $0xffff;
	_ =	sdelay $0x1  }
0x2f5: {  	v63 =	vor.u32 $0x4, v50  }
0x2f6: {  	v8 =	vor.u32 $0x45, v50;
	_ =	sdelay $0x1  }
0x2f7: {  	v1 =	vmul.f32 v1, v3;
	_ =	sdelay $0x1  }
0x2f8: {  	[tilespmem:v63+s20+$0x0] =	vst.idx.msk $0xffff, v1  }
0x2f9: {  	v1 =	vld.idx.msk [tilespmem:v8+s26+$0x0], $0xffff;
	_ =	sdelay $0x1  }
0x2fa: {  	v9 =	vor.u32 $0x5, v50  }
0x2fb: {  	v10 =	vor.u32 $0x46, v50;
	_ =	sdelay $0x1  }
0x2fc: {  	v1 =	vmul.f32 v1, v3;
	_ =	sdelay $0x1  }
0x2fd: {  	[tilespmem:v9+s20+$0x0] =	vst.idx.msk $0xffff, v1  }
0x2fe: {  	v1 =	vld.idx.msk [tilespmem:v10+s26+$0x0], $0xffff;
	_ =	sdelay $0x1  }
0x2ff: {  	v11 =	vor.u32 $0x6, v50  }
0x300: {  	v12 =	vor.u32 $0x47, v50;
	_ =	sdelay $0x1  }
0x301: {  	v1 =	vmul.f32 v1, v3;
	_ =	sdelay $0x1  }
0x302: {  	[tilespmem:v11+s20+$0x0] =	vst.idx.msk $0xffff, v1  }
0x303: {  	v1 =	vld.idx.msk [tilespmem:v12+s26+$0x0], $0xffff;
	_ =	sdelay $0x1  }
0x304: {  	v13 =	vor.u32 $0x7, v50  }
0x305: {  	v14 =	vor.u32 $0x48, v50;
	_ =	sdelay $0x1  }
0x306: {  	v1 =	vmul.f32 v1, v3;
	_ =	sdelay $0x1  }
0x307: {  	[tilespmem:v13+s20+$0x0] =	vst.idx.msk $0xffff, v1  }
0x308: {  	v1 =	vld.idx.msk [tilespmem:v14+s26+$0x0], $0xffff;
	_ =	sdelay $0x1  }
0x309: {  	v51 =	vor.u32 $0x8, v50  }
0x30a: {  	v52 =	vor.u32 $0x49, v50;
	_ =	sdelay $0x1  }
0x30b: {  	v1 =	vmul.f32 v1, v3;
	_ =	sdelay $0x1  }
0x30c: {  	[tilespmem:v51+s20+$0x0] =	vst.idx.msk $0xffff, v1  }
0x30d: {  	v1 =	vld.idx.msk [tilespmem:v52+s26+$0x0], $0xffff;
	_ =	sdelay $0x1  }
0x30e: {  	v53 =	vor.u32 $0x9, v50  }
0x30f: {  	v54 =	vor.u32 $0x4A, v50;
	_ =	sdelay $0x1  }
0x310: {  	v1 =	vmul.f32 v1, v3;
	_ =	sdelay $0x1  }
0x311: {  	[tilespmem:v53+s20+$0x0] =	vst.idx.msk $0xffff, v1  }
0x312: {  	v1 =	vld.idx.msk [tilespmem:v54+s26+$0x0], $0xffff;
	_ =	sdelay $0x1  }
0x313: {  	v55 =	vor.u32 $0xA, v50  }
0x314: {  	v56 =	vor.u32 $0x4B, v50;
	_ =	sdelay $0x1  }
0x315: {  	v1 =	vmul.f32 v1, v3;
	_ =	sdelay $0x1  }
0x316: {  	[tilespmem:v55+s20+$0x0] =	vst.idx.msk $0xffff, v1  }
0x317: {  	v1 =	vld.idx.msk [tilespmem:v56+s26+$0x0], $0xffff;
	_ =	sdelay $0x1  }
0x318: {  	v57 =	vor.u32 $0xB, v50  }
0x319: {  	v58 =	vor.u32 $0x4C, v50;
	_ =	sdelay $0x1  }
0x31a: {  	v1 =	vmul.f32 v1, v3;
	_ =	sdelay $0x1  }
0x31b: {  	[tilespmem:v57+s20+$0x0] =	vst.idx.msk $0xffff, v1  }
0x31c: {  	v1 =	vld.idx.msk [tilespmem:v58+s26+$0x0], $0xffff;
	_ =	sdelay $0x1  }
0x31d: {  	v59 =	vor.u32 $0xC, v50  }
0x31e: {  	v60 =	vor.u32 $0x4D, v50;
	_ =	sdelay $0x1  }
0x31f: {  	v1 =	vmul.f32 v1, v3;
	_ =	sdelay $0x1  }
0x320: {  	[tilespmem:v59+s20+$0x0] =	vst.idx.msk $0xffff, v1  }
0x321: {  	v1 =	vld.idx.msk [tilespmem:v60+s26+$0x0], $0xffff;
	_ =	sdelay $0x1  }
0x322: {  	v61 =	vor.u32 $0xD, v50  }
0x323: {  	v62 =	vor.u32 $0x4E, v50;
	_ =	sdelay $0x1  }
0x324: {  	v1 =	vmul.f32 v1, v3;
	_ =	sdelay $0x1  }
0x325: {  	[tilespmem:v61+s20+$0x0] =	vst.idx.msk $0xffff, v1  }
0x326: {  	v1 =	vld.idx.msk [tilespmem:v62+s26+$0x0], $0xffff;
	_ =	sdelay $0x1  }
0x327: {  	v63 =	vor.u32 $0xE, v50  }
0x328: {  	v8 =	vor.u32 $0x4F, v50;
	_ =	sdelay $0x1  }
0x329: {  	v1 =	vmul.f32 v1, v3;
	_ =	sdelay $0x1  }
0x32a: {  	[tilespmem:v63+s20+$0x0] =	vst.idx.msk $0xffff, v1  }
0x32b: {  	v1 =	vld.idx.msk [tilespmem:v8+s26+$0x0], $0xffff;
	_ =	sdelay $0x1  }
0x32c: {  	v9 =	vor.u32 $0xF, v50  }
0x32d: {  	v10 =	vor.u32 s31, v47  }
0x32e: {  	v6 =	vor.u32 $0x50, v50  }
0x32f: {  	v1 =	vmul.f32 v1, v3;
	_ =	sdelay $0x1  }
0x330: {  	[tilespmem:v9+s20+$0x0] =	vst.idx.msk $0xffff, v1  }
0x331: {  	v1 =	vld.idx.msk [tilespmem:v10+s29+$0x0], $0xffff  }
0x332: {  	v3 =	vld.idx.msk [tilespmem:v6+s26+$0x0], $0xffff;
	_ =	sdelay $0x1  }
0x333: {  	v11 =	vor.u32 $0x10, v50  }
0x334: {  	v12 =	vor.u32 $0x51, v50;
	_ =	sdelay $0x1  }
0x335: {  	v3 =	vmul.f32 v3, v1;
	_ =	sdelay $0x1  }
0x336: {  	[tilespmem:v11+s20+$0x0] =	vst.idx.msk $0xffff, v3  }
0x337: {  	v3 =	vld.idx.msk [tilespmem:v12+s26+$0x0], $0xffff;
	_ =	sdelay $0x1  }
0x338: {  	v13 =	vor.u32 $0x11, v50  }
0x339: {  	v14 =	vor.u32 $0x52, v50;
	_ =	sdelay $0x1  }
0x33a: {  	v3 =	vmul.f32 v3, v1;
	_ =	sdelay $0x1  }
0x33b: {  	[tilespmem:v13+s20+$0x0] =	vst.idx.msk $0xffff, v3  }
0x33c: {  	v3 =	vld.idx.msk [tilespmem:v14+s26+$0x0], $0xffff;
	_ =	sdelay $0x1  }
0x33d: {  	v51 =	vor.u32 $0x12, v50  }
0x33e: {  	v52 =	vor.u32 $0x53, v50;
	_ =	sdelay $0x1  }
0x33f: {  	v3 =	vmul.f32 v3, v1;
	_ =	sdelay $0x1  }
0x340: {  	[tilespmem:v51+s20+$0x0] =	vst.idx.msk $0xffff, v3  }
0x341: {  	v3 =	vld.idx.msk [tilespmem:v52+s26+$0x0], $0xffff;
	_ =	sdelay $0x1  }
0x342: {  	v53 =	vor.u32 $0x13, v50  }
0x343: {  	v54 =	vor.u32 $0x54, v50;
	_ =	sdelay $0x1  }
0x344: {  	v3 =	vmul.f32 v3, v1;
	_ =	sdelay $0x1  }
0x345: {  	[tilespmem:v53+s20+$0x0] =	vst.idx.msk $0xffff, v3  }
0x346: {  	v3 =	vld.idx.msk [tilespmem:v54+s26+$0x0], $0xffff;
	_ =	sdelay $0x1  }
0x347: {  	v55 =	vor.u32 $0x14, v50  }
0x348: {  	v56 =	vor.u32 $0x55, v50;
	_ =	sdelay $0x1  }
0x349: {  	v3 =	vmul.f32 v3, v1;
	_ =	sdelay $0x1  }
0x34a: {  	[tilespmem:v55+s20+$0x0] =	vst.idx.msk $0xffff, v3  }
0x34b: {  	v3 =	vld.idx.msk [tilespmem:v56+s26+$0x0], $0xffff;
	_ =	sdelay $0x1  }
0x34c: {  	v57 =	vor.u32 $0x15, v50  }
0x34d: {  	v58 =	vor.u32 $0x56, v50;
	_ =	sdelay $0x1  }
0x34e: {  	v3 =	vmul.f32 v3, v1;
	_ =	sdelay $0x1  }
0x34f: {  	[tilespmem:v57+s20+$0x0] =	vst.idx.msk $0xffff, v3  }
0x350: {  	v3 =	vld.idx.msk [tilespmem:v58+s26+$0x0], $0xffff;
	_ =	sdelay $0x1  }
0x351: {  	v59 =	vor.u32 $0x16, v50  }
0x352: {  	v60 =	vor.u32 $0x57, v50;
	_ =	sdelay $0x1  }
0x353: {  	v3 =	vmul.f32 v3, v1;
	_ =	sdelay $0x1  }
0x354: {  	[tilespmem:v59+s20+$0x0] =	vst.idx.msk $0xffff, v3  }
0x355: {  	v3 =	vld.idx.msk [tilespmem:v60+s26+$0x0], $0xffff;
	_ =	sdelay $0x1  }
0x356: {  	v61 =	vor.u32 $0x17, v50  }
0x357: {  	v62 =	vor.u32 $0x58, v50;
	_ =	sdelay $0x1  }
0x358: {  	v3 =	vmul.f32 v3, v1;
	_ =	sdelay $0x1  }
0x359: {  	[tilespmem:v61+s20+$0x0] =	vst.idx.msk $0xffff, v3  }
0x35a: {  	v3 =	vld.idx.msk [tilespmem:v62+s26+$0x0], $0xffff;
	_ =	sdelay $0x1  }
0x35b: {  	v63 =	vor.u32 $0x18, v50  }
0x35c: {  	v8 =	vor.u32 $0x59, v50;
	_ =	sdelay $0x1  }
0x35d: {  	v3 =	vmul.f32 v3, v1;
	_ =	sdelay $0x1  }
0x35e: {  	[tilespmem:v63+s20+$0x0] =	vst.idx.msk $0xffff, v3  }
0x35f: {  	v3 =	vld.idx.msk [tilespmem:v8+s26+$0x0], $0xffff;
	_ =	sdelay $0x1  }
0x360: {  	v9 =	vor.u32 $0x19, v50  }
0x361: {  	v10 =	vor.u32 $0x5A, v50;
	_ =	sdelay $0x1  }
0x362: {  	v3 =	vmul.f32 v3, v1;
	_ =	sdelay $0x1  }
0x363: {  	[tilespmem:v9+s20+$0x0] =	vst.idx.msk $0xffff, v3  }
0x364: {  	v3 =	vld.idx.msk [tilespmem:v10+s26+$0x0], $0xffff;
	_ =	sdelay $0x1  }
0x365: {  	v11 =	vor.u32 $0x1A, v50  }
0x366: {  	v12 =	vor.u32 $0x5B, v50;
	_ =	sdelay $0x1  }
0x367: {  	v3 =	vmul.f32 v3, v1;
	_ =	sdelay $0x1  }
0x368: {  	[tilespmem:v11+s20+$0x0] =	vst.idx.msk $0xffff, v3  }
0x369: {  	v3 =	vld.idx.msk [tilespmem:v12+s26+$0x0], $0xffff;
	_ =	sdelay $0x1  }
0x36a: {  	v13 =	vor.u32 $0x1B, v50  }
0x36b: {  	v14 =	vor.u32 $0x5C, v50;
	_ =	sdelay $0x1  }
0x36c: {  	v3 =	vmul.f32 v3, v1;
	_ =	sdelay $0x1  }
0x36d: {  	[tilespmem:v13+s20+$0x0] =	vst.idx.msk $0xffff, v3  }
0x36e: {  	v3 =	vld.idx.msk [tilespmem:v14+s26+$0x0], $0xffff;
	_ =	sdelay $0x1  }
0x36f: {  	v51 =	vor.u32 $0x1C, v50  }
0x370: {  	v52 =	vor.u32 $0x5D, v50;
	_ =	sdelay $0x1  }
0x371: {  	v3 =	vmul.f32 v3, v1;
	_ =	sdelay $0x1  }
0x372: {  	[tilespmem:v51+s20+$0x0] =	vst.idx.msk $0xffff, v3  }
0x373: {  	v3 =	vld.idx.msk [tilespmem:v52+s26+$0x0], $0xffff;
	_ =	sdelay $0x1  }
0x374: {  	v53 =	vor.u32 $0x1D, v50  }
0x375: {  	v54 =	vor.u32 $0x5E, v50;
	_ =	sdelay $0x1  }
0x376: {  	v3 =	vmul.f32 v3, v1;
	_ =	sdelay $0x1  }
0x377: {  	[tilespmem:v53+s20+$0x0] =	vst.idx.msk $0xffff, v3  }
0x378: {  	v3 =	vld.idx.msk [tilespmem:v54+s26+$0x0], $0xffff;
	_ =	sdelay $0x1  }
0x379: {  	v55 =	vor.u32 $0x1E, v50  }
0x37a: {  	v56 =	vor.u32 $0x5F, v50;
	_ =	sdelay $0x1  }
0x37b: {  	v3 =	vmul.f32 v3, v1;
	_ =	sdelay $0x1  }
0x37c: {  	[tilespmem:v55+s20+$0x0] =	vst.idx.msk $0xffff, v3  }
0x37d: {  	v3 =	vld.idx.msk [tilespmem:v56+s26+$0x0], $0xffff;
	_ =	sdelay $0x1  }
0x37e: {  	v57 =	vor.u32 $0x1F, v50  }
0x37f: {  	v58 =	vor.u32 s31, v48  }
0x380: {  	v59 =	vor.u32 $0x60, v50  }
0x381: {  	v1 =	vmul.f32 v3, v1;
	_ =	sdelay $0x1  }
0x382: {  	[tilespmem:v57+s20+$0x0] =	vst.idx.msk $0xffff, v1  }
0x383: {  	v1 =	vld.idx.msk [tilespmem:v58+s29+$0x0], $0xffff  }
0x384: {  	v3 =	vld.idx.msk [tilespmem:v59+s26+$0x0], $0xffff;
	_ =	sdelay $0x1  }
0x385: {  	v60 =	vor.u32 $0x20, v50  }
0x386: {  	v61 =	vor.u32 $0x61, v50;
	_ =	sdelay $0x1  }
0x387: {  	v3 =	vmul.f32 v3, v1;
	_ =	sdelay $0x1  }
0x388: {  	[tilespmem:v60+s20+$0x0] =	vst.idx.msk $0xffff, v3  }
0x389: {  	v3 =	vld.idx.msk [tilespmem:v61+s26+$0x0], $0xffff;
	_ =	sdelay $0x1  }
0x38a: {  	v62 =	vor.u32 $0x21, v50  }
0x38b: {  	v63 =	vor.u32 $0x62, v50;
	_ =	sdelay $0x1  }
0x38c: {  	v3 =	vmul.f32 v3, v1;
	_ =	sdelay $0x1  }
0x38d: {  	[tilespmem:v62+s20+$0x0] =	vst.idx.msk $0xffff, v3  }
0x38e: {  	v3 =	vld.idx.msk [tilespmem:v63+s26+$0x0], $0xffff;
	_ =	sdelay $0x1  }
0x38f: {  	v8 =	vor.u32 $0x22, v50  }
0x390: {  	v9 =	vor.u32 $0x63, v50;
	_ =	sdelay $0x1  }
0x391: {  	v3 =	vmul.f32 v3, v1;
	_ =	sdelay $0x1  }
0x392: {  	[tilespmem:v8+s20+$0x0] =	vst.idx.msk $0xffff, v3  }
0x393: {  	v3 =	vld.idx.msk [tilespmem:v9+s26+$0x0], $0xffff;
	_ =	sdelay $0x1  }
0x394: {  	v10 =	vor.u32 $0x23, v50  }
0x395: {  	v11 =	vor.u32 $0x64, v50;
	_ =	sdelay $0x1  }
0x396: {  	v3 =	vmul.f32 v3, v1;
	_ =	sdelay $0x1  }
0x397: {  	[tilespmem:v10+s20+$0x0] =	vst.idx.msk $0xffff, v3  }
0x398: {  	v3 =	vld.idx.msk [tilespmem:v11+s26+$0x0], $0xffff;
	_ =	sdelay $0x1  }
0x399: {  	v12 =	vor.u32 $0x24, v50  }
0x39a: {  	v13 =	vor.u32 $0x65, v50;
	_ =	sdelay $0x1  }
0x39b: {  	v3 =	vmul.f32 v3, v1;
	_ =	sdelay $0x1  }
0x39c: {  	[tilespmem:v12+s20+$0x0] =	vst.idx.msk $0xffff, v3  }
0x39d: {  	v3 =	vld.idx.msk [tilespmem:v13+s26+$0x0], $0xffff;
	_ =	sdelay $0x1  }
0x39e: {  	v14 =	vor.u32 $0x25, v50  }
0x39f: {  	v51 =	vor.u32 $0x66, v50;
	_ =	sdelay $0x1  }
0x3a0: {  	v3 =	vmul.f32 v3, v1;
	_ =	sdelay $0x1  }
0x3a1: {  	[tilespmem:v14+s20+$0x0] =	vst.idx.msk $0xffff, v3  }
0x3a2: {  	v3 =	vld.idx.msk [tilespmem:v51+s26+$0x0], $0xffff;
	_ =	sdelay $0x1  }
0x3a3: {  	v52 =	vor.u32 $0x26, v50  }
0x3a4: {  	v53 =	vor.u32 $0x67, v50;
	_ =	sdelay $0x1  }
0x3a5: {  	v3 =	vmul.f32 v3, v1;
	_ =	sdelay $0x1  }
0x3a6: {  	[tilespmem:v52+s20+$0x0] =	vst.idx.msk $0xffff, v3  }
0x3a7: {  	v3 =	vld.idx.msk [tilespmem:v53+s26+$0x0], $0xffff;
	_ =	sdelay $0x1  }
0x3a8: {  	v54 =	vor.u32 $0x27, v50  }
0x3a9: {  	v55 =	vor.u32 $0x68, v50;
	_ =	sdelay $0x1  }
0x3aa: {  	v3 =	vmul.f32 v3, v1;
	_ =	sdelay $0x1  }
0x3ab: {  	[tilespmem:v54+s20+$0x0] =	vst.idx.msk $0xffff, v3  }
0x3ac: {  	v3 =	vld.idx.msk [tilespmem:v55+s26+$0x0], $0xffff;
	_ =	sdelay $0x1  }
0x3ad: {  	v56 =	vor.u32 $0x28, v50  }
0x3ae: {  	v57 =	vor.u32 $0x69, v50;
	_ =	sdelay $0x1  }
0x3af: {  	v3 =	vmul.f32 v3, v1;
	_ =	sdelay $0x1  }
0x3b0: {  	[tilespmem:v56+s20+$0x0] =	vst.idx.msk $0xffff, v3  }
0x3b1: {  	v3 =	vld.idx.msk [tilespmem:v57+s26+$0x0], $0xffff;
	_ =	sdelay $0x1  }
0x3b2: {  	v58 =	vor.u32 $0x29, v50  }
0x3b3: {  	v59 =	vor.u32 $0x6A, v50;
	_ =	sdelay $0x1  }
0x3b4: {  	v3 =	vmul.f32 v3, v1;
	_ =	sdelay $0x1  }
0x3b5: {  	[tilespmem:v58+s20+$0x0] =	vst.idx.msk $0xffff, v3  }
0x3b6: {  	v3 =	vld.idx.msk [tilespmem:v59+s26+$0x0], $0xffff;
	_ =	sdelay $0x1  }
0x3b7: {  	v60 =	vor.u32 $0x2A, v50  }
0x3b8: {  	v61 =	vor.u32 $0x6B, v50;
	_ =	sdelay $0x1  }
0x3b9: {  	v3 =	vmul.f32 v3, v1;
	_ =	sdelay $0x1  }
0x3ba: {  	[tilespmem:v60+s20+$0x0] =	vst.idx.msk $0xffff, v3  }
0x3bb: {  	v3 =	vld.idx.msk [tilespmem:v61+s26+$0x0], $0xffff;
	_ =	sdelay $0x1  }
0x3bc: {  	v62 =	vor.u32 $0x2B, v50  }
0x3bd: {  	v63 =	vor.u32 $0x6C, v50;
	_ =	sdelay $0x1  }
0x3be: {  	v3 =	vmul.f32 v3, v1;
	_ =	sdelay $0x1  }
0x3bf: {  	[tilespmem:v62+s20+$0x0] =	vst.idx.msk $0xffff, v3  }
0x3c0: {  	v3 =	vld.idx.msk [tilespmem:v63+s26+$0x0], $0xffff;
	_ =	sdelay $0x1  }
0x3c1: {  	v8 =	vor.u32 $0x2C, v50  }
0x3c2: {  	v9 =	vor.u32 $0x6D, v50;
	_ =	sdelay $0x1  }
0x3c3: {  	v3 =	vmul.f32 v3, v1;
	_ =	sdelay $0x1  }
0x3c4: {  	[tilespmem:v8+s20+$0x0] =	vst.idx.msk $0xffff, v3  }
0x3c5: {  	v3 =	vld.idx.msk [tilespmem:v9+s26+$0x0], $0xffff;
	_ =	sdelay $0x1  }
0x3c6: {  	v10 =	vor.u32 $0x2D, v50  }
0x3c7: {  	v11 =	vor.u32 $0x6E, v50;
	_ =	sdelay $0x1  }
0x3c8: {  	v3 =	vmul.f32 v3, v1;
	_ =	sdelay $0x1  }
0x3c9: {  	[tilespmem:v10+s20+$0x0] =	vst.idx.msk $0xffff, v3  }
0x3ca: {  	v3 =	vld.idx.msk [tilespmem:v11+s26+$0x0], $0xffff;
	_ =	sdelay $0x1  }
0x3cb: {  	v12 =	vor.u32 $0x2E, v50  }
0x3cc: {  	v13 =	vor.u32 $0x6F, v50;
	_ =	sdelay $0x1  }
0x3cd: {  	v3 =	vmul.f32 v3, v1;
	_ =	sdelay $0x1  }
0x3ce: {  	[tilespmem:v12+s20+$0x0] =	vst.idx.msk $0xffff, v3  }
0x3cf: {  	v3 =	vld.idx.msk [tilespmem:v13+s26+$0x0], $0xffff;
	_ =	sdelay $0x1  }
0x3d0: {  	v14 =	vor.u32 $0x2F, v50  }
0x3d1: {  	v51 =	vor.u32 s31, v49  }
0x3d2: {  	v52 =	vor.u32 $0x70, v50  }
0x3d3: {  	v1 =	vmul.f32 v3, v1;
	_ =	sdelay $0x1  }
0x3d4: {  	[tilespmem:v14+s20+$0x0] =	vst.idx.msk $0xffff, v1  }
0x3d5: {  	v1 =	vld.idx.msk [tilespmem:v51+s29+$0x0], $0xffff  }
0x3d6: {  	v3 =	vld.idx.msk [tilespmem:v52+s26+$0x0], $0xffff;
	_ =	sdelay $0x1  }
0x3d7: {  	v53 =	vor.u32 $0x30, v50  }
0x3d8: {  	v54 =	vor.u32 $0x71, v50;
	_ =	sdelay $0x1  }
0x3d9: {  	v3 =	vmul.f32 v3, v1;
	_ =	sdelay $0x1  }
0x3da: {  	[tilespmem:v53+s20+$0x0] =	vst.idx.msk $0xffff, v3  }
0x3db: {  	v3 =	vld.idx.msk [tilespmem:v54+s26+$0x0], $0xffff;
	_ =	sdelay $0x1  }
0x3dc: {  	v55 =	vor.u32 $0x31, v50  }
0x3dd: {  	v56 =	vor.u32 $0x72, v50;
	_ =	sdelay $0x1  }
0x3de: {  	v3 =	vmul.f32 v3, v1;
	_ =	sdelay $0x1  }
0x3df: {  	[tilespmem:v55+s20+$0x0] =	vst.idx.msk $0xffff, v3  }
0x3e0: {  	v3 =	vld.idx.msk [tilespmem:v56+s26+$0x0], $0xffff;
	_ =	sdelay $0x1  }
0x3e1: {  	v57 =	vor.u32 $0x32, v50  }
0x3e2: {  	v58 =	vor.u32 $0x73, v50;
	_ =	sdelay $0x1  }
0x3e3: {  	v3 =	vmul.f32 v3, v1;
	_ =	sdelay $0x1  }
0x3e4: {  	[tilespmem:v57+s20+$0x0] =	vst.idx.msk $0xffff, v3  }
0x3e5: {  	v3 =	vld.idx.msk [tilespmem:v58+s26+$0x0], $0xffff;
	_ =	sdelay $0x1  }
0x3e6: {  	v59 =	vor.u32 $0x33, v50  }
0x3e7: {  	v60 =	vor.u32 $0x74, v50;
	_ =	sdelay $0x1  }
0x3e8: {  	v3 =	vmul.f32 v3, v1;
	_ =	sdelay $0x1  }
0x3e9: {  	[tilespmem:v59+s20+$0x0] =	vst.idx.msk $0xffff, v3  }
0x3ea: {  	v3 =	vld.idx.msk [tilespmem:v60+s26+$0x0], $0xffff;
	_ =	sdelay $0x1  }
0x3eb: {  	v61 =	vor.u32 $0x34, v50  }
0x3ec: {  	v62 =	vor.u32 $0x75, v50;
	_ =	sdelay $0x1  }
0x3ed: {  	v3 =	vmul.f32 v3, v1;
	_ =	sdelay $0x1  }
0x3ee: {  	[tilespmem:v61+s20+$0x0] =	vst.idx.msk $0xffff, v3  }
0x3ef: {  	v3 =	vld.idx.msk [tilespmem:v62+s26+$0x0], $0xffff;
	_ =	sdelay $0x1  }
0x3f0: {  	v63 =	vor.u32 $0x35, v50  }
0x3f1: {  	v8 =	vor.u32 $0x76, v50;
	_ =	sdelay $0x1  }
0x3f2: {  	v3 =	vmul.f32 v3, v1;
	_ =	sdelay $0x1  }
0x3f3: {  	[tilespmem:v63+s20+$0x0] =	vst.idx.msk $0xffff, v3  }
0x3f4: {  	v3 =	vld.idx.msk [tilespmem:v8+s26+$0x0], $0xffff;
	_ =	sdelay $0x1  }
0x3f5: {  	v9 =	vor.u32 $0x36, v50  }
0x3f6: {  	v10 =	vor.u32 $0x77, v50;
	_ =	sdelay $0x1  }
0x3f7: {  	v3 =	vmul.f32 v3, v1;
	_ =	sdelay $0x1  }
0x3f8: {  	[tilespmem:v9+s20+$0x0] =	vst.idx.msk $0xffff, v3  }
0x3f9: {  	v3 =	vld.idx.msk [tilespmem:v10+s26+$0x0], $0xffff;
	_ =	sdelay $0x1  }
0x3fa: {  	v11 =	vor.u32 $0x37, v50  }
0x3fb: {  	v12 =	vor.u32 $0x78, v50;
	_ =	sdelay $0x1  }
0x3fc: {  	v3 =	vmul.f32 v3, v1;
	_ =	sdelay $0x1  }
0x3fd: {  	[tilespmem:v11+s20+$0x0] =	vst.idx.msk $0xffff, v3  }
0x3fe: {  	v3 =	vld.idx.msk [tilespmem:v12+s26+$0x0], $0xffff;
	_ =	sdelay $0x1  }
0x3ff: {  	v13 =	vor.u32 $0x38, v50  }
0x400: {  	v14 =	vor.u32 $0x79, v50;
	_ =	sdelay $0x1  }
0x401: {  	v3 =	vmul.f32 v3, v1;
	_ =	sdelay $0x1  }
0x402: {  	[tilespmem:v13+s20+$0x0] =	vst.idx.msk $0xffff, v3  }
0x403: {  	v3 =	vld.idx.msk [tilespmem:v14+s26+$0x0], $0xffff;
	_ =	sdelay $0x1  }
0x404: {  	v51 =	vor.u32 $0x39, v50  }
0x405: {  	v52 =	vor.u32 $0x7A, v50;
	_ =	sdelay $0x1  }
0x406: {  	v3 =	vmul.f32 v3, v1;
	_ =	sdelay $0x1  }
0x407: {  	[tilespmem:v51+s20+$0x0] =	vst.idx.msk $0xffff, v3  }
0x408: {  	v3 =	vld.idx.msk [tilespmem:v52+s26+$0x0], $0xffff;
	_ =	sdelay $0x1  }
0x409: {  	v53 =	vor.u32 $0x3A, v50  }
0x40a: {  	v54 =	vor.u32 $0x7B, v50;
	_ =	sdelay $0x1  }
0x40b: {  	v3 =	vmul.f32 v3, v1;
	_ =	sdelay $0x1  }
0x40c: {  	[tilespmem:v53+s20+$0x0] =	vst.idx.msk $0xffff, v3  }
0x40d: {  	v3 =	vld.idx.msk [tilespmem:v54+s26+$0x0], $0xffff;
	_ =	sdelay $0x1  }
0x40e: {  	v55 =	vor.u32 $0x3B, v50  }
0x40f: {  	v56 =	vor.u32 $0x7C, v50;
	_ =	sdelay $0x1  }
0x410: {  	v3 =	vmul.f32 v3, v1;
	_ =	sdelay $0x1  }
0x411: {  	[tilespmem:v55+s20+$0x0] =	vst.idx.msk $0xffff, v3  }
0x412: {  	v3 =	vld.idx.msk [tilespmem:v56+s26+$0x0], $0xffff;
	_ =	sdelay $0x1  }
0x413: {  	v57 =	vor.u32 $0x3C, v50  }
0x414: {  	v58 =	vor.u32 $0x7D, v50;
	_ =	sdelay $0x1  }
0x415: {  	v3 =	vmul.f32 v3, v1;
	_ =	sdelay $0x1  }
0x416: {  	[tilespmem:v57+s20+$0x0] =	vst.idx.msk $0xffff, v3  }
0x417: {  	v3 =	vld.idx.msk [tilespmem:v58+s26+$0x0], $0xffff;
	_ =	sdelay $0x1  }
0x418: {  	v59 =	vor.u32 $0x3D, v50  }
0x419: {  	v60 =	vor.u32 $0x7E, v50;
	_ =	sdelay $0x1  }
0x41a: {  	v3 =	vmul.f32 v3, v1;
	_ =	sdelay $0x1  }
0x41b: {  	[tilespmem:v59+s20+$0x0] =	vst.idx.msk $0xffff, v3  }
0x41c: {  	v3 =	vld.idx.msk [tilespmem:v60+s26+$0x0], $0xffff;
	_ =	sdelay $0x1  }
0x41d: {  	v61 =	vor.u32 $0x3E, v50  }
0x41e: {  	v62 =	vor.u32 $0x7F, v50;
	_ =	sdelay $0x1  }
0x41f: {  	v3 =	vmul.f32 v3, v1;
	_ =	sdelay $0x1  }
0x420: {  	[tilespmem:v61+s20+$0x0] =	vst.idx.msk $0xffff, v3  }
0x421: {  	v3 =	vld.idx.msk [tilespmem:v62+s26+$0x0], $0xffff;
	_ =	sdelay $0x1  }
0x422: {  	p0 =	sne.s32 s16, $0x4;
	v63 =	vor.u32 $0x3F, v50  }
.Ltmp2:
0x423: {  	_ = 	snop;
	(pc) =	sbr.rel @p0 .LBB2_7-.Ltmp2, $3  }
0x424: {  	_ = 	snop  }
0x425: {  	v1 =	vmul.f32 v3, v1;
	_ =	sdelay $0x1  }
0x426: {  	s15 =	sadd.s32 $0x10, s15;
	s16 =	sadd.s32 $0x1, s16;
	[tilespmem:v63+s20+$0x0] =	vst.idx.msk $0xffff, v1  }
0x427: {  	s2 =	sadd.s32 $0x1, s2  }
0x428: {  	p0 =	sne.s32 s2, $0x7D  }
.Ltmp3:
0x429: {  	_ = 	snop;
	(pc) =	sbr.rel @p0 .LBB2_6-.Ltmp3, $4  }
0x42a: {  	[spmem:s3] =	stream.indirect.scatter.add.f32 [tilespmem:s20], [sflag:$0x2], $0x50, s21, s23, $0xb8;
	[tilespmem:$0x17100] =	vst v63  }
0x42b: {  	_ =	swait.ge [sflag:s19], $0x1900  }
0x42c: {  	[sflag:s19] =	ssyncset.done $0x0  }
0x42d: {  	[sflag:s19] =	ssyncadd.s32 $0xFFFFE700  }
0x42e: {  	s30 =	sadd.s32 $0x1, s30  }
0x42f: {  	[bflag:$0x0] =	sbarrier.arrive $0xFFFF;
	p0 =	sne.s32 s30, s17  }
.Ltmp4:
0x430: {  	s0 =	rddreg [dreg:$0x5];
	(pc) =	sbr.rel @p0 .LBB2_1-.Ltmp4, $4  }
0x431: {  	[hbm:s0], [sflag:s13] =	dma.local [spmem:s18], $0x2800  }
0x432: {  	_ =	swait.ge [sflag:s19], $0x2800  }
0x433: {  	[sflag:s19] =	ssyncset.done $0x0  }
0x434: {  	[sflag:s19] =	ssyncadd.s32 $0xFFFFD800  }
0x435: {  	_ =	sfence.sel $0x180000  }
0x436: {  	[bflag:$0x0] =	sbarrier.arrive $0xFFFF  }
0x437: {  	_ =	strace $0x90000047  }
0x438: {  	s0 =	stileid.u32;
	[bflag:$0x2] =	sbarrier.arrive $0xFFFF  }
0x439: {  	p0 =	sne.s32 s0, $0x0;
	s0 =	rddreg [dreg:$0x3]  }
0x43a: {  	s0 =	sadd.s32 @!p0 $0x100000, s0  }
0x43b: {  	[sflag:s0] =	ssyncadd.tile.s32 @!p0 $0x1;
	_ =	shalt  }
.Lfunc_end2:
_tile_overlayer_lowered:
.L_overlay_start_2:
0x43c: {  	(tag) =	ssettag $0x2  }
0x43d: {  	s0 =	rddreg [dreg:$0x0];
	s2 =	stileid.u32  }
0x43e: {  	s1 =	rddreg [dreg:$0x1];
	p0 =	sne.s32 s2, $0x0  }
0x43f: {  	s3 =	rddreg [dreg:$0x2];
	[bflag:$0x3] =	sbarrier.arrive $0xFFFF;
	s2 =	simm.s32 @!p0 $0x1C02  }
0x440: {  	[timem:s3], [sflag:s2] =	dma.local @!p0 [hbm:s0], s1  }
0x441: {  	s0 =	simm.s32 @!p0 $0x2  }
0x442: {  	_ =	swait.ge @!p0 [sflag:s0], s1  }
0x443: {  	s1 =	ssub.s32 @!p0 $0x0, s1;
	[sflag:s0] =	ssyncset.done @!p0 $0x0  }
0x444: {  	[sflag:s0] =	ssyncadd.s32 @!p0 s1  }
0x445: {  	[bflag:$0x3] =	sbarrier.arrive $0xFFFF  }
0x446: {  	_ =	shalt  }

</sc_bundles>
